<compile_context>
chip_gen: v7x
topology: tpu7x:2x2x1
jax: 0.10.2.dev20260603
libtpu: 0.0.44.dev20260713+nightly
codegen_flags: <defaults>
</compile_context>

<pallas_src>
import functools

import jax
import jax.numpy as jnp
from jax import lax
from jax.experimental import pallas as pl
from jax.experimental.pallas import tpu as pltpu
from jax.experimental.pallas import tpu_sc as plsc

N_VAR, N_CON, E, D = 100000, 50000, 1600000, 16



def _node_body(x_ref, w1_ref, b1_ref, w2_ref, b2_ref, wp_ref, o_ref):
    h = jnp.maximum(jnp.dot(w1_ref[...], x_ref[...],
                            preferred_element_type=jnp.float32) + b1_ref[...], 0.0)
    h = jnp.maximum(jnp.dot(w2_ref[...], h,
                            preferred_element_type=jnp.float32) + b2_ref[...], 0.0)
    o_ref[...] = jnp.dot(wp_ref[...], h, preferred_element_type=jnp.float32)


def _node(xT, w1, b1, w2, b2, wp, block):
    n = xT.shape[1]
    block = min(block, n)
    wspec = pl.BlockSpec((16, 16), lambda i: (0, 0))
    bspec = pl.BlockSpec((16, 1), lambda i: (0, 0))
    return pl.pallas_call(
        _node_body,
        grid=(n // block,),
        in_specs=[pl.BlockSpec((16, block), lambda i: (0, i)),
                  wspec, bspec, wspec, bspec, wspec],
        out_specs=pl.BlockSpec((16, block), lambda i: (0, i)),
        out_shape=jax.ShapeDtypeStruct((16, n), jnp.float32),
    )(xT, w1.T, b1.reshape(16, 1), w2.T, b2.reshape(16, 1), wp.T)



_CHUNK = 1000


def _gather_add(var_p, con_p, idx0, n, offset):
    info = plsc.get_sparse_core_info()
    nc, ns = info.num_cores, info.num_subcores
    nw = nc * ns
    epw = n // nw
    nchunk = epw // _CHUNK
    C = _CHUNK

    mesh = plsc.VectorSubcoreMesh(core_axis_name="c", subcore_axis_name="s")

    @functools.partial(
        pl.kernel,
        out_type=jax.ShapeDtypeStruct((n // 8, 128), jnp.float32),
        mesh=mesh,
        compiler_params=pltpu.CompilerParams(use_tc_tiling_on_sc=False),
        scratch_types=[
            pltpu.VMEM((C,), jnp.int32), pltpu.VMEM((C,), jnp.int32),
            pltpu.VMEM((C,), jnp.int32), pltpu.VMEM((C,), jnp.int32),
            pltpu.VMEM((C, 16), jnp.float32), pltpu.VMEM((C, 16), jnp.float32),
            pltpu.VMEM((C, 16), jnp.float32), pltpu.VMEM((C, 16), jnp.float32),
            pltpu.VMEM((C // 8, 128), jnp.float32), pltpu.VMEM((C // 8, 128), jnp.float32),
            pltpu.SemaphoreType.DMA, pltpu.SemaphoreType.DMA,
            pltpu.SemaphoreType.DMA, pltpu.SemaphoreType.DMA,
            pltpu.SemaphoreType.DMA, pltpu.SemaphoreType.DMA,
        ],
    )
    def gk(varp_hbm, conp_hbm, ei_hbm, out_hbm,
           i0a, i0b, i1a, i1b, va, vb, ca, cb, oba, obb,
           gsa, gsb, isa, isb, osa, osb):
        wid = lax.axis_index("s") * nc + lax.axis_index("c")
        wbase = wid * epw
        ibase = offset + wbase
        slot_a = (i0a, i1a, va, ca, oba, gsa, isa, osa)
        slot_b = (i0b, i1b, vb, cb, obb, gsb, isb, osb)

        def idx_start(e, s):
            (i0s, i1s, _, _, _, _, iss, _) = s
            pltpu.async_copy(ei_hbm.at[0, pl.ds(ibase + e * C, C)], i0s, iss)
            pltpu.async_copy(ei_hbm.at[1, pl.ds(ibase + e * C, C)], i1s, iss)

        def idx_wait(s):
            (i0s, i1s, _, _, _, _, iss, _) = s
            pltpu.make_async_copy(ei_hbm.at[0, pl.ds(ibase, C)], i0s, iss).wait()
            pltpu.make_async_copy(ei_hbm.at[1, pl.ds(ibase, C)], i1s, iss).wait()

        def gather_start(s):
            (i0s, i1s, vs, cs, _, gss, _, _) = s
            pltpu.async_copy(varp_hbm.at[i0s], vs, gss)
            pltpu.async_copy(conp_hbm.at[i1s], cs, gss)

        def gather_wait(s):
            (i0s, i1s, vs, cs, _, gss, _, _) = s
            pltpu.make_async_copy(varp_hbm.at[i0s], vs, gss).wait()
            pltpu.make_async_copy(conp_hbm.at[i1s], cs, gss).wait()

        def out_wait(s):
            (_, _, _, _, obs, _, _, oss) = s
            pltpu.make_async_copy(
                obs, out_hbm.at[pl.ds(wbase // 8, C // 8), :], oss).wait()

        def half(e, s, n):
            (i0s, i1s, vs, cs, obs, gss, iss, oss) = s
            gather_wait(s)

            @pl.when(e + 1 < nchunk)
            def _():
                idx_wait(n)
                gather_start(n)

            @pl.when(e + 2 < nchunk)
            def _():
                idx_start(e + 2, s)

            @pl.when(e >= 2)
            def _():
                out_wait(s)

            def addrow(r, c2):
                obs[r // 8, pl.ds((r % 8) * 16, 16)] = vs[r, :] + cs[r, :]
                return c2
            lax.fori_loop(0, C, addrow, 0, unroll=8)
            pltpu.async_copy(
                obs, out_hbm.at[pl.ds((wbase + e * C) // 8, C // 8), :], oss)

        (i0s, i1s, _, _, _, _, _, _) = slot_a
        pltpu.sync_copy(ei_hbm.at[0, pl.ds(ibase, C)], i0s)
        pltpu.sync_copy(ei_hbm.at[1, pl.ds(ibase, C)], i1s)
        gather_start(slot_a)
        idx_start(1, slot_b)

        def pair(k, carry):
            half(2 * k, slot_a, slot_b)
            half(2 * k + 1, slot_b, slot_a)
            return carry

        lax.fori_loop(0, nchunk // 2, pair, 0)
        if nchunk % 2:
            half(nchunk - 1, slot_a, slot_b)
        out_wait(slot_a)
        out_wait(slot_b)

    return gk(var_p, con_p, idx0)



def _cast_body(x_ref, o_ref):
    o_ref[...] = x_ref[...].astype(jnp.bfloat16)


def _cast_bf16(x, block=8000):
    n = x.shape[0]
    block = min(block, n)
    return pl.pallas_call(
        _cast_body,
        grid=(n // block,),
        in_specs=[pl.BlockSpec((block, 128), lambda i: (i, 0))],
        out_specs=pl.BlockSpec((block, 128), lambda i: (i, 0)),
        out_shape=jax.ShapeDtypeStruct((n, 128), jnp.bfloat16),
    )(x)


def _edge_body(ceT_ref, gT_ref, w1_ref, b1_ref, w2_ref, b2_ref, o_ref):
    pre = jnp.dot(w1_ref[...], ceT_ref[...],
                  preferred_element_type=jnp.float32) \
        + gT_ref[...].astype(jnp.float32) + b1_ref[...]
    h = jnp.maximum(pre, 0.0)
    o_ref[...] = jnp.dot(w2_ref[...], h,
                         preferred_element_type=jnp.float32) + b2_ref[...]


def _edge_alias_body(ceT_ref, gT_ref, w1_ref, b1_ref, w2_ref, b2_ref,
                     prev_ref, o_ref):
    _edge_body(ceT_ref, gT_ref, w1_ref, b1_ref, w2_ref, b2_ref, o_ref)


def _edge_half(ceT, gTh, w1e, b1, w2, b2, h, prev, block=32000):
    nh = gTh.shape[1]
    block = min(block, nh)
    nblk = nh // block
    off = h * nblk
    wspec = pl.BlockSpec((16, 16), lambda i: (0, 0))
    bspec = pl.BlockSpec((16, 1), lambda i: (0, 0))
    in_specs = [pl.BlockSpec((16, block), lambda i: (0, i + off)),
                pl.BlockSpec((16, block), lambda i: (0, i)),
                wspec, bspec, wspec, bspec]
    args = [ceT, gTh, w1e.T, b1.reshape(16, 1), w2.T, b2.reshape(16, 1)]
    kwargs = {}
    body = _edge_body
    if prev is not None:
        in_specs.append(pl.BlockSpec(memory_space=pl.ANY))
        args.append(prev)
        kwargs["input_output_aliases"] = {6: 0}
        body = _edge_alias_body
    return pl.pallas_call(
        body,
        grid=(nblk,),
        in_specs=in_specs,
        out_specs=pl.BlockSpec((16, block), lambda i: (0, i + off)),
        out_shape=jax.ShapeDtypeStruct((16, E), jnp.float32),
        **kwargs,
    )(*args)


def kernel(var_f, con_f, combined_edge_f, edge_index_var_con,
           vW1, vb1, vW2, vb2, cW1, cb1, cW2, cb2, eW1, eb1, eW2, eb2):
    eW1_e, eW1_v, eW1_c = eW1[:16], eW1[16:32], eW1[32:48]
    var_pT = _node(var_f.T, vW1, vb1, vW2, vb2, eW1_v, block=N_VAR)
    con_pT = _node(con_f.T, cW1, cb1, cW2, cb2, eW1_c, block=N_CON)
    var_p, con_p = var_pT.T, con_pT.T
    ceT = combined_edge_f.T
    nh = E // 2
    out = None
    for h in range(2):
        g8 = _gather_add(var_p, con_p, edge_index_var_con, nh, h * nh)
        gTh = _cast_bf16(g8).reshape(nh, 16).T
        out = _edge_half(ceT, gTh, eW1_e, eb1, eW2, eb2, h, out)
    return out.T

# --- scband reference (transcript-rebuilt; emitter-appended) ---
"""Pipeline reference for scband-dogepredictor-21784074125681 (READ-ONLY COPY).

The authoritative reference and input builder live on the scoring server;
editing this copy changes nothing except your own understanding.
"""

import jax, jax.numpy as jnp
import numpy as np

N_VAR, N_CON, E, D = 100000, 50000, 1600000, 16

def setup_inputs(seed: int = 0) -> dict:
    key = jax.random.key(seed)
    ks = jax.random.split(key, 20)
    inp = {}
    inp['var_f'] = jax.random.normal(ks[0], (N_VAR, D), dtype=jnp.float32)
    inp['con_f'] = jax.random.normal(ks[1], (N_CON, D), dtype=jnp.float32)
    inp['combined_edge_f'] = jax.random.normal(ks[2], (E, D), dtype=jnp.float32)
    inp['edge_index_var_con'] = jnp.stack([
        jax.random.randint(ks[3], (E,), 0, N_VAR, dtype=jnp.int64) if jax.config.jax_enable_x64 else jax.random.randint(ks[3], (E,), 0, N_VAR).astype(jnp.int32),
        jax.random.randint(ks[4], (E,), 0, N_CON, dtype=jnp.int64) if jax.config.jax_enable_x64 else jax.random.randint(ks[4], (E,), 0, N_CON).astype(jnp.int32)], axis=0)
    # var_compress_mlp: Linear(16,16)+ReLU, Linear(16,16)+ReLU  (num_hidden_layers=0 -> loop runs once)
    inp['vW1'] = jax.random.normal(ks[5], (D, 16), dtype=jnp.float32) * 0.1
    inp['vb1'] = jnp.zeros((16,), dtype=jnp.float32)
    inp['vW2'] = jax.random.normal(ks[6], (16, 16), dtype=jnp.float32) * 0.1
    inp['vb2'] = jnp.zeros((16,), dtype=jnp.float32)
    # con_compress_mlp
    inp['cW1'] = jax.random.normal(ks[7], (D, 16), dtype=jnp.float32) * 0.1
    inp['cb1'] = jnp.zeros((16,), dtype=jnp.float32)
    inp['cW2'] = jax.random.normal(ks[8], (16, 16), dtype=jnp.float32) * 0.1
    inp['cb2'] = jnp.zeros((16,), dtype=jnp.float32)
    # edge_mlp: Linear(16+16+16, 16)+ReLU, Linear(16,16) final (no activation)
    inp['eW1'] = jax.random.normal(ks[9], (D + 16 + 16, 16), dtype=jnp.float32) * 0.1
    inp['eb1'] = jnp.zeros((16,), dtype=jnp.float32)
    inp['eW2'] = jax.random.normal(ks[10], (16, 16), dtype=jnp.float32) * 0.1
    inp['eb2'] = jnp.zeros((16,), dtype=jnp.float32)
    return inp

def reference(var_f, con_f, combined_edge_f, edge_index_var_con,
              vW1, vb1, vW2, vb2, cW1, cb1, cW2, cb2, eW1, eb1, eW2, eb2):
    relu = jax.nn.relu
    # var_compress_mlp(var_f)
    var_h = relu(relu(var_f @ vW1 + vb1) @ vW2 + vb2)
    # con_compress_mlp(con_f)
    con_h = relu(relu(con_f @ cW1 + cb1) @ cW2 + cb2)
    # gather compressed node features onto edges (SparseCore gather)
    var_edge = jnp.take(var_h, edge_index_var_con[0], axis=0)
    con_edge = jnp.take(con_h, edge_index_var_con[1], axis=0)
    out = jnp.concatenate([combined_edge_f, var_edge, con_edge], axis=1)
    # edge_mlp
    out = relu(out @ eW1 + eb1) @ eW2 + eb2
    return out

if __name__ == "__main__":
    import jax
    _d = setup_inputs()
    print(jax.jit(kernel)(*tuple(_d.values())))

</pallas_src>

<mosaic_0001>
#map = affine_map<(d0, d1) -> (0, 0)>
module attributes {stable_mosaic.version = 14 : i64} {
  func.func @gk(%arg0: i32, %arg1: i32, %arg2: memref<100000x16xf32, #tpu.memory_space<hbm>>, %arg3: memref<50000x16xf32, #tpu.memory_space<hbm>>, %arg4: memref<2x1600000xi32, #tpu.memory_space<hbm>>, %arg5: memref<100000x128xf32, #tpu.memory_space<hbm>>, %arg6: memref<1000xi32, #tpu.memory_space<vmem>>, %arg7: memref<1000xi32, #tpu.memory_space<vmem>>, %arg8: memref<1000xi32, #tpu.memory_space<vmem>>, %arg9: memref<1000xi32, #tpu.memory_space<vmem>>, %arg10: memref<1000x16xf32, #tpu.memory_space<vmem>>, %arg11: memref<1000x16xf32, #tpu.memory_space<vmem>>, %arg12: memref<1000x16xf32, #tpu.memory_space<vmem>>, %arg13: memref<1000x16xf32, #tpu.memory_space<vmem>>, %arg14: memref<125x128xf32, #tpu.memory_space<vmem>>, %arg15: memref<125x128xf32, #tpu.memory_space<vmem>>, %arg16: memref<!tpu.dma_semaphore, #tpu.memory_space<semaphore_mem>>, %arg17: memref<!tpu.dma_semaphore, #tpu.memory_space<semaphore_mem>>, %arg18: memref<!tpu.dma_semaphore, #tpu.memory_space<semaphore_mem>>, %arg19: memref<!tpu.dma_semaphore, #tpu.memory_space<semaphore_mem>>, %arg20: memref<!tpu.dma_semaphore, #tpu.memory_space<semaphore_mem>>, %arg21: memref<!tpu.dma_semaphore, #tpu.memory_space<semaphore_mem>>) attributes {dimension_semantics = [#tpu.dimension_semantics<core_parallel>, #tpu.dimension_semantics<subcore_parallel>], iteration_bounds = array<i64: 2, 16>, scalar_prefetch = 0 : i64, scratch_operands = 16 : i64, tpu.core_type = #tpu.core_type<sc_vector_subcore>, window_params = [{transform_indices = #map}, {transform_indices = #map}, {transform_indices = #map}, {transform_indices = #map}]} {
    %mul3A = arith.constant 2 : i32
    %mul3A_0 = arith.muli %arg1, %mul3A : i32
    %add3A = arith.addi %mul3A_0, %arg0 : i32
    %mul3A_1 = arith.constant 25000 : i32
    %mul3A_2 = arith.muli %add3A, %mul3A_1 : i32
    %add3A_3 = arith.constant 0 : i32
    %add3A_4 = arith.addi %add3A_3, %mul3A_2 : i32
    %run_scoped3A = arith.constant 0 : i32
    "tpu.region"() ({
      %run_scoped3A_147 = tpu.sem_alloc : memref<!tpu.dma_semaphore, #tpu.memory_space<semaphore_mem>>
      %dma_start3A_148 = tpu.memref_slice %arg4[%run_scoped3A, %add3A_4] : memref<2x1600000xi32, #tpu.memory_space<hbm>> -> memref<1x1000xi32, #tpu.memory_space<hbm>>
      %dma_start3A_149 = tpu.memref_squeeze %dma_start3A_148 : memref<1x1000xi32, #tpu.memory_space<hbm>> -> memref<1000xi32, #tpu.memory_space<hbm>>
      %dma_start3A_150 = tpu.memref_slice %arg4[%run_scoped3A, %add3A_4] : memref<2x1600000xi32, #tpu.memory_space<hbm>> -> memref<1x1000xi32, #tpu.memory_space<hbm>>
      %dma_start3A_151 = tpu.memref_squeeze %dma_start3A_150 : memref<1x1000xi32, #tpu.memory_space<hbm>> -> memref<1000xi32, #tpu.memory_space<hbm>>
      tpu.enqueue_dma source(%dma_start3A_151 : memref<1000xi32, #tpu.memory_space<hbm>>) target(%arg6 : memref<1000xi32, #tpu.memory_space<vmem>>) target_semaphore(%run_scoped3A_147 : memref<!tpu.dma_semaphore, #tpu.memory_space<semaphore_mem>>)
      %dma_wait3A_152 = tpu.memref_slice %arg4[%run_scoped3A, %add3A_4] : memref<2x1600000xi32, #tpu.memory_space<hbm>> -> memref<1x1000xi32, #tpu.memory_space<hbm>>
      %dma_wait3A_153 = tpu.memref_squeeze %dma_wait3A_152 : memref<1x1000xi32, #tpu.memory_space<hbm>> -> memref<1000xi32, #tpu.memory_space<hbm>>
      %dma_wait3A_154 = tpu.memref_slice %arg4[%run_scoped3A, %add3A_4] : memref<2x1600000xi32, #tpu.memory_space<hbm>> -> memref<1x1000xi32, #tpu.memory_space<hbm>>
      %dma_wait3A_155 = tpu.memref_squeeze %dma_wait3A_154 : memref<1x1000xi32, #tpu.memory_space<hbm>> -> memref<1000xi32, #tpu.memory_space<hbm>>
      tpu.wait_dma2 semaphore(%run_scoped3A_147 : memref<!tpu.dma_semaphore, #tpu.memory_space<semaphore_mem>>) src(%dma_wait3A_155 : memref<1000xi32, #tpu.memory_space<hbm>>) dst(%arg6 : memref<1000xi32, #tpu.memory_space<vmem>>)
      tpu.yield
    }) : () -> ()
    %run_scoped3A_5 = arith.constant 1 : i32
    "tpu.region"() ({
      %run_scoped3A_147 = tpu.sem_alloc : memref<!tpu.dma_semaphore, #tpu.memory_space<semaphore_mem>>
      %dma_start3A_148 = tpu.memref_slice %arg4[%run_scoped3A_5, %add3A_4] : memref<2x1600000xi32, #tpu.memory_space<hbm>> -> memref<1x1000xi32, #tpu.memory_space<hbm>>
      %dma_start3A_149 = tpu.memref_squeeze %dma_start3A_148 : memref<1x1000xi32, #tpu.memory_space<hbm>> -> memref<1000xi32, #tpu.memory_space<hbm>>
      %dma_start3A_150 = tpu.memref_slice %arg4[%run_scoped3A_5, %add3A_4] : memref<2x1600000xi32, #tpu.memory_space<hbm>> -> memref<1x1000xi32, #tpu.memory_space<hbm>>
      %dma_start3A_151 = tpu.memref_squeeze %dma_start3A_150 : memref<1x1000xi32, #tpu.memory_space<hbm>> -> memref<1000xi32, #tpu.memory_space<hbm>>
      tpu.enqueue_dma source(%dma_start3A_151 : memref<1000xi32, #tpu.memory_space<hbm>>) target(%arg8 : memref<1000xi32, #tpu.memory_space<vmem>>) target_semaphore(%run_scoped3A_147 : memref<!tpu.dma_semaphore, #tpu.memory_space<semaphore_mem>>)
      %dma_wait3A_152 = tpu.memref_slice %arg4[%run_scoped3A_5, %add3A_4] : memref<2x1600000xi32, #tpu.memory_space<hbm>> -> memref<1x1000xi32, #tpu.memory_space<hbm>>
      %dma_wait3A_153 = tpu.memref_squeeze %dma_wait3A_152 : memref<1x1000xi32, #tpu.memory_space<hbm>> -> memref<1000xi32, #tpu.memory_space<hbm>>
      %dma_wait3A_154 = tpu.memref_slice %arg4[%run_scoped3A_5, %add3A_4] : memref<2x1600000xi32, #tpu.memory_space<hbm>> -> memref<1x1000xi32, #tpu.memory_space<hbm>>
      %dma_wait3A_155 = tpu.memref_squeeze %dma_wait3A_154 : memref<1x1000xi32, #tpu.memory_space<hbm>> -> memref<1000xi32, #tpu.memory_space<hbm>>
      tpu.wait_dma2 semaphore(%run_scoped3A_147 : memref<!tpu.dma_semaphore, #tpu.memory_space<semaphore_mem>>) src(%dma_wait3A_155 : memref<1000xi32, #tpu.memory_space<hbm>>) dst(%arg8 : memref<1000xi32, #tpu.memory_space<vmem>>)
      tpu.yield
    }) : () -> ()
    %dma_start3A = arith.constant 0 : i32
    %dma_start3A_6 = arith.constant 0 : i32
    %dma_start3A_7 = tpu.memref_slice %arg2[%dma_start3A, %dma_start3A_6] : memref<100000x16xf32, #tpu.memory_space<hbm>> -> memref<100000x16xf32, #tpu.memory_space<hbm>>
    tpu.enqueue_indirect_dma source(%dma_start3A_7 : memref<100000x16xf32, #tpu.memory_space<hbm>>) target(%arg10 : memref<1000x16xf32, #tpu.memory_space<vmem>>) offsets(%arg6 : memref<1000xi32, #tpu.memory_space<vmem>>) semaphore(%arg16 : memref<!tpu.dma_semaphore, #tpu.memory_space<semaphore_mem>>)
    %dma_start3A_8 = arith.constant 0 : i32
    %dma_start3A_9 = arith.constant 0 : i32
    %dma_start3A_10 = tpu.memref_slice %arg3[%dma_start3A_8, %dma_start3A_9] : memref<50000x16xf32, #tpu.memory_space<hbm>> -> memref<50000x16xf32, #tpu.memory_space<hbm>>
    tpu.enqueue_indirect_dma source(%dma_start3A_10 : memref<50000x16xf32, #tpu.memory_space<hbm>>) target(%arg12 : memref<1000x16xf32, #tpu.memory_space<vmem>>) offsets(%arg8 : memref<1000xi32, #tpu.memory_space<vmem>>) semaphore(%arg16 : memref<!tpu.dma_semaphore, #tpu.memory_space<semaphore_mem>>)
    %add3A_11 = arith.constant 1000 : i32
    %add3A_12 = arith.addi %add3A_4, %add3A_11 : i32
    %dma_start3A_13 = arith.constant 0 : i32
    %dma_start3A_14 = tpu.memref_slice %arg4[%dma_start3A_13, %add3A_12] : memref<2x1600000xi32, #tpu.memory_space<hbm>> -> memref<1x1000xi32, #tpu.memory_space<hbm>>
    %dma_start3A_15 = tpu.memref_squeeze %dma_start3A_14 : memref<1x1000xi32, #tpu.memory_space<hbm>> -> memref<1000xi32, #tpu.memory_space<hbm>>
    %dma_start3A_16 = tpu.memref_slice %arg4[%dma_start3A_13, %add3A_12] : memref<2x1600000xi32, #tpu.memory_space<hbm>> -> memref<1x1000xi32, #tpu.memory_space<hbm>>
    %dma_start3A_17 = tpu.memref_squeeze %dma_start3A_16 : memref<1x1000xi32, #tpu.memory_space<hbm>> -> memref<1000xi32, #tpu.memory_space<hbm>>
    tpu.enqueue_dma source(%dma_start3A_17 : memref<1000xi32, #tpu.memory_space<hbm>>) target(%arg7 : memref<1000xi32, #tpu.memory_space<vmem>>) target_semaphore(%arg19 : memref<!tpu.dma_semaphore, #tpu.memory_space<semaphore_mem>>)
    %add3A_18 = arith.constant 1000 : i32
    %add3A_19 = arith.addi %add3A_4, %add3A_18 : i32
    %dma_start3A_20 = arith.constant 1 : i32
    %dma_start3A_21 = tpu.memref_slice %arg4[%dma_start3A_20, %add3A_19] : memref<2x1600000xi32, #tpu.memory_space<hbm>> -> memref<1x1000xi32, #tpu.memory_space<hbm>>
    %dma_start3A_22 = tpu.memref_squeeze %dma_start3A_21 : memref<1x1000xi32, #tpu.memory_space<hbm>> -> memref<1000xi32, #tpu.memory_space<hbm>>
    %dma_start3A_23 = tpu.memref_slice %arg4[%dma_start3A_20, %add3A_19] : memref<2x1600000xi32, #tpu.memory_space<hbm>> -> memref<1x1000xi32, #tpu.memory_space<hbm>>
    %dma_start3A_24 = tpu.memref_squeeze %dma_start3A_23 : memref<1x1000xi32, #tpu.memory_space<hbm>> -> memref<1000xi32, #tpu.memory_space<hbm>>
    tpu.enqueue_dma source(%dma_start3A_24 : memref<1000xi32, #tpu.memory_space<hbm>>) target(%arg9 : memref<1000xi32, #tpu.memory_space<vmem>>) target_semaphore(%arg19 : memref<!tpu.dma_semaphore, #tpu.memory_space<semaphore_mem>>)
    %scan3A = arith.constant 0 : i32
    %scan3A_25 = arith.constant 0 : i32
    %scan3A_26 = arith.constant 12 : i32
    %scan3A_27 = arith.addi %scan3A_25, %scan3A_26 : i32
    %scan3A_28 = arith.constant 1 : i32
    scf.for %scan3A_147 = %scan3A_25 to %scan3A_27 step %scan3A_28  : i32 {
      %mul3A_148 = arith.constant 2 : i32
      %mul3A_149 = arith.muli %mul3A_148, %scan3A_147 : i32
      %dma_wait3A_150 = arith.constant 0 : i32
      %dma_wait3A_151 = arith.constant 0 : i32
      %dma_wait3A_152 = tpu.memref_slice %arg2[%dma_wait3A_150, %dma_wait3A_151] : memref<100000x16xf32, #tpu.memory_space<hbm>> -> memref<100000x16xf32, #tpu.memory_space<hbm>>
      tpu.wait_indirect_dma semaphore(%arg16 : memref<!tpu.dma_semaphore, #tpu.memory_space<semaphore_mem>>) src(%dma_wait3A_152 : memref<100000x16xf32, #tpu.memory_space<hbm>>) dst(%arg10 : memref<1000x16xf32, #tpu.memory_space<vmem>>)
      %dma_wait3A_153 = arith.constant 0 : i32
      %dma_wait3A_154 = arith.constant 0 : i32
      %dma_wait3A_155 = tpu.memref_slice %arg3[%dma_wait3A_153, %dma_wait3A_154] : memref<50000x16xf32, #tpu.memory_space<hbm>> -> memref<50000x16xf32, #tpu.memory_space<hbm>>
      tpu.wait_indirect_dma semaphore(%arg16 : memref<!tpu.dma_semaphore, #tpu.memory_space<semaphore_mem>>) src(%dma_wait3A_155 : memref<50000x16xf32, #tpu.memory_space<hbm>>) dst(%arg12 : memref<1000x16xf32, #tpu.memory_space<vmem>>)
      %add3A_156 = arith.constant 1 : i32
      %add3A_157 = arith.addi %mul3A_149, %add3A_156 : i32
      %lt3A = arith.constant 25 : i32
      %lt3A_158 = arith.cmpi slt, %add3A_157, %lt3A : i32
      %convert_element_type3A = arith.extui %lt3A_158 : i1 to i32
      %cond3A = arith.constant 0 : i32
      %cond3A_159 = arith.cmpi ne, %convert_element_type3A, %cond3A : i32
      scf.if %cond3A_159 {
        %dma_wait3A_274 = arith.constant 0 : i32
        %dma_wait3A_275 = tpu.memref_slice %arg4[%dma_wait3A_274, %add3A_4] : memref<2x1600000xi32, #tpu.memory_space<hbm>> -> memref<1x1000xi32, #tpu.memory_space<hbm>>
        %dma_wait3A_276 = tpu.memref_squeeze %dma_wait3A_275 : memref<1x1000xi32, #tpu.memory_space<hbm>> -> memref<1000xi32, #tpu.memory_space<hbm>>
        %dma_wait3A_277 = tpu.memref_slice %arg4[%dma_wait3A_274, %add3A_4] : memref<2x1600000xi32, #tpu.memory_space<hbm>> -> memref<1x1000xi32, #tpu.memory_space<hbm>>
        %dma_wait3A_278 = tpu.memref_squeeze %dma_wait3A_277 : memref<1x1000xi32, #tpu.memory_space<hbm>> -> memref<1000xi32, #tpu.memory_space<hbm>>
        tpu.wait_dma2 semaphore(%arg19 : memref<!tpu.dma_semaphore, #tpu.memory_space<semaphore_mem>>) src(%dma_wait3A_278 : memref<1000xi32, #tpu.memory_space<hbm>>) dst(%arg7 : memref<1000xi32, #tpu.memory_space<vmem>>)
        %dma_wait3A_279 = arith.constant 1 : i32
        %dma_wait3A_280 = tpu.memref_slice %arg4[%dma_wait3A_279, %add3A_4] : memref<2x1600000xi32, #tpu.memory_space<hbm>> -> memref<1x1000xi32, #tpu.memory_space<hbm>>
        %dma_wait3A_281 = tpu.memref_squeeze %dma_wait3A_280 : memref<1x1000xi32, #tpu.memory_space<hbm>> -> memref<1000xi32, #tpu.memory_space<hbm>>
        %dma_wait3A_282 = tpu.memref_slice %arg4[%dma_wait3A_279, %add3A_4] : memref<2x1600000xi32, #tpu.memory_space<hbm>> -> memref<1x1000xi32, #tpu.memory_space<hbm>>
        %dma_wait3A_283 = tpu.memref_squeeze %dma_wait3A_282 : memref<1x1000xi32, #tpu.memory_space<hbm>> -> memref<1000xi32, #tpu.memory_space<hbm>>
        tpu.wait_dma2 semaphore(%arg19 : memref<!tpu.dma_semaphore, #tpu.memory_space<semaphore_mem>>) src(%dma_wait3A_283 : memref<1000xi32, #tpu.memory_space<hbm>>) dst(%arg9 : memref<1000xi32, #tpu.memory_space<vmem>>)
        %dma_start3A_284 = arith.constant 0 : i32
        %dma_start3A_285 = arith.constant 0 : i32
        %dma_start3A_286 = tpu.memref_slice %arg2[%dma_start3A_284, %dma_start3A_285] : memref<100000x16xf32, #tpu.memory_space<hbm>> -> memref<100000x16xf32, #tpu.memory_space<hbm>>
        tpu.enqueue_indirect_dma source(%dma_start3A_286 : memref<100000x16xf32, #tpu.memory_space<hbm>>) target(%arg11 : memref<1000x16xf32, #tpu.memory_space<vmem>>) offsets(%arg7 : memref<1000xi32, #tpu.memory_space<vmem>>) semaphore(%arg17 : memref<!tpu.dma_semaphore, #tpu.memory_space<semaphore_mem>>)
        %dma_start3A_287 = arith.constant 0 : i32
        %dma_start3A_288 = arith.constant 0 : i32
        %dma_start3A_289 = tpu.memref_slice %arg3[%dma_start3A_287, %dma_start3A_288] : memref<50000x16xf32, #tpu.memory_space<hbm>> -> memref<50000x16xf32, #tpu.memory_space<hbm>>
        tpu.enqueue_indirect_dma source(%dma_start3A_289 : memref<50000x16xf32, #tpu.memory_space<hbm>>) target(%arg13 : memref<1000x16xf32, #tpu.memory_space<vmem>>) offsets(%arg9 : memref<1000xi32, #tpu.memory_space<vmem>>) semaphore(%arg17 : memref<!tpu.dma_semaphore, #tpu.memory_space<semaphore_mem>>)
      } else {
      }
      %add3A_160 = arith.constant 2 : i32
      %add3A_161 = arith.addi %mul3A_149, %add3A_160 : i32
      %lt3A_162 = arith.constant 25 : i32
      %lt3A_163 = arith.cmpi slt, %add3A_161, %lt3A_162 : i32
      %convert_element_type3A_164 = arith.extui %lt3A_163 : i1 to i32
      %cond3A_165 = arith.constant 0 : i32
      %cond3A_166 = arith.cmpi ne, %convert_element_type3A_164, %cond3A_165 : i32
      scf.if %cond3A_166 {
        %add3A_274 = arith.constant 2 : i32
        %add3A_275 = arith.addi %mul3A_149, %add3A_274 : i32
        %mul3A_276 = arith.constant 1000 : i32
        %mul3A_277 = arith.muli %add3A_275, %mul3A_276 : i32
        %add3A_278 = arith.addi %add3A_4, %mul3A_277 : i32
        %dma_start3A_279 = arith.constant 0 : i32
        %dma_start3A_280 = tpu.memref_slice %arg4[%dma_start3A_279, %add3A_278] : memref<2x1600000xi32, #tpu.memory_space<hbm>> -> memref<1x1000xi32, #tpu.memory_space<hbm>>
        %dma_start3A_281 = tpu.memref_squeeze %dma_start3A_280 : memref<1x1000xi32, #tpu.memory_space<hbm>> -> memref<1000xi32, #tpu.memory_space<hbm>>
        %dma_start3A_282 = tpu.memref_slice %arg4[%dma_start3A_279, %add3A_278] : memref<2x1600000xi32, #tpu.memory_space<hbm>> -> memref<1x1000xi32, #tpu.memory_space<hbm>>
        %dma_start3A_283 = tpu.memref_squeeze %dma_start3A_282 : memref<1x1000xi32, #tpu.memory_space<hbm>> -> memref<1000xi32, #tpu.memory_space<hbm>>
        tpu.enqueue_dma source(%dma_start3A_283 : memref<1000xi32, #tpu.memory_space<hbm>>) target(%arg6 : memref<1000xi32, #tpu.memory_space<vmem>>) target_semaphore(%arg18 : memref<!tpu.dma_semaphore, #tpu.memory_space<semaphore_mem>>)
        %mul3A_284 = arith.constant 1000 : i32
        %mul3A_285 = arith.muli %add3A_275, %mul3A_284 : i32
        %add3A_286 = arith.addi %add3A_4, %mul3A_285 : i32
        %dma_start3A_287 = arith.constant 1 : i32
        %dma_start3A_288 = tpu.memref_slice %arg4[%dma_start3A_287, %add3A_286] : memref<2x1600000xi32, #tpu.memory_space<hbm>> -> memref<1x1000xi32, #tpu.memory_space<hbm>>
        %dma_start3A_289 = tpu.memref_squeeze %dma_start3A_288 : memref<1x1000xi32, #tpu.memory_space<hbm>> -> memref<1000xi32, #tpu.memory_space<hbm>>
        %dma_start3A_290 = tpu.memref_slice %arg4[%dma_start3A_287, %add3A_286] : memref<2x1600000xi32, #tpu.memory_space<hbm>> -> memref<1x1000xi32, #tpu.memory_space<hbm>>
        %dma_start3A_291 = tpu.memref_squeeze %dma_start3A_290 : memref<1x1000xi32, #tpu.memory_space<hbm>> -> memref<1000xi32, #tpu.memory_space<hbm>>
        tpu.enqueue_dma source(%dma_start3A_291 : memref<1000xi32, #tpu.memory_space<hbm>>) target(%arg8 : memref<1000xi32, #tpu.memory_space<vmem>>) target_semaphore(%arg18 : memref<!tpu.dma_semaphore, #tpu.memory_space<semaphore_mem>>)
      } else {
      }
      %ge3A = arith.constant 2 : i32
      %ge3A_167 = arith.cmpi sge, %mul3A_149, %ge3A : i32
      %convert_element_type3A_168 = arith.extui %ge3A_167 : i1 to i32
      %cond3A_169 = arith.constant 0 : i32
      %cond3A_170 = arith.cmpi ne, %convert_element_type3A_168, %cond3A_169 : i32
      scf.if %cond3A_170 {
        %jit3A_274 = arith.constant 8 : i32
        %div3A_275 = arith.divsi %mul3A_2, %jit3A_274 : i32
        %sign3A_276 = arith.constant 0 : i32
        %sign3A_277 = arith.cmpi sgt, %mul3A_2, %sign3A_276 : i32
        %sign3A_278 = arith.extui %sign3A_277 : i1 to i32
        %sign3A_279 = arith.constant 0 : i32
        %sign3A_280 = arith.cmpi slt, %mul3A_2, %sign3A_279 : i32
        %sign3A_281 = arith.extui %sign3A_280 : i1 to i32
        %sign3A_282 = arith.subi %sign3A_278, %sign3A_281 : i32
        %sign3A_283 = arith.constant 0 : i32
        %sign3A_284 = arith.cmpi sgt, %jit3A_274, %sign3A_283 : i32
        %sign3A_285 = arith.extui %sign3A_284 : i1 to i32
        %sign3A_286 = arith.constant 0 : i32
        %sign3A_287 = arith.cmpi slt, %jit3A_274, %sign3A_286 : i32
        %sign3A_288 = arith.extui %sign3A_287 : i1 to i32
        %sign3A_289 = arith.subi %sign3A_285, %sign3A_288 : i32
        %ne3A_290 = arith.cmpi ne, %sign3A_282, %sign3A_289 : i32
        %rem3A_291 = arith.remsi %mul3A_2, %jit3A_274 : i32
        %ne3A_292 = arith.constant 0 : i32
        %ne3A_293 = arith.cmpi ne, %rem3A_291, %ne3A_292 : i32
        %and3A_294 = arith.andi %ne3A_290, %ne3A_293 : i1
        %sub3A_295 = arith.constant 1 : i32
        %sub3A_296 = arith.subi %div3A_275, %sub3A_295 : i32
        %select_n3A_297 = arith.select %and3A_294, %sub3A_296, %div3A_275 : i32
        %dma_wait3A_298 = arith.constant 0 : i32
        %dma_wait3A_299 = tpu.memref_slice %arg5[%select_n3A_297, %dma_wait3A_298] : memref<100000x128xf32, #tpu.memory_space<hbm>> -> memref<125x128xf32, #tpu.memory_space<hbm>>
        %dma_wait3A_300 = arith.constant 0 : i32
        %dma_wait3A_301 = tpu.memref_slice %arg5[%select_n3A_297, %dma_wait3A_300] : memref<100000x128xf32, #tpu.memory_space<hbm>> -> memref<125x128xf32, #tpu.memory_space<hbm>>
        tpu.wait_dma2 semaphore(%arg20 : memref<!tpu.dma_semaphore, #tpu.memory_space<semaphore_mem>>) src(%arg14 : memref<125x128xf32, #tpu.memory_space<vmem>>) dst(%dma_wait3A_301 : memref<125x128xf32, #tpu.memory_space<hbm>>)
      } else {
      }
      %scan3A_171 = arith.constant 0 : i32
      %scan3A_172 = arith.constant 0 : i32
      %scan3A_173 = arith.constant 1000 : i32
      %scan3A_174 = arith.addi %scan3A_172, %scan3A_173 : i32
      %scan3A_175 = arith.constant 8 : i32
      scf.for %scan3A_274 = %scan3A_172 to %scan3A_174 step %scan3A_175  : i32 {
        %get3A = arith.index_cast %scan3A_274 : i32 to index
        %get3A_275 = arith.constant 0 : index
        %get3A_276 = tpu.vector_load %arg10[%get3A, %get3A_275] {strides = array<i32>} : memref<1000x16xf32, #tpu.memory_space<vmem>>, vector<1x16xf32>,
        %get3A_277 = vector.shape_cast %get3A_276 : vector<1x16xf32> to vector<16xf32>
        %get3A_278 = arith.index_cast %scan3A_274 : i32 to index
        %get3A_279 = arith.constant 0 : index
        %get3A_280 = tpu.vector_load %arg12[%get3A_278, %get3A_279] {strides = array<i32>} : memref<1000x16xf32, #tpu.memory_space<vmem>>, vector<1x16xf32>,
        %get3A_281 = vector.shape_cast %get3A_280 : vector<1x16xf32> to vector<16xf32>
        %add3A_282 = arith.addf %get3A_277, %get3A_281 : vector<16xf32>
        %jit3A_283 = arith.constant 8 : i32
        %div3A_284 = arith.divsi %scan3A_274, %jit3A_283 : i32
        %sign3A_285 = arith.constant 0 : i32
        %sign3A_286 = arith.cmpi sgt, %scan3A_274, %sign3A_285 : i32
        %sign3A_287 = arith.extui %sign3A_286 : i1 to i32
        %sign3A_288 = arith.constant 0 : i32
        %sign3A_289 = arith.cmpi slt, %scan3A_274, %sign3A_288 : i32
        %sign3A_290 = arith.extui %sign3A_289 : i1 to i32
        %sign3A_291 = arith.subi %sign3A_287, %sign3A_290 : i32
        %sign3A_292 = arith.constant 0 : i32
        %sign3A_293 = arith.cmpi sgt, %jit3A_283, %sign3A_292 : i32
        %sign3A_294 = arith.extui %sign3A_293 : i1 to i32
        %sign3A_295 = arith.constant 0 : i32
        %sign3A_296 = arith.cmpi slt, %jit3A_283, %sign3A_295 : i32
        %sign3A_297 = arith.extui %sign3A_296 : i1 to i32
        %sign3A_298 = arith.subi %sign3A_294, %sign3A_297 : i32
        %ne3A_299 = arith.cmpi ne, %sign3A_291, %sign3A_298 : i32
        %rem3A_300 = arith.remsi %scan3A_274, %jit3A_283 : i32
        %ne3A_301 = arith.constant 0 : i32
        %ne3A_302 = arith.cmpi ne, %rem3A_300, %ne3A_301 : i32
        %and3A_303 = arith.andi %ne3A_299, %ne3A_302 : i1
        %sub3A_304 = arith.constant 1 : i32
        %sub3A_305 = arith.subi %div3A_284, %sub3A_304 : i32
        %select_n3A_306 = arith.select %and3A_303, %sub3A_305, %div3A_284 : i32
        %jit3A_307 = arith.constant 8 : i32
        %eq3A = arith.constant 0 : i32
        %eq3A_308 = arith.cmpi eq, %jit3A_307, %eq3A : i32
        %jit3A_309 = arith.constant 1 : i32
        %select_n3A_310 = arith.select %eq3A_308, %jit3A_309, %jit3A_307 : i32
        %rem3A_311 = arith.remsi %scan3A_274, %select_n3A_310 : i32
        %ne3A_312 = arith.constant 0 : i32
        %ne3A_313 = arith.cmpi ne, %rem3A_311, %ne3A_312 : i32
        %lt3A_314 = arith.constant 0 : i32
        %lt3A_315 = arith.cmpi slt, %rem3A_311, %lt3A_314 : i32
        %lt3A_316 = arith.constant 0 : i32
        %lt3A_317 = arith.cmpi slt, %select_n3A_310, %lt3A_316 : i32
        %ne3A_318 = arith.xori %lt3A_315, %lt3A_317 : i1
        %and3A_319 = arith.andi %ne3A_318, %ne3A_313 : i1
        %add3A_320 = arith.addi %rem3A_311, %select_n3A_310 : i32
        %select_n3A_321 = arith.select %and3A_319, %add3A_320, %rem3A_311 : i32
        %mul3A_322 = arith.constant 16 : i32
        %mul3A_323 = arith.muli %select_n3A_321, %mul3A_322 : i32
        %swap3A = arith.index_cast %select_n3A_306 : i32 to index
        %swap3A_324 = arith.index_cast %mul3A_323 : i32 to index
        %swap3A_325 = tpu.vector_load %arg14[%swap3A, %swap3A_324] {strides = array<i32>} : memref<125x128xf32, #tpu.memory_space<vmem>>, vector<1x16xf32>,
        %swap3A_326 = vector.shape_cast %swap3A_325 : vector<1x16xf32> to vector<16xf32>
        %swap3A_327 = vector.shape_cast %add3A_282 : vector<16xf32> to vector<1x16xf32>
        tpu.vector_store %arg14[%swap3A, %swap3A_324], %swap3A_327 {strides = array<i32>} : memref<125x128xf32, #tpu.memory_space<vmem>>, vector<1x16xf32>,
        %scan3A_328 = arith.constant 1 : i32
        %scan3A_329 = arith.addi %scan3A_274, %scan3A_328 : i32
        %get3A_330 = arith.index_cast %scan3A_329 : i32 to index
        %get3A_331 = arith.constant 0 : index
        %get3A_332 = tpu.vector_load %arg10[%get3A_330, %get3A_331] {strides = array<i32>} : memref<1000x16xf32, #tpu.memory_space<vmem>>, vector<1x16xf32>,
        %get3A_333 = vector.shape_cast %get3A_332 : vector<1x16xf32> to vector<16xf32>
        %get3A_334 = arith.index_cast %scan3A_329 : i32 to index
        %get3A_335 = arith.constant 0 : index
        %get3A_336 = tpu.vector_load %arg12[%get3A_334, %get3A_335] {strides = array<i32>} : memref<1000x16xf32, #tpu.memory_space<vmem>>, vector<1x16xf32>,
        %get3A_337 = vector.shape_cast %get3A_336 : vector<1x16xf32> to vector<16xf32>
        %add3A_338 = arith.addf %get3A_333, %get3A_337 : vector<16xf32>
        %jit3A_339 = arith.constant 8 : i32
        %div3A_340 = arith.divsi %scan3A_329, %jit3A_339 : i32
        %sign3A_341 = arith.constant 0 : i32
        %sign3A_342 = arith.cmpi sgt, %scan3A_329, %sign3A_341 : i32
        %sign3A_343 = arith.extui %sign3A_342 : i1 to i32
        %sign3A_344 = arith.constant 0 : i32
        %sign3A_345 = arith.cmpi slt, %scan3A_329, %sign3A_344 : i32
        %sign3A_346 = arith.extui %sign3A_345 : i1 to i32
        %sign3A_347 = arith.subi %sign3A_343, %sign3A_346 : i32
        %sign3A_348 = arith.constant 0 : i32
        %sign3A_349 = arith.cmpi sgt, %jit3A_339, %sign3A_348 : i32
        %sign3A_350 = arith.extui %sign3A_349 : i1 to i32
        %sign3A_351 = arith.constant 0 : i32
        %sign3A_352 = arith.cmpi slt, %jit3A_339, %sign3A_351 : i32
        %sign3A_353 = arith.extui %sign3A_352 : i1 to i32
        %sign3A_354 = arith.subi %sign3A_350, %sign3A_353 : i32
        %ne3A_355 = arith.cmpi ne, %sign3A_347, %sign3A_354 : i32
        %rem3A_356 = arith.remsi %scan3A_329, %jit3A_339 : i32
        %ne3A_357 = arith.constant 0 : i32
        %ne3A_358 = arith.cmpi ne, %rem3A_356, %ne3A_357 : i32
        %and3A_359 = arith.andi %ne3A_355, %ne3A_358 : i1
        %sub3A_360 = arith.constant 1 : i32
        %sub3A_361 = arith.subi %div3A_340, %sub3A_360 : i32
        %select_n3A_362 = arith.select %and3A_359, %sub3A_361, %div3A_340 : i32
        %jit3A_363 = arith.constant 8 : i32
        %eq3A_364 = arith.constant 0 : i32
        %eq3A_365 = arith.cmpi eq, %jit3A_363, %eq3A_364 : i32
        %jit3A_366 = arith.constant 1 : i32
        %select_n3A_367 = arith.select %eq3A_365, %jit3A_366, %jit3A_363 : i32
        %rem3A_368 = arith.remsi %scan3A_329, %select_n3A_367 : i32
        %ne3A_369 = arith.constant 0 : i32
        %ne3A_370 = arith.cmpi ne, %rem3A_368, %ne3A_369 : i32
        %lt3A_371 = arith.constant 0 : i32
        %lt3A_372 = arith.cmpi slt, %rem3A_368, %lt3A_371 : i32
        %lt3A_373 = arith.constant 0 : i32
        %lt3A_374 = arith.cmpi slt, %select_n3A_367, %lt3A_373 : i32
        %ne3A_375 = arith.xori %lt3A_372, %lt3A_374 : i1
        %and3A_376 = arith.andi %ne3A_375, %ne3A_370 : i1
        %add3A_377 = arith.addi %rem3A_368, %select_n3A_367 : i32
        %select_n3A_378 = arith.select %and3A_376, %add3A_377, %rem3A_368 : i32
        %mul3A_379 = arith.constant 16 : i32
        %mul3A_380 = arith.muli %select_n3A_378, %mul3A_379 : i32
        %swap3A_381 = arith.index_cast %select_n3A_362 : i32 to index
        %swap3A_382 = arith.index_cast %mul3A_380 : i32 to index
        %swap3A_383 = tpu.vector_load %arg14[%swap3A_381, %swap3A_382] {strides = array<i32>} : memref<125x128xf32, #tpu.memory_space<vmem>>, vector<1x16xf32>,
        %swap3A_384 = vector.shape_cast %swap3A_383 : vector<1x16xf32> to vector<16xf32>
        %swap3A_385 = vector.shape_cast %add3A_338 : vector<16xf32> to vector<1x16xf32>
        tpu.vector_store %arg14[%swap3A_381, %swap3A_382], %swap3A_385 {strides = array<i32>} : memref<125x128xf32, #tpu.memory_space<vmem>>, vector<1x16xf32>,
        %scan3A_386 = arith.constant 2 : i32
        %scan3A_387 = arith.addi %scan3A_274, %scan3A_386 : i32
        %get3A_388 = arith.index_cast %scan3A_387 : i32 to index
        %get3A_389 = arith.constant 0 : index
        %get3A_390 = tpu.vector_load %arg10[%get3A_388, %get3A_389] {strides = array<i32>} : memref<1000x16xf32, #tpu.memory_space<vmem>>, vector<1x16xf32>,
        %get3A_391 = vector.shape_cast %get3A_390 : vector<1x16xf32> to vector<16xf32>
        %get3A_392 = arith.index_cast %scan3A_387 : i32 to index
        %get3A_393 = arith.constant 0 : index
        %get3A_394 = tpu.vector_load %arg12[%get3A_392, %get3A_393] {strides = array<i32>} : memref<1000x16xf32, #tpu.memory_space<vmem>>, vector<1x16xf32>,
        %get3A_395 = vector.shape_cast %get3A_394 : vector<1x16xf32> to vector<16xf32>
        %add3A_396 = arith.addf %get3A_391, %get3A_395 : vector<16xf32>
        %jit3A_397 = arith.constant 8 : i32
        %div3A_398 = arith.divsi %scan3A_387, %jit3A_397 : i32
        %sign3A_399 = arith.constant 0 : i32
        %sign3A_400 = arith.cmpi sgt, %scan3A_387, %sign3A_399 : i32
        %sign3A_401 = arith.extui %sign3A_400 : i1 to i32
        %sign3A_402 = arith.constant 0 : i32
        %sign3A_403 = arith.cmpi slt, %scan3A_387, %sign3A_402 : i32
        %sign3A_404 = arith.extui %sign3A_403 : i1 to i32
        %sign3A_405 = arith.subi %sign3A_401, %sign3A_404 : i32
        %sign3A_406 = arith.constant 0 : i32
        %sign3A_407 = arith.cmpi sgt, %jit3A_397, %sign3A_406 : i32
        %sign3A_408 = arith.extui %sign3A_407 : i1 to i32
        %sign3A_409 = arith.constant 0 : i32
        %sign3A_410 = arith.cmpi slt, %jit3A_397, %sign3A_409 : i32
        %sign3A_411 = arith.extui %sign3A_410 : i1 to i32
        %sign3A_412 = arith.subi %sign3A_408, %sign3A_411 : i32
        %ne3A_413 = arith.cmpi ne, %sign3A_405, %sign3A_412 : i32
        %rem3A_414 = arith.remsi %scan3A_387, %jit3A_397 : i32
        %ne3A_415 = arith.constant 0 : i32
        %ne3A_416 = arith.cmpi ne, %rem3A_414, %ne3A_415 : i32
        %and3A_417 = arith.andi %ne3A_413, %ne3A_416 : i1
        %sub3A_418 = arith.constant 1 : i32
        %sub3A_419 = arith.subi %div3A_398, %sub3A_418 : i32
        %select_n3A_420 = arith.select %and3A_417, %sub3A_419, %div3A_398 : i32
        %jit3A_421 = arith.constant 8 : i32
        %eq3A_422 = arith.constant 0 : i32
        %eq3A_423 = arith.cmpi eq, %jit3A_421, %eq3A_422 : i32
        %jit3A_424 = arith.constant 1 : i32
        %select_n3A_425 = arith.select %eq3A_423, %jit3A_424, %jit3A_421 : i32
        %rem3A_426 = arith.remsi %scan3A_387, %select_n3A_425 : i32
        %ne3A_427 = arith.constant 0 : i32
        %ne3A_428 = arith.cmpi ne, %rem3A_426, %ne3A_427 : i32
        %lt3A_429 = arith.constant 0 : i32
        %lt3A_430 = arith.cmpi slt, %rem3A_426, %lt3A_429 : i32
        %lt3A_431 = arith.constant 0 : i32
        %lt3A_432 = arith.cmpi slt, %select_n3A_425, %lt3A_431 : i32
        %ne3A_433 = arith.xori %lt3A_430, %lt3A_432 : i1
        %and3A_434 = arith.andi %ne3A_433, %ne3A_428 : i1
        %add3A_435 = arith.addi %rem3A_426, %select_n3A_425 : i32
        %select_n3A_436 = arith.select %and3A_434, %add3A_435, %rem3A_426 : i32
        %mul3A_437 = arith.constant 16 : i32
        %mul3A_438 = arith.muli %select_n3A_436, %mul3A_437 : i32
        %swap3A_439 = arith.index_cast %select_n3A_420 : i32 to index
        %swap3A_440 = arith.index_cast %mul3A_438 : i32 to index
        %swap3A_441 = tpu.vector_load %arg14[%swap3A_439, %swap3A_440] {strides = array<i32>} : memref<125x128xf32, #tpu.memory_space<vmem>>, vector<1x16xf32>,
        %swap3A_442 = vector.shape_cast %swap3A_441 : vector<1x16xf32> to vector<16xf32>
        %swap3A_443 = vector.shape_cast %add3A_396 : vector<16xf32> to vector<1x16xf32>
        tpu.vector_store %arg14[%swap3A_439, %swap3A_440], %swap3A_443 {strides = array<i32>} : memref<125x128xf32, #tpu.memory_space<vmem>>, vector<1x16xf32>,
        %scan3A_444 = arith.constant 3 : i32
        %scan3A_445 = arith.addi %scan3A_274, %scan3A_444 : i32
        %get3A_446 = arith.index_cast %scan3A_445 : i32 to index
        %get3A_447 = arith.constant 0 : index
        %get3A_448 = tpu.vector_load %arg10[%get3A_446, %get3A_447] {strides = array<i32>} : memref<1000x16xf32, #tpu.memory_space<vmem>>, vector<1x16xf32>,
        %get3A_449 = vector.shape_cast %get3A_448 : vector<1x16xf32> to vector<16xf32>
        %get3A_450 = arith.index_cast %scan3A_445 : i32 to index
        %get3A_451 = arith.constant 0 : index
        %get3A_452 = tpu.vector_load %arg12[%get3A_450, %get3A_451] {strides = array<i32>} : memref<1000x16xf32, #tpu.memory_space<vmem>>, vector<1x16xf32>,
        %get3A_453 = vector.shape_cast %get3A_452 : vector<1x16xf32> to vector<16xf32>
        %add3A_454 = arith.addf %get3A_449, %get3A_453 : vector<16xf32>
        %jit3A_455 = arith.constant 8 : i32
        %div3A_456 = arith.divsi %scan3A_445, %jit3A_455 : i32
        %sign3A_457 = arith.constant 0 : i32
        %sign3A_458 = arith.cmpi sgt, %scan3A_445, %sign3A_457 : i32
        %sign3A_459 = arith.extui %sign3A_458 : i1 to i32
        %sign3A_460 = arith.constant 0 : i32
        %sign3A_461 = arith.cmpi slt, %scan3A_445, %sign3A_460 : i32
        %sign3A_462 = arith.extui %sign3A_461 : i1 to i32
        %sign3A_463 = arith.subi %sign3A_459, %sign3A_462 : i32
        %sign3A_464 = arith.constant 0 : i32
        %sign3A_465 = arith.cmpi sgt, %jit3A_455, %sign3A_464 : i32
        %sign3A_466 = arith.extui %sign3A_465 : i1 to i32
        %sign3A_467 = arith.constant 0 : i32
        %sign3A_468 = arith.cmpi slt, %jit3A_455, %sign3A_467 : i32
        %sign3A_469 = arith.extui %sign3A_468 : i1 to i32
        %sign3A_470 = arith.subi %sign3A_466, %sign3A_469 : i32
        %ne3A_471 = arith.cmpi ne, %sign3A_463, %sign3A_470 : i32
        %rem3A_472 = arith.remsi %scan3A_445, %jit3A_455 : i32
        %ne3A_473 = arith.constant 0 : i32
        %ne3A_474 = arith.cmpi ne, %rem3A_472, %ne3A_473 : i32
        %and3A_475 = arith.andi %ne3A_471, %ne3A_474 : i1
        %sub3A_476 = arith.constant 1 : i32
        %sub3A_477 = arith.subi %div3A_456, %sub3A_476 : i32
        %select_n3A_478 = arith.select %and3A_475, %sub3A_477, %div3A_456 : i32
        %jit3A_479 = arith.constant 8 : i32
        %eq3A_480 = arith.constant 0 : i32
        %eq3A_481 = arith.cmpi eq, %jit3A_479, %eq3A_480 : i32
        %jit3A_482 = arith.constant 1 : i32
        %select_n3A_483 = arith.select %eq3A_481, %jit3A_482, %jit3A_479 : i32
        %rem3A_484 = arith.remsi %scan3A_445, %select_n3A_483 : i32
        %ne3A_485 = arith.constant 0 : i32
        %ne3A_486 = arith.cmpi ne, %rem3A_484, %ne3A_485 : i32
        %lt3A_487 = arith.constant 0 : i32
        %lt3A_488 = arith.cmpi slt, %rem3A_484, %lt3A_487 : i32
        %lt3A_489 = arith.constant 0 : i32
        %lt3A_490 = arith.cmpi slt, %select_n3A_483, %lt3A_489 : i32
        %ne3A_491 = arith.xori %lt3A_488, %lt3A_490 : i1
        %and3A_492 = arith.andi %ne3A_491, %ne3A_486 : i1
        %add3A_493 = arith.addi %rem3A_484, %select_n3A_483 : i32
        %select_n3A_494 = arith.select %and3A_492, %add3A_493, %rem3A_484 : i32
        %mul3A_495 = arith.constant 16 : i32
        %mul3A_496 = arith.muli %select_n3A_494, %mul3A_495 : i32
        %swap3A_497 = arith.index_cast %select_n3A_478 : i32 to index
        %swap3A_498 = arith.index_cast %mul3A_496 : i32 to index
        %swap3A_499 = tpu.vector_load %arg14[%swap3A_497, %swap3A_498] {strides = array<i32>} : memref<125x128xf32, #tpu.memory_space<vmem>>, vector<1x16xf32>,
        %swap3A_500 = vector.shape_cast %swap3A_499 : vector<1x16xf32> to vector<16xf32>
        %swap3A_501 = vector.shape_cast %add3A_454 : vector<16xf32> to vector<1x16xf32>
        tpu.vector_store %arg14[%swap3A_497, %swap3A_498], %swap3A_501 {strides = array<i32>} : memref<125x128xf32, #tpu.memory_space<vmem>>, vector<1x16xf32>,
        %scan3A_502 = arith.constant 4 : i32
        %scan3A_503 = arith.addi %scan3A_274, %scan3A_502 : i32
        %get3A_504 = arith.index_cast %scan3A_503 : i32 to index
        %get3A_505 = arith.constant 0 : index
        %get3A_506 = tpu.vector_load %arg10[%get3A_504, %get3A_505] {strides = array<i32>} : memref<1000x16xf32, #tpu.memory_space<vmem>>, vector<1x16xf32>,
        %get3A_507 = vector.shape_cast %get3A_506 : vector<1x16xf32> to vector<16xf32>
        %get3A_508 = arith.index_cast %scan3A_503 : i32 to index
        %get3A_509 = arith.constant 0 : index
        %get3A_510 = tpu.vector_load %arg12[%get3A_508, %get3A_509] {strides = array<i32>} : memref<1000x16xf32, #tpu.memory_space<vmem>>, vector<1x16xf32>,
        %get3A_511 = vector.shape_cast %get3A_510 : vector<1x16xf32> to vector<16xf32>
        %add3A_512 = arith.addf %get3A_507, %get3A_511 : vector<16xf32>
        %jit3A_513 = arith.constant 8 : i32
        %div3A_514 = arith.divsi %scan3A_503, %jit3A_513 : i32
        %sign3A_515 = arith.constant 0 : i32
        %sign3A_516 = arith.cmpi sgt, %scan3A_503, %sign3A_515 : i32
        %sign3A_517 = arith.extui %sign3A_516 : i1 to i32
        %sign3A_518 = arith.constant 0 : i32
        %sign3A_519 = arith.cmpi slt, %scan3A_503, %sign3A_518 : i32
        %sign3A_520 = arith.extui %sign3A_519 : i1 to i32
        %sign3A_521 = arith.subi %sign3A_517, %sign3A_520 : i32
        %sign3A_522 = arith.constant 0 : i32
        %sign3A_523 = arith.cmpi sgt, %jit3A_513, %sign3A_522 : i32
        %sign3A_524 = arith.extui %sign3A_523 : i1 to i32
        %sign3A_525 = arith.constant 0 : i32
        %sign3A_526 = arith.cmpi slt, %jit3A_513, %sign3A_525 : i32
        %sign3A_527 = arith.extui %sign3A_526 : i1 to i32
        %sign3A_528 = arith.subi %sign3A_524, %sign3A_527 : i32
        %ne3A_529 = arith.cmpi ne, %sign3A_521, %sign3A_528 : i32
        %rem3A_530 = arith.remsi %scan3A_503, %jit3A_513 : i32
        %ne3A_531 = arith.constant 0 : i32
        %ne3A_532 = arith.cmpi ne, %rem3A_530, %ne3A_531 : i32
        %and3A_533 = arith.andi %ne3A_529, %ne3A_532 : i1
        %sub3A_534 = arith.constant 1 : i32
        %sub3A_535 = arith.subi %div3A_514, %sub3A_534 : i32
        %select_n3A_536 = arith.select %and3A_533, %sub3A_535, %div3A_514 : i32
        %jit3A_537 = arith.constant 8 : i32
        %eq3A_538 = arith.constant 0 : i32
        %eq3A_539 = arith.cmpi eq, %jit3A_537, %eq3A_538 : i32
        %jit3A_540 = arith.constant 1 : i32
        %select_n3A_541 = arith.select %eq3A_539, %jit3A_540, %jit3A_537 : i32
        %rem3A_542 = arith.remsi %scan3A_503, %select_n3A_541 : i32
        %ne3A_543 = arith.constant 0 : i32
        %ne3A_544 = arith.cmpi ne, %rem3A_542, %ne3A_543 : i32
        %lt3A_545 = arith.constant 0 : i32
        %lt3A_546 = arith.cmpi slt, %rem3A_542, %lt3A_545 : i32
        %lt3A_547 = arith.constant 0 : i32
        %lt3A_548 = arith.cmpi slt, %select_n3A_541, %lt3A_547 : i32
        %ne3A_549 = arith.xori %lt3A_546, %lt3A_548 : i1
        %and3A_550 = arith.andi %ne3A_549, %ne3A_544 : i1
        %add3A_551 = arith.addi %rem3A_542, %select_n3A_541 : i32
        %select_n3A_552 = arith.select %and3A_550, %add3A_551, %rem3A_542 : i32
        %mul3A_553 = arith.constant 16 : i32
        %mul3A_554 = arith.muli %select_n3A_552, %mul3A_553 : i32
        %swap3A_555 = arith.index_cast %select_n3A_536 : i32 to index
        %swap3A_556 = arith.index_cast %mul3A_554 : i32 to index
        %swap3A_557 = tpu.vector_load %arg14[%swap3A_555, %swap3A_556] {strides = array<i32>} : memref<125x128xf32, #tpu.memory_space<vmem>>, vector<1x16xf32>,
        %swap3A_558 = vector.shape_cast %swap3A_557 : vector<1x16xf32> to vector<16xf32>
        %swap3A_559 = vector.shape_cast %add3A_512 : vector<16xf32> to vector<1x16xf32>
        tpu.vector_store %arg14[%swap3A_555, %swap3A_556], %swap3A_559 {strides = array<i32>} : memref<125x128xf32, #tpu.memory_space<vmem>>, vector<1x16xf32>,
        %scan3A_560 = arith.constant 5 : i32
        %scan3A_561 = arith.addi %scan3A_274, %scan3A_560 : i32
        %get3A_562 = arith.index_cast %scan3A_561 : i32 to index
        %get3A_563 = arith.constant 0 : index
        %get3A_564 = tpu.vector_load %arg10[%get3A_562, %get3A_563] {strides = array<i32>} : memref<1000x16xf32, #tpu.memory_space<vmem>>, vector<1x16xf32>,
        %get3A_565 = vector.shape_cast %get3A_564 : vector<1x16xf32> to vector<16xf32>
        %get3A_566 = arith.index_cast %scan3A_561 : i32 to index
        %get3A_567 = arith.constant 0 : index
        %get3A_568 = tpu.vector_load %arg12[%get3A_566, %get3A_567] {strides = array<i32>} : memref<1000x16xf32, #tpu.memory_space<vmem>>, vector<1x16xf32>,
        %get3A_569 = vector.shape_cast %get3A_568 : vector<1x16xf32> to vector<16xf32>
        %add3A_570 = arith.addf %get3A_565, %get3A_569 : vector<16xf32>
        %jit3A_571 = arith.constant 8 : i32
        %div3A_572 = arith.divsi %scan3A_561, %jit3A_571 : i32
        %sign3A_573 = arith.constant 0 : i32
        %sign3A_574 = arith.cmpi sgt, %scan3A_561, %sign3A_573 : i32
        %sign3A_575 = arith.extui %sign3A_574 : i1 to i32
        %sign3A_576 = arith.constant 0 : i32
        %sign3A_577 = arith.cmpi slt, %scan3A_561, %sign3A_576 : i32
        %sign3A_578 = arith.extui %sign3A_577 : i1 to i32
        %sign3A_579 = arith.subi %sign3A_575, %sign3A_578 : i32
        %sign3A_580 = arith.constant 0 : i32
        %sign3A_581 = arith.cmpi sgt, %jit3A_571, %sign3A_580 : i32
        %sign3A_582 = arith.extui %sign3A_581 : i1 to i32
        %sign3A_583 = arith.constant 0 : i32
        %sign3A_584 = arith.cmpi slt, %jit3A_571, %sign3A_583 : i32
        %sign3A_585 = arith.extui %sign3A_584 : i1 to i32
        %sign3A_586 = arith.subi %sign3A_582, %sign3A_585 : i32
        %ne3A_587 = arith.cmpi ne, %sign3A_579, %sign3A_586 : i32
        %rem3A_588 = arith.remsi %scan3A_561, %jit3A_571 : i32
        %ne3A_589 = arith.constant 0 : i32
        %ne3A_590 = arith.cmpi ne, %rem3A_588, %ne3A_589 : i32
        %and3A_591 = arith.andi %ne3A_587, %ne3A_590 : i1
        %sub3A_592 = arith.constant 1 : i32
        %sub3A_593 = arith.subi %div3A_572, %sub3A_592 : i32
        %select_n3A_594 = arith.select %and3A_591, %sub3A_593, %div3A_572 : i32
        %jit3A_595 = arith.constant 8 : i32
        %eq3A_596 = arith.constant 0 : i32
        %eq3A_597 = arith.cmpi eq, %jit3A_595, %eq3A_596 : i32
        %jit3A_598 = arith.constant 1 : i32
        %select_n3A_599 = arith.select %eq3A_597, %jit3A_598, %jit3A_595 : i32
        %rem3A_600 = arith.remsi %scan3A_561, %select_n3A_599 : i32
        %ne3A_601 = arith.constant 0 : i32
        %ne3A_602 = arith.cmpi ne, %rem3A_600, %ne3A_601 : i32
        %lt3A_603 = arith.constant 0 : i32
        %lt3A_604 = arith.cmpi slt, %rem3A_600, %lt3A_603 : i32
        %lt3A_605 = arith.constant 0 : i32
        %lt3A_606 = arith.cmpi slt, %select_n3A_599, %lt3A_605 : i32
        %ne3A_607 = arith.xori %lt3A_604, %lt3A_606 : i1
        %and3A_608 = arith.andi %ne3A_607, %ne3A_602 : i1
        %add3A_609 = arith.addi %rem3A_600, %select_n3A_599 : i32
        %select_n3A_610 = arith.select %and3A_608, %add3A_609, %rem3A_600 : i32
        %mul3A_611 = arith.constant 16 : i32
        %mul3A_612 = arith.muli %select_n3A_610, %mul3A_611 : i32
        %swap3A_613 = arith.index_cast %select_n3A_594 : i32 to index
        %swap3A_614 = arith.index_cast %mul3A_612 : i32 to index
        %swap3A_615 = tpu.vector_load %arg14[%swap3A_613, %swap3A_614] {strides = array<i32>} : memref<125x128xf32, #tpu.memory_space<vmem>>, vector<1x16xf32>,
        %swap3A_616 = vector.shape_cast %swap3A_615 : vector<1x16xf32> to vector<16xf32>
        %swap3A_617 = vector.shape_cast %add3A_570 : vector<16xf32> to vector<1x16xf32>
        tpu.vector_store %arg14[%swap3A_613, %swap3A_614], %swap3A_617 {strides = array<i32>} : memref<125x128xf32, #tpu.memory_space<vmem>>, vector<1x16xf32>,
        %scan3A_618 = arith.constant 6 : i32
        %scan3A_619 = arith.addi %scan3A_274, %scan3A_618 : i32
        %get3A_620 = arith.index_cast %scan3A_619 : i32 to index
        %get3A_621 = arith.constant 0 : index
        %get3A_622 = tpu.vector_load %arg10[%get3A_620, %get3A_621] {strides = array<i32>} : memref<1000x16xf32, #tpu.memory_space<vmem>>, vector<1x16xf32>,
        %get3A_623 = vector.shape_cast %get3A_622 : vector<1x16xf32> to vector<16xf32>
        %get3A_624 = arith.index_cast %scan3A_619 : i32 to index
        %get3A_625 = arith.constant 0 : index
        %get3A_626 = tpu.vector_load %arg12[%get3A_624, %get3A_625] {strides = array<i32>} : memref<1000x16xf32, #tpu.memory_space<vmem>>, vector<1x16xf32>,
        %get3A_627 = vector.shape_cast %get3A_626 : vector<1x16xf32> to vector<16xf32>
        %add3A_628 = arith.addf %get3A_623, %get3A_627 : vector<16xf32>
        %jit3A_629 = arith.constant 8 : i32
        %div3A_630 = arith.divsi %scan3A_619, %jit3A_629 : i32
        %sign3A_631 = arith.constant 0 : i32
        %sign3A_632 = arith.cmpi sgt, %scan3A_619, %sign3A_631 : i32
        %sign3A_633 = arith.extui %sign3A_632 : i1 to i32
        %sign3A_634 = arith.constant 0 : i32
        %sign3A_635 = arith.cmpi slt, %scan3A_619, %sign3A_634 : i32
        %sign3A_636 = arith.extui %sign3A_635 : i1 to i32
        %sign3A_637 = arith.subi %sign3A_633, %sign3A_636 : i32
        %sign3A_638 = arith.constant 0 : i32
        %sign3A_639 = arith.cmpi sgt, %jit3A_629, %sign3A_638 : i32
        %sign3A_640 = arith.extui %sign3A_639 : i1 to i32
        %sign3A_641 = arith.constant 0 : i32
        %sign3A_642 = arith.cmpi slt, %jit3A_629, %sign3A_641 : i32
        %sign3A_643 = arith.extui %sign3A_642 : i1 to i32
        %sign3A_644 = arith.subi %sign3A_640, %sign3A_643 : i32
        %ne3A_645 = arith.cmpi ne, %sign3A_637, %sign3A_644 : i32
        %rem3A_646 = arith.remsi %scan3A_619, %jit3A_629 : i32
        %ne3A_647 = arith.constant 0 : i32
        %ne3A_648 = arith.cmpi ne, %rem3A_646, %ne3A_647 : i32
        %and3A_649 = arith.andi %ne3A_645, %ne3A_648 : i1
        %sub3A_650 = arith.constant 1 : i32
        %sub3A_651 = arith.subi %div3A_630, %sub3A_650 : i32
        %select_n3A_652 = arith.select %and3A_649, %sub3A_651, %div3A_630 : i32
        %jit3A_653 = arith.constant 8 : i32
        %eq3A_654 = arith.constant 0 : i32
        %eq3A_655 = arith.cmpi eq, %jit3A_653, %eq3A_654 : i32
        %jit3A_656 = arith.constant 1 : i32
        %select_n3A_657 = arith.select %eq3A_655, %jit3A_656, %jit3A_653 : i32
        %rem3A_658 = arith.remsi %scan3A_619, %select_n3A_657 : i32
        %ne3A_659 = arith.constant 0 : i32
        %ne3A_660 = arith.cmpi ne, %rem3A_658, %ne3A_659 : i32
        %lt3A_661 = arith.constant 0 : i32
        %lt3A_662 = arith.cmpi slt, %rem3A_658, %lt3A_661 : i32
        %lt3A_663 = arith.constant 0 : i32
        %lt3A_664 = arith.cmpi slt, %select_n3A_657, %lt3A_663 : i32
        %ne3A_665 = arith.xori %lt3A_662, %lt3A_664 : i1
        %and3A_666 = arith.andi %ne3A_665, %ne3A_660 : i1
        %add3A_667 = arith.addi %rem3A_658, %select_n3A_657 : i32
        %select_n3A_668 = arith.select %and3A_666, %add3A_667, %rem3A_658 : i32
        %mul3A_669 = arith.constant 16 : i32
        %mul3A_670 = arith.muli %select_n3A_668, %mul3A_669 : i32
        %swap3A_671 = arith.index_cast %select_n3A_652 : i32 to index
        %swap3A_672 = arith.index_cast %mul3A_670 : i32 to index
        %swap3A_673 = tpu.vector_load %arg14[%swap3A_671, %swap3A_672] {strides = array<i32>} : memref<125x128xf32, #tpu.memory_space<vmem>>, vector<1x16xf32>,
        %swap3A_674 = vector.shape_cast %swap3A_673 : vector<1x16xf32> to vector<16xf32>
        %swap3A_675 = vector.shape_cast %add3A_628 : vector<16xf32> to vector<1x16xf32>
        tpu.vector_store %arg14[%swap3A_671, %swap3A_672], %swap3A_675 {strides = array<i32>} : memref<125x128xf32, #tpu.memory_space<vmem>>, vector<1x16xf32>,
        %scan3A_676 = arith.constant 7 : i32
        %scan3A_677 = arith.addi %scan3A_274, %scan3A_676 : i32
        %get3A_678 = arith.index_cast %scan3A_677 : i32 to index
        %get3A_679 = arith.constant 0 : index
        %get3A_680 = tpu.vector_load %arg10[%get3A_678, %get3A_679] {strides = array<i32>} : memref<1000x16xf32, #tpu.memory_space<vmem>>, vector<1x16xf32>,
        %get3A_681 = vector.shape_cast %get3A_680 : vector<1x16xf32> to vector<16xf32>
        %get3A_682 = arith.index_cast %scan3A_677 : i32 to index
        %get3A_683 = arith.constant 0 : index
        %get3A_684 = tpu.vector_load %arg12[%get3A_682, %get3A_683] {strides = array<i32>} : memref<1000x16xf32, #tpu.memory_space<vmem>>, vector<1x16xf32>,
        %get3A_685 = vector.shape_cast %get3A_684 : vector<1x16xf32> to vector<16xf32>
        %add3A_686 = arith.addf %get3A_681, %get3A_685 : vector<16xf32>
        %jit3A_687 = arith.constant 8 : i32
        %div3A_688 = arith.divsi %scan3A_677, %jit3A_687 : i32
        %sign3A_689 = arith.constant 0 : i32
        %sign3A_690 = arith.cmpi sgt, %scan3A_677, %sign3A_689 : i32
        %sign3A_691 = arith.extui %sign3A_690 : i1 to i32
        %sign3A_692 = arith.constant 0 : i32
        %sign3A_693 = arith.cmpi slt, %scan3A_677, %sign3A_692 : i32
        %sign3A_694 = arith.extui %sign3A_693 : i1 to i32
        %sign3A_695 = arith.subi %sign3A_691, %sign3A_694 : i32
        %sign3A_696 = arith.constant 0 : i32
        %sign3A_697 = arith.cmpi sgt, %jit3A_687, %sign3A_696 : i32
        %sign3A_698 = arith.extui %sign3A_697 : i1 to i32
        %sign3A_699 = arith.constant 0 : i32
        %sign3A_700 = arith.cmpi slt, %jit3A_687, %sign3A_699 : i32
        %sign3A_701 = arith.extui %sign3A_700 : i1 to i32
        %sign3A_702 = arith.subi %sign3A_698, %sign3A_701 : i32
        %ne3A_703 = arith.cmpi ne, %sign3A_695, %sign3A_702 : i32
        %rem3A_704 = arith.remsi %scan3A_677, %jit3A_687 : i32
        %ne3A_705 = arith.constant 0 : i32
        %ne3A_706 = arith.cmpi ne, %rem3A_704, %ne3A_705 : i32
        %and3A_707 = arith.andi %ne3A_703, %ne3A_706 : i1
        %sub3A_708 = arith.constant 1 : i32
        %sub3A_709 = arith.subi %div3A_688, %sub3A_708 : i32
        %select_n3A_710 = arith.select %and3A_707, %sub3A_709, %div3A_688 : i32
        %jit3A_711 = arith.constant 8 : i32
        %eq3A_712 = arith.constant 0 : i32
        %eq3A_713 = arith.cmpi eq, %jit3A_711, %eq3A_712 : i32
        %jit3A_714 = arith.constant 1 : i32
        %select_n3A_715 = arith.select %eq3A_713, %jit3A_714, %jit3A_711 : i32
        %rem3A_716 = arith.remsi %scan3A_677, %select_n3A_715 : i32
        %ne3A_717 = arith.constant 0 : i32
        %ne3A_718 = arith.cmpi ne, %rem3A_716, %ne3A_717 : i32
        %lt3A_719 = arith.constant 0 : i32
        %lt3A_720 = arith.cmpi slt, %rem3A_716, %lt3A_719 : i32
        %lt3A_721 = arith.constant 0 : i32
        %lt3A_722 = arith.cmpi slt, %select_n3A_715, %lt3A_721 : i32
        %ne3A_723 = arith.xori %lt3A_720, %lt3A_722 : i1
        %and3A_724 = arith.andi %ne3A_723, %ne3A_718 : i1
        %add3A_725 = arith.addi %rem3A_716, %select_n3A_715 : i32
        %select_n3A_726 = arith.select %and3A_724, %add3A_725, %rem3A_716 : i32
        %mul3A_727 = arith.constant 16 : i32
        %mul3A_728 = arith.muli %select_n3A_726, %mul3A_727 : i32
        %swap3A_729 = arith.index_cast %select_n3A_710 : i32 to index
        %swap3A_730 = arith.index_cast %mul3A_728 : i32 to index
        %swap3A_731 = tpu.vector_load %arg14[%swap3A_729, %swap3A_730] {strides = array<i32>} : memref<125x128xf32, #tpu.memory_space<vmem>>, vector<1x16xf32>,
        %swap3A_732 = vector.shape_cast %swap3A_731 : vector<1x16xf32> to vector<16xf32>
        %swap3A_733 = vector.shape_cast %add3A_686 : vector<16xf32> to vector<1x16xf32>
        tpu.vector_store %arg14[%swap3A_729, %swap3A_730], %swap3A_733 {strides = array<i32>} : memref<125x128xf32, #tpu.memory_space<vmem>>, vector<1x16xf32>,
      }
      %scan3A_176 = arith.constant 1000 : i32
      %mul3A_177 = arith.constant 1000 : i32
      %mul3A_178 = arith.muli %mul3A_149, %mul3A_177 : i32
      %add3A_179 = arith.addi %mul3A_2, %mul3A_178 : i32
      %jit3A_180 = arith.constant 8 : i32
      %div3A_181 = arith.divsi %add3A_179, %jit3A_180 : i32
      %sign3A_182 = arith.constant 0 : i32
      %sign3A_183 = arith.cmpi sgt, %add3A_179, %sign3A_182 : i32
      %sign3A_184 = arith.extui %sign3A_183 : i1 to i32
      %sign3A_185 = arith.constant 0 : i32
      %sign3A_186 = arith.cmpi slt, %add3A_179, %sign3A_185 : i32
      %sign3A_187 = arith.extui %sign3A_186 : i1 to i32
      %sign3A_188 = arith.subi %sign3A_184, %sign3A_187 : i32
      %sign3A_189 = arith.constant 0 : i32
      %sign3A_190 = arith.cmpi sgt, %jit3A_180, %sign3A_189 : i32
      %sign3A_191 = arith.extui %sign3A_190 : i1 to i32
      %sign3A_192 = arith.constant 0 : i32
      %sign3A_193 = arith.cmpi slt, %jit3A_180, %sign3A_192 : i32
      %sign3A_194 = arith.extui %sign3A_193 : i1 to i32
      %sign3A_195 = arith.subi %sign3A_191, %sign3A_194 : i32
      %ne3A_196 = arith.cmpi ne, %sign3A_188, %sign3A_195 : i32
      %rem3A_197 = arith.remsi %add3A_179, %jit3A_180 : i32
      %ne3A_198 = arith.constant 0 : i32
      %ne3A_199 = arith.cmpi ne, %rem3A_197, %ne3A_198 : i32
      %and3A_200 = arith.andi %ne3A_196, %ne3A_199 : i1
      %sub3A_201 = arith.constant 1 : i32
      %sub3A_202 = arith.subi %div3A_181, %sub3A_201 : i32
      %select_n3A_203 = arith.select %and3A_200, %sub3A_202, %div3A_181 : i32
      %dma_start3A_204 = arith.constant 0 : i32
      %dma_start3A_205 = tpu.memref_slice %arg5[%select_n3A_203, %dma_start3A_204] : memref<100000x128xf32, #tpu.memory_space<hbm>> -> memref<125x128xf32, #tpu.memory_space<hbm>>
      %dma_start3A_206 = arith.constant 0 : i32
      %dma_start3A_207 = tpu.memref_slice %arg5[%select_n3A_203, %dma_start3A_206] : memref<100000x128xf32, #tpu.memory_space<hbm>> -> memref<125x128xf32, #tpu.memory_space<hbm>>
      tpu.enqueue_dma source(%arg14 : memref<125x128xf32, #tpu.memory_space<vmem>>) target(%dma_start3A_207 : memref<125x128xf32, #tpu.memory_space<hbm>>) target_semaphore(%arg20 : memref<!tpu.dma_semaphore, #tpu.memory_space<semaphore_mem>>)
      %mul3A_208 = arith.constant 2 : i32
      %mul3A_209 = arith.muli %mul3A_208, %scan3A_147 : i32
      %add3A_210 = arith.constant 1 : i32
      %add3A_211 = arith.addi %mul3A_209, %add3A_210 : i32
      %dma_wait3A_212 = arith.constant 0 : i32
      %dma_wait3A_213 = arith.constant 0 : i32
      %dma_wait3A_214 = tpu.memref_slice %arg2[%dma_wait3A_212, %dma_wait3A_213] : memref<100000x16xf32, #tpu.memory_space<hbm>> -> memref<100000x16xf32, #tpu.memory_space<hbm>>
      tpu.wait_indirect_dma semaphore(%arg17 : memref<!tpu.dma_semaphore, #tpu.memory_space<semaphore_mem>>) src(%dma_wait3A_214 : memref<100000x16xf32, #tpu.memory_space<hbm>>) dst(%arg11 : memref<1000x16xf32, #tpu.memory_space<vmem>>)
      %dma_wait3A_215 = arith.constant 0 : i32
      %dma_wait3A_216 = arith.constant 0 : i32
      %dma_wait3A_217 = tpu.memref_slice %arg3[%dma_wait3A_215, %dma_wait3A_216] : memref<50000x16xf32, #tpu.memory_space<hbm>> -> memref<50000x16xf32, #tpu.memory_space<hbm>>
      tpu.wait_indirect_dma semaphore(%arg17 : memref<!tpu.dma_semaphore, #tpu.memory_space<semaphore_mem>>) src(%dma_wait3A_217 : memref<50000x16xf32, #tpu.memory_space<hbm>>) dst(%arg13 : memref<1000x16xf32, #tpu.memory_space<vmem>>)
      %add3A_218 = arith.constant 1 : i32
      %add3A_219 = arith.addi %add3A_211, %add3A_218 : i32
      %lt3A_220 = arith.constant 25 : i32
      %lt3A_221 = arith.cmpi slt, %add3A_219, %lt3A_220 : i32
      %convert_element_type3A_222 = arith.extui %lt3A_221 : i1 to i32
      %cond3A_223 = arith.constant 0 : i32
      %cond3A_224 = arith.cmpi ne, %convert_element_type3A_222, %cond3A_223 : i32
      scf.if %cond3A_224 {
        %dma_wait3A_274 = arith.constant 0 : i32
        %dma_wait3A_275 = tpu.memref_slice %arg4[%dma_wait3A_274, %add3A_4] : memref<2x1600000xi32, #tpu.memory_space<hbm>> -> memref<1x1000xi32, #tpu.memory_space<hbm>>
        %dma_wait3A_276 = tpu.memref_squeeze %dma_wait3A_275 : memref<1x1000xi32, #tpu.memory_space<hbm>> -> memref<1000xi32, #tpu.memory_space<hbm>>
        %dma_wait3A_277 = tpu.memref_slice %arg4[%dma_wait3A_274, %add3A_4] : memref<2x1600000xi32, #tpu.memory_space<hbm>> -> memref<1x1000xi32, #tpu.memory_space<hbm>>
        %dma_wait3A_278 = tpu.memref_squeeze %dma_wait3A_277 : memref<1x1000xi32, #tpu.memory_space<hbm>> -> memref<1000xi32, #tpu.memory_space<hbm>>
        tpu.wait_dma2 semaphore(%arg18 : memref<!tpu.dma_semaphore, #tpu.memory_space<semaphore_mem>>) src(%dma_wait3A_278 : memref<1000xi32, #tpu.memory_space<hbm>>) dst(%arg6 : memref<1000xi32, #tpu.memory_space<vmem>>)
        %dma_wait3A_279 = arith.constant 1 : i32
        %dma_wait3A_280 = tpu.memref_slice %arg4[%dma_wait3A_279, %add3A_4] : memref<2x1600000xi32, #tpu.memory_space<hbm>> -> memref<1x1000xi32, #tpu.memory_space<hbm>>
        %dma_wait3A_281 = tpu.memref_squeeze %dma_wait3A_280 : memref<1x1000xi32, #tpu.memory_space<hbm>> -> memref<1000xi32, #tpu.memory_space<hbm>>
        %dma_wait3A_282 = tpu.memref_slice %arg4[%dma_wait3A_279, %add3A_4] : memref<2x1600000xi32, #tpu.memory_space<hbm>> -> memref<1x1000xi32, #tpu.memory_space<hbm>>
        %dma_wait3A_283 = tpu.memref_squeeze %dma_wait3A_282 : memref<1x1000xi32, #tpu.memory_space<hbm>> -> memref<1000xi32, #tpu.memory_space<hbm>>
        tpu.wait_dma2 semaphore(%arg18 : memref<!tpu.dma_semaphore, #tpu.memory_space<semaphore_mem>>) src(%dma_wait3A_283 : memref<1000xi32, #tpu.memory_space<hbm>>) dst(%arg8 : memref<1000xi32, #tpu.memory_space<vmem>>)
        %dma_start3A_284 = arith.constant 0 : i32
        %dma_start3A_285 = arith.constant 0 : i32
        %dma_start3A_286 = tpu.memref_slice %arg2[%dma_start3A_284, %dma_start3A_285] : memref<100000x16xf32, #tpu.memory_space<hbm>> -> memref<100000x16xf32, #tpu.memory_space<hbm>>
        tpu.enqueue_indirect_dma source(%dma_start3A_286 : memref<100000x16xf32, #tpu.memory_space<hbm>>) target(%arg10 : memref<1000x16xf32, #tpu.memory_space<vmem>>) offsets(%arg6 : memref<1000xi32, #tpu.memory_space<vmem>>) semaphore(%arg16 : memref<!tpu.dma_semaphore, #tpu.memory_space<semaphore_mem>>)
        %dma_start3A_287 = arith.constant 0 : i32
        %dma_start3A_288 = arith.constant 0 : i32
        %dma_start3A_289 = tpu.memref_slice %arg3[%dma_start3A_287, %dma_start3A_288] : memref<50000x16xf32, #tpu.memory_space<hbm>> -> memref<50000x16xf32, #tpu.memory_space<hbm>>
        tpu.enqueue_indirect_dma source(%dma_start3A_289 : memref<50000x16xf32, #tpu.memory_space<hbm>>) target(%arg12 : memref<1000x16xf32, #tpu.memory_space<vmem>>) offsets(%arg8 : memref<1000xi32, #tpu.memory_space<vmem>>) semaphore(%arg16 : memref<!tpu.dma_semaphore, #tpu.memory_space<semaphore_mem>>)
      } else {
      }
      %add3A_225 = arith.constant 2 : i32
      %add3A_226 = arith.addi %add3A_211, %add3A_225 : i32
      %lt3A_227 = arith.constant 25 : i32
      %lt3A_228 = arith.cmpi slt, %add3A_226, %lt3A_227 : i32
      %convert_element_type3A_229 = arith.extui %lt3A_228 : i1 to i32
      %cond3A_230 = arith.constant 0 : i32
      %cond3A_231 = arith.cmpi ne, %convert_element_type3A_229, %cond3A_230 : i32
      scf.if %cond3A_231 {
        %add3A_274 = arith.constant 2 : i32
        %add3A_275 = arith.addi %add3A_211, %add3A_274 : i32
        %mul3A_276 = arith.constant 1000 : i32
        %mul3A_277 = arith.muli %add3A_275, %mul3A_276 : i32
        %add3A_278 = arith.addi %add3A_4, %mul3A_277 : i32
        %dma_start3A_279 = arith.constant 0 : i32
        %dma_start3A_280 = tpu.memref_slice %arg4[%dma_start3A_279, %add3A_278] : memref<2x1600000xi32, #tpu.memory_space<hbm>> -> memref<1x1000xi32, #tpu.memory_space<hbm>>
        %dma_start3A_281 = tpu.memref_squeeze %dma_start3A_280 : memref<1x1000xi32, #tpu.memory_space<hbm>> -> memref<1000xi32, #tpu.memory_space<hbm>>
        %dma_start3A_282 = tpu.memref_slice %arg4[%dma_start3A_279, %add3A_278] : memref<2x1600000xi32, #tpu.memory_space<hbm>> -> memref<1x1000xi32, #tpu.memory_space<hbm>>
        %dma_start3A_283 = tpu.memref_squeeze %dma_start3A_282 : memref<1x1000xi32, #tpu.memory_space<hbm>> -> memref<1000xi32, #tpu.memory_space<hbm>>
        tpu.enqueue_dma source(%dma_start3A_283 : memref<1000xi32, #tpu.memory_space<hbm>>) target(%arg7 : memref<1000xi32, #tpu.memory_space<vmem>>) target_semaphore(%arg19 : memref<!tpu.dma_semaphore, #tpu.memory_space<semaphore_mem>>)
        %mul3A_284 = arith.constant 1000 : i32
        %mul3A_285 = arith.muli %add3A_275, %mul3A_284 : i32
        %add3A_286 = arith.addi %add3A_4, %mul3A_285 : i32
        %dma_start3A_287 = arith.constant 1 : i32
        %dma_start3A_288 = tpu.memref_slice %arg4[%dma_start3A_287, %add3A_286] : memref<2x1600000xi32, #tpu.memory_space<hbm>> -> memref<1x1000xi32, #tpu.memory_space<hbm>>
        %dma_start3A_289 = tpu.memref_squeeze %dma_start3A_288 : memref<1x1000xi32, #tpu.memory_space<hbm>> -> memref<1000xi32, #tpu.memory_space<hbm>>
        %dma_start3A_290 = tpu.memref_slice %arg4[%dma_start3A_287, %add3A_286] : memref<2x1600000xi32, #tpu.memory_space<hbm>> -> memref<1x1000xi32, #tpu.memory_space<hbm>>
        %dma_start3A_291 = tpu.memref_squeeze %dma_start3A_290 : memref<1x1000xi32, #tpu.memory_space<hbm>> -> memref<1000xi32, #tpu.memory_space<hbm>>
        tpu.enqueue_dma source(%dma_start3A_291 : memref<1000xi32, #tpu.memory_space<hbm>>) target(%arg9 : memref<1000xi32, #tpu.memory_space<vmem>>) target_semaphore(%arg19 : memref<!tpu.dma_semaphore, #tpu.memory_space<semaphore_mem>>)
      } else {
      }
      %ge3A_232 = arith.constant 2 : i32
      %ge3A_233 = arith.cmpi sge, %add3A_211, %ge3A_232 : i32
      %convert_element_type3A_234 = arith.extui %ge3A_233 : i1 to i32
      %cond3A_235 = arith.constant 0 : i32
      %cond3A_236 = arith.cmpi ne, %convert_element_type3A_234, %cond3A_235 : i32
      scf.if %cond3A_236 {
        %jit3A_274 = arith.constant 8 : i32
        %div3A_275 = arith.divsi %mul3A_2, %jit3A_274 : i32
        %sign3A_276 = arith.constant 0 : i32
        %sign3A_277 = arith.cmpi sgt, %mul3A_2, %sign3A_276 : i32
        %sign3A_278 = arith.extui %sign3A_277 : i1 to i32
        %sign3A_279 = arith.constant 0 : i32
        %sign3A_280 = arith.cmpi slt, %mul3A_2, %sign3A_279 : i32
        %sign3A_281 = arith.extui %sign3A_280 : i1 to i32
        %sign3A_282 = arith.subi %sign3A_278, %sign3A_281 : i32
        %sign3A_283 = arith.constant 0 : i32
        %sign3A_284 = arith.cmpi sgt, %jit3A_274, %sign3A_283 : i32
        %sign3A_285 = arith.extui %sign3A_284 : i1 to i32
        %sign3A_286 = arith.constant 0 : i32
        %sign3A_287 = arith.cmpi slt, %jit3A_274, %sign3A_286 : i32
        %sign3A_288 = arith.extui %sign3A_287 : i1 to i32
        %sign3A_289 = arith.subi %sign3A_285, %sign3A_288 : i32
        %ne3A_290 = arith.cmpi ne, %sign3A_282, %sign3A_289 : i32
        %rem3A_291 = arith.remsi %mul3A_2, %jit3A_274 : i32
        %ne3A_292 = arith.constant 0 : i32
        %ne3A_293 = arith.cmpi ne, %rem3A_291, %ne3A_292 : i32
        %and3A_294 = arith.andi %ne3A_290, %ne3A_293 : i1
        %sub3A_295 = arith.constant 1 : i32
        %sub3A_296 = arith.subi %div3A_275, %sub3A_295 : i32
        %select_n3A_297 = arith.select %and3A_294, %sub3A_296, %div3A_275 : i32
        %dma_wait3A_298 = arith.constant 0 : i32
        %dma_wait3A_299 = tpu.memref_slice %arg5[%select_n3A_297, %dma_wait3A_298] : memref<100000x128xf32, #tpu.memory_space<hbm>> -> memref<125x128xf32, #tpu.memory_space<hbm>>
        %dma_wait3A_300 = arith.constant 0 : i32
        %dma_wait3A_301 = tpu.memref_slice %arg5[%select_n3A_297, %dma_wait3A_300] : memref<100000x128xf32, #tpu.memory_space<hbm>> -> memref<125x128xf32, #tpu.memory_space<hbm>>
        tpu.wait_dma2 semaphore(%arg21 : memref<!tpu.dma_semaphore, #tpu.memory_space<semaphore_mem>>) src(%arg15 : memref<125x128xf32, #tpu.memory_space<vmem>>) dst(%dma_wait3A_301 : memref<125x128xf32, #tpu.memory_space<hbm>>)
      } else {
      }
      %scan3A_237 = arith.constant 0 : i32
      %scan3A_238 = arith.constant 0 : i32
      %scan3A_239 = arith.constant 1000 : i32
      %scan3A_240 = arith.addi %scan3A_238, %scan3A_239 : i32
      %scan3A_241 = arith.constant 8 : i32
      scf.for %scan3A_274 = %scan3A_238 to %scan3A_240 step %scan3A_241  : i32 {
        %get3A = arith.index_cast %scan3A_274 : i32 to index
        %get3A_275 = arith.constant 0 : index
        %get3A_276 = tpu.vector_load %arg11[%get3A, %get3A_275] {strides = array<i32>} : memref<1000x16xf32, #tpu.memory_space<vmem>>, vector<1x16xf32>,
        %get3A_277 = vector.shape_cast %get3A_276 : vector<1x16xf32> to vector<16xf32>
        %get3A_278 = arith.index_cast %scan3A_274 : i32 to index
        %get3A_279 = arith.constant 0 : index
        %get3A_280 = tpu.vector_load %arg13[%get3A_278, %get3A_279] {strides = array<i32>} : memref<1000x16xf32, #tpu.memory_space<vmem>>, vector<1x16xf32>,
        %get3A_281 = vector.shape_cast %get3A_280 : vector<1x16xf32> to vector<16xf32>
        %add3A_282 = arith.addf %get3A_277, %get3A_281 : vector<16xf32>
        %jit3A_283 = arith.constant 8 : i32
        %div3A_284 = arith.divsi %scan3A_274, %jit3A_283 : i32
        %sign3A_285 = arith.constant 0 : i32
        %sign3A_286 = arith.cmpi sgt, %scan3A_274, %sign3A_285 : i32
        %sign3A_287 = arith.extui %sign3A_286 : i1 to i32
        %sign3A_288 = arith.constant 0 : i32
        %sign3A_289 = arith.cmpi slt, %scan3A_274, %sign3A_288 : i32
        %sign3A_290 = arith.extui %sign3A_289 : i1 to i32
        %sign3A_291 = arith.subi %sign3A_287, %sign3A_290 : i32
        %sign3A_292 = arith.constant 0 : i32
        %sign3A_293 = arith.cmpi sgt, %jit3A_283, %sign3A_292 : i32
        %sign3A_294 = arith.extui %sign3A_293 : i1 to i32
        %sign3A_295 = arith.constant 0 : i32
        %sign3A_296 = arith.cmpi slt, %jit3A_283, %sign3A_295 : i32
        %sign3A_297 = arith.extui %sign3A_296 : i1 to i32
        %sign3A_298 = arith.subi %sign3A_294, %sign3A_297 : i32
        %ne3A_299 = arith.cmpi ne, %sign3A_291, %sign3A_298 : i32
        %rem3A_300 = arith.remsi %scan3A_274, %jit3A_283 : i32
        %ne3A_301 = arith.constant 0 : i32
        %ne3A_302 = arith.cmpi ne, %rem3A_300, %ne3A_301 : i32
        %and3A_303 = arith.andi %ne3A_299, %ne3A_302 : i1
        %sub3A_304 = arith.constant 1 : i32
        %sub3A_305 = arith.subi %div3A_284, %sub3A_304 : i32
        %select_n3A_306 = arith.select %and3A_303, %sub3A_305, %div3A_284 : i32
        %jit3A_307 = arith.constant 8 : i32
        %eq3A = arith.constant 0 : i32
        %eq3A_308 = arith.cmpi eq, %jit3A_307, %eq3A : i32
        %jit3A_309 = arith.constant 1 : i32
        %select_n3A_310 = arith.select %eq3A_308, %jit3A_309, %jit3A_307 : i32
        %rem3A_311 = arith.remsi %scan3A_274, %select_n3A_310 : i32
        %ne3A_312 = arith.constant 0 : i32
        %ne3A_313 = arith.cmpi ne, %rem3A_311, %ne3A_312 : i32
        %lt3A_314 = arith.constant 0 : i32
        %lt3A_315 = arith.cmpi slt, %rem3A_311, %lt3A_314 : i32
        %lt3A_316 = arith.constant 0 : i32
        %lt3A_317 = arith.cmpi slt, %select_n3A_310, %lt3A_316 : i32
        %ne3A_318 = arith.xori %lt3A_315, %lt3A_317 : i1
        %and3A_319 = arith.andi %ne3A_318, %ne3A_313 : i1
        %add3A_320 = arith.addi %rem3A_311, %select_n3A_310 : i32
        %select_n3A_321 = arith.select %and3A_319, %add3A_320, %rem3A_311 : i32
        %mul3A_322 = arith.constant 16 : i32
        %mul3A_323 = arith.muli %select_n3A_321, %mul3A_322 : i32
        %swap3A = arith.index_cast %select_n3A_306 : i32 to index
        %swap3A_324 = arith.index_cast %mul3A_323 : i32 to index
        %swap3A_325 = tpu.vector_load %arg15[%swap3A, %swap3A_324] {strides = array<i32>} : memref<125x128xf32, #tpu.memory_space<vmem>>, vector<1x16xf32>,
        %swap3A_326 = vector.shape_cast %swap3A_325 : vector<1x16xf32> to vector<16xf32>
        %swap3A_327 = vector.shape_cast %add3A_282 : vector<16xf32> to vector<1x16xf32>
        tpu.vector_store %arg15[%swap3A, %swap3A_324], %swap3A_327 {strides = array<i32>} : memref<125x128xf32, #tpu.memory_space<vmem>>, vector<1x16xf32>,
        %scan3A_328 = arith.constant 1 : i32
        %scan3A_329 = arith.addi %scan3A_274, %scan3A_328 : i32
        %get3A_330 = arith.index_cast %scan3A_329 : i32 to index
        %get3A_331 = arith.constant 0 : index
        %get3A_332 = tpu.vector_load %arg11[%get3A_330, %get3A_331] {strides = array<i32>} : memref<1000x16xf32, #tpu.memory_space<vmem>>, vector<1x16xf32>,
        %get3A_333 = vector.shape_cast %get3A_332 : vector<1x16xf32> to vector<16xf32>
        %get3A_334 = arith.index_cast %scan3A_329 : i32 to index
        %get3A_335 = arith.constant 0 : index
        %get3A_336 = tpu.vector_load %arg13[%get3A_334, %get3A_335] {strides = array<i32>} : memref<1000x16xf32, #tpu.memory_space<vmem>>, vector<1x16xf32>,
        %get3A_337 = vector.shape_cast %get3A_336 : vector<1x16xf32> to vector<16xf32>
        %add3A_338 = arith.addf %get3A_333, %get3A_337 : vector<16xf32>
        %jit3A_339 = arith.constant 8 : i32
        %div3A_340 = arith.divsi %scan3A_329, %jit3A_339 : i32
        %sign3A_341 = arith.constant 0 : i32
        %sign3A_342 = arith.cmpi sgt, %scan3A_329, %sign3A_341 : i32
        %sign3A_343 = arith.extui %sign3A_342 : i1 to i32
        %sign3A_344 = arith.constant 0 : i32
        %sign3A_345 = arith.cmpi slt, %scan3A_329, %sign3A_344 : i32
        %sign3A_346 = arith.extui %sign3A_345 : i1 to i32
        %sign3A_347 = arith.subi %sign3A_343, %sign3A_346 : i32
        %sign3A_348 = arith.constant 0 : i32
        %sign3A_349 = arith.cmpi sgt, %jit3A_339, %sign3A_348 : i32
        %sign3A_350 = arith.extui %sign3A_349 : i1 to i32
        %sign3A_351 = arith.constant 0 : i32
        %sign3A_352 = arith.cmpi slt, %jit3A_339, %sign3A_351 : i32
        %sign3A_353 = arith.extui %sign3A_352 : i1 to i32
        %sign3A_354 = arith.subi %sign3A_350, %sign3A_353 : i32
        %ne3A_355 = arith.cmpi ne, %sign3A_347, %sign3A_354 : i32
        %rem3A_356 = arith.remsi %scan3A_329, %jit3A_339 : i32
        %ne3A_357 = arith.constant 0 : i32
        %ne3A_358 = arith.cmpi ne, %rem3A_356, %ne3A_357 : i32
        %and3A_359 = arith.andi %ne3A_355, %ne3A_358 : i1
        %sub3A_360 = arith.constant 1 : i32
        %sub3A_361 = arith.subi %div3A_340, %sub3A_360 : i32
        %select_n3A_362 = arith.select %and3A_359, %sub3A_361, %div3A_340 : i32
        %jit3A_363 = arith.constant 8 : i32
        %eq3A_364 = arith.constant 0 : i32
        %eq3A_365 = arith.cmpi eq, %jit3A_363, %eq3A_364 : i32
        %jit3A_366 = arith.constant 1 : i32
        %select_n3A_367 = arith.select %eq3A_365, %jit3A_366, %jit3A_363 : i32
        %rem3A_368 = arith.remsi %scan3A_329, %select_n3A_367 : i32
        %ne3A_369 = arith.constant 0 : i32
        %ne3A_370 = arith.cmpi ne, %rem3A_368, %ne3A_369 : i32
        %lt3A_371 = arith.constant 0 : i32
        %lt3A_372 = arith.cmpi slt, %rem3A_368, %lt3A_371 : i32
        %lt3A_373 = arith.constant 0 : i32
        %lt3A_374 = arith.cmpi slt, %select_n3A_367, %lt3A_373 : i32
        %ne3A_375 = arith.xori %lt3A_372, %lt3A_374 : i1
        %and3A_376 = arith.andi %ne3A_375, %ne3A_370 : i1
        %add3A_377 = arith.addi %rem3A_368, %select_n3A_367 : i32
        %select_n3A_378 = arith.select %and3A_376, %add3A_377, %rem3A_368 : i32
        %mul3A_379 = arith.constant 16 : i32
        %mul3A_380 = arith.muli %select_n3A_378, %mul3A_379 : i32
        %swap3A_381 = arith.index_cast %select_n3A_362 : i32 to index
        %swap3A_382 = arith.index_cast %mul3A_380 : i32 to index
        %swap3A_383 = tpu.vector_load %arg15[%swap3A_381, %swap3A_382] {strides = array<i32>} : memref<125x128xf32, #tpu.memory_space<vmem>>, vector<1x16xf32>,
        %swap3A_384 = vector.shape_cast %swap3A_383 : vector<1x16xf32> to vector<16xf32>
        %swap3A_385 = vector.shape_cast %add3A_338 : vector<16xf32> to vector<1x16xf32>
        tpu.vector_store %arg15[%swap3A_381, %swap3A_382], %swap3A_385 {strides = array<i32>} : memref<125x128xf32, #tpu.memory_space<vmem>>, vector<1x16xf32>,
        %scan3A_386 = arith.constant 2 : i32
        %scan3A_387 = arith.addi %scan3A_274, %scan3A_386 : i32
        %get3A_388 = arith.index_cast %scan3A_387 : i32 to index
        %get3A_389 = arith.constant 0 : index
        %get3A_390 = tpu.vector_load %arg11[%get3A_388, %get3A_389] {strides = array<i32>} : memref<1000x16xf32, #tpu.memory_space<vmem>>, vector<1x16xf32>,
        %get3A_391 = vector.shape_cast %get3A_390 : vector<1x16xf32> to vector<16xf32>
        %get3A_392 = arith.index_cast %scan3A_387 : i32 to index
        %get3A_393 = arith.constant 0 : index
        %get3A_394 = tpu.vector_load %arg13[%get3A_392, %get3A_393] {strides = array<i32>} : memref<1000x16xf32, #tpu.memory_space<vmem>>, vector<1x16xf32>,
        %get3A_395 = vector.shape_cast %get3A_394 : vector<1x16xf32> to vector<16xf32>
        %add3A_396 = arith.addf %get3A_391, %get3A_395 : vector<16xf32>
        %jit3A_397 = arith.constant 8 : i32
        %div3A_398 = arith.divsi %scan3A_387, %jit3A_397 : i32
        %sign3A_399 = arith.constant 0 : i32
        %sign3A_400 = arith.cmpi sgt, %scan3A_387, %sign3A_399 : i32
        %sign3A_401 = arith.extui %sign3A_400 : i1 to i32
        %sign3A_402 = arith.constant 0 : i32
        %sign3A_403 = arith.cmpi slt, %scan3A_387, %sign3A_402 : i32
        %sign3A_404 = arith.extui %sign3A_403 : i1 to i32
        %sign3A_405 = arith.subi %sign3A_401, %sign3A_404 : i32
        %sign3A_406 = arith.constant 0 : i32
        %sign3A_407 = arith.cmpi sgt, %jit3A_397, %sign3A_406 : i32
        %sign3A_408 = arith.extui %sign3A_407 : i1 to i32
        %sign3A_409 = arith.constant 0 : i32
        %sign3A_410 = arith.cmpi slt, %jit3A_397, %sign3A_409 : i32
        %sign3A_411 = arith.extui %sign3A_410 : i1 to i32
        %sign3A_412 = arith.subi %sign3A_408, %sign3A_411 : i32
        %ne3A_413 = arith.cmpi ne, %sign3A_405, %sign3A_412 : i32
        %rem3A_414 = arith.remsi %scan3A_387, %jit3A_397 : i32
        %ne3A_415 = arith.constant 0 : i32
        %ne3A_416 = arith.cmpi ne, %rem3A_414, %ne3A_415 : i32
        %and3A_417 = arith.andi %ne3A_413, %ne3A_416 : i1
        %sub3A_418 = arith.constant 1 : i32
        %sub3A_419 = arith.subi %div3A_398, %sub3A_418 : i32
        %select_n3A_420 = arith.select %and3A_417, %sub3A_419, %div3A_398 : i32
        %jit3A_421 = arith.constant 8 : i32
        %eq3A_422 = arith.constant 0 : i32
        %eq3A_423 = arith.cmpi eq, %jit3A_421, %eq3A_422 : i32
        %jit3A_424 = arith.constant 1 : i32
        %select_n3A_425 = arith.select %eq3A_423, %jit3A_424, %jit3A_421 : i32
        %rem3A_426 = arith.remsi %scan3A_387, %select_n3A_425 : i32
        %ne3A_427 = arith.constant 0 : i32
        %ne3A_428 = arith.cmpi ne, %rem3A_426, %ne3A_427 : i32
        %lt3A_429 = arith.constant 0 : i32
        %lt3A_430 = arith.cmpi slt, %rem3A_426, %lt3A_429 : i32
        %lt3A_431 = arith.constant 0 : i32
        %lt3A_432 = arith.cmpi slt, %select_n3A_425, %lt3A_431 : i32
        %ne3A_433 = arith.xori %lt3A_430, %lt3A_432 : i1
        %and3A_434 = arith.andi %ne3A_433, %ne3A_428 : i1
        %add3A_435 = arith.addi %rem3A_426, %select_n3A_425 : i32
        %select_n3A_436 = arith.select %and3A_434, %add3A_435, %rem3A_426 : i32
        %mul3A_437 = arith.constant 16 : i32
        %mul3A_438 = arith.muli %select_n3A_436, %mul3A_437 : i32
        %swap3A_439 = arith.index_cast %select_n3A_420 : i32 to index
        %swap3A_440 = arith.index_cast %mul3A_438 : i32 to index
        %swap3A_441 = tpu.vector_load %arg15[%swap3A_439, %swap3A_440] {strides = array<i32>} : memref<125x128xf32, #tpu.memory_space<vmem>>, vector<1x16xf32>,
        %swap3A_442 = vector.shape_cast %swap3A_441 : vector<1x16xf32> to vector<16xf32>
        %swap3A_443 = vector.shape_cast %add3A_396 : vector<16xf32> to vector<1x16xf32>
        tpu.vector_store %arg15[%swap3A_439, %swap3A_440], %swap3A_443 {strides = array<i32>} : memref<125x128xf32, #tpu.memory_space<vmem>>, vector<1x16xf32>,
        %scan3A_444 = arith.constant 3 : i32
        %scan3A_445 = arith.addi %scan3A_274, %scan3A_444 : i32
        %get3A_446 = arith.index_cast %scan3A_445 : i32 to index
        %get3A_447 = arith.constant 0 : index
        %get3A_448 = tpu.vector_load %arg11[%get3A_446, %get3A_447] {strides = array<i32>} : memref<1000x16xf32, #tpu.memory_space<vmem>>, vector<1x16xf32>,
        %get3A_449 = vector.shape_cast %get3A_448 : vector<1x16xf32> to vector<16xf32>
        %get3A_450 = arith.index_cast %scan3A_445 : i32 to index
        %get3A_451 = arith.constant 0 : index
        %get3A_452 = tpu.vector_load %arg13[%get3A_450, %get3A_451] {strides = array<i32>} : memref<1000x16xf32, #tpu.memory_space<vmem>>, vector<1x16xf32>,
        %get3A_453 = vector.shape_cast %get3A_452 : vector<1x16xf32> to vector<16xf32>
        %add3A_454 = arith.addf %get3A_449, %get3A_453 : vector<16xf32>
        %jit3A_455 = arith.constant 8 : i32
        %div3A_456 = arith.divsi %scan3A_445, %jit3A_455 : i32
        %sign3A_457 = arith.constant 0 : i32
        %sign3A_458 = arith.cmpi sgt, %scan3A_445, %sign3A_457 : i32
        %sign3A_459 = arith.extui %sign3A_458 : i1 to i32
        %sign3A_460 = arith.constant 0 : i32
        %sign3A_461 = arith.cmpi slt, %scan3A_445, %sign3A_460 : i32
        %sign3A_462 = arith.extui %sign3A_461 : i1 to i32
        %sign3A_463 = arith.subi %sign3A_459, %sign3A_462 : i32
        %sign3A_464 = arith.constant 0 : i32
        %sign3A_465 = arith.cmpi sgt, %jit3A_455, %sign3A_464 : i32
        %sign3A_466 = arith.extui %sign3A_465 : i1 to i32
        %sign3A_467 = arith.constant 0 : i32
        %sign3A_468 = arith.cmpi slt, %jit3A_455, %sign3A_467 : i32
        %sign3A_469 = arith.extui %sign3A_468 : i1 to i32
        %sign3A_470 = arith.subi %sign3A_466, %sign3A_469 : i32
        %ne3A_471 = arith.cmpi ne, %sign3A_463, %sign3A_470 : i32
        %rem3A_472 = arith.remsi %scan3A_445, %jit3A_455 : i32
        %ne3A_473 = arith.constant 0 : i32
        %ne3A_474 = arith.cmpi ne, %rem3A_472, %ne3A_473 : i32
        %and3A_475 = arith.andi %ne3A_471, %ne3A_474 : i1
        %sub3A_476 = arith.constant 1 : i32
        %sub3A_477 = arith.subi %div3A_456, %sub3A_476 : i32
        %select_n3A_478 = arith.select %and3A_475, %sub3A_477, %div3A_456 : i32
        %jit3A_479 = arith.constant 8 : i32
        %eq3A_480 = arith.constant 0 : i32
        %eq3A_481 = arith.cmpi eq, %jit3A_479, %eq3A_480 : i32
        %jit3A_482 = arith.constant 1 : i32
        %select_n3A_483 = arith.select %eq3A_481, %jit3A_482, %jit3A_479 : i32
        %rem3A_484 = arith.remsi %scan3A_445, %select_n3A_483 : i32
        %ne3A_485 = arith.constant 0 : i32
        %ne3A_486 = arith.cmpi ne, %rem3A_484, %ne3A_485 : i32
        %lt3A_487 = arith.constant 0 : i32
        %lt3A_488 = arith.cmpi slt, %rem3A_484, %lt3A_487 : i32
        %lt3A_489 = arith.constant 0 : i32
        %lt3A_490 = arith.cmpi slt, %select_n3A_483, %lt3A_489 : i32
        %ne3A_491 = arith.xori %lt3A_488, %lt3A_490 : i1
        %and3A_492 = arith.andi %ne3A_491, %ne3A_486 : i1
        %add3A_493 = arith.addi %rem3A_484, %select_n3A_483 : i32
        %select_n3A_494 = arith.select %and3A_492, %add3A_493, %rem3A_484 : i32
        %mul3A_495 = arith.constant 16 : i32
        %mul3A_496 = arith.muli %select_n3A_494, %mul3A_495 : i32
        %swap3A_497 = arith.index_cast %select_n3A_478 : i32 to index
        %swap3A_498 = arith.index_cast %mul3A_496 : i32 to index
        %swap3A_499 = tpu.vector_load %arg15[%swap3A_497, %swap3A_498] {strides = array<i32>} : memref<125x128xf32, #tpu.memory_space<vmem>>, vector<1x16xf32>,
        %swap3A_500 = vector.shape_cast %swap3A_499 : vector<1x16xf32> to vector<16xf32>
        %swap3A_501 = vector.shape_cast %add3A_454 : vector<16xf32> to vector<1x16xf32>
        tpu.vector_store %arg15[%swap3A_497, %swap3A_498], %swap3A_501 {strides = array<i32>} : memref<125x128xf32, #tpu.memory_space<vmem>>, vector<1x16xf32>,
        %scan3A_502 = arith.constant 4 : i32
        %scan3A_503 = arith.addi %scan3A_274, %scan3A_502 : i32
        %get3A_504 = arith.index_cast %scan3A_503 : i32 to index
        %get3A_505 = arith.constant 0 : index
        %get3A_506 = tpu.vector_load %arg11[%get3A_504, %get3A_505] {strides = array<i32>} : memref<1000x16xf32, #tpu.memory_space<vmem>>, vector<1x16xf32>,
        %get3A_507 = vector.shape_cast %get3A_506 : vector<1x16xf32> to vector<16xf32>
        %get3A_508 = arith.index_cast %scan3A_503 : i32 to index
        %get3A_509 = arith.constant 0 : index
        %get3A_510 = tpu.vector_load %arg13[%get3A_508, %get3A_509] {strides = array<i32>} : memref<1000x16xf32, #tpu.memory_space<vmem>>, vector<1x16xf32>,
        %get3A_511 = vector.shape_cast %get3A_510 : vector<1x16xf32> to vector<16xf32>
        %add3A_512 = arith.addf %get3A_507, %get3A_511 : vector<16xf32>
        %jit3A_513 = arith.constant 8 : i32
        %div3A_514 = arith.divsi %scan3A_503, %jit3A_513 : i32
        %sign3A_515 = arith.constant 0 : i32
        %sign3A_516 = arith.cmpi sgt, %scan3A_503, %sign3A_515 : i32
        %sign3A_517 = arith.extui %sign3A_516 : i1 to i32
        %sign3A_518 = arith.constant 0 : i32
        %sign3A_519 = arith.cmpi slt, %scan3A_503, %sign3A_518 : i32
        %sign3A_520 = arith.extui %sign3A_519 : i1 to i32
        %sign3A_521 = arith.subi %sign3A_517, %sign3A_520 : i32
        %sign3A_522 = arith.constant 0 : i32
        %sign3A_523 = arith.cmpi sgt, %jit3A_513, %sign3A_522 : i32
        %sign3A_524 = arith.extui %sign3A_523 : i1 to i32
        %sign3A_525 = arith.constant 0 : i32
        %sign3A_526 = arith.cmpi slt, %jit3A_513, %sign3A_525 : i32
        %sign3A_527 = arith.extui %sign3A_526 : i1 to i32
        %sign3A_528 = arith.subi %sign3A_524, %sign3A_527 : i32
        %ne3A_529 = arith.cmpi ne, %sign3A_521, %sign3A_528 : i32
        %rem3A_530 = arith.remsi %scan3A_503, %jit3A_513 : i32
        %ne3A_531 = arith.constant 0 : i32
        %ne3A_532 = arith.cmpi ne, %rem3A_530, %ne3A_531 : i32
        %and3A_533 = arith.andi %ne3A_529, %ne3A_532 : i1
        %sub3A_534 = arith.constant 1 : i32
        %sub3A_535 = arith.subi %div3A_514, %sub3A_534 : i32
        %select_n3A_536 = arith.select %and3A_533, %sub3A_535, %div3A_514 : i32
        %jit3A_537 = arith.constant 8 : i32
        %eq3A_538 = arith.constant 0 : i32
        %eq3A_539 = arith.cmpi eq, %jit3A_537, %eq3A_538 : i32
        %jit3A_540 = arith.constant 1 : i32
        %select_n3A_541 = arith.select %eq3A_539, %jit3A_540, %jit3A_537 : i32
        %rem3A_542 = arith.remsi %scan3A_503, %select_n3A_541 : i32
        %ne3A_543 = arith.constant 0 : i32
        %ne3A_544 = arith.cmpi ne, %rem3A_542, %ne3A_543 : i32
        %lt3A_545 = arith.constant 0 : i32
        %lt3A_546 = arith.cmpi slt, %rem3A_542, %lt3A_545 : i32
        %lt3A_547 = arith.constant 0 : i32
        %lt3A_548 = arith.cmpi slt, %select_n3A_541, %lt3A_547 : i32
        %ne3A_549 = arith.xori %lt3A_546, %lt3A_548 : i1
        %and3A_550 = arith.andi %ne3A_549, %ne3A_544 : i1
        %add3A_551 = arith.addi %rem3A_542, %select_n3A_541 : i32
        %select_n3A_552 = arith.select %and3A_550, %add3A_551, %rem3A_542 : i32
        %mul3A_553 = arith.constant 16 : i32
        %mul3A_554 = arith.muli %select_n3A_552, %mul3A_553 : i32
        %swap3A_555 = arith.index_cast %select_n3A_536 : i32 to index
        %swap3A_556 = arith.index_cast %mul3A_554 : i32 to index
        %swap3A_557 = tpu.vector_load %arg15[%swap3A_555, %swap3A_556] {strides = array<i32>} : memref<125x128xf32, #tpu.memory_space<vmem>>, vector<1x16xf32>,
        %swap3A_558 = vector.shape_cast %swap3A_557 : vector<1x16xf32> to vector<16xf32>
        %swap3A_559 = vector.shape_cast %add3A_512 : vector<16xf32> to vector<1x16xf32>
        tpu.vector_store %arg15[%swap3A_555, %swap3A_556], %swap3A_559 {strides = array<i32>} : memref<125x128xf32, #tpu.memory_space<vmem>>, vector<1x16xf32>,
        %scan3A_560 = arith.constant 5 : i32
        %scan3A_561 = arith.addi %scan3A_274, %scan3A_560 : i32
        %get3A_562 = arith.index_cast %scan3A_561 : i32 to index
        %get3A_563 = arith.constant 0 : index
        %get3A_564 = tpu.vector_load %arg11[%get3A_562, %get3A_563] {strides = array<i32>} : memref<1000x16xf32, #tpu.memory_space<vmem>>, vector<1x16xf32>,
        %get3A_565 = vector.shape_cast %get3A_564 : vector<1x16xf32> to vector<16xf32>
        %get3A_566 = arith.index_cast %scan3A_561 : i32 to index
        %get3A_567 = arith.constant 0 : index
        %get3A_568 = tpu.vector_load %arg13[%get3A_566, %get3A_567] {strides = array<i32>} : memref<1000x16xf32, #tpu.memory_space<vmem>>, vector<1x16xf32>,
        %get3A_569 = vector.shape_cast %get3A_568 : vector<1x16xf32> to vector<16xf32>
        %add3A_570 = arith.addf %get3A_565, %get3A_569 : vector<16xf32>
        %jit3A_571 = arith.constant 8 : i32
        %div3A_572 = arith.divsi %scan3A_561, %jit3A_571 : i32
        %sign3A_573 = arith.constant 0 : i32
        %sign3A_574 = arith.cmpi sgt, %scan3A_561, %sign3A_573 : i32
        %sign3A_575 = arith.extui %sign3A_574 : i1 to i32
        %sign3A_576 = arith.constant 0 : i32
        %sign3A_577 = arith.cmpi slt, %scan3A_561, %sign3A_576 : i32
        %sign3A_578 = arith.extui %sign3A_577 : i1 to i32
        %sign3A_579 = arith.subi %sign3A_575, %sign3A_578 : i32
        %sign3A_580 = arith.constant 0 : i32
        %sign3A_581 = arith.cmpi sgt, %jit3A_571, %sign3A_580 : i32
        %sign3A_582 = arith.extui %sign3A_581 : i1 to i32
        %sign3A_583 = arith.constant 0 : i32
        %sign3A_584 = arith.cmpi slt, %jit3A_571, %sign3A_583 : i32
        %sign3A_585 = arith.extui %sign3A_584 : i1 to i32
        %sign3A_586 = arith.subi %sign3A_582, %sign3A_585 : i32
        %ne3A_587 = arith.cmpi ne, %sign3A_579, %sign3A_586 : i32
        %rem3A_588 = arith.remsi %scan3A_561, %jit3A_571 : i32
        %ne3A_589 = arith.constant 0 : i32
        %ne3A_590 = arith.cmpi ne, %rem3A_588, %ne3A_589 : i32
        %and3A_591 = arith.andi %ne3A_587, %ne3A_590 : i1
        %sub3A_592 = arith.constant 1 : i32
        %sub3A_593 = arith.subi %div3A_572, %sub3A_592 : i32
        %select_n3A_594 = arith.select %and3A_591, %sub3A_593, %div3A_572 : i32
        %jit3A_595 = arith.constant 8 : i32
        %eq3A_596 = arith.constant 0 : i32
        %eq3A_597 = arith.cmpi eq, %jit3A_595, %eq3A_596 : i32
        %jit3A_598 = arith.constant 1 : i32
        %select_n3A_599 = arith.select %eq3A_597, %jit3A_598, %jit3A_595 : i32
        %rem3A_600 = arith.remsi %scan3A_561, %select_n3A_599 : i32
        %ne3A_601 = arith.constant 0 : i32
        %ne3A_602 = arith.cmpi ne, %rem3A_600, %ne3A_601 : i32
        %lt3A_603 = arith.constant 0 : i32
        %lt3A_604 = arith.cmpi slt, %rem3A_600, %lt3A_603 : i32
        %lt3A_605 = arith.constant 0 : i32
        %lt3A_606 = arith.cmpi slt, %select_n3A_599, %lt3A_605 : i32
        %ne3A_607 = arith.xori %lt3A_604, %lt3A_606 : i1
        %and3A_608 = arith.andi %ne3A_607, %ne3A_602 : i1
        %add3A_609 = arith.addi %rem3A_600, %select_n3A_599 : i32
        %select_n3A_610 = arith.select %and3A_608, %add3A_609, %rem3A_600 : i32
        %mul3A_611 = arith.constant 16 : i32
        %mul3A_612 = arith.muli %select_n3A_610, %mul3A_611 : i32
        %swap3A_613 = arith.index_cast %select_n3A_594 : i32 to index
        %swap3A_614 = arith.index_cast %mul3A_612 : i32 to index
        %swap3A_615 = tpu.vector_load %arg15[%swap3A_613, %swap3A_614] {strides = array<i32>} : memref<125x128xf32, #tpu.memory_space<vmem>>, vector<1x16xf32>,
        %swap3A_616 = vector.shape_cast %swap3A_615 : vector<1x16xf32> to vector<16xf32>
        %swap3A_617 = vector.shape_cast %add3A_570 : vector<16xf32> to vector<1x16xf32>
        tpu.vector_store %arg15[%swap3A_613, %swap3A_614], %swap3A_617 {strides = array<i32>} : memref<125x128xf32, #tpu.memory_space<vmem>>, vector<1x16xf32>,
        %scan3A_618 = arith.constant 6 : i32
        %scan3A_619 = arith.addi %scan3A_274, %scan3A_618 : i32
        %get3A_620 = arith.index_cast %scan3A_619 : i32 to index
        %get3A_621 = arith.constant 0 : index
        %get3A_622 = tpu.vector_load %arg11[%get3A_620, %get3A_621] {strides = array<i32>} : memref<1000x16xf32, #tpu.memory_space<vmem>>, vector<1x16xf32>,
        %get3A_623 = vector.shape_cast %get3A_622 : vector<1x16xf32> to vector<16xf32>
        %get3A_624 = arith.index_cast %scan3A_619 : i32 to index
        %get3A_625 = arith.constant 0 : index
        %get3A_626 = tpu.vector_load %arg13[%get3A_624, %get3A_625] {strides = array<i32>} : memref<1000x16xf32, #tpu.memory_space<vmem>>, vector<1x16xf32>,
        %get3A_627 = vector.shape_cast %get3A_626 : vector<1x16xf32> to vector<16xf32>
        %add3A_628 = arith.addf %get3A_623, %get3A_627 : vector<16xf32>
        %jit3A_629 = arith.constant 8 : i32
        %div3A_630 = arith.divsi %scan3A_619, %jit3A_629 : i32
        %sign3A_631 = arith.constant 0 : i32
        %sign3A_632 = arith.cmpi sgt, %scan3A_619, %sign3A_631 : i32
        %sign3A_633 = arith.extui %sign3A_632 : i1 to i32
        %sign3A_634 = arith.constant 0 : i32
        %sign3A_635 = arith.cmpi slt, %scan3A_619, %sign3A_634 : i32
        %sign3A_636 = arith.extui %sign3A_635 : i1 to i32
        %sign3A_637 = arith.subi %sign3A_633, %sign3A_636 : i32
        %sign3A_638 = arith.constant 0 : i32
        %sign3A_639 = arith.cmpi sgt, %jit3A_629, %sign3A_638 : i32
        %sign3A_640 = arith.extui %sign3A_639 : i1 to i32
        %sign3A_641 = arith.constant 0 : i32
        %sign3A_642 = arith.cmpi slt, %jit3A_629, %sign3A_641 : i32
        %sign3A_643 = arith.extui %sign3A_642 : i1 to i32
        %sign3A_644 = arith.subi %sign3A_640, %sign3A_643 : i32
        %ne3A_645 = arith.cmpi ne, %sign3A_637, %sign3A_644 : i32
        %rem3A_646 = arith.remsi %scan3A_619, %jit3A_629 : i32
        %ne3A_647 = arith.constant 0 : i32
        %ne3A_648 = arith.cmpi ne, %rem3A_646, %ne3A_647 : i32
        %and3A_649 = arith.andi %ne3A_645, %ne3A_648 : i1
        %sub3A_650 = arith.constant 1 : i32
        %sub3A_651 = arith.subi %div3A_630, %sub3A_650 : i32
        %select_n3A_652 = arith.select %and3A_649, %sub3A_651, %div3A_630 : i32
        %jit3A_653 = arith.constant 8 : i32
        %eq3A_654 = arith.constant 0 : i32
        %eq3A_655 = arith.cmpi eq, %jit3A_653, %eq3A_654 : i32
        %jit3A_656 = arith.constant 1 : i32
        %select_n3A_657 = arith.select %eq3A_655, %jit3A_656, %jit3A_653 : i32
        %rem3A_658 = arith.remsi %scan3A_619, %select_n3A_657 : i32
        %ne3A_659 = arith.constant 0 : i32
        %ne3A_660 = arith.cmpi ne, %rem3A_658, %ne3A_659 : i32
        %lt3A_661 = arith.constant 0 : i32
        %lt3A_662 = arith.cmpi slt, %rem3A_658, %lt3A_661 : i32
        %lt3A_663 = arith.constant 0 : i32
        %lt3A_664 = arith.cmpi slt, %select_n3A_657, %lt3A_663 : i32
        %ne3A_665 = arith.xori %lt3A_662, %lt3A_664 : i1
        %and3A_666 = arith.andi %ne3A_665, %ne3A_660 : i1
        %add3A_667 = arith.addi %rem3A_658, %select_n3A_657 : i32
        %select_n3A_668 = arith.select %and3A_666, %add3A_667, %rem3A_658 : i32
        %mul3A_669 = arith.constant 16 : i32
        %mul3A_670 = arith.muli %select_n3A_668, %mul3A_669 : i32
        %swap3A_671 = arith.index_cast %select_n3A_652 : i32 to index
        %swap3A_672 = arith.index_cast %mul3A_670 : i32 to index
        %swap3A_673 = tpu.vector_load %arg15[%swap3A_671, %swap3A_672] {strides = array<i32>} : memref<125x128xf32, #tpu.memory_space<vmem>>, vector<1x16xf32>,
        %swap3A_674 = vector.shape_cast %swap3A_673 : vector<1x16xf32> to vector<16xf32>
        %swap3A_675 = vector.shape_cast %add3A_628 : vector<16xf32> to vector<1x16xf32>
        tpu.vector_store %arg15[%swap3A_671, %swap3A_672], %swap3A_675 {strides = array<i32>} : memref<125x128xf32, #tpu.memory_space<vmem>>, vector<1x16xf32>,
        %scan3A_676 = arith.constant 7 : i32
        %scan3A_677 = arith.addi %scan3A_274, %scan3A_676 : i32
        %get3A_678 = arith.index_cast %scan3A_677 : i32 to index
        %get3A_679 = arith.constant 0 : index
        %get3A_680 = tpu.vector_load %arg11[%get3A_678, %get3A_679] {strides = array<i32>} : memref<1000x16xf32, #tpu.memory_space<vmem>>, vector<1x16xf32>,
        %get3A_681 = vector.shape_cast %get3A_680 : vector<1x16xf32> to vector<16xf32>
        %get3A_682 = arith.index_cast %scan3A_677 : i32 to index
        %get3A_683 = arith.constant 0 : index
        %get3A_684 = tpu.vector_load %arg13[%get3A_682, %get3A_683] {strides = array<i32>} : memref<1000x16xf32, #tpu.memory_space<vmem>>, vector<1x16xf32>,
        %get3A_685 = vector.shape_cast %get3A_684 : vector<1x16xf32> to vector<16xf32>
        %add3A_686 = arith.addf %get3A_681, %get3A_685 : vector<16xf32>
        %jit3A_687 = arith.constant 8 : i32
        %div3A_688 = arith.divsi %scan3A_677, %jit3A_687 : i32
        %sign3A_689 = arith.constant 0 : i32
        %sign3A_690 = arith.cmpi sgt, %scan3A_677, %sign3A_689 : i32
        %sign3A_691 = arith.extui %sign3A_690 : i1 to i32
        %sign3A_692 = arith.constant 0 : i32
        %sign3A_693 = arith.cmpi slt, %scan3A_677, %sign3A_692 : i32
        %sign3A_694 = arith.extui %sign3A_693 : i1 to i32
        %sign3A_695 = arith.subi %sign3A_691, %sign3A_694 : i32
        %sign3A_696 = arith.constant 0 : i32
        %sign3A_697 = arith.cmpi sgt, %jit3A_687, %sign3A_696 : i32
        %sign3A_698 = arith.extui %sign3A_697 : i1 to i32
        %sign3A_699 = arith.constant 0 : i32
        %sign3A_700 = arith.cmpi slt, %jit3A_687, %sign3A_699 : i32
        %sign3A_701 = arith.extui %sign3A_700 : i1 to i32
        %sign3A_702 = arith.subi %sign3A_698, %sign3A_701 : i32
        %ne3A_703 = arith.cmpi ne, %sign3A_695, %sign3A_702 : i32
        %rem3A_704 = arith.remsi %scan3A_677, %jit3A_687 : i32
        %ne3A_705 = arith.constant 0 : i32
        %ne3A_706 = arith.cmpi ne, %rem3A_704, %ne3A_705 : i32
        %and3A_707 = arith.andi %ne3A_703, %ne3A_706 : i1
        %sub3A_708 = arith.constant 1 : i32
        %sub3A_709 = arith.subi %div3A_688, %sub3A_708 : i32
        %select_n3A_710 = arith.select %and3A_707, %sub3A_709, %div3A_688 : i32
        %jit3A_711 = arith.constant 8 : i32
        %eq3A_712 = arith.constant 0 : i32
        %eq3A_713 = arith.cmpi eq, %jit3A_711, %eq3A_712 : i32
        %jit3A_714 = arith.constant 1 : i32
        %select_n3A_715 = arith.select %eq3A_713, %jit3A_714, %jit3A_711 : i32
        %rem3A_716 = arith.remsi %scan3A_677, %select_n3A_715 : i32
        %ne3A_717 = arith.constant 0 : i32
        %ne3A_718 = arith.cmpi ne, %rem3A_716, %ne3A_717 : i32
        %lt3A_719 = arith.constant 0 : i32
        %lt3A_720 = arith.cmpi slt, %rem3A_716, %lt3A_719 : i32
        %lt3A_721 = arith.constant 0 : i32
        %lt3A_722 = arith.cmpi slt, %select_n3A_715, %lt3A_721 : i32
        %ne3A_723 = arith.xori %lt3A_720, %lt3A_722 : i1
        %and3A_724 = arith.andi %ne3A_723, %ne3A_718 : i1
        %add3A_725 = arith.addi %rem3A_716, %select_n3A_715 : i32
        %select_n3A_726 = arith.select %and3A_724, %add3A_725, %rem3A_716 : i32
        %mul3A_727 = arith.constant 16 : i32
        %mul3A_728 = arith.muli %select_n3A_726, %mul3A_727 : i32
        %swap3A_729 = arith.index_cast %select_n3A_710 : i32 to index
        %swap3A_730 = arith.index_cast %mul3A_728 : i32 to index
        %swap3A_731 = tpu.vector_load %arg15[%swap3A_729, %swap3A_730] {strides = array<i32>} : memref<125x128xf32, #tpu.memory_space<vmem>>, vector<1x16xf32>,
        %swap3A_732 = vector.shape_cast %swap3A_731 : vector<1x16xf32> to vector<16xf32>
        %swap3A_733 = vector.shape_cast %add3A_686 : vector<16xf32> to vector<1x16xf32>
        tpu.vector_store %arg15[%swap3A_729, %swap3A_730], %swap3A_733 {strides = array<i32>} : memref<125x128xf32, #tpu.memory_space<vmem>>, vector<1x16xf32>,
      }
      %scan3A_242 = arith.constant 1000 : i32
      %mul3A_243 = arith.constant 1000 : i32
      %mul3A_244 = arith.muli %add3A_211, %mul3A_243 : i32
      %add3A_245 = arith.addi %mul3A_2, %mul3A_244 : i32
      %jit3A_246 = arith.constant 8 : i32
      %div3A_247 = arith.divsi %add3A_245, %jit3A_246 : i32
      %sign3A_248 = arith.constant 0 : i32
      %sign3A_249 = arith.cmpi sgt, %add3A_245, %sign3A_248 : i32
      %sign3A_250 = arith.extui %sign3A_249 : i1 to i32
      %sign3A_251 = arith.constant 0 : i32
      %sign3A_252 = arith.cmpi slt, %add3A_245, %sign3A_251 : i32
      %sign3A_253 = arith.extui %sign3A_252 : i1 to i32
      %sign3A_254 = arith.subi %sign3A_250, %sign3A_253 : i32
      %sign3A_255 = arith.constant 0 : i32
      %sign3A_256 = arith.cmpi sgt, %jit3A_246, %sign3A_255 : i32
      %sign3A_257 = arith.extui %sign3A_256 : i1 to i32
      %sign3A_258 = arith.constant 0 : i32
      %sign3A_259 = arith.cmpi slt, %jit3A_246, %sign3A_258 : i32
      %sign3A_260 = arith.extui %sign3A_259 : i1 to i32
      %sign3A_261 = arith.subi %sign3A_257, %sign3A_260 : i32
      %ne3A_262 = arith.cmpi ne, %sign3A_254, %sign3A_261 : i32
      %rem3A_263 = arith.remsi %add3A_245, %jit3A_246 : i32
      %ne3A_264 = arith.constant 0 : i32
      %ne3A_265 = arith.cmpi ne, %rem3A_263, %ne3A_264 : i32
      %and3A_266 = arith.andi %ne3A_262, %ne3A_265 : i1
      %sub3A_267 = arith.constant 1 : i32
      %sub3A_268 = arith.subi %div3A_247, %sub3A_267 : i32
      %select_n3A_269 = arith.select %and3A_266, %sub3A_268, %div3A_247 : i32
      %dma_start3A_270 = arith.constant 0 : i32
      %dma_start3A_271 = tpu.memref_slice %arg5[%select_n3A_269, %dma_start3A_270] : memref<100000x128xf32, #tpu.memory_space<hbm>> -> memref<125x128xf32, #tpu.memory_space<hbm>>
      %dma_start3A_272 = arith.constant 0 : i32
      %dma_start3A_273 = tpu.memref_slice %arg5[%select_n3A_269, %dma_start3A_272] : memref<100000x128xf32, #tpu.memory_space<hbm>> -> memref<125x128xf32, #tpu.memory_space<hbm>>
      tpu.enqueue_dma source(%arg15 : memref<125x128xf32, #tpu.memory_space<vmem>>) target(%dma_start3A_273 : memref<125x128xf32, #tpu.memory_space<hbm>>) target_semaphore(%arg21 : memref<!tpu.dma_semaphore, #tpu.memory_space<semaphore_mem>>)
    }
    %scan3A_29 = arith.constant 12 : i32
    %dma_wait3A = arith.constant 0 : i32
    %dma_wait3A_30 = arith.constant 0 : i32
    %dma_wait3A_31 = tpu.memref_slice %arg2[%dma_wait3A, %dma_wait3A_30] : memref<100000x16xf32, #tpu.memory_space<hbm>> -> memref<100000x16xf32, #tpu.memory_space<hbm>>
    tpu.wait_indirect_dma semaphore(%arg16 : memref<!tpu.dma_semaphore, #tpu.memory_space<semaphore_mem>>) src(%dma_wait3A_31 : memref<100000x16xf32, #tpu.memory_space<hbm>>) dst(%arg10 : memref<1000x16xf32, #tpu.memory_space<vmem>>)
    %dma_wait3A_32 = arith.constant 0 : i32
    %dma_wait3A_33 = arith.constant 0 : i32
    %dma_wait3A_34 = tpu.memref_slice %arg3[%dma_wait3A_32, %dma_wait3A_33] : memref<50000x16xf32, #tpu.memory_space<hbm>> -> memref<50000x16xf32, #tpu.memory_space<hbm>>
    tpu.wait_indirect_dma semaphore(%arg16 : memref<!tpu.dma_semaphore, #tpu.memory_space<semaphore_mem>>) src(%dma_wait3A_34 : memref<50000x16xf32, #tpu.memory_space<hbm>>) dst(%arg12 : memref<1000x16xf32, #tpu.memory_space<vmem>>)
    %jit3A = arith.constant 8 : i32
    %div3A = arith.divsi %mul3A_2, %jit3A : i32
    %sign3A = arith.constant 0 : i32
    %sign3A_35 = arith.cmpi sgt, %mul3A_2, %sign3A : i32
    %sign3A_36 = arith.extui %sign3A_35 : i1 to i32
    %sign3A_37 = arith.constant 0 : i32
    %sign3A_38 = arith.cmpi slt, %mul3A_2, %sign3A_37 : i32
    %sign3A_39 = arith.extui %sign3A_38 : i1 to i32
    %sign3A_40 = arith.subi %sign3A_36, %sign3A_39 : i32
    %sign3A_41 = arith.constant 0 : i32
    %sign3A_42 = arith.cmpi sgt, %jit3A, %sign3A_41 : i32
    %sign3A_43 = arith.extui %sign3A_42 : i1 to i32
    %sign3A_44 = arith.constant 0 : i32
    %sign3A_45 = arith.cmpi slt, %jit3A, %sign3A_44 : i32
    %sign3A_46 = arith.extui %sign3A_45 : i1 to i32
    %sign3A_47 = arith.subi %sign3A_43, %sign3A_46 : i32
    %ne3A = arith.cmpi ne, %sign3A_40, %sign3A_47 : i32
    %rem3A = arith.remsi %mul3A_2, %jit3A : i32
    %ne3A_48 = arith.constant 0 : i32
    %ne3A_49 = arith.cmpi ne, %rem3A, %ne3A_48 : i32
    %and3A = arith.andi %ne3A, %ne3A_49 : i1
    %sub3A = arith.constant 1 : i32
    %sub3A_50 = arith.subi %div3A, %sub3A : i32
    %select_n3A = arith.select %and3A, %sub3A_50, %div3A : i32
    %dma_wait3A_51 = arith.constant 0 : i32
    %dma_wait3A_52 = tpu.memref_slice %arg5[%select_n3A, %dma_wait3A_51] : memref<100000x128xf32, #tpu.memory_space<hbm>> -> memref<125x128xf32, #tpu.memory_space<hbm>>
    %dma_wait3A_53 = arith.constant 0 : i32
    %dma_wait3A_54 = tpu.memref_slice %arg5[%select_n3A, %dma_wait3A_53] : memref<100000x128xf32, #tpu.memory_space<hbm>> -> memref<125x128xf32, #tpu.memory_space<hbm>>
    tpu.wait_dma2 semaphore(%arg20 : memref<!tpu.dma_semaphore, #tpu.memory_space<semaphore_mem>>) src(%arg14 : memref<125x128xf32, #tpu.memory_space<vmem>>) dst(%dma_wait3A_54 : memref<125x128xf32, #tpu.memory_space<hbm>>)
    %scan3A_55 = arith.constant 0 : i32
    %scan3A_56 = arith.constant 0 : i32
    %scan3A_57 = arith.constant 1000 : i32
    %scan3A_58 = arith.addi %scan3A_56, %scan3A_57 : i32
    %scan3A_59 = arith.constant 8 : i32
    scf.for %scan3A_147 = %scan3A_56 to %scan3A_58 step %scan3A_59  : i32 {
      %get3A = arith.index_cast %scan3A_147 : i32 to index
      %get3A_148 = arith.constant 0 : index
      %get3A_149 = tpu.vector_load %arg10[%get3A, %get3A_148] {strides = array<i32>} : memref<1000x16xf32, #tpu.memory_space<vmem>>, vector<1x16xf32>,
      %get3A_150 = vector.shape_cast %get3A_149 : vector<1x16xf32> to vector<16xf32>
      %get3A_151 = arith.index_cast %scan3A_147 : i32 to index
      %get3A_152 = arith.constant 0 : index
      %get3A_153 = tpu.vector_load %arg12[%get3A_151, %get3A_152] {strides = array<i32>} : memref<1000x16xf32, #tpu.memory_space<vmem>>, vector<1x16xf32>,
      %get3A_154 = vector.shape_cast %get3A_153 : vector<1x16xf32> to vector<16xf32>
      %add3A_155 = arith.addf %get3A_150, %get3A_154 : vector<16xf32>
      %jit3A_156 = arith.constant 8 : i32
      %div3A_157 = arith.divsi %scan3A_147, %jit3A_156 : i32
      %sign3A_158 = arith.constant 0 : i32
      %sign3A_159 = arith.cmpi sgt, %scan3A_147, %sign3A_158 : i32
      %sign3A_160 = arith.extui %sign3A_159 : i1 to i32
      %sign3A_161 = arith.constant 0 : i32
      %sign3A_162 = arith.cmpi slt, %scan3A_147, %sign3A_161 : i32
      %sign3A_163 = arith.extui %sign3A_162 : i1 to i32
      %sign3A_164 = arith.subi %sign3A_160, %sign3A_163 : i32
      %sign3A_165 = arith.constant 0 : i32
      %sign3A_166 = arith.cmpi sgt, %jit3A_156, %sign3A_165 : i32
      %sign3A_167 = arith.extui %sign3A_166 : i1 to i32
      %sign3A_168 = arith.constant 0 : i32
      %sign3A_169 = arith.cmpi slt, %jit3A_156, %sign3A_168 : i32
      %sign3A_170 = arith.extui %sign3A_169 : i1 to i32
      %sign3A_171 = arith.subi %sign3A_167, %sign3A_170 : i32
      %ne3A_172 = arith.cmpi ne, %sign3A_164, %sign3A_171 : i32
      %rem3A_173 = arith.remsi %scan3A_147, %jit3A_156 : i32
      %ne3A_174 = arith.constant 0 : i32
      %ne3A_175 = arith.cmpi ne, %rem3A_173, %ne3A_174 : i32
      %and3A_176 = arith.andi %ne3A_172, %ne3A_175 : i1
      %sub3A_177 = arith.constant 1 : i32
      %sub3A_178 = arith.subi %div3A_157, %sub3A_177 : i32
      %select_n3A_179 = arith.select %and3A_176, %sub3A_178, %div3A_157 : i32
      %jit3A_180 = arith.constant 8 : i32
      %eq3A = arith.constant 0 : i32
      %eq3A_181 = arith.cmpi eq, %jit3A_180, %eq3A : i32
      %jit3A_182 = arith.constant 1 : i32
      %select_n3A_183 = arith.select %eq3A_181, %jit3A_182, %jit3A_180 : i32
      %rem3A_184 = arith.remsi %scan3A_147, %select_n3A_183 : i32
      %ne3A_185 = arith.constant 0 : i32
      %ne3A_186 = arith.cmpi ne, %rem3A_184, %ne3A_185 : i32
      %lt3A = arith.constant 0 : i32
      %lt3A_187 = arith.cmpi slt, %rem3A_184, %lt3A : i32
      %lt3A_188 = arith.constant 0 : i32
      %lt3A_189 = arith.cmpi slt, %select_n3A_183, %lt3A_188 : i32
      %ne3A_190 = arith.xori %lt3A_187, %lt3A_189 : i1
      %and3A_191 = arith.andi %ne3A_190, %ne3A_186 : i1
      %add3A_192 = arith.addi %rem3A_184, %select_n3A_183 : i32
      %select_n3A_193 = arith.select %and3A_191, %add3A_192, %rem3A_184 : i32
      %mul3A_194 = arith.constant 16 : i32
      %mul3A_195 = arith.muli %select_n3A_193, %mul3A_194 : i32
      %swap3A = arith.index_cast %select_n3A_179 : i32 to index
      %swap3A_196 = arith.index_cast %mul3A_195 : i32 to index
      %swap3A_197 = tpu.vector_load %arg14[%swap3A, %swap3A_196] {strides = array<i32>} : memref<125x128xf32, #tpu.memory_space<vmem>>, vector<1x16xf32>,
      %swap3A_198 = vector.shape_cast %swap3A_197 : vector<1x16xf32> to vector<16xf32>
      %swap3A_199 = vector.shape_cast %add3A_155 : vector<16xf32> to vector<1x16xf32>
      tpu.vector_store %arg14[%swap3A, %swap3A_196], %swap3A_199 {strides = array<i32>} : memref<125x128xf32, #tpu.memory_space<vmem>>, vector<1x16xf32>,
      %scan3A_200 = arith.constant 1 : i32
      %scan3A_201 = arith.addi %scan3A_147, %scan3A_200 : i32
      %get3A_202 = arith.index_cast %scan3A_201 : i32 to index
      %get3A_203 = arith.constant 0 : index
      %get3A_204 = tpu.vector_load %arg10[%get3A_202, %get3A_203] {strides = array<i32>} : memref<1000x16xf32, #tpu.memory_space<vmem>>, vector<1x16xf32>,
      %get3A_205 = vector.shape_cast %get3A_204 : vector<1x16xf32> to vector<16xf32>
      %get3A_206 = arith.index_cast %scan3A_201 : i32 to index
      %get3A_207 = arith.constant 0 : index
      %get3A_208 = tpu.vector_load %arg12[%get3A_206, %get3A_207] {strides = array<i32>} : memref<1000x16xf32, #tpu.memory_space<vmem>>, vector<1x16xf32>,
      %get3A_209 = vector.shape_cast %get3A_208 : vector<1x16xf32> to vector<16xf32>
      %add3A_210 = arith.addf %get3A_205, %get3A_209 : vector<16xf32>
      %jit3A_211 = arith.constant 8 : i32
      %div3A_212 = arith.divsi %scan3A_201, %jit3A_211 : i32
      %sign3A_213 = arith.constant 0 : i32
      %sign3A_214 = arith.cmpi sgt, %scan3A_201, %sign3A_213 : i32
      %sign3A_215 = arith.extui %sign3A_214 : i1 to i32
      %sign3A_216 = arith.constant 0 : i32
      %sign3A_217 = arith.cmpi slt, %scan3A_201, %sign3A_216 : i32
      %sign3A_218 = arith.extui %sign3A_217 : i1 to i32
      %sign3A_219 = arith.subi %sign3A_215, %sign3A_218 : i32
      %sign3A_220 = arith.constant 0 : i32
      %sign3A_221 = arith.cmpi sgt, %jit3A_211, %sign3A_220 : i32
      %sign3A_222 = arith.extui %sign3A_221 : i1 to i32
      %sign3A_223 = arith.constant 0 : i32
      %sign3A_224 = arith.cmpi slt, %jit3A_211, %sign3A_223 : i32
      %sign3A_225 = arith.extui %sign3A_224 : i1 to i32
      %sign3A_226 = arith.subi %sign3A_222, %sign3A_225 : i32
      %ne3A_227 = arith.cmpi ne, %sign3A_219, %sign3A_226 : i32
      %rem3A_228 = arith.remsi %scan3A_201, %jit3A_211 : i32
      %ne3A_229 = arith.constant 0 : i32
      %ne3A_230 = arith.cmpi ne, %rem3A_228, %ne3A_229 : i32
      %and3A_231 = arith.andi %ne3A_227, %ne3A_230 : i1
      %sub3A_232 = arith.constant 1 : i32
      %sub3A_233 = arith.subi %div3A_212, %sub3A_232 : i32
      %select_n3A_234 = arith.select %and3A_231, %sub3A_233, %div3A_212 : i32
      %jit3A_235 = arith.constant 8 : i32
      %eq3A_236 = arith.constant 0 : i32
      %eq3A_237 = arith.cmpi eq, %jit3A_235, %eq3A_236 : i32
      %jit3A_238 = arith.constant 1 : i32
      %select_n3A_239 = arith.select %eq3A_237, %jit3A_238, %jit3A_235 : i32
      %rem3A_240 = arith.remsi %scan3A_201, %select_n3A_239 : i32
      %ne3A_241 = arith.constant 0 : i32
      %ne3A_242 = arith.cmpi ne, %rem3A_240, %ne3A_241 : i32
      %lt3A_243 = arith.constant 0 : i32
      %lt3A_244 = arith.cmpi slt, %rem3A_240, %lt3A_243 : i32
      %lt3A_245 = arith.constant 0 : i32
      %lt3A_246 = arith.cmpi slt, %select_n3A_239, %lt3A_245 : i32
      %ne3A_247 = arith.xori %lt3A_244, %lt3A_246 : i1
      %and3A_248 = arith.andi %ne3A_247, %ne3A_242 : i1
      %add3A_249 = arith.addi %rem3A_240, %select_n3A_239 : i32
      %select_n3A_250 = arith.select %and3A_248, %add3A_249, %rem3A_240 : i32
      %mul3A_251 = arith.constant 16 : i32
      %mul3A_252 = arith.muli %select_n3A_250, %mul3A_251 : i32
      %swap3A_253 = arith.index_cast %select_n3A_234 : i32 to index
      %swap3A_254 = arith.index_cast %mul3A_252 : i32 to index
      %swap3A_255 = tpu.vector_load %arg14[%swap3A_253, %swap3A_254] {strides = array<i32>} : memref<125x128xf32, #tpu.memory_space<vmem>>, vector<1x16xf32>,
      %swap3A_256 = vector.shape_cast %swap3A_255 : vector<1x16xf32> to vector<16xf32>
      %swap3A_257 = vector.shape_cast %add3A_210 : vector<16xf32> to vector<1x16xf32>
      tpu.vector_store %arg14[%swap3A_253, %swap3A_254], %swap3A_257 {strides = array<i32>} : memref<125x128xf32, #tpu.memory_space<vmem>>, vector<1x16xf32>,
      %scan3A_258 = arith.constant 2 : i32
      %scan3A_259 = arith.addi %scan3A_147, %scan3A_258 : i32
      %get3A_260 = arith.index_cast %scan3A_259 : i32 to index
      %get3A_261 = arith.constant 0 : index
      %get3A_262 = tpu.vector_load %arg10[%get3A_260, %get3A_261] {strides = array<i32>} : memref<1000x16xf32, #tpu.memory_space<vmem>>, vector<1x16xf32>,
      %get3A_263 = vector.shape_cast %get3A_262 : vector<1x16xf32> to vector<16xf32>
      %get3A_264 = arith.index_cast %scan3A_259 : i32 to index
      %get3A_265 = arith.constant 0 : index
      %get3A_266 = tpu.vector_load %arg12[%get3A_264, %get3A_265] {strides = array<i32>} : memref<1000x16xf32, #tpu.memory_space<vmem>>, vector<1x16xf32>,
      %get3A_267 = vector.shape_cast %get3A_266 : vector<1x16xf32> to vector<16xf32>
      %add3A_268 = arith.addf %get3A_263, %get3A_267 : vector<16xf32>
      %jit3A_269 = arith.constant 8 : i32
      %div3A_270 = arith.divsi %scan3A_259, %jit3A_269 : i32
      %sign3A_271 = arith.constant 0 : i32
      %sign3A_272 = arith.cmpi sgt, %scan3A_259, %sign3A_271 : i32
      %sign3A_273 = arith.extui %sign3A_272 : i1 to i32
      %sign3A_274 = arith.constant 0 : i32
      %sign3A_275 = arith.cmpi slt, %scan3A_259, %sign3A_274 : i32
      %sign3A_276 = arith.extui %sign3A_275 : i1 to i32
      %sign3A_277 = arith.subi %sign3A_273, %sign3A_276 : i32
      %sign3A_278 = arith.constant 0 : i32
      %sign3A_279 = arith.cmpi sgt, %jit3A_269, %sign3A_278 : i32
      %sign3A_280 = arith.extui %sign3A_279 : i1 to i32
      %sign3A_281 = arith.constant 0 : i32
      %sign3A_282 = arith.cmpi slt, %jit3A_269, %sign3A_281 : i32
      %sign3A_283 = arith.extui %sign3A_282 : i1 to i32
      %sign3A_284 = arith.subi %sign3A_280, %sign3A_283 : i32
      %ne3A_285 = arith.cmpi ne, %sign3A_277, %sign3A_284 : i32
      %rem3A_286 = arith.remsi %scan3A_259, %jit3A_269 : i32
      %ne3A_287 = arith.constant 0 : i32
      %ne3A_288 = arith.cmpi ne, %rem3A_286, %ne3A_287 : i32
      %and3A_289 = arith.andi %ne3A_285, %ne3A_288 : i1
      %sub3A_290 = arith.constant 1 : i32
      %sub3A_291 = arith.subi %div3A_270, %sub3A_290 : i32
      %select_n3A_292 = arith.select %and3A_289, %sub3A_291, %div3A_270 : i32
      %jit3A_293 = arith.constant 8 : i32
      %eq3A_294 = arith.constant 0 : i32
      %eq3A_295 = arith.cmpi eq, %jit3A_293, %eq3A_294 : i32
      %jit3A_296 = arith.constant 1 : i32
      %select_n3A_297 = arith.select %eq3A_295, %jit3A_296, %jit3A_293 : i32
      %rem3A_298 = arith.remsi %scan3A_259, %select_n3A_297 : i32
      %ne3A_299 = arith.constant 0 : i32
      %ne3A_300 = arith.cmpi ne, %rem3A_298, %ne3A_299 : i32
      %lt3A_301 = arith.constant 0 : i32
      %lt3A_302 = arith.cmpi slt, %rem3A_298, %lt3A_301 : i32
      %lt3A_303 = arith.constant 0 : i32
      %lt3A_304 = arith.cmpi slt, %select_n3A_297, %lt3A_303 : i32
      %ne3A_305 = arith.xori %lt3A_302, %lt3A_304 : i1
      %and3A_306 = arith.andi %ne3A_305, %ne3A_300 : i1
      %add3A_307 = arith.addi %rem3A_298, %select_n3A_297 : i32
      %select_n3A_308 = arith.select %and3A_306, %add3A_307, %rem3A_298 : i32
      %mul3A_309 = arith.constant 16 : i32
      %mul3A_310 = arith.muli %select_n3A_308, %mul3A_309 : i32
      %swap3A_311 = arith.index_cast %select_n3A_292 : i32 to index
      %swap3A_312 = arith.index_cast %mul3A_310 : i32 to index
      %swap3A_313 = tpu.vector_load %arg14[%swap3A_311, %swap3A_312] {strides = array<i32>} : memref<125x128xf32, #tpu.memory_space<vmem>>, vector<1x16xf32>,
      %swap3A_314 = vector.shape_cast %swap3A_313 : vector<1x16xf32> to vector<16xf32>
      %swap3A_315 = vector.shape_cast %add3A_268 : vector<16xf32> to vector<1x16xf32>
      tpu.vector_store %arg14[%swap3A_311, %swap3A_312], %swap3A_315 {strides = array<i32>} : memref<125x128xf32, #tpu.memory_space<vmem>>, vector<1x16xf32>,
      %scan3A_316 = arith.constant 3 : i32
      %scan3A_317 = arith.addi %scan3A_147, %scan3A_316 : i32
      %get3A_318 = arith.index_cast %scan3A_317 : i32 to index
      %get3A_319 = arith.constant 0 : index
      %get3A_320 = tpu.vector_load %arg10[%get3A_318, %get3A_319] {strides = array<i32>} : memref<1000x16xf32, #tpu.memory_space<vmem>>, vector<1x16xf32>,
      %get3A_321 = vector.shape_cast %get3A_320 : vector<1x16xf32> to vector<16xf32>
      %get3A_322 = arith.index_cast %scan3A_317 : i32 to index
      %get3A_323 = arith.constant 0 : index
      %get3A_324 = tpu.vector_load %arg12[%get3A_322, %get3A_323] {strides = array<i32>} : memref<1000x16xf32, #tpu.memory_space<vmem>>, vector<1x16xf32>,
      %get3A_325 = vector.shape_cast %get3A_324 : vector<1x16xf32> to vector<16xf32>
      %add3A_326 = arith.addf %get3A_321, %get3A_325 : vector<16xf32>
      %jit3A_327 = arith.constant 8 : i32
      %div3A_328 = arith.divsi %scan3A_317, %jit3A_327 : i32
      %sign3A_329 = arith.constant 0 : i32
      %sign3A_330 = arith.cmpi sgt, %scan3A_317, %sign3A_329 : i32
      %sign3A_331 = arith.extui %sign3A_330 : i1 to i32
      %sign3A_332 = arith.constant 0 : i32
      %sign3A_333 = arith.cmpi slt, %scan3A_317, %sign3A_332 : i32
      %sign3A_334 = arith.extui %sign3A_333 : i1 to i32
      %sign3A_335 = arith.subi %sign3A_331, %sign3A_334 : i32
      %sign3A_336 = arith.constant 0 : i32
      %sign3A_337 = arith.cmpi sgt, %jit3A_327, %sign3A_336 : i32
      %sign3A_338 = arith.extui %sign3A_337 : i1 to i32
      %sign3A_339 = arith.constant 0 : i32
      %sign3A_340 = arith.cmpi slt, %jit3A_327, %sign3A_339 : i32
      %sign3A_341 = arith.extui %sign3A_340 : i1 to i32
      %sign3A_342 = arith.subi %sign3A_338, %sign3A_341 : i32
      %ne3A_343 = arith.cmpi ne, %sign3A_335, %sign3A_342 : i32
      %rem3A_344 = arith.remsi %scan3A_317, %jit3A_327 : i32
      %ne3A_345 = arith.constant 0 : i32
      %ne3A_346 = arith.cmpi ne, %rem3A_344, %ne3A_345 : i32
      %and3A_347 = arith.andi %ne3A_343, %ne3A_346 : i1
      %sub3A_348 = arith.constant 1 : i32
      %sub3A_349 = arith.subi %div3A_328, %sub3A_348 : i32
      %select_n3A_350 = arith.select %and3A_347, %sub3A_349, %div3A_328 : i32
      %jit3A_351 = arith.constant 8 : i32
      %eq3A_352 = arith.constant 0 : i32
      %eq3A_353 = arith.cmpi eq, %jit3A_351, %eq3A_352 : i32
      %jit3A_354 = arith.constant 1 : i32
      %select_n3A_355 = arith.select %eq3A_353, %jit3A_354, %jit3A_351 : i32
      %rem3A_356 = arith.remsi %scan3A_317, %select_n3A_355 : i32
      %ne3A_357 = arith.constant 0 : i32
      %ne3A_358 = arith.cmpi ne, %rem3A_356, %ne3A_357 : i32
      %lt3A_359 = arith.constant 0 : i32
      %lt3A_360 = arith.cmpi slt, %rem3A_356, %lt3A_359 : i32
      %lt3A_361 = arith.constant 0 : i32
      %lt3A_362 = arith.cmpi slt, %select_n3A_355, %lt3A_361 : i32
      %ne3A_363 = arith.xori %lt3A_360, %lt3A_362 : i1
      %and3A_364 = arith.andi %ne3A_363, %ne3A_358 : i1
      %add3A_365 = arith.addi %rem3A_356, %select_n3A_355 : i32
      %select_n3A_366 = arith.select %and3A_364, %add3A_365, %rem3A_356 : i32
      %mul3A_367 = arith.constant 16 : i32
      %mul3A_368 = arith.muli %select_n3A_366, %mul3A_367 : i32
      %swap3A_369 = arith.index_cast %select_n3A_350 : i32 to index
      %swap3A_370 = arith.index_cast %mul3A_368 : i32 to index
      %swap3A_371 = tpu.vector_load %arg14[%swap3A_369, %swap3A_370] {strides = array<i32>} : memref<125x128xf32, #tpu.memory_space<vmem>>, vector<1x16xf32>,
      %swap3A_372 = vector.shape_cast %swap3A_371 : vector<1x16xf32> to vector<16xf32>
      %swap3A_373 = vector.shape_cast %add3A_326 : vector<16xf32> to vector<1x16xf32>
      tpu.vector_store %arg14[%swap3A_369, %swap3A_370], %swap3A_373 {strides = array<i32>} : memref<125x128xf32, #tpu.memory_space<vmem>>, vector<1x16xf32>,
      %scan3A_374 = arith.constant 4 : i32
      %scan3A_375 = arith.addi %scan3A_147, %scan3A_374 : i32
      %get3A_376 = arith.index_cast %scan3A_375 : i32 to index
      %get3A_377 = arith.constant 0 : index
      %get3A_378 = tpu.vector_load %arg10[%get3A_376, %get3A_377] {strides = array<i32>} : memref<1000x16xf32, #tpu.memory_space<vmem>>, vector<1x16xf32>,
      %get3A_379 = vector.shape_cast %get3A_378 : vector<1x16xf32> to vector<16xf32>
      %get3A_380 = arith.index_cast %scan3A_375 : i32 to index
      %get3A_381 = arith.constant 0 : index
      %get3A_382 = tpu.vector_load %arg12[%get3A_380, %get3A_381] {strides = array<i32>} : memref<1000x16xf32, #tpu.memory_space<vmem>>, vector<1x16xf32>,
      %get3A_383 = vector.shape_cast %get3A_382 : vector<1x16xf32> to vector<16xf32>
      %add3A_384 = arith.addf %get3A_379, %get3A_383 : vector<16xf32>
      %jit3A_385 = arith.constant 8 : i32
      %div3A_386 = arith.divsi %scan3A_375, %jit3A_385 : i32
      %sign3A_387 = arith.constant 0 : i32
      %sign3A_388 = arith.cmpi sgt, %scan3A_375, %sign3A_387 : i32
      %sign3A_389 = arith.extui %sign3A_388 : i1 to i32
      %sign3A_390 = arith.constant 0 : i32
      %sign3A_391 = arith.cmpi slt, %scan3A_375, %sign3A_390 : i32
      %sign3A_392 = arith.extui %sign3A_391 : i1 to i32
      %sign3A_393 = arith.subi %sign3A_389, %sign3A_392 : i32
      %sign3A_394 = arith.constant 0 : i32
      %sign3A_395 = arith.cmpi sgt, %jit3A_385, %sign3A_394 : i32
      %sign3A_396 = arith.extui %sign3A_395 : i1 to i32
      %sign3A_397 = arith.constant 0 : i32
      %sign3A_398 = arith.cmpi slt, %jit3A_385, %sign3A_397 : i32
      %sign3A_399 = arith.extui %sign3A_398 : i1 to i32
      %sign3A_400 = arith.subi %sign3A_396, %sign3A_399 : i32
      %ne3A_401 = arith.cmpi ne, %sign3A_393, %sign3A_400 : i32
      %rem3A_402 = arith.remsi %scan3A_375, %jit3A_385 : i32
      %ne3A_403 = arith.constant 0 : i32
      %ne3A_404 = arith.cmpi ne, %rem3A_402, %ne3A_403 : i32
      %and3A_405 = arith.andi %ne3A_401, %ne3A_404 : i1
      %sub3A_406 = arith.constant 1 : i32
      %sub3A_407 = arith.subi %div3A_386, %sub3A_406 : i32
      %select_n3A_408 = arith.select %and3A_405, %sub3A_407, %div3A_386 : i32
      %jit3A_409 = arith.constant 8 : i32
      %eq3A_410 = arith.constant 0 : i32
      %eq3A_411 = arith.cmpi eq, %jit3A_409, %eq3A_410 : i32
      %jit3A_412 = arith.constant 1 : i32
      %select_n3A_413 = arith.select %eq3A_411, %jit3A_412, %jit3A_409 : i32
      %rem3A_414 = arith.remsi %scan3A_375, %select_n3A_413 : i32
      %ne3A_415 = arith.constant 0 : i32
      %ne3A_416 = arith.cmpi ne, %rem3A_414, %ne3A_415 : i32
      %lt3A_417 = arith.constant 0 : i32
      %lt3A_418 = arith.cmpi slt, %rem3A_414, %lt3A_417 : i32
      %lt3A_419 = arith.constant 0 : i32
      %lt3A_420 = arith.cmpi slt, %select_n3A_413, %lt3A_419 : i32
      %ne3A_421 = arith.xori %lt3A_418, %lt3A_420 : i1
      %and3A_422 = arith.andi %ne3A_421, %ne3A_416 : i1
      %add3A_423 = arith.addi %rem3A_414, %select_n3A_413 : i32
      %select_n3A_424 = arith.select %and3A_422, %add3A_423, %rem3A_414 : i32
      %mul3A_425 = arith.constant 16 : i32
      %mul3A_426 = arith.muli %select_n3A_424, %mul3A_425 : i32
      %swap3A_427 = arith.index_cast %select_n3A_408 : i32 to index
      %swap3A_428 = arith.index_cast %mul3A_426 : i32 to index
      %swap3A_429 = tpu.vector_load %arg14[%swap3A_427, %swap3A_428] {strides = array<i32>} : memref<125x128xf32, #tpu.memory_space<vmem>>, vector<1x16xf32>,
      %swap3A_430 = vector.shape_cast %swap3A_429 : vector<1x16xf32> to vector<16xf32>
      %swap3A_431 = vector.shape_cast %add3A_384 : vector<16xf32> to vector<1x16xf32>
      tpu.vector_store %arg14[%swap3A_427, %swap3A_428], %swap3A_431 {strides = array<i32>} : memref<125x128xf32, #tpu.memory_space<vmem>>, vector<1x16xf32>,
      %scan3A_432 = arith.constant 5 : i32
      %scan3A_433 = arith.addi %scan3A_147, %scan3A_432 : i32
      %get3A_434 = arith.index_cast %scan3A_433 : i32 to index
      %get3A_435 = arith.constant 0 : index
      %get3A_436 = tpu.vector_load %arg10[%get3A_434, %get3A_435] {strides = array<i32>} : memref<1000x16xf32, #tpu.memory_space<vmem>>, vector<1x16xf32>,
      %get3A_437 = vector.shape_cast %get3A_436 : vector<1x16xf32> to vector<16xf32>
      %get3A_438 = arith.index_cast %scan3A_433 : i32 to index
      %get3A_439 = arith.constant 0 : index
      %get3A_440 = tpu.vector_load %arg12[%get3A_438, %get3A_439] {strides = array<i32>} : memref<1000x16xf32, #tpu.memory_space<vmem>>, vector<1x16xf32>,
      %get3A_441 = vector.shape_cast %get3A_440 : vector<1x16xf32> to vector<16xf32>
      %add3A_442 = arith.addf %get3A_437, %get3A_441 : vector<16xf32>
      %jit3A_443 = arith.constant 8 : i32
      %div3A_444 = arith.divsi %scan3A_433, %jit3A_443 : i32
      %sign3A_445 = arith.constant 0 : i32
      %sign3A_446 = arith.cmpi sgt, %scan3A_433, %sign3A_445 : i32
      %sign3A_447 = arith.extui %sign3A_446 : i1 to i32
      %sign3A_448 = arith.constant 0 : i32
      %sign3A_449 = arith.cmpi slt, %scan3A_433, %sign3A_448 : i32
      %sign3A_450 = arith.extui %sign3A_449 : i1 to i32
      %sign3A_451 = arith.subi %sign3A_447, %sign3A_450 : i32
      %sign3A_452 = arith.constant 0 : i32
      %sign3A_453 = arith.cmpi sgt, %jit3A_443, %sign3A_452 : i32
      %sign3A_454 = arith.extui %sign3A_453 : i1 to i32
      %sign3A_455 = arith.constant 0 : i32
      %sign3A_456 = arith.cmpi slt, %jit3A_443, %sign3A_455 : i32
      %sign3A_457 = arith.extui %sign3A_456 : i1 to i32
      %sign3A_458 = arith.subi %sign3A_454, %sign3A_457 : i32
      %ne3A_459 = arith.cmpi ne, %sign3A_451, %sign3A_458 : i32
      %rem3A_460 = arith.remsi %scan3A_433, %jit3A_443 : i32
      %ne3A_461 = arith.constant 0 : i32
      %ne3A_462 = arith.cmpi ne, %rem3A_460, %ne3A_461 : i32
      %and3A_463 = arith.andi %ne3A_459, %ne3A_462 : i1
      %sub3A_464 = arith.constant 1 : i32
      %sub3A_465 = arith.subi %div3A_444, %sub3A_464 : i32
      %select_n3A_466 = arith.select %and3A_463, %sub3A_465, %div3A_444 : i32
      %jit3A_467 = arith.constant 8 : i32
      %eq3A_468 = arith.constant 0 : i32
      %eq3A_469 = arith.cmpi eq, %jit3A_467, %eq3A_468 : i32
      %jit3A_470 = arith.constant 1 : i32
      %select_n3A_471 = arith.select %eq3A_469, %jit3A_470, %jit3A_467 : i32
      %rem3A_472 = arith.remsi %scan3A_433, %select_n3A_471 : i32
      %ne3A_473 = arith.constant 0 : i32
      %ne3A_474 = arith.cmpi ne, %rem3A_472, %ne3A_473 : i32
      %lt3A_475 = arith.constant 0 : i32
      %lt3A_476 = arith.cmpi slt, %rem3A_472, %lt3A_475 : i32
      %lt3A_477 = arith.constant 0 : i32
      %lt3A_478 = arith.cmpi slt, %select_n3A_471, %lt3A_477 : i32
      %ne3A_479 = arith.xori %lt3A_476, %lt3A_478 : i1
      %and3A_480 = arith.andi %ne3A_479, %ne3A_474 : i1
      %add3A_481 = arith.addi %rem3A_472, %select_n3A_471 : i32
      %select_n3A_482 = arith.select %and3A_480, %add3A_481, %rem3A_472 : i32
      %mul3A_483 = arith.constant 16 : i32
      %mul3A_484 = arith.muli %select_n3A_482, %mul3A_483 : i32
      %swap3A_485 = arith.index_cast %select_n3A_466 : i32 to index
      %swap3A_486 = arith.index_cast %mul3A_484 : i32 to index
      %swap3A_487 = tpu.vector_load %arg14[%swap3A_485, %swap3A_486] {strides = array<i32>} : memref<125x128xf32, #tpu.memory_space<vmem>>, vector<1x16xf32>,
      %swap3A_488 = vector.shape_cast %swap3A_487 : vector<1x16xf32> to vector<16xf32>
      %swap3A_489 = vector.shape_cast %add3A_442 : vector<16xf32> to vector<1x16xf32>
      tpu.vector_store %arg14[%swap3A_485, %swap3A_486], %swap3A_489 {strides = array<i32>} : memref<125x128xf32, #tpu.memory_space<vmem>>, vector<1x16xf32>,
      %scan3A_490 = arith.constant 6 : i32
      %scan3A_491 = arith.addi %scan3A_147, %scan3A_490 : i32
      %get3A_492 = arith.index_cast %scan3A_491 : i32 to index
      %get3A_493 = arith.constant 0 : index
      %get3A_494 = tpu.vector_load %arg10[%get3A_492, %get3A_493] {strides = array<i32>} : memref<1000x16xf32, #tpu.memory_space<vmem>>, vector<1x16xf32>,
      %get3A_495 = vector.shape_cast %get3A_494 : vector<1x16xf32> to vector<16xf32>
      %get3A_496 = arith.index_cast %scan3A_491 : i32 to index
      %get3A_497 = arith.constant 0 : index
      %get3A_498 = tpu.vector_load %arg12[%get3A_496, %get3A_497] {strides = array<i32>} : memref<1000x16xf32, #tpu.memory_space<vmem>>, vector<1x16xf32>,
      %get3A_499 = vector.shape_cast %get3A_498 : vector<1x16xf32> to vector<16xf32>
      %add3A_500 = arith.addf %get3A_495, %get3A_499 : vector<16xf32>
      %jit3A_501 = arith.constant 8 : i32
      %div3A_502 = arith.divsi %scan3A_491, %jit3A_501 : i32
      %sign3A_503 = arith.constant 0 : i32
      %sign3A_504 = arith.cmpi sgt, %scan3A_491, %sign3A_503 : i32
      %sign3A_505 = arith.extui %sign3A_504 : i1 to i32
      %sign3A_506 = arith.constant 0 : i32
      %sign3A_507 = arith.cmpi slt, %scan3A_491, %sign3A_506 : i32
      %sign3A_508 = arith.extui %sign3A_507 : i1 to i32
      %sign3A_509 = arith.subi %sign3A_505, %sign3A_508 : i32
      %sign3A_510 = arith.constant 0 : i32
      %sign3A_511 = arith.cmpi sgt, %jit3A_501, %sign3A_510 : i32
      %sign3A_512 = arith.extui %sign3A_511 : i1 to i32
      %sign3A_513 = arith.constant 0 : i32
      %sign3A_514 = arith.cmpi slt, %jit3A_501, %sign3A_513 : i32
      %sign3A_515 = arith.extui %sign3A_514 : i1 to i32
      %sign3A_516 = arith.subi %sign3A_512, %sign3A_515 : i32
      %ne3A_517 = arith.cmpi ne, %sign3A_509, %sign3A_516 : i32
      %rem3A_518 = arith.remsi %scan3A_491, %jit3A_501 : i32
      %ne3A_519 = arith.constant 0 : i32
      %ne3A_520 = arith.cmpi ne, %rem3A_518, %ne3A_519 : i32
      %and3A_521 = arith.andi %ne3A_517, %ne3A_520 : i1
      %sub3A_522 = arith.constant 1 : i32
      %sub3A_523 = arith.subi %div3A_502, %sub3A_522 : i32
      %select_n3A_524 = arith.select %and3A_521, %sub3A_523, %div3A_502 : i32
      %jit3A_525 = arith.constant 8 : i32
      %eq3A_526 = arith.constant 0 : i32
      %eq3A_527 = arith.cmpi eq, %jit3A_525, %eq3A_526 : i32
      %jit3A_528 = arith.constant 1 : i32
      %select_n3A_529 = arith.select %eq3A_527, %jit3A_528, %jit3A_525 : i32
      %rem3A_530 = arith.remsi %scan3A_491, %select_n3A_529 : i32
      %ne3A_531 = arith.constant 0 : i32
      %ne3A_532 = arith.cmpi ne, %rem3A_530, %ne3A_531 : i32
      %lt3A_533 = arith.constant 0 : i32
      %lt3A_534 = arith.cmpi slt, %rem3A_530, %lt3A_533 : i32
      %lt3A_535 = arith.constant 0 : i32
      %lt3A_536 = arith.cmpi slt, %select_n3A_529, %lt3A_535 : i32
      %ne3A_537 = arith.xori %lt3A_534, %lt3A_536 : i1
      %and3A_538 = arith.andi %ne3A_537, %ne3A_532 : i1
      %add3A_539 = arith.addi %rem3A_530, %select_n3A_529 : i32
      %select_n3A_540 = arith.select %and3A_538, %add3A_539, %rem3A_530 : i32
      %mul3A_541 = arith.constant 16 : i32
      %mul3A_542 = arith.muli %select_n3A_540, %mul3A_541 : i32
      %swap3A_543 = arith.index_cast %select_n3A_524 : i32 to index
      %swap3A_544 = arith.index_cast %mul3A_542 : i32 to index
      %swap3A_545 = tpu.vector_load %arg14[%swap3A_543, %swap3A_544] {strides = array<i32>} : memref<125x128xf32, #tpu.memory_space<vmem>>, vector<1x16xf32>,
      %swap3A_546 = vector.shape_cast %swap3A_545 : vector<1x16xf32> to vector<16xf32>
      %swap3A_547 = vector.shape_cast %add3A_500 : vector<16xf32> to vector<1x16xf32>
      tpu.vector_store %arg14[%swap3A_543, %swap3A_544], %swap3A_547 {strides = array<i32>} : memref<125x128xf32, #tpu.memory_space<vmem>>, vector<1x16xf32>,
      %scan3A_548 = arith.constant 7 : i32
      %scan3A_549 = arith.addi %scan3A_147, %scan3A_548 : i32
      %get3A_550 = arith.index_cast %scan3A_549 : i32 to index
      %get3A_551 = arith.constant 0 : index
      %get3A_552 = tpu.vector_load %arg10[%get3A_550, %get3A_551] {strides = array<i32>} : memref<1000x16xf32, #tpu.memory_space<vmem>>, vector<1x16xf32>,
      %get3A_553 = vector.shape_cast %get3A_552 : vector<1x16xf32> to vector<16xf32>
      %get3A_554 = arith.index_cast %scan3A_549 : i32 to index
      %get3A_555 = arith.constant 0 : index
      %get3A_556 = tpu.vector_load %arg12[%get3A_554, %get3A_555] {strides = array<i32>} : memref<1000x16xf32, #tpu.memory_space<vmem>>, vector<1x16xf32>,
      %get3A_557 = vector.shape_cast %get3A_556 : vector<1x16xf32> to vector<16xf32>
      %add3A_558 = arith.addf %get3A_553, %get3A_557 : vector<16xf32>
      %jit3A_559 = arith.constant 8 : i32
      %div3A_560 = arith.divsi %scan3A_549, %jit3A_559 : i32
      %sign3A_561 = arith.constant 0 : i32
      %sign3A_562 = arith.cmpi sgt, %scan3A_549, %sign3A_561 : i32
      %sign3A_563 = arith.extui %sign3A_562 : i1 to i32
      %sign3A_564 = arith.constant 0 : i32
      %sign3A_565 = arith.cmpi slt, %scan3A_549, %sign3A_564 : i32
      %sign3A_566 = arith.extui %sign3A_565 : i1 to i32
      %sign3A_567 = arith.subi %sign3A_563, %sign3A_566 : i32
      %sign3A_568 = arith.constant 0 : i32
      %sign3A_569 = arith.cmpi sgt, %jit3A_559, %sign3A_568 : i32
      %sign3A_570 = arith.extui %sign3A_569 : i1 to i32
      %sign3A_571 = arith.constant 0 : i32
      %sign3A_572 = arith.cmpi slt, %jit3A_559, %sign3A_571 : i32
      %sign3A_573 = arith.extui %sign3A_572 : i1 to i32
      %sign3A_574 = arith.subi %sign3A_570, %sign3A_573 : i32
      %ne3A_575 = arith.cmpi ne, %sign3A_567, %sign3A_574 : i32
      %rem3A_576 = arith.remsi %scan3A_549, %jit3A_559 : i32
      %ne3A_577 = arith.constant 0 : i32
      %ne3A_578 = arith.cmpi ne, %rem3A_576, %ne3A_577 : i32
      %and3A_579 = arith.andi %ne3A_575, %ne3A_578 : i1
      %sub3A_580 = arith.constant 1 : i32
      %sub3A_581 = arith.subi %div3A_560, %sub3A_580 : i32
      %select_n3A_582 = arith.select %and3A_579, %sub3A_581, %div3A_560 : i32
      %jit3A_583 = arith.constant 8 : i32
      %eq3A_584 = arith.constant 0 : i32
      %eq3A_585 = arith.cmpi eq, %jit3A_583, %eq3A_584 : i32
      %jit3A_586 = arith.constant 1 : i32
      %select_n3A_587 = arith.select %eq3A_585, %jit3A_586, %jit3A_583 : i32
      %rem3A_588 = arith.remsi %scan3A_549, %select_n3A_587 : i32
      %ne3A_589 = arith.constant 0 : i32
      %ne3A_590 = arith.cmpi ne, %rem3A_588, %ne3A_589 : i32
      %lt3A_591 = arith.constant 0 : i32
      %lt3A_592 = arith.cmpi slt, %rem3A_588, %lt3A_591 : i32
      %lt3A_593 = arith.constant 0 : i32
      %lt3A_594 = arith.cmpi slt, %select_n3A_587, %lt3A_593 : i32
      %ne3A_595 = arith.xori %lt3A_592, %lt3A_594 : i1
      %and3A_596 = arith.andi %ne3A_595, %ne3A_590 : i1
      %add3A_597 = arith.addi %rem3A_588, %select_n3A_587 : i32
      %select_n3A_598 = arith.select %and3A_596, %add3A_597, %rem3A_588 : i32
      %mul3A_599 = arith.constant 16 : i32
      %mul3A_600 = arith.muli %select_n3A_598, %mul3A_599 : i32
      %swap3A_601 = arith.index_cast %select_n3A_582 : i32 to index
      %swap3A_602 = arith.index_cast %mul3A_600 : i32 to index
      %swap3A_603 = tpu.vector_load %arg14[%swap3A_601, %swap3A_602] {strides = array<i32>} : memref<125x128xf32, #tpu.memory_space<vmem>>, vector<1x16xf32>,
      %swap3A_604 = vector.shape_cast %swap3A_603 : vector<1x16xf32> to vector<16xf32>
      %swap3A_605 = vector.shape_cast %add3A_558 : vector<16xf32> to vector<1x16xf32>
      tpu.vector_store %arg14[%swap3A_601, %swap3A_602], %swap3A_605 {strides = array<i32>} : memref<125x128xf32, #tpu.memory_space<vmem>>, vector<1x16xf32>,
    }
    %scan3A_60 = arith.constant 1000 : i32
    %add3A_61 = arith.constant 24000 : i32
    %add3A_62 = arith.addi %mul3A_2, %add3A_61 : i32
    %jit3A_63 = arith.constant 8 : i32
    %div3A_64 = arith.divsi %add3A_62, %jit3A_63 : i32
    %sign3A_65 = arith.constant 0 : i32
    %sign3A_66 = arith.cmpi sgt, %add3A_62, %sign3A_65 : i32
    %sign3A_67 = arith.extui %sign3A_66 : i1 to i32
    %sign3A_68 = arith.constant 0 : i32
    %sign3A_69 = arith.cmpi slt, %add3A_62, %sign3A_68 : i32
    %sign3A_70 = arith.extui %sign3A_69 : i1 to i32
    %sign3A_71 = arith.subi %sign3A_67, %sign3A_70 : i32
    %sign3A_72 = arith.constant 0 : i32
    %sign3A_73 = arith.cmpi sgt, %jit3A_63, %sign3A_72 : i32
    %sign3A_74 = arith.extui %sign3A_73 : i1 to i32
    %sign3A_75 = arith.constant 0 : i32
    %sign3A_76 = arith.cmpi slt, %jit3A_63, %sign3A_75 : i32
    %sign3A_77 = arith.extui %sign3A_76 : i1 to i32
    %sign3A_78 = arith.subi %sign3A_74, %sign3A_77 : i32
    %ne3A_79 = arith.cmpi ne, %sign3A_71, %sign3A_78 : i32
    %rem3A_80 = arith.remsi %add3A_62, %jit3A_63 : i32
    %ne3A_81 = arith.constant 0 : i32
    %ne3A_82 = arith.cmpi ne, %rem3A_80, %ne3A_81 : i32
    %and3A_83 = arith.andi %ne3A_79, %ne3A_82 : i1
    %sub3A_84 = arith.constant 1 : i32
    %sub3A_85 = arith.subi %div3A_64, %sub3A_84 : i32
    %select_n3A_86 = arith.select %and3A_83, %sub3A_85, %div3A_64 : i32
    %dma_start3A_87 = arith.constant 0 : i32
    %dma_start3A_88 = tpu.memref_slice %arg5[%select_n3A_86, %dma_start3A_87] : memref<100000x128xf32, #tpu.memory_space<hbm>> -> memref<125x128xf32, #tpu.memory_space<hbm>>
    %dma_start3A_89 = arith.constant 0 : i32
    %dma_start3A_90 = tpu.memref_slice %arg5[%select_n3A_86, %dma_start3A_89] : memref<100000x128xf32, #tpu.memory_space<hbm>> -> memref<125x128xf32, #tpu.memory_space<hbm>>
    tpu.enqueue_dma source(%arg14 : memref<125x128xf32, #tpu.memory_space<vmem>>) target(%dma_start3A_90 : memref<125x128xf32, #tpu.memory_space<hbm>>) target_semaphore(%arg20 : memref<!tpu.dma_semaphore, #tpu.memory_space<semaphore_mem>>)
    %jit3A_91 = arith.constant 8 : i32
    %div3A_92 = arith.divsi %mul3A_2, %jit3A_91 : i32
    %sign3A_93 = arith.constant 0 : i32
    %sign3A_94 = arith.cmpi sgt, %mul3A_2, %sign3A_93 : i32
    %sign3A_95 = arith.extui %sign3A_94 : i1 to i32
    %sign3A_96 = arith.constant 0 : i32
    %sign3A_97 = arith.cmpi slt, %mul3A_2, %sign3A_96 : i32
    %sign3A_98 = arith.extui %sign3A_97 : i1 to i32
    %sign3A_99 = arith.subi %sign3A_95, %sign3A_98 : i32
    %sign3A_100 = arith.constant 0 : i32
    %sign3A_101 = arith.cmpi sgt, %jit3A_91, %sign3A_100 : i32
    %sign3A_102 = arith.extui %sign3A_101 : i1 to i32
    %sign3A_103 = arith.constant 0 : i32
    %sign3A_104 = arith.cmpi slt, %jit3A_91, %sign3A_103 : i32
    %sign3A_105 = arith.extui %sign3A_104 : i1 to i32
    %sign3A_106 = arith.subi %sign3A_102, %sign3A_105 : i32
    %ne3A_107 = arith.cmpi ne, %sign3A_99, %sign3A_106 : i32
    %rem3A_108 = arith.remsi %mul3A_2, %jit3A_91 : i32
    %ne3A_109 = arith.constant 0 : i32
    %ne3A_110 = arith.cmpi ne, %rem3A_108, %ne3A_109 : i32
    %and3A_111 = arith.andi %ne3A_107, %ne3A_110 : i1
    %sub3A_112 = arith.constant 1 : i32
    %sub3A_113 = arith.subi %div3A_92, %sub3A_112 : i32
    %select_n3A_114 = arith.select %and3A_111, %sub3A_113, %div3A_92 : i32
    %dma_wait3A_115 = arith.constant 0 : i32
    %dma_wait3A_116 = tpu.memref_slice %arg5[%select_n3A_114, %dma_wait3A_115] : memref<100000x128xf32, #tpu.memory_space<hbm>> -> memref<125x128xf32, #tpu.memory_space<hbm>>
    %dma_wait3A_117 = arith.constant 0 : i32
    %dma_wait3A_118 = tpu.memref_slice %arg5[%select_n3A_114, %dma_wait3A_117] : memref<100000x128xf32, #tpu.memory_space<hbm>> -> memref<125x128xf32, #tpu.memory_space<hbm>>
    tpu.wait_dma2 semaphore(%arg20 : memref<!tpu.dma_semaphore, #tpu.memory_space<semaphore_mem>>) src(%arg14 : memref<125x128xf32, #tpu.memory_space<vmem>>) dst(%dma_wait3A_118 : memref<125x128xf32, #tpu.memory_space<hbm>>)
    %jit3A_119 = arith.constant 8 : i32
    %div3A_120 = arith.divsi %mul3A_2, %jit3A_119 : i32
    %sign3A_121 = arith.constant 0 : i32
    %sign3A_122 = arith.cmpi sgt, %mul3A_2, %sign3A_121 : i32
    %sign3A_123 = arith.extui %sign3A_122 : i1 to i32
    %sign3A_124 = arith.constant 0 : i32
    %sign3A_125 = arith.cmpi slt, %mul3A_2, %sign3A_124 : i32
    %sign3A_126 = arith.extui %sign3A_125 : i1 to i32
    %sign3A_127 = arith.subi %sign3A_123, %sign3A_126 : i32
    %sign3A_128 = arith.constant 0 : i32
    %sign3A_129 = arith.cmpi sgt, %jit3A_119, %sign3A_128 : i32
    %sign3A_130 = arith.extui %sign3A_129 : i1 to i32
    %sign3A_131 = arith.constant 0 : i32
    %sign3A_132 = arith.cmpi slt, %jit3A_119, %sign3A_131 : i32
    %sign3A_133 = arith.extui %sign3A_132 : i1 to i32
    %sign3A_134 = arith.subi %sign3A_130, %sign3A_133 : i32
    %ne3A_135 = arith.cmpi ne, %sign3A_127, %sign3A_134 : i32
    %rem3A_136 = arith.remsi %mul3A_2, %jit3A_119 : i32
    %ne3A_137 = arith.constant 0 : i32
    %ne3A_138 = arith.cmpi ne, %rem3A_136, %ne3A_137 : i32
    %and3A_139 = arith.andi %ne3A_135, %ne3A_138 : i1
    %sub3A_140 = arith.constant 1 : i32
    %sub3A_141 = arith.subi %div3A_120, %sub3A_140 : i32
    %select_n3A_142 = arith.select %and3A_139, %sub3A_141, %div3A_120 : i32
    %dma_wait3A_143 = arith.constant 0 : i32
    %dma_wait3A_144 = tpu.memref_slice %arg5[%select_n3A_142, %dma_wait3A_143] : memref<100000x128xf32, #tpu.memory_space<hbm>> -> memref<125x128xf32, #tpu.memory_space<hbm>>
    %dma_wait3A_145 = arith.constant 0 : i32
    %dma_wait3A_146 = tpu.memref_slice %arg5[%select_n3A_142, %dma_wait3A_145] : memref<100000x128xf32, #tpu.memory_space<hbm>> -> memref<125x128xf32, #tpu.memory_space<hbm>>
    tpu.wait_dma2 semaphore(%arg21 : memref<!tpu.dma_semaphore, #tpu.memory_space<semaphore_mem>>) src(%arg15 : memref<125x128xf32, #tpu.memory_space<vmem>>) dst(%dma_wait3A_146 : memref<125x128xf32, #tpu.memory_space<hbm>>)
    return
  }
}

#map = affine_map<(d0, d1) -> (0, 0)>
module attributes {stable_mosaic.version = 14 : i64} {
  func.func @gk(%arg0: i32, %arg1: i32, %arg2: memref<100000x16xf32, #tpu.memory_space<hbm>>, %arg3: memref<50000x16xf32, #tpu.memory_space<hbm>>, %arg4: memref<2x1600000xi32, #tpu.memory_space<hbm>>, %arg5: memref<100000x128xf32, #tpu.memory_space<hbm>>, %arg6: memref<1000xi32, #tpu.memory_space<vmem>>, %arg7: memref<1000xi32, #tpu.memory_space<vmem>>, %arg8: memref<1000xi32, #tpu.memory_space<vmem>>, %arg9: memref<1000xi32, #tpu.memory_space<vmem>>, %arg10: memref<1000x16xf32, #tpu.memory_space<vmem>>, %arg11: memref<1000x16xf32, #tpu.memory_space<vmem>>, %arg12: memref<1000x16xf32, #tpu.memory_space<vmem>>, %arg13: memref<1000x16xf32, #tpu.memory_space<vmem>>, %arg14: memref<125x128xf32, #tpu.memory_space<vmem>>, %arg15: memref<125x128xf32, #tpu.memory_space<vmem>>, %arg16: memref<!tpu.dma_semaphore, #tpu.memory_space<semaphore_mem>>, %arg17: memref<!tpu.dma_semaphore, #tpu.memory_space<semaphore_mem>>, %arg18: memref<!tpu.dma_semaphore, #tpu.memory_space<semaphore_mem>>, %arg19: memref<!tpu.dma_semaphore, #tpu.memory_space<semaphore_mem>>, %arg20: memref<!tpu.dma_semaphore, #tpu.memory_space<semaphore_mem>>, %arg21: memref<!tpu.dma_semaphore, #tpu.memory_space<semaphore_mem>>) attributes {dimension_semantics = [#tpu.dimension_semantics<core_parallel>, #tpu.dimension_semantics<subcore_parallel>], iteration_bounds = array<i64: 2, 16>, scalar_prefetch = 0 : i64, scratch_operands = 16 : i64, tpu.core_type = #tpu.core_type<sc_vector_subcore>, window_params = [{transform_indices = #map}, {transform_indices = #map}, {transform_indices = #map}, {transform_indices = #map}]} {
    %mul3A = arith.constant 2 : i32
    %mul3A_0 = arith.muli %arg1, %mul3A : i32
    %add3A = arith.addi %mul3A_0, %arg0 : i32
    %mul3A_1 = arith.constant 25000 : i32
    %mul3A_2 = arith.muli %add3A, %mul3A_1 : i32
    %add3A_3 = arith.constant 800000 : i32
    %add3A_4 = arith.addi %add3A_3, %mul3A_2 : i32
    %run_scoped3A = arith.constant 0 : i32
    "tpu.region"() ({
      %run_scoped3A_147 = tpu.sem_alloc : memref<!tpu.dma_semaphore, #tpu.memory_space<semaphore_mem>>
      %dma_start3A_148 = tpu.memref_slice %arg4[%run_scoped3A, %add3A_4] : memref<2x1600000xi32, #tpu.memory_space<hbm>> -> memref<1x1000xi32, #tpu.memory_space<hbm>>
      %dma_start3A_149 = tpu.memref_squeeze %dma_start3A_148 : memref<1x1000xi32, #tpu.memory_space<hbm>> -> memref<1000xi32, #tpu.memory_space<hbm>>
      %dma_start3A_150 = tpu.memref_slice %arg4[%run_scoped3A, %add3A_4] : memref<2x1600000xi32, #tpu.memory_space<hbm>> -> memref<1x1000xi32, #tpu.memory_space<hbm>>
      %dma_start3A_151 = tpu.memref_squeeze %dma_start3A_150 : memref<1x1000xi32, #tpu.memory_space<hbm>> -> memref<1000xi32, #tpu.memory_space<hbm>>
      tpu.enqueue_dma source(%dma_start3A_151 : memref<1000xi32, #tpu.memory_space<hbm>>) target(%arg6 : memref<1000xi32, #tpu.memory_space<vmem>>) target_semaphore(%run_scoped3A_147 : memref<!tpu.dma_semaphore, #tpu.memory_space<semaphore_mem>>)
      %dma_wait3A_152 = tpu.memref_slice %arg4[%run_scoped3A, %add3A_4] : memref<2x1600000xi32, #tpu.memory_space<hbm>> -> memref<1x1000xi32, #tpu.memory_space<hbm>>
      %dma_wait3A_153 = tpu.memref_squeeze %dma_wait3A_152 : memref<1x1000xi32, #tpu.memory_space<hbm>> -> memref<1000xi32, #tpu.memory_space<hbm>>
      %dma_wait3A_154 = tpu.memref_slice %arg4[%run_scoped3A, %add3A_4] : memref<2x1600000xi32, #tpu.memory_space<hbm>> -> memref<1x1000xi32, #tpu.memory_space<hbm>>
      %dma_wait3A_155 = tpu.memref_squeeze %dma_wait3A_154 : memref<1x1000xi32, #tpu.memory_space<hbm>> -> memref<1000xi32, #tpu.memory_space<hbm>>
      tpu.wait_dma2 semaphore(%run_scoped3A_147 : memref<!tpu.dma_semaphore, #tpu.memory_space<semaphore_mem>>) src(%dma_wait3A_155 : memref<1000xi32, #tpu.memory_space<hbm>>) dst(%arg6 : memref<1000xi32, #tpu.memory_space<vmem>>)
      tpu.yield
    }) : () -> ()
    %run_scoped3A_5 = arith.constant 1 : i32
    "tpu.region"() ({
      %run_scoped3A_147 = tpu.sem_alloc : memref<!tpu.dma_semaphore, #tpu.memory_space<semaphore_mem>>
      %dma_start3A_148 = tpu.memref_slice %arg4[%run_scoped3A_5, %add3A_4] : memref<2x1600000xi32, #tpu.memory_space<hbm>> -> memref<1x1000xi32, #tpu.memory_space<hbm>>
      %dma_start3A_149 = tpu.memref_squeeze %dma_start3A_148 : memref<1x1000xi32, #tpu.memory_space<hbm>> -> memref<1000xi32, #tpu.memory_space<hbm>>
      %dma_start3A_150 = tpu.memref_slice %arg4[%run_scoped3A_5, %add3A_4] : memref<2x1600000xi32, #tpu.memory_space<hbm>> -> memref<1x1000xi32, #tpu.memory_space<hbm>>
      %dma_start3A_151 = tpu.memref_squeeze %dma_start3A_150 : memref<1x1000xi32, #tpu.memory_space<hbm>> -> memref<1000xi32, #tpu.memory_space<hbm>>
      tpu.enqueue_dma source(%dma_start3A_151 : memref<1000xi32, #tpu.memory_space<hbm>>) target(%arg8 : memref<1000xi32, #tpu.memory_space<vmem>>) target_semaphore(%run_scoped3A_147 : memref<!tpu.dma_semaphore, #tpu.memory_space<semaphore_mem>>)
      %dma_wait3A_152 = tpu.memref_slice %arg4[%run_scoped3A_5, %add3A_4] : memref<2x1600000xi32, #tpu.memory_space<hbm>> -> memref<1x1000xi32, #tpu.memory_space<hbm>>
      %dma_wait3A_153 = tpu.memref_squeeze %dma_wait3A_152 : memref<1x1000xi32, #tpu.memory_space<hbm>> -> memref<1000xi32, #tpu.memory_space<hbm>>
      %dma_wait3A_154 = tpu.memref_slice %arg4[%run_scoped3A_5, %add3A_4] : memref<2x1600000xi32, #tpu.memory_space<hbm>> -> memref<1x1000xi32, #tpu.memory_space<hbm>>
      %dma_wait3A_155 = tpu.memref_squeeze %dma_wait3A_154 : memref<1x1000xi32, #tpu.memory_space<hbm>> -> memref<1000xi32, #tpu.memory_space<hbm>>
      tpu.wait_dma2 semaphore(%run_scoped3A_147 : memref<!tpu.dma_semaphore, #tpu.memory_space<semaphore_mem>>) src(%dma_wait3A_155 : memref<1000xi32, #tpu.memory_space<hbm>>) dst(%arg8 : memref<1000xi32, #tpu.memory_space<vmem>>)
      tpu.yield
    }) : () -> ()
    %dma_start3A = arith.constant 0 : i32
    %dma_start3A_6 = arith.constant 0 : i32
    %dma_start3A_7 = tpu.memref_slice %arg2[%dma_start3A, %dma_start3A_6] : memref<100000x16xf32, #tpu.memory_space<hbm>> -> memref<100000x16xf32, #tpu.memory_space<hbm>>
    tpu.enqueue_indirect_dma source(%dma_start3A_7 : memref<100000x16xf32, #tpu.memory_space<hbm>>) target(%arg10 : memref<1000x16xf32, #tpu.memory_space<vmem>>) offsets(%arg6 : memref<1000xi32, #tpu.memory_space<vmem>>) semaphore(%arg16 : memref<!tpu.dma_semaphore, #tpu.memory_space<semaphore_mem>>)
    %dma_start3A_8 = arith.constant 0 : i32
    %dma_start3A_9 = arith.constant 0 : i32
    %dma_start3A_10 = tpu.memref_slice %arg3[%dma_start3A_8, %dma_start3A_9] : memref<50000x16xf32, #tpu.memory_space<hbm>> -> memref<50000x16xf32, #tpu.memory_space<hbm>>
    tpu.enqueue_indirect_dma source(%dma_start3A_10 : memref<50000x16xf32, #tpu.memory_space<hbm>>) target(%arg12 : memref<1000x16xf32, #tpu.memory_space<vmem>>) offsets(%arg8 : memref<1000xi32, #tpu.memory_space<vmem>>) semaphore(%arg16 : memref<!tpu.dma_semaphore, #tpu.memory_space<semaphore_mem>>)
    %add3A_11 = arith.constant 1000 : i32
    %add3A_12 = arith.addi %add3A_4, %add3A_11 : i32
    %dma_start3A_13 = arith.constant 0 : i32
    %dma_start3A_14 = tpu.memref_slice %arg4[%dma_start3A_13, %add3A_12] : memref<2x1600000xi32, #tpu.memory_space<hbm>> -> memref<1x1000xi32, #tpu.memory_space<hbm>>
    %dma_start3A_15 = tpu.memref_squeeze %dma_start3A_14 : memref<1x1000xi32, #tpu.memory_space<hbm>> -> memref<1000xi32, #tpu.memory_space<hbm>>
    %dma_start3A_16 = tpu.memref_slice %arg4[%dma_start3A_13, %add3A_12] : memref<2x1600000xi32, #tpu.memory_space<hbm>> -> memref<1x1000xi32, #tpu.memory_space<hbm>>
    %dma_start3A_17 = tpu.memref_squeeze %dma_start3A_16 : memref<1x1000xi32, #tpu.memory_space<hbm>> -> memref<1000xi32, #tpu.memory_space<hbm>>
    tpu.enqueue_dma source(%dma_start3A_17 : memref<1000xi32, #tpu.memory_space<hbm>>) target(%arg7 : memref<1000xi32, #tpu.memory_space<vmem>>) target_semaphore(%arg19 : memref<!tpu.dma_semaphore, #tpu.memory_space<semaphore_mem>>)
    %add3A_18 = arith.constant 1000 : i32
    %add3A_19 = arith.addi %add3A_4, %add3A_18 : i32
    %dma_start3A_20 = arith.constant 1 : i32
    %dma_start3A_21 = tpu.memref_slice %arg4[%dma_start3A_20, %add3A_19] : memref<2x1600000xi32, #tpu.memory_space<hbm>> -> memref<1x1000xi32, #tpu.memory_space<hbm>>
    %dma_start3A_22 = tpu.memref_squeeze %dma_start3A_21 : memref<1x1000xi32, #tpu.memory_space<hbm>> -> memref<1000xi32, #tpu.memory_space<hbm>>
    %dma_start3A_23 = tpu.memref_slice %arg4[%dma_start3A_20, %add3A_19] : memref<2x1600000xi32, #tpu.memory_space<hbm>> -> memref<1x1000xi32, #tpu.memory_space<hbm>>
    %dma_start3A_24 = tpu.memref_squeeze %dma_start3A_23 : memref<1x1000xi32, #tpu.memory_space<hbm>> -> memref<1000xi32, #tpu.memory_space<hbm>>
    tpu.enqueue_dma source(%dma_start3A_24 : memref<1000xi32, #tpu.memory_space<hbm>>) target(%arg9 : memref<1000xi32, #tpu.memory_space<vmem>>) target_semaphore(%arg19 : memref<!tpu.dma_semaphore, #tpu.memory_space<semaphore_mem>>)
    %scan3A = arith.constant 0 : i32
    %scan3A_25 = arith.constant 0 : i32
    %scan3A_26 = arith.constant 12 : i32
    %scan3A_27 = arith.addi %scan3A_25, %scan3A_26 : i32
    %scan3A_28 = arith.constant 1 : i32
    scf.for %scan3A_147 = %scan3A_25 to %scan3A_27 step %scan3A_28  : i32 {
      %mul3A_148 = arith.constant 2 : i32
      %mul3A_149 = arith.muli %mul3A_148, %scan3A_147 : i32
      %dma_wait3A_150 = arith.constant 0 : i32
      %dma_wait3A_151 = arith.constant 0 : i32
      %dma_wait3A_152 = tpu.memref_slice %arg2[%dma_wait3A_150, %dma_wait3A_151] : memref<100000x16xf32, #tpu.memory_space<hbm>> -> memref<100000x16xf32, #tpu.memory_space<hbm>>
      tpu.wait_indirect_dma semaphore(%arg16 : memref<!tpu.dma_semaphore, #tpu.memory_space<semaphore_mem>>) src(%dma_wait3A_152 : memref<100000x16xf32, #tpu.memory_space<hbm>>) dst(%arg10 : memref<1000x16xf32, #tpu.memory_space<vmem>>)
      %dma_wait3A_153 = arith.constant 0 : i32
      %dma_wait3A_154 = arith.constant 0 : i32
      %dma_wait3A_155 = tpu.memref_slice %arg3[%dma_wait3A_153, %dma_wait3A_154] : memref<50000x16xf32, #tpu.memory_space<hbm>> -> memref<50000x16xf32, #tpu.memory_space<hbm>>
      tpu.wait_indirect_dma semaphore(%arg16 : memref<!tpu.dma_semaphore, #tpu.memory_space<semaphore_mem>>) src(%dma_wait3A_155 : memref<50000x16xf32, #tpu.memory_space<hbm>>) dst(%arg12 : memref<1000x16xf32, #tpu.memory_space<vmem>>)
      %add3A_156 = arith.constant 1 : i32
      %add3A_157 = arith.addi %mul3A_149, %add3A_156 : i32
      %lt3A = arith.constant 25 : i32
      %lt3A_158 = arith.cmpi slt, %add3A_157, %lt3A : i32
      %convert_element_type3A = arith.extui %lt3A_158 : i1 to i32
      %cond3A = arith.constant 0 : i32
      %cond3A_159 = arith.cmpi ne, %convert_element_type3A, %cond3A : i32
      scf.if %cond3A_159 {
        %dma_wait3A_274 = arith.constant 0 : i32
        %dma_wait3A_275 = tpu.memref_slice %arg4[%dma_wait3A_274, %add3A_4] : memref<2x1600000xi32, #tpu.memory_space<hbm>> -> memref<1x1000xi32, #tpu.memory_space<hbm>>
        %dma_wait3A_276 = tpu.memref_squeeze %dma_wait3A_275 : memref<1x1000xi32, #tpu.memory_space<hbm>> -> memref<1000xi32, #tpu.memory_space<hbm>>
        %dma_wait3A_277 = tpu.memref_slice %arg4[%dma_wait3A_274, %add3A_4] : memref<2x1600000xi32, #tpu.memory_space<hbm>> -> memref<1x1000xi32, #tpu.memory_space<hbm>>
        %dma_wait3A_278 = tpu.memref_squeeze %dma_wait3A_277 : memref<1x1000xi32, #tpu.memory_space<hbm>> -> memref<1000xi32, #tpu.memory_space<hbm>>
        tpu.wait_dma2 semaphore(%arg19 : memref<!tpu.dma_semaphore, #tpu.memory_space<semaphore_mem>>) src(%dma_wait3A_278 : memref<1000xi32, #tpu.memory_space<hbm>>) dst(%arg7 : memref<1000xi32, #tpu.memory_space<vmem>>)
        %dma_wait3A_279 = arith.constant 1 : i32
        %dma_wait3A_280 = tpu.memref_slice %arg4[%dma_wait3A_279, %add3A_4] : memref<2x1600000xi32, #tpu.memory_space<hbm>> -> memref<1x1000xi32, #tpu.memory_space<hbm>>
        %dma_wait3A_281 = tpu.memref_squeeze %dma_wait3A_280 : memref<1x1000xi32, #tpu.memory_space<hbm>> -> memref<1000xi32, #tpu.memory_space<hbm>>
        %dma_wait3A_282 = tpu.memref_slice %arg4[%dma_wait3A_279, %add3A_4] : memref<2x1600000xi32, #tpu.memory_space<hbm>> -> memref<1x1000xi32, #tpu.memory_space<hbm>>
        %dma_wait3A_283 = tpu.memref_squeeze %dma_wait3A_282 : memref<1x1000xi32, #tpu.memory_space<hbm>> -> memref<1000xi32, #tpu.memory_space<hbm>>
        tpu.wait_dma2 semaphore(%arg19 : memref<!tpu.dma_semaphore, #tpu.memory_space<semaphore_mem>>) src(%dma_wait3A_283 : memref<1000xi32, #tpu.memory_space<hbm>>) dst(%arg9 : memref<1000xi32, #tpu.memory_space<vmem>>)
        %dma_start3A_284 = arith.constant 0 : i32
        %dma_start3A_285 = arith.constant 0 : i32
        %dma_start3A_286 = tpu.memref_slice %arg2[%dma_start3A_284, %dma_start3A_285] : memref<100000x16xf32, #tpu.memory_space<hbm>> -> memref<100000x16xf32, #tpu.memory_space<hbm>>
        tpu.enqueue_indirect_dma source(%dma_start3A_286 : memref<100000x16xf32, #tpu.memory_space<hbm>>) target(%arg11 : memref<1000x16xf32, #tpu.memory_space<vmem>>) offsets(%arg7 : memref<1000xi32, #tpu.memory_space<vmem>>) semaphore(%arg17 : memref<!tpu.dma_semaphore, #tpu.memory_space<semaphore_mem>>)
        %dma_start3A_287 = arith.constant 0 : i32
        %dma_start3A_288 = arith.constant 0 : i32
        %dma_start3A_289 = tpu.memref_slice %arg3[%dma_start3A_287, %dma_start3A_288] : memref<50000x16xf32, #tpu.memory_space<hbm>> -> memref<50000x16xf32, #tpu.memory_space<hbm>>
        tpu.enqueue_indirect_dma source(%dma_start3A_289 : memref<50000x16xf32, #tpu.memory_space<hbm>>) target(%arg13 : memref<1000x16xf32, #tpu.memory_space<vmem>>) offsets(%arg9 : memref<1000xi32, #tpu.memory_space<vmem>>) semaphore(%arg17 : memref<!tpu.dma_semaphore, #tpu.memory_space<semaphore_mem>>)
      } else {
      }
      %add3A_160 = arith.constant 2 : i32
      %add3A_161 = arith.addi %mul3A_149, %add3A_160 : i32
      %lt3A_162 = arith.constant 25 : i32
      %lt3A_163 = arith.cmpi slt, %add3A_161, %lt3A_162 : i32
      %convert_element_type3A_164 = arith.extui %lt3A_163 : i1 to i32
      %cond3A_165 = arith.constant 0 : i32
      %cond3A_166 = arith.cmpi ne, %convert_element_type3A_164, %cond3A_165 : i32
      scf.if %cond3A_166 {
        %add3A_274 = arith.constant 2 : i32
        %add3A_275 = arith.addi %mul3A_149, %add3A_274 : i32
        %mul3A_276 = arith.constant 1000 : i32
        %mul3A_277 = arith.muli %add3A_275, %mul3A_276 : i32
        %add3A_278 = arith.addi %add3A_4, %mul3A_277 : i32
        %dma_start3A_279 = arith.constant 0 : i32
        %dma_start3A_280 = tpu.memref_slice %arg4[%dma_start3A_279, %add3A_278] : memref<2x1600000xi32, #tpu.memory_space<hbm>> -> memref<1x1000xi32, #tpu.memory_space<hbm>>
        %dma_start3A_281 = tpu.memref_squeeze %dma_start3A_280 : memref<1x1000xi32, #tpu.memory_space<hbm>> -> memref<1000xi32, #tpu.memory_space<hbm>>
        %dma_start3A_282 = tpu.memref_slice %arg4[%dma_start3A_279, %add3A_278] : memref<2x1600000xi32, #tpu.memory_space<hbm>> -> memref<1x1000xi32, #tpu.memory_space<hbm>>
        %dma_start3A_283 = tpu.memref_squeeze %dma_start3A_282 : memref<1x1000xi32, #tpu.memory_space<hbm>> -> memref<1000xi32, #tpu.memory_space<hbm>>
        tpu.enqueue_dma source(%dma_start3A_283 : memref<1000xi32, #tpu.memory_space<hbm>>) target(%arg6 : memref<1000xi32, #tpu.memory_space<vmem>>) target_semaphore(%arg18 : memref<!tpu.dma_semaphore, #tpu.memory_space<semaphore_mem>>)
        %mul3A_284 = arith.constant 1000 : i32
        %mul3A_285 = arith.muli %add3A_275, %mul3A_284 : i32
        %add3A_286 = arith.addi %add3A_4, %mul3A_285 : i32
        %dma_start3A_287 = arith.constant 1 : i32
        %dma_start3A_288 = tpu.memref_slice %arg4[%dma_start3A_287, %add3A_286] : memref<2x1600000xi32, #tpu.memory_space<hbm>> -> memref<1x1000xi32, #tpu.memory_space<hbm>>
        %dma_start3A_289 = tpu.memref_squeeze %dma_start3A_288 : memref<1x1000xi32, #tpu.memory_space<hbm>> -> memref<1000xi32, #tpu.memory_space<hbm>>
        %dma_start3A_290 = tpu.memref_slice %arg4[%dma_start3A_287, %add3A_286] : memref<2x1600000xi32, #tpu.memory_space<hbm>> -> memref<1x1000xi32, #tpu.memory_space<hbm>>
        %dma_start3A_291 = tpu.memref_squeeze %dma_start3A_290 : memref<1x1000xi32, #tpu.memory_space<hbm>> -> memref<1000xi32, #tpu.memory_space<hbm>>
        tpu.enqueue_dma source(%dma_start3A_291 : memref<1000xi32, #tpu.memory_space<hbm>>) target(%arg8 : memref<1000xi32, #tpu.memory_space<vmem>>) target_semaphore(%arg18 : memref<!tpu.dma_semaphore, #tpu.memory_space<semaphore_mem>>)
      } else {
      }
      %ge3A = arith.constant 2 : i32
      %ge3A_167 = arith.cmpi sge, %mul3A_149, %ge3A : i32
      %convert_element_type3A_168 = arith.extui %ge3A_167 : i1 to i32
      %cond3A_169 = arith.constant 0 : i32
      %cond3A_170 = arith.cmpi ne, %convert_element_type3A_168, %cond3A_169 : i32
      scf.if %cond3A_170 {
        %jit3A_274 = arith.constant 8 : i32
        %div3A_275 = arith.divsi %mul3A_2, %jit3A_274 : i32
        %sign3A_276 = arith.constant 0 : i32
        %sign3A_277 = arith.cmpi sgt, %mul3A_2, %sign3A_276 : i32
        %sign3A_278 = arith.extui %sign3A_277 : i1 to i32
        %sign3A_279 = arith.constant 0 : i32
        %sign3A_280 = arith.cmpi slt, %mul3A_2, %sign3A_279 : i32
        %sign3A_281 = arith.extui %sign3A_280 : i1 to i32
        %sign3A_282 = arith.subi %sign3A_278, %sign3A_281 : i32
        %sign3A_283 = arith.constant 0 : i32
        %sign3A_284 = arith.cmpi sgt, %jit3A_274, %sign3A_283 : i32
        %sign3A_285 = arith.extui %sign3A_284 : i1 to i32
        %sign3A_286 = arith.constant 0 : i32
        %sign3A_287 = arith.cmpi slt, %jit3A_274, %sign3A_286 : i32
        %sign3A_288 = arith.extui %sign3A_287 : i1 to i32
        %sign3A_289 = arith.subi %sign3A_285, %sign3A_288 : i32
        %ne3A_290 = arith.cmpi ne, %sign3A_282, %sign3A_289 : i32
        %rem3A_291 = arith.remsi %mul3A_2, %jit3A_274 : i32
        %ne3A_292 = arith.constant 0 : i32
        %ne3A_293 = arith.cmpi ne, %rem3A_291, %ne3A_292 : i32
        %and3A_294 = arith.andi %ne3A_290, %ne3A_293 : i1
        %sub3A_295 = arith.constant 1 : i32
        %sub3A_296 = arith.subi %div3A_275, %sub3A_295 : i32
        %select_n3A_297 = arith.select %and3A_294, %sub3A_296, %div3A_275 : i32
        %dma_wait3A_298 = arith.constant 0 : i32
        %dma_wait3A_299 = tpu.memref_slice %arg5[%select_n3A_297, %dma_wait3A_298] : memref<100000x128xf32, #tpu.memory_space<hbm>> -> memref<125x128xf32, #tpu.memory_space<hbm>>
        %dma_wait3A_300 = arith.constant 0 : i32
        %dma_wait3A_301 = tpu.memref_slice %arg5[%select_n3A_297, %dma_wait3A_300] : memref<100000x128xf32, #tpu.memory_space<hbm>> -> memref<125x128xf32, #tpu.memory_space<hbm>>
        tpu.wait_dma2 semaphore(%arg20 : memref<!tpu.dma_semaphore, #tpu.memory_space<semaphore_mem>>) src(%arg14 : memref<125x128xf32, #tpu.memory_space<vmem>>) dst(%dma_wait3A_301 : memref<125x128xf32, #tpu.memory_space<hbm>>)
      } else {
      }
      %scan3A_171 = arith.constant 0 : i32
      %scan3A_172 = arith.constant 0 : i32
      %scan3A_173 = arith.constant 1000 : i32
      %scan3A_174 = arith.addi %scan3A_172, %scan3A_173 : i32
      %scan3A_175 = arith.constant 8 : i32
      scf.for %scan3A_274 = %scan3A_172 to %scan3A_174 step %scan3A_175  : i32 {
        %get3A = arith.index_cast %scan3A_274 : i32 to index
        %get3A_275 = arith.constant 0 : index
        %get3A_276 = tpu.vector_load %arg10[%get3A, %get3A_275] {strides = array<i32>} : memref<1000x16xf32, #tpu.memory_space<vmem>>, vector<1x16xf32>,
        %get3A_277 = vector.shape_cast %get3A_276 : vector<1x16xf32> to vector<16xf32>
        %get3A_278 = arith.index_cast %scan3A_274 : i32 to index
        %get3A_279 = arith.constant 0 : index
        %get3A_280 = tpu.vector_load %arg12[%get3A_278, %get3A_279] {strides = array<i32>} : memref<1000x16xf32, #tpu.memory_space<vmem>>, vector<1x16xf32>,
        %get3A_281 = vector.shape_cast %get3A_280 : vector<1x16xf32> to vector<16xf32>
        %add3A_282 = arith.addf %get3A_277, %get3A_281 : vector<16xf32>
        %jit3A_283 = arith.constant 8 : i32
        %div3A_284 = arith.divsi %scan3A_274, %jit3A_283 : i32
        %sign3A_285 = arith.constant 0 : i32
        %sign3A_286 = arith.cmpi sgt, %scan3A_274, %sign3A_285 : i32
        %sign3A_287 = arith.extui %sign3A_286 : i1 to i32
        %sign3A_288 = arith.constant 0 : i32
        %sign3A_289 = arith.cmpi slt, %scan3A_274, %sign3A_288 : i32
        %sign3A_290 = arith.extui %sign3A_289 : i1 to i32
        %sign3A_291 = arith.subi %sign3A_287, %sign3A_290 : i32
        %sign3A_292 = arith.constant 0 : i32
        %sign3A_293 = arith.cmpi sgt, %jit3A_283, %sign3A_292 : i32
        %sign3A_294 = arith.extui %sign3A_293 : i1 to i32
        %sign3A_295 = arith.constant 0 : i32
        %sign3A_296 = arith.cmpi slt, %jit3A_283, %sign3A_295 : i32
        %sign3A_297 = arith.extui %sign3A_296 : i1 to i32
        %sign3A_298 = arith.subi %sign3A_294, %sign3A_297 : i32
        %ne3A_299 = arith.cmpi ne, %sign3A_291, %sign3A_298 : i32
        %rem3A_300 = arith.remsi %scan3A_274, %jit3A_283 : i32
        %ne3A_301 = arith.constant 0 : i32
        %ne3A_302 = arith.cmpi ne, %rem3A_300, %ne3A_301 : i32
        %and3A_303 = arith.andi %ne3A_299, %ne3A_302 : i1
        %sub3A_304 = arith.constant 1 : i32
        %sub3A_305 = arith.subi %div3A_284, %sub3A_304 : i32
        %select_n3A_306 = arith.select %and3A_303, %sub3A_305, %div3A_284 : i32
        %jit3A_307 = arith.constant 8 : i32
        %eq3A = arith.constant 0 : i32
        %eq3A_308 = arith.cmpi eq, %jit3A_307, %eq3A : i32
        %jit3A_309 = arith.constant 1 : i32
        %select_n3A_310 = arith.select %eq3A_308, %jit3A_309, %jit3A_307 : i32
        %rem3A_311 = arith.remsi %scan3A_274, %select_n3A_310 : i32
        %ne3A_312 = arith.constant 0 : i32
        %ne3A_313 = arith.cmpi ne, %rem3A_311, %ne3A_312 : i32
        %lt3A_314 = arith.constant 0 : i32
        %lt3A_315 = arith.cmpi slt, %rem3A_311, %lt3A_314 : i32
        %lt3A_316 = arith.constant 0 : i32
        %lt3A_317 = arith.cmpi slt, %select_n3A_310, %lt3A_316 : i32
        %ne3A_318 = arith.xori %lt3A_315, %lt3A_317 : i1
        %and3A_319 = arith.andi %ne3A_318, %ne3A_313 : i1
        %add3A_320 = arith.addi %rem3A_311, %select_n3A_310 : i32
        %select_n3A_321 = arith.select %and3A_319, %add3A_320, %rem3A_311 : i32
        %mul3A_322 = arith.constant 16 : i32
        %mul3A_323 = arith.muli %select_n3A_321, %mul3A_322 : i32
        %swap3A = arith.index_cast %select_n3A_306 : i32 to index
        %swap3A_324 = arith.index_cast %mul3A_323 : i32 to index
        %swap3A_325 = tpu.vector_load %arg14[%swap3A, %swap3A_324] {strides = array<i32>} : memref<125x128xf32, #tpu.memory_space<vmem>>, vector<1x16xf32>,
        %swap3A_326 = vector.shape_cast %swap3A_325 : vector<1x16xf32> to vector<16xf32>
        %swap3A_327 = vector.shape_cast %add3A_282 : vector<16xf32> to vector<1x16xf32>
        tpu.vector_store %arg14[%swap3A, %swap3A_324], %swap3A_327 {strides = array<i32>} : memref<125x128xf32, #tpu.memory_space<vmem>>, vector<1x16xf32>,
        %scan3A_328 = arith.constant 1 : i32
        %scan3A_329 = arith.addi %scan3A_274, %scan3A_328 : i32
        %get3A_330 = arith.index_cast %scan3A_329 : i32 to index
        %get3A_331 = arith.constant 0 : index
        %get3A_332 = tpu.vector_load %arg10[%get3A_330, %get3A_331] {strides = array<i32>} : memref<1000x16xf32, #tpu.memory_space<vmem>>, vector<1x16xf32>,
        %get3A_333 = vector.shape_cast %get3A_332 : vector<1x16xf32> to vector<16xf32>
        %get3A_334 = arith.index_cast %scan3A_329 : i32 to index
        %get3A_335 = arith.constant 0 : index
        %get3A_336 = tpu.vector_load %arg12[%get3A_334, %get3A_335] {strides = array<i32>} : memref<1000x16xf32, #tpu.memory_space<vmem>>, vector<1x16xf32>,
        %get3A_337 = vector.shape_cast %get3A_336 : vector<1x16xf32> to vector<16xf32>
        %add3A_338 = arith.addf %get3A_333, %get3A_337 : vector<16xf32>
        %jit3A_339 = arith.constant 8 : i32
        %div3A_340 = arith.divsi %scan3A_329, %jit3A_339 : i32
        %sign3A_341 = arith.constant 0 : i32
        %sign3A_342 = arith.cmpi sgt, %scan3A_329, %sign3A_341 : i32
        %sign3A_343 = arith.extui %sign3A_342 : i1 to i32
        %sign3A_344 = arith.constant 0 : i32
        %sign3A_345 = arith.cmpi slt, %scan3A_329, %sign3A_344 : i32
        %sign3A_346 = arith.extui %sign3A_345 : i1 to i32
        %sign3A_347 = arith.subi %sign3A_343, %sign3A_346 : i32
        %sign3A_348 = arith.constant 0 : i32
        %sign3A_349 = arith.cmpi sgt, %jit3A_339, %sign3A_348 : i32
        %sign3A_350 = arith.extui %sign3A_349 : i1 to i32
        %sign3A_351 = arith.constant 0 : i32
        %sign3A_352 = arith.cmpi slt, %jit3A_339, %sign3A_351 : i32
        %sign3A_353 = arith.extui %sign3A_352 : i1 to i32
        %sign3A_354 = arith.subi %sign3A_350, %sign3A_353 : i32
        %ne3A_355 = arith.cmpi ne, %sign3A_347, %sign3A_354 : i32
        %rem3A_356 = arith.remsi %scan3A_329, %jit3A_339 : i32
        %ne3A_357 = arith.constant 0 : i32
        %ne3A_358 = arith.cmpi ne, %rem3A_356, %ne3A_357 : i32
        %and3A_359 = arith.andi %ne3A_355, %ne3A_358 : i1
        %sub3A_360 = arith.constant 1 : i32
        %sub3A_361 = arith.subi %div3A_340, %sub3A_360 : i32
        %select_n3A_362 = arith.select %and3A_359, %sub3A_361, %div3A_340 : i32
        %jit3A_363 = arith.constant 8 : i32
        %eq3A_364 = arith.constant 0 : i32
        %eq3A_365 = arith.cmpi eq, %jit3A_363, %eq3A_364 : i32
        %jit3A_366 = arith.constant 1 : i32
        %select_n3A_367 = arith.select %eq3A_365, %jit3A_366, %jit3A_363 : i32
        %rem3A_368 = arith.remsi %scan3A_329, %select_n3A_367 : i32
        %ne3A_369 = arith.constant 0 : i32
        %ne3A_370 = arith.cmpi ne, %rem3A_368, %ne3A_369 : i32
        %lt3A_371 = arith.constant 0 : i32
        %lt3A_372 = arith.cmpi slt, %rem3A_368, %lt3A_371 : i32
        %lt3A_373 = arith.constant 0 : i32
        %lt3A_374 = arith.cmpi slt, %select_n3A_367, %lt3A_373 : i32
        %ne3A_375 = arith.xori %lt3A_372, %lt3A_374 : i1
        %and3A_376 = arith.andi %ne3A_375, %ne3A_370 : i1
        %add3A_377 = arith.addi %rem3A_368, %select_n3A_367 : i32
        %select_n3A_378 = arith.select %and3A_376, %add3A_377, %rem3A_368 : i32
        %mul3A_379 = arith.constant 16 : i32
        %mul3A_380 = arith.muli %select_n3A_378, %mul3A_379 : i32
        %swap3A_381 = arith.index_cast %select_n3A_362 : i32 to index
        %swap3A_382 = arith.index_cast %mul3A_380 : i32 to index
        %swap3A_383 = tpu.vector_load %arg14[%swap3A_381, %swap3A_382] {strides = array<i32>} : memref<125x128xf32, #tpu.memory_space<vmem>>, vector<1x16xf32>,
        %swap3A_384 = vector.shape_cast %swap3A_383 : vector<1x16xf32> to vector<16xf32>
        %swap3A_385 = vector.shape_cast %add3A_338 : vector<16xf32> to vector<1x16xf32>
        tpu.vector_store %arg14[%swap3A_381, %swap3A_382], %swap3A_385 {strides = array<i32>} : memref<125x128xf32, #tpu.memory_space<vmem>>, vector<1x16xf32>,
        %scan3A_386 = arith.constant 2 : i32
        %scan3A_387 = arith.addi %scan3A_274, %scan3A_386 : i32
        %get3A_388 = arith.index_cast %scan3A_387 : i32 to index
        %get3A_389 = arith.constant 0 : index
        %get3A_390 = tpu.vector_load %arg10[%get3A_388, %get3A_389] {strides = array<i32>} : memref<1000x16xf32, #tpu.memory_space<vmem>>, vector<1x16xf32>,
        %get3A_391 = vector.shape_cast %get3A_390 : vector<1x16xf32> to vector<16xf32>
        %get3A_392 = arith.index_cast %scan3A_387 : i32 to index
        %get3A_393 = arith.constant 0 : index
        %get3A_394 = tpu.vector_load %arg12[%get3A_392, %get3A_393] {strides = array<i32>} : memref<1000x16xf32, #tpu.memory_space<vmem>>, vector<1x16xf32>,
        %get3A_395 = vector.shape_cast %get3A_394 : vector<1x16xf32> to vector<16xf32>
        %add3A_396 = arith.addf %get3A_391, %get3A_395 : vector<16xf32>
        %jit3A_397 = arith.constant 8 : i32
        %div3A_398 = arith.divsi %scan3A_387, %jit3A_397 : i32
        %sign3A_399 = arith.constant 0 : i32
        %sign3A_400 = arith.cmpi sgt, %scan3A_387, %sign3A_399 : i32
        %sign3A_401 = arith.extui %sign3A_400 : i1 to i32
        %sign3A_402 = arith.constant 0 : i32
        %sign3A_403 = arith.cmpi slt, %scan3A_387, %sign3A_402 : i32
        %sign3A_404 = arith.extui %sign3A_403 : i1 to i32
        %sign3A_405 = arith.subi %sign3A_401, %sign3A_404 : i32
        %sign3A_406 = arith.constant 0 : i32
        %sign3A_407 = arith.cmpi sgt, %jit3A_397, %sign3A_406 : i32
        %sign3A_408 = arith.extui %sign3A_407 : i1 to i32
        %sign3A_409 = arith.constant 0 : i32
        %sign3A_410 = arith.cmpi slt, %jit3A_397, %sign3A_409 : i32
        %sign3A_411 = arith.extui %sign3A_410 : i1 to i32
        %sign3A_412 = arith.subi %sign3A_408, %sign3A_411 : i32
        %ne3A_413 = arith.cmpi ne, %sign3A_405, %sign3A_412 : i32
        %rem3A_414 = arith.remsi %scan3A_387, %jit3A_397 : i32
        %ne3A_415 = arith.constant 0 : i32
        %ne3A_416 = arith.cmpi ne, %rem3A_414, %ne3A_415 : i32
        %and3A_417 = arith.andi %ne3A_413, %ne3A_416 : i1
        %sub3A_418 = arith.constant 1 : i32
        %sub3A_419 = arith.subi %div3A_398, %sub3A_418 : i32
        %select_n3A_420 = arith.select %and3A_417, %sub3A_419, %div3A_398 : i32
        %jit3A_421 = arith.constant 8 : i32
        %eq3A_422 = arith.constant 0 : i32
        %eq3A_423 = arith.cmpi eq, %jit3A_421, %eq3A_422 : i32
        %jit3A_424 = arith.constant 1 : i32
        %select_n3A_425 = arith.select %eq3A_423, %jit3A_424, %jit3A_421 : i32
        %rem3A_426 = arith.remsi %scan3A_387, %select_n3A_425 : i32
        %ne3A_427 = arith.constant 0 : i32
        %ne3A_428 = arith.cmpi ne, %rem3A_426, %ne3A_427 : i32
        %lt3A_429 = arith.constant 0 : i32
        %lt3A_430 = arith.cmpi slt, %rem3A_426, %lt3A_429 : i32
        %lt3A_431 = arith.constant 0 : i32
        %lt3A_432 = arith.cmpi slt, %select_n3A_425, %lt3A_431 : i32
        %ne3A_433 = arith.xori %lt3A_430, %lt3A_432 : i1
        %and3A_434 = arith.andi %ne3A_433, %ne3A_428 : i1
        %add3A_435 = arith.addi %rem3A_426, %select_n3A_425 : i32
        %select_n3A_436 = arith.select %and3A_434, %add3A_435, %rem3A_426 : i32
        %mul3A_437 = arith.constant 16 : i32
        %mul3A_438 = arith.muli %select_n3A_436, %mul3A_437 : i32
        %swap3A_439 = arith.index_cast %select_n3A_420 : i32 to index
        %swap3A_440 = arith.index_cast %mul3A_438 : i32 to index
        %swap3A_441 = tpu.vector_load %arg14[%swap3A_439, %swap3A_440] {strides = array<i32>} : memref<125x128xf32, #tpu.memory_space<vmem>>, vector<1x16xf32>,
        %swap3A_442 = vector.shape_cast %swap3A_441 : vector<1x16xf32> to vector<16xf32>
        %swap3A_443 = vector.shape_cast %add3A_396 : vector<16xf32> to vector<1x16xf32>
        tpu.vector_store %arg14[%swap3A_439, %swap3A_440], %swap3A_443 {strides = array<i32>} : memref<125x128xf32, #tpu.memory_space<vmem>>, vector<1x16xf32>,
        %scan3A_444 = arith.constant 3 : i32
        %scan3A_445 = arith.addi %scan3A_274, %scan3A_444 : i32
        %get3A_446 = arith.index_cast %scan3A_445 : i32 to index
        %get3A_447 = arith.constant 0 : index
        %get3A_448 = tpu.vector_load %arg10[%get3A_446, %get3A_447] {strides = array<i32>} : memref<1000x16xf32, #tpu.memory_space<vmem>>, vector<1x16xf32>,
        %get3A_449 = vector.shape_cast %get3A_448 : vector<1x16xf32> to vector<16xf32>
        %get3A_450 = arith.index_cast %scan3A_445 : i32 to index
        %get3A_451 = arith.constant 0 : index
        %get3A_452 = tpu.vector_load %arg12[%get3A_450, %get3A_451] {strides = array<i32>} : memref<1000x16xf32, #tpu.memory_space<vmem>>, vector<1x16xf32>,
        %get3A_453 = vector.shape_cast %get3A_452 : vector<1x16xf32> to vector<16xf32>
        %add3A_454 = arith.addf %get3A_449, %get3A_453 : vector<16xf32>
        %jit3A_455 = arith.constant 8 : i32
        %div3A_456 = arith.divsi %scan3A_445, %jit3A_455 : i32
        %sign3A_457 = arith.constant 0 : i32
        %sign3A_458 = arith.cmpi sgt, %scan3A_445, %sign3A_457 : i32
        %sign3A_459 = arith.extui %sign3A_458 : i1 to i32
        %sign3A_460 = arith.constant 0 : i32
        %sign3A_461 = arith.cmpi slt, %scan3A_445, %sign3A_460 : i32
        %sign3A_462 = arith.extui %sign3A_461 : i1 to i32
        %sign3A_463 = arith.subi %sign3A_459, %sign3A_462 : i32
        %sign3A_464 = arith.constant 0 : i32
        %sign3A_465 = arith.cmpi sgt, %jit3A_455, %sign3A_464 : i32
        %sign3A_466 = arith.extui %sign3A_465 : i1 to i32
        %sign3A_467 = arith.constant 0 : i32
        %sign3A_468 = arith.cmpi slt, %jit3A_455, %sign3A_467 : i32
        %sign3A_469 = arith.extui %sign3A_468 : i1 to i32
        %sign3A_470 = arith.subi %sign3A_466, %sign3A_469 : i32
        %ne3A_471 = arith.cmpi ne, %sign3A_463, %sign3A_470 : i32
        %rem3A_472 = arith.remsi %scan3A_445, %jit3A_455 : i32
        %ne3A_473 = arith.constant 0 : i32
        %ne3A_474 = arith.cmpi ne, %rem3A_472, %ne3A_473 : i32
        %and3A_475 = arith.andi %ne3A_471, %ne3A_474 : i1
        %sub3A_476 = arith.constant 1 : i32
        %sub3A_477 = arith.subi %div3A_456, %sub3A_476 : i32
        %select_n3A_478 = arith.select %and3A_475, %sub3A_477, %div3A_456 : i32
        %jit3A_479 = arith.constant 8 : i32
        %eq3A_480 = arith.constant 0 : i32
        %eq3A_481 = arith.cmpi eq, %jit3A_479, %eq3A_480 : i32
        %jit3A_482 = arith.constant 1 : i32
        %select_n3A_483 = arith.select %eq3A_481, %jit3A_482, %jit3A_479 : i32
        %rem3A_484 = arith.remsi %scan3A_445, %select_n3A_483 : i32
        %ne3A_485 = arith.constant 0 : i32
        %ne3A_486 = arith.cmpi ne, %rem3A_484, %ne3A_485 : i32
        %lt3A_487 = arith.constant 0 : i32
        %lt3A_488 = arith.cmpi slt, %rem3A_484, %lt3A_487 : i32
        %lt3A_489 = arith.constant 0 : i32
        %lt3A_490 = arith.cmpi slt, %select_n3A_483, %lt3A_489 : i32
        %ne3A_491 = arith.xori %lt3A_488, %lt3A_490 : i1
        %and3A_492 = arith.andi %ne3A_491, %ne3A_486 : i1
        %add3A_493 = arith.addi %rem3A_484, %select_n3A_483 : i32
        %select_n3A_494 = arith.select %and3A_492, %add3A_493, %rem3A_484 : i32
        %mul3A_495 = arith.constant 16 : i32
        %mul3A_496 = arith.muli %select_n3A_494, %mul3A_495 : i32
        %swap3A_497 = arith.index_cast %select_n3A_478 : i32 to index
        %swap3A_498 = arith.index_cast %mul3A_496 : i32 to index
        %swap3A_499 = tpu.vector_load %arg14[%swap3A_497, %swap3A_498] {strides = array<i32>} : memref<125x128xf32, #tpu.memory_space<vmem>>, vector<1x16xf32>,
        %swap3A_500 = vector.shape_cast %swap3A_499 : vector<1x16xf32> to vector<16xf32>
        %swap3A_501 = vector.shape_cast %add3A_454 : vector<16xf32> to vector<1x16xf32>
        tpu.vector_store %arg14[%swap3A_497, %swap3A_498], %swap3A_501 {strides = array<i32>} : memref<125x128xf32, #tpu.memory_space<vmem>>, vector<1x16xf32>,
        %scan3A_502 = arith.constant 4 : i32
        %scan3A_503 = arith.addi %scan3A_274, %scan3A_502 : i32
        %get3A_504 = arith.index_cast %scan3A_503 : i32 to index
        %get3A_505 = arith.constant 0 : index
        %get3A_506 = tpu.vector_load %arg10[%get3A_504, %get3A_505] {strides = array<i32>} : memref<1000x16xf32, #tpu.memory_space<vmem>>, vector<1x16xf32>,
        %get3A_507 = vector.shape_cast %get3A_506 : vector<1x16xf32> to vector<16xf32>
        %get3A_508 = arith.index_cast %scan3A_503 : i32 to index
        %get3A_509 = arith.constant 0 : index
        %get3A_510 = tpu.vector_load %arg12[%get3A_508, %get3A_509] {strides = array<i32>} : memref<1000x16xf32, #tpu.memory_space<vmem>>, vector<1x16xf32>,
        %get3A_511 = vector.shape_cast %get3A_510 : vector<1x16xf32> to vector<16xf32>
        %add3A_512 = arith.addf %get3A_507, %get3A_511 : vector<16xf32>
        %jit3A_513 = arith.constant 8 : i32
        %div3A_514 = arith.divsi %scan3A_503, %jit3A_513 : i32
        %sign3A_515 = arith.constant 0 : i32
        %sign3A_516 = arith.cmpi sgt, %scan3A_503, %sign3A_515 : i32
        %sign3A_517 = arith.extui %sign3A_516 : i1 to i32
        %sign3A_518 = arith.constant 0 : i32
        %sign3A_519 = arith.cmpi slt, %scan3A_503, %sign3A_518 : i32
        %sign3A_520 = arith.extui %sign3A_519 : i1 to i32
        %sign3A_521 = arith.subi %sign3A_517, %sign3A_520 : i32
        %sign3A_522 = arith.constant 0 : i32
        %sign3A_523 = arith.cmpi sgt, %jit3A_513, %sign3A_522 : i32
        %sign3A_524 = arith.extui %sign3A_523 : i1 to i32
        %sign3A_525 = arith.constant 0 : i32
        %sign3A_526 = arith.cmpi slt, %jit3A_513, %sign3A_525 : i32
        %sign3A_527 = arith.extui %sign3A_526 : i1 to i32
        %sign3A_528 = arith.subi %sign3A_524, %sign3A_527 : i32
        %ne3A_529 = arith.cmpi ne, %sign3A_521, %sign3A_528 : i32
        %rem3A_530 = arith.remsi %scan3A_503, %jit3A_513 : i32
        %ne3A_531 = arith.constant 0 : i32
        %ne3A_532 = arith.cmpi ne, %rem3A_530, %ne3A_531 : i32
        %and3A_533 = arith.andi %ne3A_529, %ne3A_532 : i1
        %sub3A_534 = arith.constant 1 : i32
        %sub3A_535 = arith.subi %div3A_514, %sub3A_534 : i32
        %select_n3A_536 = arith.select %and3A_533, %sub3A_535, %div3A_514 : i32
        %jit3A_537 = arith.constant 8 : i32
        %eq3A_538 = arith.constant 0 : i32
        %eq3A_539 = arith.cmpi eq, %jit3A_537, %eq3A_538 : i32
        %jit3A_540 = arith.constant 1 : i32
        %select_n3A_541 = arith.select %eq3A_539, %jit3A_540, %jit3A_537 : i32
        %rem3A_542 = arith.remsi %scan3A_503, %select_n3A_541 : i32
        %ne3A_543 = arith.constant 0 : i32
        %ne3A_544 = arith.cmpi ne, %rem3A_542, %ne3A_543 : i32
        %lt3A_545 = arith.constant 0 : i32
        %lt3A_546 = arith.cmpi slt, %rem3A_542, %lt3A_545 : i32
        %lt3A_547 = arith.constant 0 : i32
        %lt3A_548 = arith.cmpi slt, %select_n3A_541, %lt3A_547 : i32
        %ne3A_549 = arith.xori %lt3A_546, %lt3A_548 : i1
        %and3A_550 = arith.andi %ne3A_549, %ne3A_544 : i1
        %add3A_551 = arith.addi %rem3A_542, %select_n3A_541 : i32
        %select_n3A_552 = arith.select %and3A_550, %add3A_551, %rem3A_542 : i32
        %mul3A_553 = arith.constant 16 : i32
        %mul3A_554 = arith.muli %select_n3A_552, %mul3A_553 : i32
        %swap3A_555 = arith.index_cast %select_n3A_536 : i32 to index
        %swap3A_556 = arith.index_cast %mul3A_554 : i32 to index
        %swap3A_557 = tpu.vector_load %arg14[%swap3A_555, %swap3A_556] {strides = array<i32>} : memref<125x128xf32, #tpu.memory_space<vmem>>, vector<1x16xf32>,
        %swap3A_558 = vector.shape_cast %swap3A_557 : vector<1x16xf32> to vector<16xf32>
        %swap3A_559 = vector.shape_cast %add3A_512 : vector<16xf32> to vector<1x16xf32>
        tpu.vector_store %arg14[%swap3A_555, %swap3A_556], %swap3A_559 {strides = array<i32>} : memref<125x128xf32, #tpu.memory_space<vmem>>, vector<1x16xf32>,
        %scan3A_560 = arith.constant 5 : i32
        %scan3A_561 = arith.addi %scan3A_274, %scan3A_560 : i32
        %get3A_562 = arith.index_cast %scan3A_561 : i32 to index
        %get3A_563 = arith.constant 0 : index
        %get3A_564 = tpu.vector_load %arg10[%get3A_562, %get3A_563] {strides = array<i32>} : memref<1000x16xf32, #tpu.memory_space<vmem>>, vector<1x16xf32>,
        %get3A_565 = vector.shape_cast %get3A_564 : vector<1x16xf32> to vector<16xf32>
        %get3A_566 = arith.index_cast %scan3A_561 : i32 to index
        %get3A_567 = arith.constant 0 : index
        %get3A_568 = tpu.vector_load %arg12[%get3A_566, %get3A_567] {strides = array<i32>} : memref<1000x16xf32, #tpu.memory_space<vmem>>, vector<1x16xf32>,
        %get3A_569 = vector.shape_cast %get3A_568 : vector<1x16xf32> to vector<16xf32>
        %add3A_570 = arith.addf %get3A_565, %get3A_569 : vector<16xf32>
        %jit3A_571 = arith.constant 8 : i32
        %div3A_572 = arith.divsi %scan3A_561, %jit3A_571 : i32
        %sign3A_573 = arith.constant 0 : i32
        %sign3A_574 = arith.cmpi sgt, %scan3A_561, %sign3A_573 : i32
        %sign3A_575 = arith.extui %sign3A_574 : i1 to i32
        %sign3A_576 = arith.constant 0 : i32
        %sign3A_577 = arith.cmpi slt, %scan3A_561, %sign3A_576 : i32
        %sign3A_578 = arith.extui %sign3A_577 : i1 to i32
        %sign3A_579 = arith.subi %sign3A_575, %sign3A_578 : i32
        %sign3A_580 = arith.constant 0 : i32
        %sign3A_581 = arith.cmpi sgt, %jit3A_571, %sign3A_580 : i32
        %sign3A_582 = arith.extui %sign3A_581 : i1 to i32
        %sign3A_583 = arith.constant 0 : i32
        %sign3A_584 = arith.cmpi slt, %jit3A_571, %sign3A_583 : i32
        %sign3A_585 = arith.extui %sign3A_584 : i1 to i32
        %sign3A_586 = arith.subi %sign3A_582, %sign3A_585 : i32
        %ne3A_587 = arith.cmpi ne, %sign3A_579, %sign3A_586 : i32
        %rem3A_588 = arith.remsi %scan3A_561, %jit3A_571 : i32
        %ne3A_589 = arith.constant 0 : i32
        %ne3A_590 = arith.cmpi ne, %rem3A_588, %ne3A_589 : i32
        %and3A_591 = arith.andi %ne3A_587, %ne3A_590 : i1
        %sub3A_592 = arith.constant 1 : i32
        %sub3A_593 = arith.subi %div3A_572, %sub3A_592 : i32
        %select_n3A_594 = arith.select %and3A_591, %sub3A_593, %div3A_572 : i32
        %jit3A_595 = arith.constant 8 : i32
        %eq3A_596 = arith.constant 0 : i32
        %eq3A_597 = arith.cmpi eq, %jit3A_595, %eq3A_596 : i32
        %jit3A_598 = arith.constant 1 : i32
        %select_n3A_599 = arith.select %eq3A_597, %jit3A_598, %jit3A_595 : i32
        %rem3A_600 = arith.remsi %scan3A_561, %select_n3A_599 : i32
        %ne3A_601 = arith.constant 0 : i32
        %ne3A_602 = arith.cmpi ne, %rem3A_600, %ne3A_601 : i32
        %lt3A_603 = arith.constant 0 : i32
        %lt3A_604 = arith.cmpi slt, %rem3A_600, %lt3A_603 : i32
        %lt3A_605 = arith.constant 0 : i32
        %lt3A_606 = arith.cmpi slt, %select_n3A_599, %lt3A_605 : i32
        %ne3A_607 = arith.xori %lt3A_604, %lt3A_606 : i1
        %and3A_608 = arith.andi %ne3A_607, %ne3A_602 : i1
        %add3A_609 = arith.addi %rem3A_600, %select_n3A_599 : i32
        %select_n3A_610 = arith.select %and3A_608, %add3A_609, %rem3A_600 : i32
        %mul3A_611 = arith.constant 16 : i32
        %mul3A_612 = arith.muli %select_n3A_610, %mul3A_611 : i32
        %swap3A_613 = arith.index_cast %select_n3A_594 : i32 to index
        %swap3A_614 = arith.index_cast %mul3A_612 : i32 to index
        %swap3A_615 = tpu.vector_load %arg14[%swap3A_613, %swap3A_614] {strides = array<i32>} : memref<125x128xf32, #tpu.memory_space<vmem>>, vector<1x16xf32>,
        %swap3A_616 = vector.shape_cast %swap3A_615 : vector<1x16xf32> to vector<16xf32>
        %swap3A_617 = vector.shape_cast %add3A_570 : vector<16xf32> to vector<1x16xf32>
        tpu.vector_store %arg14[%swap3A_613, %swap3A_614], %swap3A_617 {strides = array<i32>} : memref<125x128xf32, #tpu.memory_space<vmem>>, vector<1x16xf32>,
        %scan3A_618 = arith.constant 6 : i32
        %scan3A_619 = arith.addi %scan3A_274, %scan3A_618 : i32
        %get3A_620 = arith.index_cast %scan3A_619 : i32 to index
        %get3A_621 = arith.constant 0 : index
        %get3A_622 = tpu.vector_load %arg10[%get3A_620, %get3A_621] {strides = array<i32>} : memref<1000x16xf32, #tpu.memory_space<vmem>>, vector<1x16xf32>,
        %get3A_623 = vector.shape_cast %get3A_622 : vector<1x16xf32> to vector<16xf32>
        %get3A_624 = arith.index_cast %scan3A_619 : i32 to index
        %get3A_625 = arith.constant 0 : index
        %get3A_626 = tpu.vector_load %arg12[%get3A_624, %get3A_625] {strides = array<i32>} : memref<1000x16xf32, #tpu.memory_space<vmem>>, vector<1x16xf32>,
        %get3A_627 = vector.shape_cast %get3A_626 : vector<1x16xf32> to vector<16xf32>
        %add3A_628 = arith.addf %get3A_623, %get3A_627 : vector<16xf32>
        %jit3A_629 = arith.constant 8 : i32
        %div3A_630 = arith.divsi %scan3A_619, %jit3A_629 : i32
        %sign3A_631 = arith.constant 0 : i32
        %sign3A_632 = arith.cmpi sgt, %scan3A_619, %sign3A_631 : i32
        %sign3A_633 = arith.extui %sign3A_632 : i1 to i32
        %sign3A_634 = arith.constant 0 : i32
        %sign3A_635 = arith.cmpi slt, %scan3A_619, %sign3A_634 : i32
        %sign3A_636 = arith.extui %sign3A_635 : i1 to i32
        %sign3A_637 = arith.subi %sign3A_633, %sign3A_636 : i32
        %sign3A_638 = arith.constant 0 : i32
        %sign3A_639 = arith.cmpi sgt, %jit3A_629, %sign3A_638 : i32
        %sign3A_640 = arith.extui %sign3A_639 : i1 to i32
        %sign3A_641 = arith.constant 0 : i32
        %sign3A_642 = arith.cmpi slt, %jit3A_629, %sign3A_641 : i32
        %sign3A_643 = arith.extui %sign3A_642 : i1 to i32
        %sign3A_644 = arith.subi %sign3A_640, %sign3A_643 : i32
        %ne3A_645 = arith.cmpi ne, %sign3A_637, %sign3A_644 : i32
        %rem3A_646 = arith.remsi %scan3A_619, %jit3A_629 : i32
        %ne3A_647 = arith.constant 0 : i32
        %ne3A_648 = arith.cmpi ne, %rem3A_646, %ne3A_647 : i32
        %and3A_649 = arith.andi %ne3A_645, %ne3A_648 : i1
        %sub3A_650 = arith.constant 1 : i32
        %sub3A_651 = arith.subi %div3A_630, %sub3A_650 : i32
        %select_n3A_652 = arith.select %and3A_649, %sub3A_651, %div3A_630 : i32
        %jit3A_653 = arith.constant 8 : i32
        %eq3A_654 = arith.constant 0 : i32
        %eq3A_655 = arith.cmpi eq, %jit3A_653, %eq3A_654 : i32
        %jit3A_656 = arith.constant 1 : i32
        %select_n3A_657 = arith.select %eq3A_655, %jit3A_656, %jit3A_653 : i32
        %rem3A_658 = arith.remsi %scan3A_619, %select_n3A_657 : i32
        %ne3A_659 = arith.constant 0 : i32
        %ne3A_660 = arith.cmpi ne, %rem3A_658, %ne3A_659 : i32
        %lt3A_661 = arith.constant 0 : i32
        %lt3A_662 = arith.cmpi slt, %rem3A_658, %lt3A_661 : i32
        %lt3A_663 = arith.constant 0 : i32
        %lt3A_664 = arith.cmpi slt, %select_n3A_657, %lt3A_663 : i32
        %ne3A_665 = arith.xori %lt3A_662, %lt3A_664 : i1
        %and3A_666 = arith.andi %ne3A_665, %ne3A_660 : i1
        %add3A_667 = arith.addi %rem3A_658, %select_n3A_657 : i32
        %select_n3A_668 = arith.select %and3A_666, %add3A_667, %rem3A_658 : i32
        %mul3A_669 = arith.constant 16 : i32
        %mul3A_670 = arith.muli %select_n3A_668, %mul3A_669 : i32
        %swap3A_671 = arith.index_cast %select_n3A_652 : i32 to index
        %swap3A_672 = arith.index_cast %mul3A_670 : i32 to index
        %swap3A_673 = tpu.vector_load %arg14[%swap3A_671, %swap3A_672] {strides = array<i32>} : memref<125x128xf32, #tpu.memory_space<vmem>>, vector<1x16xf32>,
        %swap3A_674 = vector.shape_cast %swap3A_673 : vector<1x16xf32> to vector<16xf32>
        %swap3A_675 = vector.shape_cast %add3A_628 : vector<16xf32> to vector<1x16xf32>
        tpu.vector_store %arg14[%swap3A_671, %swap3A_672], %swap3A_675 {strides = array<i32>} : memref<125x128xf32, #tpu.memory_space<vmem>>, vector<1x16xf32>,
        %scan3A_676 = arith.constant 7 : i32
        %scan3A_677 = arith.addi %scan3A_274, %scan3A_676 : i32
        %get3A_678 = arith.index_cast %scan3A_677 : i32 to index
        %get3A_679 = arith.constant 0 : index
        %get3A_680 = tpu.vector_load %arg10[%get3A_678, %get3A_679] {strides = array<i32>} : memref<1000x16xf32, #tpu.memory_space<vmem>>, vector<1x16xf32>,
        %get3A_681 = vector.shape_cast %get3A_680 : vector<1x16xf32> to vector<16xf32>
        %get3A_682 = arith.index_cast %scan3A_677 : i32 to index
        %get3A_683 = arith.constant 0 : index
        %get3A_684 = tpu.vector_load %arg12[%get3A_682, %get3A_683] {strides = array<i32>} : memref<1000x16xf32, #tpu.memory_space<vmem>>, vector<1x16xf32>,
        %get3A_685 = vector.shape_cast %get3A_684 : vector<1x16xf32> to vector<16xf32>
        %add3A_686 = arith.addf %get3A_681, %get3A_685 : vector<16xf32>
        %jit3A_687 = arith.constant 8 : i32
        %div3A_688 = arith.divsi %scan3A_677, %jit3A_687 : i32
        %sign3A_689 = arith.constant 0 : i32
        %sign3A_690 = arith.cmpi sgt, %scan3A_677, %sign3A_689 : i32
        %sign3A_691 = arith.extui %sign3A_690 : i1 to i32
        %sign3A_692 = arith.constant 0 : i32
        %sign3A_693 = arith.cmpi slt, %scan3A_677, %sign3A_692 : i32
        %sign3A_694 = arith.extui %sign3A_693 : i1 to i32
        %sign3A_695 = arith.subi %sign3A_691, %sign3A_694 : i32
        %sign3A_696 = arith.constant 0 : i32
        %sign3A_697 = arith.cmpi sgt, %jit3A_687, %sign3A_696 : i32
        %sign3A_698 = arith.extui %sign3A_697 : i1 to i32
        %sign3A_699 = arith.constant 0 : i32
        %sign3A_700 = arith.cmpi slt, %jit3A_687, %sign3A_699 : i32
        %sign3A_701 = arith.extui %sign3A_700 : i1 to i32
        %sign3A_702 = arith.subi %sign3A_698, %sign3A_701 : i32
        %ne3A_703 = arith.cmpi ne, %sign3A_695, %sign3A_702 : i32
        %rem3A_704 = arith.remsi %scan3A_677, %jit3A_687 : i32
        %ne3A_705 = arith.constant 0 : i32
        %ne3A_706 = arith.cmpi ne, %rem3A_704, %ne3A_705 : i32
        %and3A_707 = arith.andi %ne3A_703, %ne3A_706 : i1
        %sub3A_708 = arith.constant 1 : i32
        %sub3A_709 = arith.subi %div3A_688, %sub3A_708 : i32
        %select_n3A_710 = arith.select %and3A_707, %sub3A_709, %div3A_688 : i32
        %jit3A_711 = arith.constant 8 : i32
        %eq3A_712 = arith.constant 0 : i32
        %eq3A_713 = arith.cmpi eq, %jit3A_711, %eq3A_712 : i32
        %jit3A_714 = arith.constant 1 : i32
        %select_n3A_715 = arith.select %eq3A_713, %jit3A_714, %jit3A_711 : i32
        %rem3A_716 = arith.remsi %scan3A_677, %select_n3A_715 : i32
        %ne3A_717 = arith.constant 0 : i32
        %ne3A_718 = arith.cmpi ne, %rem3A_716, %ne3A_717 : i32
        %lt3A_719 = arith.constant 0 : i32
        %lt3A_720 = arith.cmpi slt, %rem3A_716, %lt3A_719 : i32
        %lt3A_721 = arith.constant 0 : i32
        %lt3A_722 = arith.cmpi slt, %select_n3A_715, %lt3A_721 : i32
        %ne3A_723 = arith.xori %lt3A_720, %lt3A_722 : i1
        %and3A_724 = arith.andi %ne3A_723, %ne3A_718 : i1
        %add3A_725 = arith.addi %rem3A_716, %select_n3A_715 : i32
        %select_n3A_726 = arith.select %and3A_724, %add3A_725, %rem3A_716 : i32
        %mul3A_727 = arith.constant 16 : i32
        %mul3A_728 = arith.muli %select_n3A_726, %mul3A_727 : i32
        %swap3A_729 = arith.index_cast %select_n3A_710 : i32 to index
        %swap3A_730 = arith.index_cast %mul3A_728 : i32 to index
        %swap3A_731 = tpu.vector_load %arg14[%swap3A_729, %swap3A_730] {strides = array<i32>} : memref<125x128xf32, #tpu.memory_space<vmem>>, vector<1x16xf32>,
        %swap3A_732 = vector.shape_cast %swap3A_731 : vector<1x16xf32> to vector<16xf32>
        %swap3A_733 = vector.shape_cast %add3A_686 : vector<16xf32> to vector<1x16xf32>
        tpu.vector_store %arg14[%swap3A_729, %swap3A_730], %swap3A_733 {strides = array<i32>} : memref<125x128xf32, #tpu.memory_space<vmem>>, vector<1x16xf32>,
      }
      %scan3A_176 = arith.constant 1000 : i32
      %mul3A_177 = arith.constant 1000 : i32
      %mul3A_178 = arith.muli %mul3A_149, %mul3A_177 : i32
      %add3A_179 = arith.addi %mul3A_2, %mul3A_178 : i32
      %jit3A_180 = arith.constant 8 : i32
      %div3A_181 = arith.divsi %add3A_179, %jit3A_180 : i32
      %sign3A_182 = arith.constant 0 : i32
      %sign3A_183 = arith.cmpi sgt, %add3A_179, %sign3A_182 : i32
      %sign3A_184 = arith.extui %sign3A_183 : i1 to i32
      %sign3A_185 = arith.constant 0 : i32
      %sign3A_186 = arith.cmpi slt, %add3A_179, %sign3A_185 : i32
      %sign3A_187 = arith.extui %sign3A_186 : i1 to i32
      %sign3A_188 = arith.subi %sign3A_184, %sign3A_187 : i32
      %sign3A_189 = arith.constant 0 : i32
      %sign3A_190 = arith.cmpi sgt, %jit3A_180, %sign3A_189 : i32
      %sign3A_191 = arith.extui %sign3A_190 : i1 to i32
      %sign3A_192 = arith.constant 0 : i32
      %sign3A_193 = arith.cmpi slt, %jit3A_180, %sign3A_192 : i32
      %sign3A_194 = arith.extui %sign3A_193 : i1 to i32
      %sign3A_195 = arith.subi %sign3A_191, %sign3A_194 : i32
      %ne3A_196 = arith.cmpi ne, %sign3A_188, %sign3A_195 : i32
      %rem3A_197 = arith.remsi %add3A_179, %jit3A_180 : i32
      %ne3A_198 = arith.constant 0 : i32
      %ne3A_199 = arith.cmpi ne, %rem3A_197, %ne3A_198 : i32
      %and3A_200 = arith.andi %ne3A_196, %ne3A_199 : i1
      %sub3A_201 = arith.constant 1 : i32
      %sub3A_202 = arith.subi %div3A_181, %sub3A_201 : i32
      %select_n3A_203 = arith.select %and3A_200, %sub3A_202, %div3A_181 : i32
      %dma_start3A_204 = arith.constant 0 : i32
      %dma_start3A_205 = tpu.memref_slice %arg5[%select_n3A_203, %dma_start3A_204] : memref<100000x128xf32, #tpu.memory_space<hbm>> -> memref<125x128xf32, #tpu.memory_space<hbm>>
      %dma_start3A_206 = arith.constant 0 : i32
      %dma_start3A_207 = tpu.memref_slice %arg5[%select_n3A_203, %dma_start3A_206] : memref<100000x128xf32, #tpu.memory_space<hbm>> -> memref<125x128xf32, #tpu.memory_space<hbm>>
      tpu.enqueue_dma source(%arg14 : memref<125x128xf32, #tpu.memory_space<vmem>>) target(%dma_start3A_207 : memref<125x128xf32, #tpu.memory_space<hbm>>) target_semaphore(%arg20 : memref<!tpu.dma_semaphore, #tpu.memory_space<semaphore_mem>>)
      %mul3A_208 = arith.constant 2 : i32
      %mul3A_209 = arith.muli %mul3A_208, %scan3A_147 : i32
      %add3A_210 = arith.constant 1 : i32
      %add3A_211 = arith.addi %mul3A_209, %add3A_210 : i32
      %dma_wait3A_212 = arith.constant 0 : i32
      %dma_wait3A_213 = arith.constant 0 : i32
      %dma_wait3A_214 = tpu.memref_slice %arg2[%dma_wait3A_212, %dma_wait3A_213] : memref<100000x16xf32, #tpu.memory_space<hbm>> -> memref<100000x16xf32, #tpu.memory_space<hbm>>
      tpu.wait_indirect_dma semaphore(%arg17 : memref<!tpu.dma_semaphore, #tpu.memory_space<semaphore_mem>>) src(%dma_wait3A_214 : memref<100000x16xf32, #tpu.memory_space<hbm>>) dst(%arg11 : memref<1000x16xf32, #tpu.memory_space<vmem>>)
      %dma_wait3A_215 = arith.constant 0 : i32
      %dma_wait3A_216 = arith.constant 0 : i32
      %dma_wait3A_217 = tpu.memref_slice %arg3[%dma_wait3A_215, %dma_wait3A_216] : memref<50000x16xf32, #tpu.memory_space<hbm>> -> memref<50000x16xf32, #tpu.memory_space<hbm>>
      tpu.wait_indirect_dma semaphore(%arg17 : memref<!tpu.dma_semaphore, #tpu.memory_space<semaphore_mem>>) src(%dma_wait3A_217 : memref<50000x16xf32, #tpu.memory_space<hbm>>) dst(%arg13 : memref<1000x16xf32, #tpu.memory_space<vmem>>)
      %add3A_218 = arith.constant 1 : i32
      %add3A_219 = arith.addi %add3A_211, %add3A_218 : i32
      %lt3A_220 = arith.constant 25 : i32
      %lt3A_221 = arith.cmpi slt, %add3A_219, %lt3A_220 : i32
      %convert_element_type3A_222 = arith.extui %lt3A_221 : i1 to i32
      %cond3A_223 = arith.constant 0 : i32
      %cond3A_224 = arith.cmpi ne, %convert_element_type3A_222, %cond3A_223 : i32
      scf.if %cond3A_224 {
        %dma_wait3A_274 = arith.constant 0 : i32
        %dma_wait3A_275 = tpu.memref_slice %arg4[%dma_wait3A_274, %add3A_4] : memref<2x1600000xi32, #tpu.memory_space<hbm>> -> memref<1x1000xi32, #tpu.memory_space<hbm>>
        %dma_wait3A_276 = tpu.memref_squeeze %dma_wait3A_275 : memref<1x1000xi32, #tpu.memory_space<hbm>> -> memref<1000xi32, #tpu.memory_space<hbm>>
        %dma_wait3A_277 = tpu.memref_slice %arg4[%dma_wait3A_274, %add3A_4] : memref<2x1600000xi32, #tpu.memory_space<hbm>> -> memref<1x1000xi32, #tpu.memory_space<hbm>>
        %dma_wait3A_278 = tpu.memref_squeeze %dma_wait3A_277 : memref<1x1000xi32, #tpu.memory_space<hbm>> -> memref<1000xi32, #tpu.memory_space<hbm>>
        tpu.wait_dma2 semaphore(%arg18 : memref<!tpu.dma_semaphore, #tpu.memory_space<semaphore_mem>>) src(%dma_wait3A_278 : memref<1000xi32, #tpu.memory_space<hbm>>) dst(%arg6 : memref<1000xi32, #tpu.memory_space<vmem>>)
        %dma_wait3A_279 = arith.constant 1 : i32
        %dma_wait3A_280 = tpu.memref_slice %arg4[%dma_wait3A_279, %add3A_4] : memref<2x1600000xi32, #tpu.memory_space<hbm>> -> memref<1x1000xi32, #tpu.memory_space<hbm>>
        %dma_wait3A_281 = tpu.memref_squeeze %dma_wait3A_280 : memref<1x1000xi32, #tpu.memory_space<hbm>> -> memref<1000xi32, #tpu.memory_space<hbm>>
        %dma_wait3A_282 = tpu.memref_slice %arg4[%dma_wait3A_279, %add3A_4] : memref<2x1600000xi32, #tpu.memory_space<hbm>> -> memref<1x1000xi32, #tpu.memory_space<hbm>>
        %dma_wait3A_283 = tpu.memref_squeeze %dma_wait3A_282 : memref<1x1000xi32, #tpu.memory_space<hbm>> -> memref<1000xi32, #tpu.memory_space<hbm>>
        tpu.wait_dma2 semaphore(%arg18 : memref<!tpu.dma_semaphore, #tpu.memory_space<semaphore_mem>>) src(%dma_wait3A_283 : memref<1000xi32, #tpu.memory_space<hbm>>) dst(%arg8 : memref<1000xi32, #tpu.memory_space<vmem>>)
        %dma_start3A_284 = arith.constant 0 : i32
        %dma_start3A_285 = arith.constant 0 : i32
        %dma_start3A_286 = tpu.memref_slice %arg2[%dma_start3A_284, %dma_start3A_285] : memref<100000x16xf32, #tpu.memory_space<hbm>> -> memref<100000x16xf32, #tpu.memory_space<hbm>>
        tpu.enqueue_indirect_dma source(%dma_start3A_286 : memref<100000x16xf32, #tpu.memory_space<hbm>>) target(%arg10 : memref<1000x16xf32, #tpu.memory_space<vmem>>) offsets(%arg6 : memref<1000xi32, #tpu.memory_space<vmem>>) semaphore(%arg16 : memref<!tpu.dma_semaphore, #tpu.memory_space<semaphore_mem>>)
        %dma_start3A_287 = arith.constant 0 : i32
        %dma_start3A_288 = arith.constant 0 : i32
        %dma_start3A_289 = tpu.memref_slice %arg3[%dma_start3A_287, %dma_start3A_288] : memref<50000x16xf32, #tpu.memory_space<hbm>> -> memref<50000x16xf32, #tpu.memory_space<hbm>>
        tpu.enqueue_indirect_dma source(%dma_start3A_289 : memref<50000x16xf32, #tpu.memory_space<hbm>>) target(%arg12 : memref<1000x16xf32, #tpu.memory_space<vmem>>) offsets(%arg8 : memref<1000xi32, #tpu.memory_space<vmem>>) semaphore(%arg16 : memref<!tpu.dma_semaphore, #tpu.memory_space<semaphore_mem>>)
      } else {
      }
      %add3A_225 = arith.constant 2 : i32
      %add3A_226 = arith.addi %add3A_211, %add3A_225 : i32
      %lt3A_227 = arith.constant 25 : i32
      %lt3A_228 = arith.cmpi slt, %add3A_226, %lt3A_227 : i32
      %convert_element_type3A_229 = arith.extui %lt3A_228 : i1 to i32
      %cond3A_230 = arith.constant 0 : i32
      %cond3A_231 = arith.cmpi ne, %convert_element_type3A_229, %cond3A_230 : i32
      scf.if %cond3A_231 {
        %add3A_274 = arith.constant 2 : i32
        %add3A_275 = arith.addi %add3A_211, %add3A_274 : i32
        %mul3A_276 = arith.constant 1000 : i32
        %mul3A_277 = arith.muli %add3A_275, %mul3A_276 : i32
        %add3A_278 = arith.addi %add3A_4, %mul3A_277 : i32
        %dma_start3A_279 = arith.constant 0 : i32
        %dma_start3A_280 = tpu.memref_slice %arg4[%dma_start3A_279, %add3A_278] : memref<2x1600000xi32, #tpu.memory_space<hbm>> -> memref<1x1000xi32, #tpu.memory_space<hbm>>
        %dma_start3A_281 = tpu.memref_squeeze %dma_start3A_280 : memref<1x1000xi32, #tpu.memory_space<hbm>> -> memref<1000xi32, #tpu.memory_space<hbm>>
        %dma_start3A_282 = tpu.memref_slice %arg4[%dma_start3A_279, %add3A_278] : memref<2x1600000xi32, #tpu.memory_space<hbm>> -> memref<1x1000xi32, #tpu.memory_space<hbm>>
        %dma_start3A_283 = tpu.memref_squeeze %dma_start3A_282 : memref<1x1000xi32, #tpu.memory_space<hbm>> -> memref<1000xi32, #tpu.memory_space<hbm>>
        tpu.enqueue_dma source(%dma_start3A_283 : memref<1000xi32, #tpu.memory_space<hbm>>) target(%arg7 : memref<1000xi32, #tpu.memory_space<vmem>>) target_semaphore(%arg19 : memref<!tpu.dma_semaphore, #tpu.memory_space<semaphore_mem>>)
        %mul3A_284 = arith.constant 1000 : i32
        %mul3A_285 = arith.muli %add3A_275, %mul3A_284 : i32
        %add3A_286 = arith.addi %add3A_4, %mul3A_285 : i32
        %dma_start3A_287 = arith.constant 1 : i32
        %dma_start3A_288 = tpu.memref_slice %arg4[%dma_start3A_287, %add3A_286] : memref<2x1600000xi32, #tpu.memory_space<hbm>> -> memref<1x1000xi32, #tpu.memory_space<hbm>>
        %dma_start3A_289 = tpu.memref_squeeze %dma_start3A_288 : memref<1x1000xi32, #tpu.memory_space<hbm>> -> memref<1000xi32, #tpu.memory_space<hbm>>
        %dma_start3A_290 = tpu.memref_slice %arg4[%dma_start3A_287, %add3A_286] : memref<2x1600000xi32, #tpu.memory_space<hbm>> -> memref<1x1000xi32, #tpu.memory_space<hbm>>
        %dma_start3A_291 = tpu.memref_squeeze %dma_start3A_290 : memref<1x1000xi32, #tpu.memory_space<hbm>> -> memref<1000xi32, #tpu.memory_space<hbm>>
        tpu.enqueue_dma source(%dma_start3A_291 : memref<1000xi32, #tpu.memory_space<hbm>>) target(%arg9 : memref<1000xi32, #tpu.memory_space<vmem>>) target_semaphore(%arg19 : memref<!tpu.dma_semaphore, #tpu.memory_space<semaphore_mem>>)
      } else {
      }
      %ge3A_232 = arith.constant 2 : i32
      %ge3A_233 = arith.cmpi sge, %add3A_211, %ge3A_232 : i32
      %convert_element_type3A_234 = arith.extui %ge3A_233 : i1 to i32
      %cond3A_235 = arith.constant 0 : i32
      %cond3A_236 = arith.cmpi ne, %convert_element_type3A_234, %cond3A_235 : i32
      scf.if %cond3A_236 {
        %jit3A_274 = arith.constant 8 : i32
        %div3A_275 = arith.divsi %mul3A_2, %jit3A_274 : i32
        %sign3A_276 = arith.constant 0 : i32
        %sign3A_277 = arith.cmpi sgt, %mul3A_2, %sign3A_276 : i32
        %sign3A_278 = arith.extui %sign3A_277 : i1 to i32
        %sign3A_279 = arith.constant 0 : i32
        %sign3A_280 = arith.cmpi slt, %mul3A_2, %sign3A_279 : i32
        %sign3A_281 = arith.extui %sign3A_280 : i1 to i32
        %sign3A_282 = arith.subi %sign3A_278, %sign3A_281 : i32
        %sign3A_283 = arith.constant 0 : i32
        %sign3A_284 = arith.cmpi sgt, %jit3A_274, %sign3A_283 : i32
        %sign3A_285 = arith.extui %sign3A_284 : i1 to i32
        %sign3A_286 = arith.constant 0 : i32
        %sign3A_287 = arith.cmpi slt, %jit3A_274, %sign3A_286 : i32
        %sign3A_288 = arith.extui %sign3A_287 : i1 to i32
        %sign3A_289 = arith.subi %sign3A_285, %sign3A_288 : i32
        %ne3A_290 = arith.cmpi ne, %sign3A_282, %sign3A_289 : i32
        %rem3A_291 = arith.remsi %mul3A_2, %jit3A_274 : i32
        %ne3A_292 = arith.constant 0 : i32
        %ne3A_293 = arith.cmpi ne, %rem3A_291, %ne3A_292 : i32
        %and3A_294 = arith.andi %ne3A_290, %ne3A_293 : i1
        %sub3A_295 = arith.constant 1 : i32
        %sub3A_296 = arith.subi %div3A_275, %sub3A_295 : i32
        %select_n3A_297 = arith.select %and3A_294, %sub3A_296, %div3A_275 : i32
        %dma_wait3A_298 = arith.constant 0 : i32
        %dma_wait3A_299 = tpu.memref_slice %arg5[%select_n3A_297, %dma_wait3A_298] : memref<100000x128xf32, #tpu.memory_space<hbm>> -> memref<125x128xf32, #tpu.memory_space<hbm>>
        %dma_wait3A_300 = arith.constant 0 : i32
        %dma_wait3A_301 = tpu.memref_slice %arg5[%select_n3A_297, %dma_wait3A_300] : memref<100000x128xf32, #tpu.memory_space<hbm>> -> memref<125x128xf32, #tpu.memory_space<hbm>>
        tpu.wait_dma2 semaphore(%arg21 : memref<!tpu.dma_semaphore, #tpu.memory_space<semaphore_mem>>) src(%arg15 : memref<125x128xf32, #tpu.memory_space<vmem>>) dst(%dma_wait3A_301 : memref<125x128xf32, #tpu.memory_space<hbm>>)
      } else {
      }
      %scan3A_237 = arith.constant 0 : i32
      %scan3A_238 = arith.constant 0 : i32
      %scan3A_239 = arith.constant 1000 : i32
      %scan3A_240 = arith.addi %scan3A_238, %scan3A_239 : i32
      %scan3A_241 = arith.constant 8 : i32
      scf.for %scan3A_274 = %scan3A_238 to %scan3A_240 step %scan3A_241  : i32 {
        %get3A = arith.index_cast %scan3A_274 : i32 to index
        %get3A_275 = arith.constant 0 : index
        %get3A_276 = tpu.vector_load %arg11[%get3A, %get3A_275] {strides = array<i32>} : memref<1000x16xf32, #tpu.memory_space<vmem>>, vector<1x16xf32>,
        %get3A_277 = vector.shape_cast %get3A_276 : vector<1x16xf32> to vector<16xf32>
        %get3A_278 = arith.index_cast %scan3A_274 : i32 to index
        %get3A_279 = arith.constant 0 : index
        %get3A_280 = tpu.vector_load %arg13[%get3A_278, %get3A_279] {strides = array<i32>} : memref<1000x16xf32, #tpu.memory_space<vmem>>, vector<1x16xf32>,
        %get3A_281 = vector.shape_cast %get3A_280 : vector<1x16xf32> to vector<16xf32>
        %add3A_282 = arith.addf %get3A_277, %get3A_281 : vector<16xf32>
        %jit3A_283 = arith.constant 8 : i32
        %div3A_284 = arith.divsi %scan3A_274, %jit3A_283 : i32
        %sign3A_285 = arith.constant 0 : i32
        %sign3A_286 = arith.cmpi sgt, %scan3A_274, %sign3A_285 : i32
        %sign3A_287 = arith.extui %sign3A_286 : i1 to i32
        %sign3A_288 = arith.constant 0 : i32
        %sign3A_289 = arith.cmpi slt, %scan3A_274, %sign3A_288 : i32
        %sign3A_290 = arith.extui %sign3A_289 : i1 to i32
        %sign3A_291 = arith.subi %sign3A_287, %sign3A_290 : i32
        %sign3A_292 = arith.constant 0 : i32
        %sign3A_293 = arith.cmpi sgt, %jit3A_283, %sign3A_292 : i32
        %sign3A_294 = arith.extui %sign3A_293 : i1 to i32
        %sign3A_295 = arith.constant 0 : i32
        %sign3A_296 = arith.cmpi slt, %jit3A_283, %sign3A_295 : i32
        %sign3A_297 = arith.extui %sign3A_296 : i1 to i32
        %sign3A_298 = arith.subi %sign3A_294, %sign3A_297 : i32
        %ne3A_299 = arith.cmpi ne, %sign3A_291, %sign3A_298 : i32
        %rem3A_300 = arith.remsi %scan3A_274, %jit3A_283 : i32
        %ne3A_301 = arith.constant 0 : i32
        %ne3A_302 = arith.cmpi ne, %rem3A_300, %ne3A_301 : i32
        %and3A_303 = arith.andi %ne3A_299, %ne3A_302 : i1
        %sub3A_304 = arith.constant 1 : i32
        %sub3A_305 = arith.subi %div3A_284, %sub3A_304 : i32
        %select_n3A_306 = arith.select %and3A_303, %sub3A_305, %div3A_284 : i32
        %jit3A_307 = arith.constant 8 : i32
        %eq3A = arith.constant 0 : i32
        %eq3A_308 = arith.cmpi eq, %jit3A_307, %eq3A : i32
        %jit3A_309 = arith.constant 1 : i32
        %select_n3A_310 = arith.select %eq3A_308, %jit3A_309, %jit3A_307 : i32
        %rem3A_311 = arith.remsi %scan3A_274, %select_n3A_310 : i32
        %ne3A_312 = arith.constant 0 : i32
        %ne3A_313 = arith.cmpi ne, %rem3A_311, %ne3A_312 : i32
        %lt3A_314 = arith.constant 0 : i32
        %lt3A_315 = arith.cmpi slt, %rem3A_311, %lt3A_314 : i32
        %lt3A_316 = arith.constant 0 : i32
        %lt3A_317 = arith.cmpi slt, %select_n3A_310, %lt3A_316 : i32
        %ne3A_318 = arith.xori %lt3A_315, %lt3A_317 : i1
        %and3A_319 = arith.andi %ne3A_318, %ne3A_313 : i1
        %add3A_320 = arith.addi %rem3A_311, %select_n3A_310 : i32
        %select_n3A_321 = arith.select %and3A_319, %add3A_320, %rem3A_311 : i32
        %mul3A_322 = arith.constant 16 : i32
        %mul3A_323 = arith.muli %select_n3A_321, %mul3A_322 : i32
        %swap3A = arith.index_cast %select_n3A_306 : i32 to index
        %swap3A_324 = arith.index_cast %mul3A_323 : i32 to index
        %swap3A_325 = tpu.vector_load %arg15[%swap3A, %swap3A_324] {strides = array<i32>} : memref<125x128xf32, #tpu.memory_space<vmem>>, vector<1x16xf32>,
        %swap3A_326 = vector.shape_cast %swap3A_325 : vector<1x16xf32> to vector<16xf32>
        %swap3A_327 = vector.shape_cast %add3A_282 : vector<16xf32> to vector<1x16xf32>
        tpu.vector_store %arg15[%swap3A, %swap3A_324], %swap3A_327 {strides = array<i32>} : memref<125x128xf32, #tpu.memory_space<vmem>>, vector<1x16xf32>,
        %scan3A_328 = arith.constant 1 : i32
        %scan3A_329 = arith.addi %scan3A_274, %scan3A_328 : i32
        %get3A_330 = arith.index_cast %scan3A_329 : i32 to index
        %get3A_331 = arith.constant 0 : index
        %get3A_332 = tpu.vector_load %arg11[%get3A_330, %get3A_331] {strides = array<i32>} : memref<1000x16xf32, #tpu.memory_space<vmem>>, vector<1x16xf32>,
        %get3A_333 = vector.shape_cast %get3A_332 : vector<1x16xf32> to vector<16xf32>
        %get3A_334 = arith.index_cast %scan3A_329 : i32 to index
        %get3A_335 = arith.constant 0 : index
        %get3A_336 = tpu.vector_load %arg13[%get3A_334, %get3A_335] {strides = array<i32>} : memref<1000x16xf32, #tpu.memory_space<vmem>>, vector<1x16xf32>,
        %get3A_337 = vector.shape_cast %get3A_336 : vector<1x16xf32> to vector<16xf32>
        %add3A_338 = arith.addf %get3A_333, %get3A_337 : vector<16xf32>
        %jit3A_339 = arith.constant 8 : i32
        %div3A_340 = arith.divsi %scan3A_329, %jit3A_339 : i32
        %sign3A_341 = arith.constant 0 : i32
        %sign3A_342 = arith.cmpi sgt, %scan3A_329, %sign3A_341 : i32
        %sign3A_343 = arith.extui %sign3A_342 : i1 to i32
        %sign3A_344 = arith.constant 0 : i32
        %sign3A_345 = arith.cmpi slt, %scan3A_329, %sign3A_344 : i32
        %sign3A_346 = arith.extui %sign3A_345 : i1 to i32
        %sign3A_347 = arith.subi %sign3A_343, %sign3A_346 : i32
        %sign3A_348 = arith.constant 0 : i32
        %sign3A_349 = arith.cmpi sgt, %jit3A_339, %sign3A_348 : i32
        %sign3A_350 = arith.extui %sign3A_349 : i1 to i32
        %sign3A_351 = arith.constant 0 : i32
        %sign3A_352 = arith.cmpi slt, %jit3A_339, %sign3A_351 : i32
        %sign3A_353 = arith.extui %sign3A_352 : i1 to i32
        %sign3A_354 = arith.subi %sign3A_350, %sign3A_353 : i32
        %ne3A_355 = arith.cmpi ne, %sign3A_347, %sign3A_354 : i32
        %rem3A_356 = arith.remsi %scan3A_329, %jit3A_339 : i32
        %ne3A_357 = arith.constant 0 : i32
        %ne3A_358 = arith.cmpi ne, %rem3A_356, %ne3A_357 : i32
        %and3A_359 = arith.andi %ne3A_355, %ne3A_358 : i1
        %sub3A_360 = arith.constant 1 : i32
        %sub3A_361 = arith.subi %div3A_340, %sub3A_360 : i32
        %select_n3A_362 = arith.select %and3A_359, %sub3A_361, %div3A_340 : i32
        %jit3A_363 = arith.constant 8 : i32
        %eq3A_364 = arith.constant 0 : i32
        %eq3A_365 = arith.cmpi eq, %jit3A_363, %eq3A_364 : i32
        %jit3A_366 = arith.constant 1 : i32
        %select_n3A_367 = arith.select %eq3A_365, %jit3A_366, %jit3A_363 : i32
        %rem3A_368 = arith.remsi %scan3A_329, %select_n3A_367 : i32
        %ne3A_369 = arith.constant 0 : i32
        %ne3A_370 = arith.cmpi ne, %rem3A_368, %ne3A_369 : i32
        %lt3A_371 = arith.constant 0 : i32
        %lt3A_372 = arith.cmpi slt, %rem3A_368, %lt3A_371 : i32
        %lt3A_373 = arith.constant 0 : i32
        %lt3A_374 = arith.cmpi slt, %select_n3A_367, %lt3A_373 : i32
        %ne3A_375 = arith.xori %lt3A_372, %lt3A_374 : i1
        %and3A_376 = arith.andi %ne3A_375, %ne3A_370 : i1
        %add3A_377 = arith.addi %rem3A_368, %select_n3A_367 : i32
        %select_n3A_378 = arith.select %and3A_376, %add3A_377, %rem3A_368 : i32
        %mul3A_379 = arith.constant 16 : i32
        %mul3A_380 = arith.muli %select_n3A_378, %mul3A_379 : i32
        %swap3A_381 = arith.index_cast %select_n3A_362 : i32 to index
        %swap3A_382 = arith.index_cast %mul3A_380 : i32 to index
        %swap3A_383 = tpu.vector_load %arg15[%swap3A_381, %swap3A_382] {strides = array<i32>} : memref<125x128xf32, #tpu.memory_space<vmem>>, vector<1x16xf32>,
        %swap3A_384 = vector.shape_cast %swap3A_383 : vector<1x16xf32> to vector<16xf32>
        %swap3A_385 = vector.shape_cast %add3A_338 : vector<16xf32> to vector<1x16xf32>
        tpu.vector_store %arg15[%swap3A_381, %swap3A_382], %swap3A_385 {strides = array<i32>} : memref<125x128xf32, #tpu.memory_space<vmem>>, vector<1x16xf32>,
        %scan3A_386 = arith.constant 2 : i32
        %scan3A_387 = arith.addi %scan3A_274, %scan3A_386 : i32
        %get3A_388 = arith.index_cast %scan3A_387 : i32 to index
        %get3A_389 = arith.constant 0 : index
        %get3A_390 = tpu.vector_load %arg11[%get3A_388, %get3A_389] {strides = array<i32>} : memref<1000x16xf32, #tpu.memory_space<vmem>>, vector<1x16xf32>,
        %get3A_391 = vector.shape_cast %get3A_390 : vector<1x16xf32> to vector<16xf32>
        %get3A_392 = arith.index_cast %scan3A_387 : i32 to index
        %get3A_393 = arith.constant 0 : index
        %get3A_394 = tpu.vector_load %arg13[%get3A_392, %get3A_393] {strides = array<i32>} : memref<1000x16xf32, #tpu.memory_space<vmem>>, vector<1x16xf32>,
        %get3A_395 = vector.shape_cast %get3A_394 : vector<1x16xf32> to vector<16xf32>
        %add3A_396 = arith.addf %get3A_391, %get3A_395 : vector<16xf32>
        %jit3A_397 = arith.constant 8 : i32
        %div3A_398 = arith.divsi %scan3A_387, %jit3A_397 : i32
        %sign3A_399 = arith.constant 0 : i32
        %sign3A_400 = arith.cmpi sgt, %scan3A_387, %sign3A_399 : i32
        %sign3A_401 = arith.extui %sign3A_400 : i1 to i32
        %sign3A_402 = arith.constant 0 : i32
        %sign3A_403 = arith.cmpi slt, %scan3A_387, %sign3A_402 : i32
        %sign3A_404 = arith.extui %sign3A_403 : i1 to i32
        %sign3A_405 = arith.subi %sign3A_401, %sign3A_404 : i32
        %sign3A_406 = arith.constant 0 : i32
        %sign3A_407 = arith.cmpi sgt, %jit3A_397, %sign3A_406 : i32
        %sign3A_408 = arith.extui %sign3A_407 : i1 to i32
        %sign3A_409 = arith.constant 0 : i32
        %sign3A_410 = arith.cmpi slt, %jit3A_397, %sign3A_409 : i32
        %sign3A_411 = arith.extui %sign3A_410 : i1 to i32
        %sign3A_412 = arith.subi %sign3A_408, %sign3A_411 : i32
        %ne3A_413 = arith.cmpi ne, %sign3A_405, %sign3A_412 : i32
        %rem3A_414 = arith.remsi %scan3A_387, %jit3A_397 : i32
        %ne3A_415 = arith.constant 0 : i32
        %ne3A_416 = arith.cmpi ne, %rem3A_414, %ne3A_415 : i32
        %and3A_417 = arith.andi %ne3A_413, %ne3A_416 : i1
        %sub3A_418 = arith.constant 1 : i32
        %sub3A_419 = arith.subi %div3A_398, %sub3A_418 : i32
        %select_n3A_420 = arith.select %and3A_417, %sub3A_419, %div3A_398 : i32
        %jit3A_421 = arith.constant 8 : i32
        %eq3A_422 = arith.constant 0 : i32
        %eq3A_423 = arith.cmpi eq, %jit3A_421, %eq3A_422 : i32
        %jit3A_424 = arith.constant 1 : i32
        %select_n3A_425 = arith.select %eq3A_423, %jit3A_424, %jit3A_421 : i32
        %rem3A_426 = arith.remsi %scan3A_387, %select_n3A_425 : i32
        %ne3A_427 = arith.constant 0 : i32
        %ne3A_428 = arith.cmpi ne, %rem3A_426, %ne3A_427 : i32
        %lt3A_429 = arith.constant 0 : i32
        %lt3A_430 = arith.cmpi slt, %rem3A_426, %lt3A_429 : i32
        %lt3A_431 = arith.constant 0 : i32
        %lt3A_432 = arith.cmpi slt, %select_n3A_425, %lt3A_431 : i32
        %ne3A_433 = arith.xori %lt3A_430, %lt3A_432 : i1
        %and3A_434 = arith.andi %ne3A_433, %ne3A_428 : i1
        %add3A_435 = arith.addi %rem3A_426, %select_n3A_425 : i32
        %select_n3A_436 = arith.select %and3A_434, %add3A_435, %rem3A_426 : i32
        %mul3A_437 = arith.constant 16 : i32
        %mul3A_438 = arith.muli %select_n3A_436, %mul3A_437 : i32
        %swap3A_439 = arith.index_cast %select_n3A_420 : i32 to index
        %swap3A_440 = arith.index_cast %mul3A_438 : i32 to index
        %swap3A_441 = tpu.vector_load %arg15[%swap3A_439, %swap3A_440] {strides = array<i32>} : memref<125x128xf32, #tpu.memory_space<vmem>>, vector<1x16xf32>,
        %swap3A_442 = vector.shape_cast %swap3A_441 : vector<1x16xf32> to vector<16xf32>
        %swap3A_443 = vector.shape_cast %add3A_396 : vector<16xf32> to vector<1x16xf32>
        tpu.vector_store %arg15[%swap3A_439, %swap3A_440], %swap3A_443 {strides = array<i32>} : memref<125x128xf32, #tpu.memory_space<vmem>>, vector<1x16xf32>,
        %scan3A_444 = arith.constant 3 : i32
        %scan3A_445 = arith.addi %scan3A_274, %scan3A_444 : i32
        %get3A_446 = arith.index_cast %scan3A_445 : i32 to index
        %get3A_447 = arith.constant 0 : index
        %get3A_448 = tpu.vector_load %arg11[%get3A_446, %get3A_447] {strides = array<i32>} : memref<1000x16xf32, #tpu.memory_space<vmem>>, vector<1x16xf32>,
        %get3A_449 = vector.shape_cast %get3A_448 : vector<1x16xf32> to vector<16xf32>
        %get3A_450 = arith.index_cast %scan3A_445 : i32 to index
        %get3A_451 = arith.constant 0 : index
        %get3A_452 = tpu.vector_load %arg13[%get3A_450, %get3A_451] {strides = array<i32>} : memref<1000x16xf32, #tpu.memory_space<vmem>>, vector<1x16xf32>,
        %get3A_453 = vector.shape_cast %get3A_452 : vector<1x16xf32> to vector<16xf32>
        %add3A_454 = arith.addf %get3A_449, %get3A_453 : vector<16xf32>
        %jit3A_455 = arith.constant 8 : i32
        %div3A_456 = arith.divsi %scan3A_445, %jit3A_455 : i32
        %sign3A_457 = arith.constant 0 : i32
        %sign3A_458 = arith.cmpi sgt, %scan3A_445, %sign3A_457 : i32
        %sign3A_459 = arith.extui %sign3A_458 : i1 to i32
        %sign3A_460 = arith.constant 0 : i32
        %sign3A_461 = arith.cmpi slt, %scan3A_445, %sign3A_460 : i32
        %sign3A_462 = arith.extui %sign3A_461 : i1 to i32
        %sign3A_463 = arith.subi %sign3A_459, %sign3A_462 : i32
        %sign3A_464 = arith.constant 0 : i32
        %sign3A_465 = arith.cmpi sgt, %jit3A_455, %sign3A_464 : i32
        %sign3A_466 = arith.extui %sign3A_465 : i1 to i32
        %sign3A_467 = arith.constant 0 : i32
        %sign3A_468 = arith.cmpi slt, %jit3A_455, %sign3A_467 : i32
        %sign3A_469 = arith.extui %sign3A_468 : i1 to i32
        %sign3A_470 = arith.subi %sign3A_466, %sign3A_469 : i32
        %ne3A_471 = arith.cmpi ne, %sign3A_463, %sign3A_470 : i32
        %rem3A_472 = arith.remsi %scan3A_445, %jit3A_455 : i32
        %ne3A_473 = arith.constant 0 : i32
        %ne3A_474 = arith.cmpi ne, %rem3A_472, %ne3A_473 : i32
        %and3A_475 = arith.andi %ne3A_471, %ne3A_474 : i1
        %sub3A_476 = arith.constant 1 : i32
        %sub3A_477 = arith.subi %div3A_456, %sub3A_476 : i32
        %select_n3A_478 = arith.select %and3A_475, %sub3A_477, %div3A_456 : i32
        %jit3A_479 = arith.constant 8 : i32
        %eq3A_480 = arith.constant 0 : i32
        %eq3A_481 = arith.cmpi eq, %jit3A_479, %eq3A_480 : i32
        %jit3A_482 = arith.constant 1 : i32
        %select_n3A_483 = arith.select %eq3A_481, %jit3A_482, %jit3A_479 : i32
        %rem3A_484 = arith.remsi %scan3A_445, %select_n3A_483 : i32
        %ne3A_485 = arith.constant 0 : i32
        %ne3A_486 = arith.cmpi ne, %rem3A_484, %ne3A_485 : i32
        %lt3A_487 = arith.constant 0 : i32
        %lt3A_488 = arith.cmpi slt, %rem3A_484, %lt3A_487 : i32
        %lt3A_489 = arith.constant 0 : i32
        %lt3A_490 = arith.cmpi slt, %select_n3A_483, %lt3A_489 : i32
        %ne3A_491 = arith.xori %lt3A_488, %lt3A_490 : i1
        %and3A_492 = arith.andi %ne3A_491, %ne3A_486 : i1
        %add3A_493 = arith.addi %rem3A_484, %select_n3A_483 : i32
        %select_n3A_494 = arith.select %and3A_492, %add3A_493, %rem3A_484 : i32
        %mul3A_495 = arith.constant 16 : i32
        %mul3A_496 = arith.muli %select_n3A_494, %mul3A_495 : i32
        %swap3A_497 = arith.index_cast %select_n3A_478 : i32 to index
        %swap3A_498 = arith.index_cast %mul3A_496 : i32 to index
        %swap3A_499 = tpu.vector_load %arg15[%swap3A_497, %swap3A_498] {strides = array<i32>} : memref<125x128xf32, #tpu.memory_space<vmem>>, vector<1x16xf32>,
        %swap3A_500 = vector.shape_cast %swap3A_499 : vector<1x16xf32> to vector<16xf32>
        %swap3A_501 = vector.shape_cast %add3A_454 : vector<16xf32> to vector<1x16xf32>
        tpu.vector_store %arg15[%swap3A_497, %swap3A_498], %swap3A_501 {strides = array<i32>} : memref<125x128xf32, #tpu.memory_space<vmem>>, vector<1x16xf32>,
        %scan3A_502 = arith.constant 4 : i32
        %scan3A_503 = arith.addi %scan3A_274, %scan3A_502 : i32
        %get3A_504 = arith.index_cast %scan3A_503 : i32 to index
        %get3A_505 = arith.constant 0 : index
        %get3A_506 = tpu.vector_load %arg11[%get3A_504, %get3A_505] {strides = array<i32>} : memref<1000x16xf32, #tpu.memory_space<vmem>>, vector<1x16xf32>,
        %get3A_507 = vector.shape_cast %get3A_506 : vector<1x16xf32> to vector<16xf32>
        %get3A_508 = arith.index_cast %scan3A_503 : i32 to index
        %get3A_509 = arith.constant 0 : index
        %get3A_510 = tpu.vector_load %arg13[%get3A_508, %get3A_509] {strides = array<i32>} : memref<1000x16xf32, #tpu.memory_space<vmem>>, vector<1x16xf32>,
        %get3A_511 = vector.shape_cast %get3A_510 : vector<1x16xf32> to vector<16xf32>
        %add3A_512 = arith.addf %get3A_507, %get3A_511 : vector<16xf32>
        %jit3A_513 = arith.constant 8 : i32
        %div3A_514 = arith.divsi %scan3A_503, %jit3A_513 : i32
        %sign3A_515 = arith.constant 0 : i32
        %sign3A_516 = arith.cmpi sgt, %scan3A_503, %sign3A_515 : i32
        %sign3A_517 = arith.extui %sign3A_516 : i1 to i32
        %sign3A_518 = arith.constant 0 : i32
        %sign3A_519 = arith.cmpi slt, %scan3A_503, %sign3A_518 : i32
        %sign3A_520 = arith.extui %sign3A_519 : i1 to i32
        %sign3A_521 = arith.subi %sign3A_517, %sign3A_520 : i32
        %sign3A_522 = arith.constant 0 : i32
        %sign3A_523 = arith.cmpi sgt, %jit3A_513, %sign3A_522 : i32
        %sign3A_524 = arith.extui %sign3A_523 : i1 to i32
        %sign3A_525 = arith.constant 0 : i32
        %sign3A_526 = arith.cmpi slt, %jit3A_513, %sign3A_525 : i32
        %sign3A_527 = arith.extui %sign3A_526 : i1 to i32
        %sign3A_528 = arith.subi %sign3A_524, %sign3A_527 : i32
        %ne3A_529 = arith.cmpi ne, %sign3A_521, %sign3A_528 : i32
        %rem3A_530 = arith.remsi %scan3A_503, %jit3A_513 : i32
        %ne3A_531 = arith.constant 0 : i32
        %ne3A_532 = arith.cmpi ne, %rem3A_530, %ne3A_531 : i32
        %and3A_533 = arith.andi %ne3A_529, %ne3A_532 : i1
        %sub3A_534 = arith.constant 1 : i32
        %sub3A_535 = arith.subi %div3A_514, %sub3A_534 : i32
        %select_n3A_536 = arith.select %and3A_533, %sub3A_535, %div3A_514 : i32
        %jit3A_537 = arith.constant 8 : i32
        %eq3A_538 = arith.constant 0 : i32
        %eq3A_539 = arith.cmpi eq, %jit3A_537, %eq3A_538 : i32
        %jit3A_540 = arith.constant 1 : i32
        %select_n3A_541 = arith.select %eq3A_539, %jit3A_540, %jit3A_537 : i32
        %rem3A_542 = arith.remsi %scan3A_503, %select_n3A_541 : i32
        %ne3A_543 = arith.constant 0 : i32
        %ne3A_544 = arith.cmpi ne, %rem3A_542, %ne3A_543 : i32
        %lt3A_545 = arith.constant 0 : i32
        %lt3A_546 = arith.cmpi slt, %rem3A_542, %lt3A_545 : i32
        %lt3A_547 = arith.constant 0 : i32
        %lt3A_548 = arith.cmpi slt, %select_n3A_541, %lt3A_547 : i32
        %ne3A_549 = arith.xori %lt3A_546, %lt3A_548 : i1
        %and3A_550 = arith.andi %ne3A_549, %ne3A_544 : i1
        %add3A_551 = arith.addi %rem3A_542, %select_n3A_541 : i32
        %select_n3A_552 = arith.select %and3A_550, %add3A_551, %rem3A_542 : i32
        %mul3A_553 = arith.constant 16 : i32
        %mul3A_554 = arith.muli %select_n3A_552, %mul3A_553 : i32
        %swap3A_555 = arith.index_cast %select_n3A_536 : i32 to index
        %swap3A_556 = arith.index_cast %mul3A_554 : i32 to index
        %swap3A_557 = tpu.vector_load %arg15[%swap3A_555, %swap3A_556] {strides = array<i32>} : memref<125x128xf32, #tpu.memory_space<vmem>>, vector<1x16xf32>,
        %swap3A_558 = vector.shape_cast %swap3A_557 : vector<1x16xf32> to vector<16xf32>
        %swap3A_559 = vector.shape_cast %add3A_512 : vector<16xf32> to vector<1x16xf32>
        tpu.vector_store %arg15[%swap3A_555, %swap3A_556], %swap3A_559 {strides = array<i32>} : memref<125x128xf32, #tpu.memory_space<vmem>>, vector<1x16xf32>,
        %scan3A_560 = arith.constant 5 : i32
        %scan3A_561 = arith.addi %scan3A_274, %scan3A_560 : i32
        %get3A_562 = arith.index_cast %scan3A_561 : i32 to index
        %get3A_563 = arith.constant 0 : index
        %get3A_564 = tpu.vector_load %arg11[%get3A_562, %get3A_563] {strides = array<i32>} : memref<1000x16xf32, #tpu.memory_space<vmem>>, vector<1x16xf32>,
        %get3A_565 = vector.shape_cast %get3A_564 : vector<1x16xf32> to vector<16xf32>
        %get3A_566 = arith.index_cast %scan3A_561 : i32 to index
        %get3A_567 = arith.constant 0 : index
        %get3A_568 = tpu.vector_load %arg13[%get3A_566, %get3A_567] {strides = array<i32>} : memref<1000x16xf32, #tpu.memory_space<vmem>>, vector<1x16xf32>,
        %get3A_569 = vector.shape_cast %get3A_568 : vector<1x16xf32> to vector<16xf32>
        %add3A_570 = arith.addf %get3A_565, %get3A_569 : vector<16xf32>
        %jit3A_571 = arith.constant 8 : i32
        %div3A_572 = arith.divsi %scan3A_561, %jit3A_571 : i32
        %sign3A_573 = arith.constant 0 : i32
        %sign3A_574 = arith.cmpi sgt, %scan3A_561, %sign3A_573 : i32
        %sign3A_575 = arith.extui %sign3A_574 : i1 to i32
        %sign3A_576 = arith.constant 0 : i32
        %sign3A_577 = arith.cmpi slt, %scan3A_561, %sign3A_576 : i32
        %sign3A_578 = arith.extui %sign3A_577 : i1 to i32
        %sign3A_579 = arith.subi %sign3A_575, %sign3A_578 : i32
        %sign3A_580 = arith.constant 0 : i32
        %sign3A_581 = arith.cmpi sgt, %jit3A_571, %sign3A_580 : i32
        %sign3A_582 = arith.extui %sign3A_581 : i1 to i32
        %sign3A_583 = arith.constant 0 : i32
        %sign3A_584 = arith.cmpi slt, %jit3A_571, %sign3A_583 : i32
        %sign3A_585 = arith.extui %sign3A_584 : i1 to i32
        %sign3A_586 = arith.subi %sign3A_582, %sign3A_585 : i32
        %ne3A_587 = arith.cmpi ne, %sign3A_579, %sign3A_586 : i32
        %rem3A_588 = arith.remsi %scan3A_561, %jit3A_571 : i32
        %ne3A_589 = arith.constant 0 : i32
        %ne3A_590 = arith.cmpi ne, %rem3A_588, %ne3A_589 : i32
        %and3A_591 = arith.andi %ne3A_587, %ne3A_590 : i1
        %sub3A_592 = arith.constant 1 : i32
        %sub3A_593 = arith.subi %div3A_572, %sub3A_592 : i32
        %select_n3A_594 = arith.select %and3A_591, %sub3A_593, %div3A_572 : i32
        %jit3A_595 = arith.constant 8 : i32
        %eq3A_596 = arith.constant 0 : i32
        %eq3A_597 = arith.cmpi eq, %jit3A_595, %eq3A_596 : i32
        %jit3A_598 = arith.constant 1 : i32
        %select_n3A_599 = arith.select %eq3A_597, %jit3A_598, %jit3A_595 : i32
        %rem3A_600 = arith.remsi %scan3A_561, %select_n3A_599 : i32
        %ne3A_601 = arith.constant 0 : i32
        %ne3A_602 = arith.cmpi ne, %rem3A_600, %ne3A_601 : i32
        %lt3A_603 = arith.constant 0 : i32
        %lt3A_604 = arith.cmpi slt, %rem3A_600, %lt3A_603 : i32
        %lt3A_605 = arith.constant 0 : i32
        %lt3A_606 = arith.cmpi slt, %select_n3A_599, %lt3A_605 : i32
        %ne3A_607 = arith.xori %lt3A_604, %lt3A_606 : i1
        %and3A_608 = arith.andi %ne3A_607, %ne3A_602 : i1
        %add3A_609 = arith.addi %rem3A_600, %select_n3A_599 : i32
        %select_n3A_610 = arith.select %and3A_608, %add3A_609, %rem3A_600 : i32
        %mul3A_611 = arith.constant 16 : i32
        %mul3A_612 = arith.muli %select_n3A_610, %mul3A_611 : i32
        %swap3A_613 = arith.index_cast %select_n3A_594 : i32 to index
        %swap3A_614 = arith.index_cast %mul3A_612 : i32 to index
        %swap3A_615 = tpu.vector_load %arg15[%swap3A_613, %swap3A_614] {strides = array<i32>} : memref<125x128xf32, #tpu.memory_space<vmem>>, vector<1x16xf32>,
        %swap3A_616 = vector.shape_cast %swap3A_615 : vector<1x16xf32> to vector<16xf32>
        %swap3A_617 = vector.shape_cast %add3A_570 : vector<16xf32> to vector<1x16xf32>
        tpu.vector_store %arg15[%swap3A_613, %swap3A_614], %swap3A_617 {strides = array<i32>} : memref<125x128xf32, #tpu.memory_space<vmem>>, vector<1x16xf32>,
        %scan3A_618 = arith.constant 6 : i32
        %scan3A_619 = arith.addi %scan3A_274, %scan3A_618 : i32
        %get3A_620 = arith.index_cast %scan3A_619 : i32 to index
        %get3A_621 = arith.constant 0 : index
        %get3A_622 = tpu.vector_load %arg11[%get3A_620, %get3A_621] {strides = array<i32>} : memref<1000x16xf32, #tpu.memory_space<vmem>>, vector<1x16xf32>,
        %get3A_623 = vector.shape_cast %get3A_622 : vector<1x16xf32> to vector<16xf32>
        %get3A_624 = arith.index_cast %scan3A_619 : i32 to index
        %get3A_625 = arith.constant 0 : index
        %get3A_626 = tpu.vector_load %arg13[%get3A_624, %get3A_625] {strides = array<i32>} : memref<1000x16xf32, #tpu.memory_space<vmem>>, vector<1x16xf32>,
        %get3A_627 = vector.shape_cast %get3A_626 : vector<1x16xf32> to vector<16xf32>
        %add3A_628 = arith.addf %get3A_623, %get3A_627 : vector<16xf32>
        %jit3A_629 = arith.constant 8 : i32
        %div3A_630 = arith.divsi %scan3A_619, %jit3A_629 : i32
        %sign3A_631 = arith.constant 0 : i32
        %sign3A_632 = arith.cmpi sgt, %scan3A_619, %sign3A_631 : i32
        %sign3A_633 = arith.extui %sign3A_632 : i1 to i32
        %sign3A_634 = arith.constant 0 : i32
        %sign3A_635 = arith.cmpi slt, %scan3A_619, %sign3A_634 : i32
        %sign3A_636 = arith.extui %sign3A_635 : i1 to i32
        %sign3A_637 = arith.subi %sign3A_633, %sign3A_636 : i32
        %sign3A_638 = arith.constant 0 : i32
        %sign3A_639 = arith.cmpi sgt, %jit3A_629, %sign3A_638 : i32
        %sign3A_640 = arith.extui %sign3A_639 : i1 to i32
        %sign3A_641 = arith.constant 0 : i32
        %sign3A_642 = arith.cmpi slt, %jit3A_629, %sign3A_641 : i32
        %sign3A_643 = arith.extui %sign3A_642 : i1 to i32
        %sign3A_644 = arith.subi %sign3A_640, %sign3A_643 : i32
        %ne3A_645 = arith.cmpi ne, %sign3A_637, %sign3A_644 : i32
        %rem3A_646 = arith.remsi %scan3A_619, %jit3A_629 : i32
        %ne3A_647 = arith.constant 0 : i32
        %ne3A_648 = arith.cmpi ne, %rem3A_646, %ne3A_647 : i32
        %and3A_649 = arith.andi %ne3A_645, %ne3A_648 : i1
        %sub3A_650 = arith.constant 1 : i32
        %sub3A_651 = arith.subi %div3A_630, %sub3A_650 : i32
        %select_n3A_652 = arith.select %and3A_649, %sub3A_651, %div3A_630 : i32
        %jit3A_653 = arith.constant 8 : i32
        %eq3A_654 = arith.constant 0 : i32
        %eq3A_655 = arith.cmpi eq, %jit3A_653, %eq3A_654 : i32
        %jit3A_656 = arith.constant 1 : i32
        %select_n3A_657 = arith.select %eq3A_655, %jit3A_656, %jit3A_653 : i32
        %rem3A_658 = arith.remsi %scan3A_619, %select_n3A_657 : i32
        %ne3A_659 = arith.constant 0 : i32
        %ne3A_660 = arith.cmpi ne, %rem3A_658, %ne3A_659 : i32
        %lt3A_661 = arith.constant 0 : i32
        %lt3A_662 = arith.cmpi slt, %rem3A_658, %lt3A_661 : i32
        %lt3A_663 = arith.constant 0 : i32
        %lt3A_664 = arith.cmpi slt, %select_n3A_657, %lt3A_663 : i32
        %ne3A_665 = arith.xori %lt3A_662, %lt3A_664 : i1
        %and3A_666 = arith.andi %ne3A_665, %ne3A_660 : i1
        %add3A_667 = arith.addi %rem3A_658, %select_n3A_657 : i32
        %select_n3A_668 = arith.select %and3A_666, %add3A_667, %rem3A_658 : i32
        %mul3A_669 = arith.constant 16 : i32
        %mul3A_670 = arith.muli %select_n3A_668, %mul3A_669 : i32
        %swap3A_671 = arith.index_cast %select_n3A_652 : i32 to index
        %swap3A_672 = arith.index_cast %mul3A_670 : i32 to index
        %swap3A_673 = tpu.vector_load %arg15[%swap3A_671, %swap3A_672] {strides = array<i32>} : memref<125x128xf32, #tpu.memory_space<vmem>>, vector<1x16xf32>,
        %swap3A_674 = vector.shape_cast %swap3A_673 : vector<1x16xf32> to vector<16xf32>
        %swap3A_675 = vector.shape_cast %add3A_628 : vector<16xf32> to vector<1x16xf32>
        tpu.vector_store %arg15[%swap3A_671, %swap3A_672], %swap3A_675 {strides = array<i32>} : memref<125x128xf32, #tpu.memory_space<vmem>>, vector<1x16xf32>,
        %scan3A_676 = arith.constant 7 : i32
        %scan3A_677 = arith.addi %scan3A_274, %scan3A_676 : i32
        %get3A_678 = arith.index_cast %scan3A_677 : i32 to index
        %get3A_679 = arith.constant 0 : index
        %get3A_680 = tpu.vector_load %arg11[%get3A_678, %get3A_679] {strides = array<i32>} : memref<1000x16xf32, #tpu.memory_space<vmem>>, vector<1x16xf32>,
        %get3A_681 = vector.shape_cast %get3A_680 : vector<1x16xf32> to vector<16xf32>
        %get3A_682 = arith.index_cast %scan3A_677 : i32 to index
        %get3A_683 = arith.constant 0 : index
        %get3A_684 = tpu.vector_load %arg13[%get3A_682, %get3A_683] {strides = array<i32>} : memref<1000x16xf32, #tpu.memory_space<vmem>>, vector<1x16xf32>,
        %get3A_685 = vector.shape_cast %get3A_684 : vector<1x16xf32> to vector<16xf32>
        %add3A_686 = arith.addf %get3A_681, %get3A_685 : vector<16xf32>
        %jit3A_687 = arith.constant 8 : i32
        %div3A_688 = arith.divsi %scan3A_677, %jit3A_687 : i32
        %sign3A_689 = arith.constant 0 : i32
        %sign3A_690 = arith.cmpi sgt, %scan3A_677, %sign3A_689 : i32
        %sign3A_691 = arith.extui %sign3A_690 : i1 to i32
        %sign3A_692 = arith.constant 0 : i32
        %sign3A_693 = arith.cmpi slt, %scan3A_677, %sign3A_692 : i32
        %sign3A_694 = arith.extui %sign3A_693 : i1 to i32
        %sign3A_695 = arith.subi %sign3A_691, %sign3A_694 : i32
        %sign3A_696 = arith.constant 0 : i32
        %sign3A_697 = arith.cmpi sgt, %jit3A_687, %sign3A_696 : i32
        %sign3A_698 = arith.extui %sign3A_697 : i1 to i32
        %sign3A_699 = arith.constant 0 : i32
        %sign3A_700 = arith.cmpi slt, %jit3A_687, %sign3A_699 : i32
        %sign3A_701 = arith.extui %sign3A_700 : i1 to i32
        %sign3A_702 = arith.subi %sign3A_698, %sign3A_701 : i32
        %ne3A_703 = arith.cmpi ne, %sign3A_695, %sign3A_702 : i32
        %rem3A_704 = arith.remsi %scan3A_677, %jit3A_687 : i32
        %ne3A_705 = arith.constant 0 : i32
        %ne3A_706 = arith.cmpi ne, %rem3A_704, %ne3A_705 : i32
        %and3A_707 = arith.andi %ne3A_703, %ne3A_706 : i1
        %sub3A_708 = arith.constant 1 : i32
        %sub3A_709 = arith.subi %div3A_688, %sub3A_708 : i32
        %select_n3A_710 = arith.select %and3A_707, %sub3A_709, %div3A_688 : i32
        %jit3A_711 = arith.constant 8 : i32
        %eq3A_712 = arith.constant 0 : i32
        %eq3A_713 = arith.cmpi eq, %jit3A_711, %eq3A_712 : i32
        %jit3A_714 = arith.constant 1 : i32
        %select_n3A_715 = arith.select %eq3A_713, %jit3A_714, %jit3A_711 : i32
        %rem3A_716 = arith.remsi %scan3A_677, %select_n3A_715 : i32
        %ne3A_717 = arith.constant 0 : i32
        %ne3A_718 = arith.cmpi ne, %rem3A_716, %ne3A_717 : i32
        %lt3A_719 = arith.constant 0 : i32
        %lt3A_720 = arith.cmpi slt, %rem3A_716, %lt3A_719 : i32
        %lt3A_721 = arith.constant 0 : i32
        %lt3A_722 = arith.cmpi slt, %select_n3A_715, %lt3A_721 : i32
        %ne3A_723 = arith.xori %lt3A_720, %lt3A_722 : i1
        %and3A_724 = arith.andi %ne3A_723, %ne3A_718 : i1
        %add3A_725 = arith.addi %rem3A_716, %select_n3A_715 : i32
        %select_n3A_726 = arith.select %and3A_724, %add3A_725, %rem3A_716 : i32
        %mul3A_727 = arith.constant 16 : i32
        %mul3A_728 = arith.muli %select_n3A_726, %mul3A_727 : i32
        %swap3A_729 = arith.index_cast %select_n3A_710 : i32 to index
        %swap3A_730 = arith.index_cast %mul3A_728 : i32 to index
        %swap3A_731 = tpu.vector_load %arg15[%swap3A_729, %swap3A_730] {strides = array<i32>} : memref<125x128xf32, #tpu.memory_space<vmem>>, vector<1x16xf32>,
        %swap3A_732 = vector.shape_cast %swap3A_731 : vector<1x16xf32> to vector<16xf32>
        %swap3A_733 = vector.shape_cast %add3A_686 : vector<16xf32> to vector<1x16xf32>
        tpu.vector_store %arg15[%swap3A_729, %swap3A_730], %swap3A_733 {strides = array<i32>} : memref<125x128xf32, #tpu.memory_space<vmem>>, vector<1x16xf32>,
      }
      %scan3A_242 = arith.constant 1000 : i32
      %mul3A_243 = arith.constant 1000 : i32
      %mul3A_244 = arith.muli %add3A_211, %mul3A_243 : i32
      %add3A_245 = arith.addi %mul3A_2, %mul3A_244 : i32
      %jit3A_246 = arith.constant 8 : i32
      %div3A_247 = arith.divsi %add3A_245, %jit3A_246 : i32
      %sign3A_248 = arith.constant 0 : i32
      %sign3A_249 = arith.cmpi sgt, %add3A_245, %sign3A_248 : i32
      %sign3A_250 = arith.extui %sign3A_249 : i1 to i32
      %sign3A_251 = arith.constant 0 : i32
      %sign3A_252 = arith.cmpi slt, %add3A_245, %sign3A_251 : i32
      %sign3A_253 = arith.extui %sign3A_252 : i1 to i32
      %sign3A_254 = arith.subi %sign3A_250, %sign3A_253 : i32
      %sign3A_255 = arith.constant 0 : i32
      %sign3A_256 = arith.cmpi sgt, %jit3A_246, %sign3A_255 : i32
      %sign3A_257 = arith.extui %sign3A_256 : i1 to i32
      %sign3A_258 = arith.constant 0 : i32
      %sign3A_259 = arith.cmpi slt, %jit3A_246, %sign3A_258 : i32
      %sign3A_260 = arith.extui %sign3A_259 : i1 to i32
      %sign3A_261 = arith.subi %sign3A_257, %sign3A_260 : i32
      %ne3A_262 = arith.cmpi ne, %sign3A_254, %sign3A_261 : i32
      %rem3A_263 = arith.remsi %add3A_245, %jit3A_246 : i32
      %ne3A_264 = arith.constant 0 : i32
      %ne3A_265 = arith.cmpi ne, %rem3A_263, %ne3A_264 : i32
      %and3A_266 = arith.andi %ne3A_262, %ne3A_265 : i1
      %sub3A_267 = arith.constant 1 : i32
      %sub3A_268 = arith.subi %div3A_247, %sub3A_267 : i32
      %select_n3A_269 = arith.select %and3A_266, %sub3A_268, %div3A_247 : i32
      %dma_start3A_270 = arith.constant 0 : i32
      %dma_start3A_271 = tpu.memref_slice %arg5[%select_n3A_269, %dma_start3A_270] : memref<100000x128xf32, #tpu.memory_space<hbm>> -> memref<125x128xf32, #tpu.memory_space<hbm>>
      %dma_start3A_272 = arith.constant 0 : i32
      %dma_start3A_273 = tpu.memref_slice %arg5[%select_n3A_269, %dma_start3A_272] : memref<100000x128xf32, #tpu.memory_space<hbm>> -> memref<125x128xf32, #tpu.memory_space<hbm>>
      tpu.enqueue_dma source(%arg15 : memref<125x128xf32, #tpu.memory_space<vmem>>) target(%dma_start3A_273 : memref<125x128xf32, #tpu.memory_space<hbm>>) target_semaphore(%arg21 : memref<!tpu.dma_semaphore, #tpu.memory_space<semaphore_mem>>)
    }
    %scan3A_29 = arith.constant 12 : i32
    %dma_wait3A = arith.constant 0 : i32
    %dma_wait3A_30 = arith.constant 0 : i32
    %dma_wait3A_31 = tpu.memref_slice %arg2[%dma_wait3A, %dma_wait3A_30] : memref<100000x16xf32, #tpu.memory_space<hbm>> -> memref<100000x16xf32, #tpu.memory_space<hbm>>
    tpu.wait_indirect_dma semaphore(%arg16 : memref<!tpu.dma_semaphore, #tpu.memory_space<semaphore_mem>>) src(%dma_wait3A_31 : memref<100000x16xf32, #tpu.memory_space<hbm>>) dst(%arg10 : memref<1000x16xf32, #tpu.memory_space<vmem>>)
    %dma_wait3A_32 = arith.constant 0 : i32
    %dma_wait3A_33 = arith.constant 0 : i32
    %dma_wait3A_34 = tpu.memref_slice %arg3[%dma_wait3A_32, %dma_wait3A_33] : memref<50000x16xf32, #tpu.memory_space<hbm>> -> memref<50000x16xf32, #tpu.memory_space<hbm>>
    tpu.wait_indirect_dma semaphore(%arg16 : memref<!tpu.dma_semaphore, #tpu.memory_space<semaphore_mem>>) src(%dma_wait3A_34 : memref<50000x16xf32, #tpu.memory_space<hbm>>) dst(%arg12 : memref<1000x16xf32, #tpu.memory_space<vmem>>)
    %jit3A = arith.constant 8 : i32
    %div3A = arith.divsi %mul3A_2, %jit3A : i32
    %sign3A = arith.constant 0 : i32
    %sign3A_35 = arith.cmpi sgt, %mul3A_2, %sign3A : i32
    %sign3A_36 = arith.extui %sign3A_35 : i1 to i32
    %sign3A_37 = arith.constant 0 : i32
    %sign3A_38 = arith.cmpi slt, %mul3A_2, %sign3A_37 : i32
    %sign3A_39 = arith.extui %sign3A_38 : i1 to i32
    %sign3A_40 = arith.subi %sign3A_36, %sign3A_39 : i32
    %sign3A_41 = arith.constant 0 : i32
    %sign3A_42 = arith.cmpi sgt, %jit3A, %sign3A_41 : i32
    %sign3A_43 = arith.extui %sign3A_42 : i1 to i32
    %sign3A_44 = arith.constant 0 : i32
    %sign3A_45 = arith.cmpi slt, %jit3A, %sign3A_44 : i32
    %sign3A_46 = arith.extui %sign3A_45 : i1 to i32
    %sign3A_47 = arith.subi %sign3A_43, %sign3A_46 : i32
    %ne3A = arith.cmpi ne, %sign3A_40, %sign3A_47 : i32
    %rem3A = arith.remsi %mul3A_2, %jit3A : i32
    %ne3A_48 = arith.constant 0 : i32
    %ne3A_49 = arith.cmpi ne, %rem3A, %ne3A_48 : i32
    %and3A = arith.andi %ne3A, %ne3A_49 : i1
    %sub3A = arith.constant 1 : i32
    %sub3A_50 = arith.subi %div3A, %sub3A : i32
    %select_n3A = arith.select %and3A, %sub3A_50, %div3A : i32
    %dma_wait3A_51 = arith.constant 0 : i32
    %dma_wait3A_52 = tpu.memref_slice %arg5[%select_n3A, %dma_wait3A_51] : memref<100000x128xf32, #tpu.memory_space<hbm>> -> memref<125x128xf32, #tpu.memory_space<hbm>>
    %dma_wait3A_53 = arith.constant 0 : i32
    %dma_wait3A_54 = tpu.memref_slice %arg5[%select_n3A, %dma_wait3A_53] : memref<100000x128xf32, #tpu.memory_space<hbm>> -> memref<125x128xf32, #tpu.memory_space<hbm>>
    tpu.wait_dma2 semaphore(%arg20 : memref<!tpu.dma_semaphore, #tpu.memory_space<semaphore_mem>>) src(%arg14 : memref<125x128xf32, #tpu.memory_space<vmem>>) dst(%dma_wait3A_54 : memref<125x128xf32, #tpu.memory_space<hbm>>)
    %scan3A_55 = arith.constant 0 : i32
    %scan3A_56 = arith.constant 0 : i32
    %scan3A_57 = arith.constant 1000 : i32
    %scan3A_58 = arith.addi %scan3A_56, %scan3A_57 : i32
    %scan3A_59 = arith.constant 8 : i32
    scf.for %scan3A_147 = %scan3A_56 to %scan3A_58 step %scan3A_59  : i32 {
      %get3A = arith.index_cast %scan3A_147 : i32 to index
      %get3A_148 = arith.constant 0 : index
      %get3A_149 = tpu.vector_load %arg10[%get3A, %get3A_148] {strides = array<i32>} : memref<1000x16xf32, #tpu.memory_space<vmem>>, vector<1x16xf32>,
      %get3A_150 = vector.shape_cast %get3A_149 : vector<1x16xf32> to vector<16xf32>
      %get3A_151 = arith.index_cast %scan3A_147 : i32 to index
      %get3A_152 = arith.constant 0 : index
      %get3A_153 = tpu.vector_load %arg12[%get3A_151, %get3A_152] {strides = array<i32>} : memref<1000x16xf32, #tpu.memory_space<vmem>>, vector<1x16xf32>,
      %get3A_154 = vector.shape_cast %get3A_153 : vector<1x16xf32> to vector<16xf32>
      %add3A_155 = arith.addf %get3A_150, %get3A_154 : vector<16xf32>
      %jit3A_156 = arith.constant 8 : i32
      %div3A_157 = arith.divsi %scan3A_147, %jit3A_156 : i32
      %sign3A_158 = arith.constant 0 : i32
      %sign3A_159 = arith.cmpi sgt, %scan3A_147, %sign3A_158 : i32
      %sign3A_160 = arith.extui %sign3A_159 : i1 to i32
      %sign3A_161 = arith.constant 0 : i32
      %sign3A_162 = arith.cmpi slt, %scan3A_147, %sign3A_161 : i32
      %sign3A_163 = arith.extui %sign3A_162 : i1 to i32
      %sign3A_164 = arith.subi %sign3A_160, %sign3A_163 : i32
      %sign3A_165 = arith.constant 0 : i32
      %sign3A_166 = arith.cmpi sgt, %jit3A_156, %sign3A_165 : i32
      %sign3A_167 = arith.extui %sign3A_166 : i1 to i32
      %sign3A_168 = arith.constant 0 : i32
      %sign3A_169 = arith.cmpi slt, %jit3A_156, %sign3A_168 : i32
      %sign3A_170 = arith.extui %sign3A_169 : i1 to i32
      %sign3A_171 = arith.subi %sign3A_167, %sign3A_170 : i32
      %ne3A_172 = arith.cmpi ne, %sign3A_164, %sign3A_171 : i32
      %rem3A_173 = arith.remsi %scan3A_147, %jit3A_156 : i32
      %ne3A_174 = arith.constant 0 : i32
      %ne3A_175 = arith.cmpi ne, %rem3A_173, %ne3A_174 : i32
      %and3A_176 = arith.andi %ne3A_172, %ne3A_175 : i1
      %sub3A_177 = arith.constant 1 : i32
      %sub3A_178 = arith.subi %div3A_157, %sub3A_177 : i32
      %select_n3A_179 = arith.select %and3A_176, %sub3A_178, %div3A_157 : i32
      %jit3A_180 = arith.constant 8 : i32
      %eq3A = arith.constant 0 : i32
      %eq3A_181 = arith.cmpi eq, %jit3A_180, %eq3A : i32
      %jit3A_182 = arith.constant 1 : i32
      %select_n3A_183 = arith.select %eq3A_181, %jit3A_182, %jit3A_180 : i32
      %rem3A_184 = arith.remsi %scan3A_147, %select_n3A_183 : i32
      %ne3A_185 = arith.constant 0 : i32
      %ne3A_186 = arith.cmpi ne, %rem3A_184, %ne3A_185 : i32
      %lt3A = arith.constant 0 : i32
      %lt3A_187 = arith.cmpi slt, %rem3A_184, %lt3A : i32
      %lt3A_188 = arith.constant 0 : i32
      %lt3A_189 = arith.cmpi slt, %select_n3A_183, %lt3A_188 : i32
      %ne3A_190 = arith.xori %lt3A_187, %lt3A_189 : i1
      %and3A_191 = arith.andi %ne3A_190, %ne3A_186 : i1
      %add3A_192 = arith.addi %rem3A_184, %select_n3A_183 : i32
      %select_n3A_193 = arith.select %and3A_191, %add3A_192, %rem3A_184 : i32
      %mul3A_194 = arith.constant 16 : i32
      %mul3A_195 = arith.muli %select_n3A_193, %mul3A_194 : i32
      %swap3A = arith.index_cast %select_n3A_179 : i32 to index
      %swap3A_196 = arith.index_cast %mul3A_195 : i32 to index
      %swap3A_197 = tpu.vector_load %arg14[%swap3A, %swap3A_196] {strides = array<i32>} : memref<125x128xf32, #tpu.memory_space<vmem>>, vector<1x16xf32>,
      %swap3A_198 = vector.shape_cast %swap3A_197 : vector<1x16xf32> to vector<16xf32>
      %swap3A_199 = vector.shape_cast %add3A_155 : vector<16xf32> to vector<1x16xf32>
      tpu.vector_store %arg14[%swap3A, %swap3A_196], %swap3A_199 {strides = array<i32>} : memref<125x128xf32, #tpu.memory_space<vmem>>, vector<1x16xf32>,
      %scan3A_200 = arith.constant 1 : i32
      %scan3A_201 = arith.addi %scan3A_147, %scan3A_200 : i32
      %get3A_202 = arith.index_cast %scan3A_201 : i32 to index
      %get3A_203 = arith.constant 0 : index
      %get3A_204 = tpu.vector_load %arg10[%get3A_202, %get3A_203] {strides = array<i32>} : memref<1000x16xf32, #tpu.memory_space<vmem>>, vector<1x16xf32>,
      %get3A_205 = vector.shape_cast %get3A_204 : vector<1x16xf32> to vector<16xf32>
      %get3A_206 = arith.index_cast %scan3A_201 : i32 to index
      %get3A_207 = arith.constant 0 : index
      %get3A_208 = tpu.vector_load %arg12[%get3A_206, %get3A_207] {strides = array<i32>} : memref<1000x16xf32, #tpu.memory_space<vmem>>, vector<1x16xf32>,
      %get3A_209 = vector.shape_cast %get3A_208 : vector<1x16xf32> to vector<16xf32>
      %add3A_210 = arith.addf %get3A_205, %get3A_209 : vector<16xf32>
      %jit3A_211 = arith.constant 8 : i32
      %div3A_212 = arith.divsi %scan3A_201, %jit3A_211 : i32
      %sign3A_213 = arith.constant 0 : i32
      %sign3A_214 = arith.cmpi sgt, %scan3A_201, %sign3A_213 : i32
      %sign3A_215 = arith.extui %sign3A_214 : i1 to i32
      %sign3A_216 = arith.constant 0 : i32
      %sign3A_217 = arith.cmpi slt, %scan3A_201, %sign3A_216 : i32
      %sign3A_218 = arith.extui %sign3A_217 : i1 to i32
      %sign3A_219 = arith.subi %sign3A_215, %sign3A_218 : i32
      %sign3A_220 = arith.constant 0 : i32
      %sign3A_221 = arith.cmpi sgt, %jit3A_211, %sign3A_220 : i32
      %sign3A_222 = arith.extui %sign3A_221 : i1 to i32
      %sign3A_223 = arith.constant 0 : i32
      %sign3A_224 = arith.cmpi slt, %jit3A_211, %sign3A_223 : i32
      %sign3A_225 = arith.extui %sign3A_224 : i1 to i32
      %sign3A_226 = arith.subi %sign3A_222, %sign3A_225 : i32
      %ne3A_227 = arith.cmpi ne, %sign3A_219, %sign3A_226 : i32
      %rem3A_228 = arith.remsi %scan3A_201, %jit3A_211 : i32
      %ne3A_229 = arith.constant 0 : i32
      %ne3A_230 = arith.cmpi ne, %rem3A_228, %ne3A_229 : i32
      %and3A_231 = arith.andi %ne3A_227, %ne3A_230 : i1
      %sub3A_232 = arith.constant 1 : i32
      %sub3A_233 = arith.subi %div3A_212, %sub3A_232 : i32
      %select_n3A_234 = arith.select %and3A_231, %sub3A_233, %div3A_212 : i32
      %jit3A_235 = arith.constant 8 : i32
      %eq3A_236 = arith.constant 0 : i32
      %eq3A_237 = arith.cmpi eq, %jit3A_235, %eq3A_236 : i32
      %jit3A_238 = arith.constant 1 : i32
      %select_n3A_239 = arith.select %eq3A_237, %jit3A_238, %jit3A_235 : i32
      %rem3A_240 = arith.remsi %scan3A_201, %select_n3A_239 : i32
      %ne3A_241 = arith.constant 0 : i32
      %ne3A_242 = arith.cmpi ne, %rem3A_240, %ne3A_241 : i32
      %lt3A_243 = arith.constant 0 : i32
      %lt3A_244 = arith.cmpi slt, %rem3A_240, %lt3A_243 : i32
      %lt3A_245 = arith.constant 0 : i32
      %lt3A_246 = arith.cmpi slt, %select_n3A_239, %lt3A_245 : i32
      %ne3A_247 = arith.xori %lt3A_244, %lt3A_246 : i1
      %and3A_248 = arith.andi %ne3A_247, %ne3A_242 : i1
      %add3A_249 = arith.addi %rem3A_240, %select_n3A_239 : i32
      %select_n3A_250 = arith.select %and3A_248, %add3A_249, %rem3A_240 : i32
      %mul3A_251 = arith.constant 16 : i32
      %mul3A_252 = arith.muli %select_n3A_250, %mul3A_251 : i32
      %swap3A_253 = arith.index_cast %select_n3A_234 : i32 to index
      %swap3A_254 = arith.index_cast %mul3A_252 : i32 to index
      %swap3A_255 = tpu.vector_load %arg14[%swap3A_253, %swap3A_254] {strides = array<i32>} : memref<125x128xf32, #tpu.memory_space<vmem>>, vector<1x16xf32>,
      %swap3A_256 = vector.shape_cast %swap3A_255 : vector<1x16xf32> to vector<16xf32>
      %swap3A_257 = vector.shape_cast %add3A_210 : vector<16xf32> to vector<1x16xf32>
      tpu.vector_store %arg14[%swap3A_253, %swap3A_254], %swap3A_257 {strides = array<i32>} : memref<125x128xf32, #tpu.memory_space<vmem>>, vector<1x16xf32>,
      %scan3A_258 = arith.constant 2 : i32
      %scan3A_259 = arith.addi %scan3A_147, %scan3A_258 : i32
      %get3A_260 = arith.index_cast %scan3A_259 : i32 to index
      %get3A_261 = arith.constant 0 : index
      %get3A_262 = tpu.vector_load %arg10[%get3A_260, %get3A_261] {strides = array<i32>} : memref<1000x16xf32, #tpu.memory_space<vmem>>, vector<1x16xf32>,
      %get3A_263 = vector.shape_cast %get3A_262 : vector<1x16xf32> to vector<16xf32>
      %get3A_264 = arith.index_cast %scan3A_259 : i32 to index
      %get3A_265 = arith.constant 0 : index
      %get3A_266 = tpu.vector_load %arg12[%get3A_264, %get3A_265] {strides = array<i32>} : memref<1000x16xf32, #tpu.memory_space<vmem>>, vector<1x16xf32>,
      %get3A_267 = vector.shape_cast %get3A_266 : vector<1x16xf32> to vector<16xf32>
      %add3A_268 = arith.addf %get3A_263, %get3A_267 : vector<16xf32>
      %jit3A_269 = arith.constant 8 : i32
      %div3A_270 = arith.divsi %scan3A_259, %jit3A_269 : i32
      %sign3A_271 = arith.constant 0 : i32
      %sign3A_272 = arith.cmpi sgt, %scan3A_259, %sign3A_271 : i32
      %sign3A_273 = arith.extui %sign3A_272 : i1 to i32
      %sign3A_274 = arith.constant 0 : i32
      %sign3A_275 = arith.cmpi slt, %scan3A_259, %sign3A_274 : i32
      %sign3A_276 = arith.extui %sign3A_275 : i1 to i32
      %sign3A_277 = arith.subi %sign3A_273, %sign3A_276 : i32
      %sign3A_278 = arith.constant 0 : i32
      %sign3A_279 = arith.cmpi sgt, %jit3A_269, %sign3A_278 : i32
      %sign3A_280 = arith.extui %sign3A_279 : i1 to i32
      %sign3A_281 = arith.constant 0 : i32
      %sign3A_282 = arith.cmpi slt, %jit3A_269, %sign3A_281 : i32
      %sign3A_283 = arith.extui %sign3A_282 : i1 to i32
      %sign3A_284 = arith.subi %sign3A_280, %sign3A_283 : i32
      %ne3A_285 = arith.cmpi ne, %sign3A_277, %sign3A_284 : i32
      %rem3A_286 = arith.remsi %scan3A_259, %jit3A_269 : i32
      %ne3A_287 = arith.constant 0 : i32
      %ne3A_288 = arith.cmpi ne, %rem3A_286, %ne3A_287 : i32
      %and3A_289 = arith.andi %ne3A_285, %ne3A_288 : i1
      %sub3A_290 = arith.constant 1 : i32
      %sub3A_291 = arith.subi %div3A_270, %sub3A_290 : i32
      %select_n3A_292 = arith.select %and3A_289, %sub3A_291, %div3A_270 : i32
      %jit3A_293 = arith.constant 8 : i32
      %eq3A_294 = arith.constant 0 : i32
      %eq3A_295 = arith.cmpi eq, %jit3A_293, %eq3A_294 : i32
      %jit3A_296 = arith.constant 1 : i32
      %select_n3A_297 = arith.select %eq3A_295, %jit3A_296, %jit3A_293 : i32
      %rem3A_298 = arith.remsi %scan3A_259, %select_n3A_297 : i32
      %ne3A_299 = arith.constant 0 : i32
      %ne3A_300 = arith.cmpi ne, %rem3A_298, %ne3A_299 : i32
      %lt3A_301 = arith.constant 0 : i32
      %lt3A_302 = arith.cmpi slt, %rem3A_298, %lt3A_301 : i32
      %lt3A_303 = arith.constant 0 : i32
      %lt3A_304 = arith.cmpi slt, %select_n3A_297, %lt3A_303 : i32
      %ne3A_305 = arith.xori %lt3A_302, %lt3A_304 : i1
      %and3A_306 = arith.andi %ne3A_305, %ne3A_300 : i1
      %add3A_307 = arith.addi %rem3A_298, %select_n3A_297 : i32
      %select_n3A_308 = arith.select %and3A_306, %add3A_307, %rem3A_298 : i32
      %mul3A_309 = arith.constant 16 : i32
      %mul3A_310 = arith.muli %select_n3A_308, %mul3A_309 : i32
      %swap3A_311 = arith.index_cast %select_n3A_292 : i32 to index
      %swap3A_312 = arith.index_cast %mul3A_310 : i32 to index
      %swap3A_313 = tpu.vector_load %arg14[%swap3A_311, %swap3A_312] {strides = array<i32>} : memref<125x128xf32, #tpu.memory_space<vmem>>, vector<1x16xf32>,
      %swap3A_314 = vector.shape_cast %swap3A_313 : vector<1x16xf32> to vector<16xf32>
      %swap3A_315 = vector.shape_cast %add3A_268 : vector<16xf32> to vector<1x16xf32>
      tpu.vector_store %arg14[%swap3A_311, %swap3A_312], %swap3A_315 {strides = array<i32>} : memref<125x128xf32, #tpu.memory_space<vmem>>, vector<1x16xf32>,
      %scan3A_316 = arith.constant 3 : i32
      %scan3A_317 = arith.addi %scan3A_147, %scan3A_316 : i32
      %get3A_318 = arith.index_cast %scan3A_317 : i32 to index
      %get3A_319 = arith.constant 0 : index
      %get3A_320 = tpu.vector_load %arg10[%get3A_318, %get3A_319] {strides = array<i32>} : memref<1000x16xf32, #tpu.memory_space<vmem>>, vector<1x16xf32>,
      %get3A_321 = vector.shape_cast %get3A_320 : vector<1x16xf32> to vector<16xf32>
      %get3A_322 = arith.index_cast %scan3A_317 : i32 to index
      %get3A_323 = arith.constant 0 : index
      %get3A_324 = tpu.vector_load %arg12[%get3A_322, %get3A_323] {strides = array<i32>} : memref<1000x16xf32, #tpu.memory_space<vmem>>, vector<1x16xf32>,
      %get3A_325 = vector.shape_cast %get3A_324 : vector<1x16xf32> to vector<16xf32>
      %add3A_326 = arith.addf %get3A_321, %get3A_325 : vector<16xf32>
      %jit3A_327 = arith.constant 8 : i32
      %div3A_328 = arith.divsi %scan3A_317, %jit3A_327 : i32
      %sign3A_329 = arith.constant 0 : i32
      %sign3A_330 = arith.cmpi sgt, %scan3A_317, %sign3A_329 : i32
      %sign3A_331 = arith.extui %sign3A_330 : i1 to i32
      %sign3A_332 = arith.constant 0 : i32
      %sign3A_333 = arith.cmpi slt, %scan3A_317, %sign3A_332 : i32
      %sign3A_334 = arith.extui %sign3A_333 : i1 to i32
      %sign3A_335 = arith.subi %sign3A_331, %sign3A_334 : i32
      %sign3A_336 = arith.constant 0 : i32
      %sign3A_337 = arith.cmpi sgt, %jit3A_327, %sign3A_336 : i32
      %sign3A_338 = arith.extui %sign3A_337 : i1 to i32
      %sign3A_339 = arith.constant 0 : i32
      %sign3A_340 = arith.cmpi slt, %jit3A_327, %sign3A_339 : i32
      %sign3A_341 = arith.extui %sign3A_340 : i1 to i32
      %sign3A_342 = arith.subi %sign3A_338, %sign3A_341 : i32
      %ne3A_343 = arith.cmpi ne, %sign3A_335, %sign3A_342 : i32
      %rem3A_344 = arith.remsi %scan3A_317, %jit3A_327 : i32
      %ne3A_345 = arith.constant 0 : i32
      %ne3A_346 = arith.cmpi ne, %rem3A_344, %ne3A_345 : i32
      %and3A_347 = arith.andi %ne3A_343, %ne3A_346 : i1
      %sub3A_348 = arith.constant 1 : i32
      %sub3A_349 = arith.subi %div3A_328, %sub3A_348 : i32
      %select_n3A_350 = arith.select %and3A_347, %sub3A_349, %div3A_328 : i32
      %jit3A_351 = arith.constant 8 : i32
      %eq3A_352 = arith.constant 0 : i32
      %eq3A_353 = arith.cmpi eq, %jit3A_351, %eq3A_352 : i32
      %jit3A_354 = arith.constant 1 : i32
      %select_n3A_355 = arith.select %eq3A_353, %jit3A_354, %jit3A_351 : i32
      %rem3A_356 = arith.remsi %scan3A_317, %select_n3A_355 : i32
      %ne3A_357 = arith.constant 0 : i32
      %ne3A_358 = arith.cmpi ne, %rem3A_356, %ne3A_357 : i32
      %lt3A_359 = arith.constant 0 : i32
      %lt3A_360 = arith.cmpi slt, %rem3A_356, %lt3A_359 : i32
      %lt3A_361 = arith.constant 0 : i32
      %lt3A_362 = arith.cmpi slt, %select_n3A_355, %lt3A_361 : i32
      %ne3A_363 = arith.xori %lt3A_360, %lt3A_362 : i1
      %and3A_364 = arith.andi %ne3A_363, %ne3A_358 : i1
      %add3A_365 = arith.addi %rem3A_356, %select_n3A_355 : i32
      %select_n3A_366 = arith.select %and3A_364, %add3A_365, %rem3A_356 : i32
      %mul3A_367 = arith.constant 16 : i32
      %mul3A_368 = arith.muli %select_n3A_366, %mul3A_367 : i32
      %swap3A_369 = arith.index_cast %select_n3A_350 : i32 to index
      %swap3A_370 = arith.index_cast %mul3A_368 : i32 to index
      %swap3A_371 = tpu.vector_load %arg14[%swap3A_369, %swap3A_370] {strides = array<i32>} : memref<125x128xf32, #tpu.memory_space<vmem>>, vector<1x16xf32>,
      %swap3A_372 = vector.shape_cast %swap3A_371 : vector<1x16xf32> to vector<16xf32>
      %swap3A_373 = vector.shape_cast %add3A_326 : vector<16xf32> to vector<1x16xf32>
      tpu.vector_store %arg14[%swap3A_369, %swap3A_370], %swap3A_373 {strides = array<i32>} : memref<125x128xf32, #tpu.memory_space<vmem>>, vector<1x16xf32>,
      %scan3A_374 = arith.constant 4 : i32
      %scan3A_375 = arith.addi %scan3A_147, %scan3A_374 : i32
      %get3A_376 = arith.index_cast %scan3A_375 : i32 to index
      %get3A_377 = arith.constant 0 : index
      %get3A_378 = tpu.vector_load %arg10[%get3A_376, %get3A_377] {strides = array<i32>} : memref<1000x16xf32, #tpu.memory_space<vmem>>, vector<1x16xf32>,
      %get3A_379 = vector.shape_cast %get3A_378 : vector<1x16xf32> to vector<16xf32>
      %get3A_380 = arith.index_cast %scan3A_375 : i32 to index
      %get3A_381 = arith.constant 0 : index
      %get3A_382 = tpu.vector_load %arg12[%get3A_380, %get3A_381] {strides = array<i32>} : memref<1000x16xf32, #tpu.memory_space<vmem>>, vector<1x16xf32>,
      %get3A_383 = vector.shape_cast %get3A_382 : vector<1x16xf32> to vector<16xf32>
      %add3A_384 = arith.addf %get3A_379, %get3A_383 : vector<16xf32>
      %jit3A_385 = arith.constant 8 : i32
      %div3A_386 = arith.divsi %scan3A_375, %jit3A_385 : i32
      %sign3A_387 = arith.constant 0 : i32
      %sign3A_388 = arith.cmpi sgt, %scan3A_375, %sign3A_387 : i32
      %sign3A_389 = arith.extui %sign3A_388 : i1 to i32
      %sign3A_390 = arith.constant 0 : i32
      %sign3A_391 = arith.cmpi slt, %scan3A_375, %sign3A_390 : i32
      %sign3A_392 = arith.extui %sign3A_391 : i1 to i32
      %sign3A_393 = arith.subi %sign3A_389, %sign3A_392 : i32
      %sign3A_394 = arith.constant 0 : i32
      %sign3A_395 = arith.cmpi sgt, %jit3A_385, %sign3A_394 : i32
      %sign3A_396 = arith.extui %sign3A_395 : i1 to i32
      %sign3A_397 = arith.constant 0 : i32
      %sign3A_398 = arith.cmpi slt, %jit3A_385, %sign3A_397 : i32
      %sign3A_399 = arith.extui %sign3A_398 : i1 to i32
      %sign3A_400 = arith.subi %sign3A_396, %sign3A_399 : i32
      %ne3A_401 = arith.cmpi ne, %sign3A_393, %sign3A_400 : i32
      %rem3A_402 = arith.remsi %scan3A_375, %jit3A_385 : i32
      %ne3A_403 = arith.constant 0 : i32
      %ne3A_404 = arith.cmpi ne, %rem3A_402, %ne3A_403 : i32
      %and3A_405 = arith.andi %ne3A_401, %ne3A_404 : i1
      %sub3A_406 = arith.constant 1 : i32
      %sub3A_407 = arith.subi %div3A_386, %sub3A_406 : i32
      %select_n3A_408 = arith.select %and3A_405, %sub3A_407, %div3A_386 : i32
      %jit3A_409 = arith.constant 8 : i32
      %eq3A_410 = arith.constant 0 : i32
      %eq3A_411 = arith.cmpi eq, %jit3A_409, %eq3A_410 : i32
      %jit3A_412 = arith.constant 1 : i32
      %select_n3A_413 = arith.select %eq3A_411, %jit3A_412, %jit3A_409 : i32
      %rem3A_414 = arith.remsi %scan3A_375, %select_n3A_413 : i32
      %ne3A_415 = arith.constant 0 : i32
      %ne3A_416 = arith.cmpi ne, %rem3A_414, %ne3A_415 : i32
      %lt3A_417 = arith.constant 0 : i32
      %lt3A_418 = arith.cmpi slt, %rem3A_414, %lt3A_417 : i32
      %lt3A_419 = arith.constant 0 : i32
      %lt3A_420 = arith.cmpi slt, %select_n3A_413, %lt3A_419 : i32
      %ne3A_421 = arith.xori %lt3A_418, %lt3A_420 : i1
      %and3A_422 = arith.andi %ne3A_421, %ne3A_416 : i1
      %add3A_423 = arith.addi %rem3A_414, %select_n3A_413 : i32
      %select_n3A_424 = arith.select %and3A_422, %add3A_423, %rem3A_414 : i32
      %mul3A_425 = arith.constant 16 : i32
      %mul3A_426 = arith.muli %select_n3A_424, %mul3A_425 : i32
      %swap3A_427 = arith.index_cast %select_n3A_408 : i32 to index
      %swap3A_428 = arith.index_cast %mul3A_426 : i32 to index
      %swap3A_429 = tpu.vector_load %arg14[%swap3A_427, %swap3A_428] {strides = array<i32>} : memref<125x128xf32, #tpu.memory_space<vmem>>, vector<1x16xf32>,
      %swap3A_430 = vector.shape_cast %swap3A_429 : vector<1x16xf32> to vector<16xf32>
      %swap3A_431 = vector.shape_cast %add3A_384 : vector<16xf32> to vector<1x16xf32>
      tpu.vector_store %arg14[%swap3A_427, %swap3A_428], %swap3A_431 {strides = array<i32>} : memref<125x128xf32, #tpu.memory_space<vmem>>, vector<1x16xf32>,
      %scan3A_432 = arith.constant 5 : i32
      %scan3A_433 = arith.addi %scan3A_147, %scan3A_432 : i32
      %get3A_434 = arith.index_cast %scan3A_433 : i32 to index
      %get3A_435 = arith.constant 0 : index
      %get3A_436 = tpu.vector_load %arg10[%get3A_434, %get3A_435] {strides = array<i32>} : memref<1000x16xf32, #tpu.memory_space<vmem>>, vector<1x16xf32>,
      %get3A_437 = vector.shape_cast %get3A_436 : vector<1x16xf32> to vector<16xf32>
      %get3A_438 = arith.index_cast %scan3A_433 : i32 to index
      %get3A_439 = arith.constant 0 : index
      %get3A_440 = tpu.vector_load %arg12[%get3A_438, %get3A_439] {strides = array<i32>} : memref<1000x16xf32, #tpu.memory_space<vmem>>, vector<1x16xf32>,
      %get3A_441 = vector.shape_cast %get3A_440 : vector<1x16xf32> to vector<16xf32>
      %add3A_442 = arith.addf %get3A_437, %get3A_441 : vector<16xf32>
      %jit3A_443 = arith.constant 8 : i32
      %div3A_444 = arith.divsi %scan3A_433, %jit3A_443 : i32
      %sign3A_445 = arith.constant 0 : i32
      %sign3A_446 = arith.cmpi sgt, %scan3A_433, %sign3A_445 : i32
      %sign3A_447 = arith.extui %sign3A_446 : i1 to i32
      %sign3A_448 = arith.constant 0 : i32
      %sign3A_449 = arith.cmpi slt, %scan3A_433, %sign3A_448 : i32
      %sign3A_450 = arith.extui %sign3A_449 : i1 to i32
      %sign3A_451 = arith.subi %sign3A_447, %sign3A_450 : i32
      %sign3A_452 = arith.constant 0 : i32
      %sign3A_453 = arith.cmpi sgt, %jit3A_443, %sign3A_452 : i32
      %sign3A_454 = arith.extui %sign3A_453 : i1 to i32
      %sign3A_455 = arith.constant 0 : i32
      %sign3A_456 = arith.cmpi slt, %jit3A_443, %sign3A_455 : i32
      %sign3A_457 = arith.extui %sign3A_456 : i1 to i32
      %sign3A_458 = arith.subi %sign3A_454, %sign3A_457 : i32
      %ne3A_459 = arith.cmpi ne, %sign3A_451, %sign3A_458 : i32
      %rem3A_460 = arith.remsi %scan3A_433, %jit3A_443 : i32
      %ne3A_461 = arith.constant 0 : i32
      %ne3A_462 = arith.cmpi ne, %rem3A_460, %ne3A_461 : i32
      %and3A_463 = arith.andi %ne3A_459, %ne3A_462 : i1
      %sub3A_464 = arith.constant 1 : i32
      %sub3A_465 = arith.subi %div3A_444, %sub3A_464 : i32
      %select_n3A_466 = arith.select %and3A_463, %sub3A_465, %div3A_444 : i32
      %jit3A_467 = arith.constant 8 : i32
      %eq3A_468 = arith.constant 0 : i32
      %eq3A_469 = arith.cmpi eq, %jit3A_467, %eq3A_468 : i32
      %jit3A_470 = arith.constant 1 : i32
      %select_n3A_471 = arith.select %eq3A_469, %jit3A_470, %jit3A_467 : i32
      %rem3A_472 = arith.remsi %scan3A_433, %select_n3A_471 : i32
      %ne3A_473 = arith.constant 0 : i32
      %ne3A_474 = arith.cmpi ne, %rem3A_472, %ne3A_473 : i32
      %lt3A_475 = arith.constant 0 : i32
      %lt3A_476 = arith.cmpi slt, %rem3A_472, %lt3A_475 : i32
      %lt3A_477 = arith.constant 0 : i32
      %lt3A_478 = arith.cmpi slt, %select_n3A_471, %lt3A_477 : i32
      %ne3A_479 = arith.xori %lt3A_476, %lt3A_478 : i1
      %and3A_480 = arith.andi %ne3A_479, %ne3A_474 : i1
      %add3A_481 = arith.addi %rem3A_472, %select_n3A_471 : i32
      %select_n3A_482 = arith.select %and3A_480, %add3A_481, %rem3A_472 : i32
      %mul3A_483 = arith.constant 16 : i32
      %mul3A_484 = arith.muli %select_n3A_482, %mul3A_483 : i32
      %swap3A_485 = arith.index_cast %select_n3A_466 : i32 to index
      %swap3A_486 = arith.index_cast %mul3A_484 : i32 to index
      %swap3A_487 = tpu.vector_load %arg14[%swap3A_485, %swap3A_486] {strides = array<i32>} : memref<125x128xf32, #tpu.memory_space<vmem>>, vector<1x16xf32>,
      %swap3A_488 = vector.shape_cast %swap3A_487 : vector<1x16xf32> to vector<16xf32>
      %swap3A_489 = vector.shape_cast %add3A_442 : vector<16xf32> to vector<1x16xf32>
      tpu.vector_store %arg14[%swap3A_485, %swap3A_486], %swap3A_489 {strides = array<i32>} : memref<125x128xf32, #tpu.memory_space<vmem>>, vector<1x16xf32>,
      %scan3A_490 = arith.constant 6 : i32
      %scan3A_491 = arith.addi %scan3A_147, %scan3A_490 : i32
      %get3A_492 = arith.index_cast %scan3A_491 : i32 to index
      %get3A_493 = arith.constant 0 : index
      %get3A_494 = tpu.vector_load %arg10[%get3A_492, %get3A_493] {strides = array<i32>} : memref<1000x16xf32, #tpu.memory_space<vmem>>, vector<1x16xf32>,
      %get3A_495 = vector.shape_cast %get3A_494 : vector<1x16xf32> to vector<16xf32>
      %get3A_496 = arith.index_cast %scan3A_491 : i32 to index
      %get3A_497 = arith.constant 0 : index
      %get3A_498 = tpu.vector_load %arg12[%get3A_496, %get3A_497] {strides = array<i32>} : memref<1000x16xf32, #tpu.memory_space<vmem>>, vector<1x16xf32>,
      %get3A_499 = vector.shape_cast %get3A_498 : vector<1x16xf32> to vector<16xf32>
      %add3A_500 = arith.addf %get3A_495, %get3A_499 : vector<16xf32>
      %jit3A_501 = arith.constant 8 : i32
      %div3A_502 = arith.divsi %scan3A_491, %jit3A_501 : i32
      %sign3A_503 = arith.constant 0 : i32
      %sign3A_504 = arith.cmpi sgt, %scan3A_491, %sign3A_503 : i32
      %sign3A_505 = arith.extui %sign3A_504 : i1 to i32
      %sign3A_506 = arith.constant 0 : i32
      %sign3A_507 = arith.cmpi slt, %scan3A_491, %sign3A_506 : i32
      %sign3A_508 = arith.extui %sign3A_507 : i1 to i32
      %sign3A_509 = arith.subi %sign3A_505, %sign3A_508 : i32
      %sign3A_510 = arith.constant 0 : i32
      %sign3A_511 = arith.cmpi sgt, %jit3A_501, %sign3A_510 : i32
      %sign3A_512 = arith.extui %sign3A_511 : i1 to i32
      %sign3A_513 = arith.constant 0 : i32
      %sign3A_514 = arith.cmpi slt, %jit3A_501, %sign3A_513 : i32
      %sign3A_515 = arith.extui %sign3A_514 : i1 to i32
      %sign3A_516 = arith.subi %sign3A_512, %sign3A_515 : i32
      %ne3A_517 = arith.cmpi ne, %sign3A_509, %sign3A_516 : i32
      %rem3A_518 = arith.remsi %scan3A_491, %jit3A_501 : i32
      %ne3A_519 = arith.constant 0 : i32
      %ne3A_520 = arith.cmpi ne, %rem3A_518, %ne3A_519 : i32
      %and3A_521 = arith.andi %ne3A_517, %ne3A_520 : i1
      %sub3A_522 = arith.constant 1 : i32
      %sub3A_523 = arith.subi %div3A_502, %sub3A_522 : i32
      %select_n3A_524 = arith.select %and3A_521, %sub3A_523, %div3A_502 : i32
      %jit3A_525 = arith.constant 8 : i32
      %eq3A_526 = arith.constant 0 : i32
      %eq3A_527 = arith.cmpi eq, %jit3A_525, %eq3A_526 : i32
      %jit3A_528 = arith.constant 1 : i32
      %select_n3A_529 = arith.select %eq3A_527, %jit3A_528, %jit3A_525 : i32
      %rem3A_530 = arith.remsi %scan3A_491, %select_n3A_529 : i32
      %ne3A_531 = arith.constant 0 : i32
      %ne3A_532 = arith.cmpi ne, %rem3A_530, %ne3A_531 : i32
      %lt3A_533 = arith.constant 0 : i32
      %lt3A_534 = arith.cmpi slt, %rem3A_530, %lt3A_533 : i32
      %lt3A_535 = arith.constant 0 : i32
      %lt3A_536 = arith.cmpi slt, %select_n3A_529, %lt3A_535 : i32
      %ne3A_537 = arith.xori %lt3A_534, %lt3A_536 : i1
      %and3A_538 = arith.andi %ne3A_537, %ne3A_532 : i1
      %add3A_539 = arith.addi %rem3A_530, %select_n3A_529 : i32
      %select_n3A_540 = arith.select %and3A_538, %add3A_539, %rem3A_530 : i32
      %mul3A_541 = arith.constant 16 : i32
      %mul3A_542 = arith.muli %select_n3A_540, %mul3A_541 : i32
      %swap3A_543 = arith.index_cast %select_n3A_524 : i32 to index
      %swap3A_544 = arith.index_cast %mul3A_542 : i32 to index
      %swap3A_545 = tpu.vector_load %arg14[%swap3A_543, %swap3A_544] {strides = array<i32>} : memref<125x128xf32, #tpu.memory_space<vmem>>, vector<1x16xf32>,
      %swap3A_546 = vector.shape_cast %swap3A_545 : vector<1x16xf32> to vector<16xf32>
      %swap3A_547 = vector.shape_cast %add3A_500 : vector<16xf32> to vector<1x16xf32>
      tpu.vector_store %arg14[%swap3A_543, %swap3A_544], %swap3A_547 {strides = array<i32>} : memref<125x128xf32, #tpu.memory_space<vmem>>, vector<1x16xf32>,
      %scan3A_548 = arith.constant 7 : i32
      %scan3A_549 = arith.addi %scan3A_147, %scan3A_548 : i32
      %get3A_550 = arith.index_cast %scan3A_549 : i32 to index
      %get3A_551 = arith.constant 0 : index
      %get3A_552 = tpu.vector_load %arg10[%get3A_550, %get3A_551] {strides = array<i32>} : memref<1000x16xf32, #tpu.memory_space<vmem>>, vector<1x16xf32>,
      %get3A_553 = vector.shape_cast %get3A_552 : vector<1x16xf32> to vector<16xf32>
      %get3A_554 = arith.index_cast %scan3A_549 : i32 to index
      %get3A_555 = arith.constant 0 : index
      %get3A_556 = tpu.vector_load %arg12[%get3A_554, %get3A_555] {strides = array<i32>} : memref<1000x16xf32, #tpu.memory_space<vmem>>, vector<1x16xf32>,
      %get3A_557 = vector.shape_cast %get3A_556 : vector<1x16xf32> to vector<16xf32>
      %add3A_558 = arith.addf %get3A_553, %get3A_557 : vector<16xf32>
      %jit3A_559 = arith.constant 8 : i32
      %div3A_560 = arith.divsi %scan3A_549, %jit3A_559 : i32
      %sign3A_561 = arith.constant 0 : i32
      %sign3A_562 = arith.cmpi sgt, %scan3A_549, %sign3A_561 : i32
      %sign3A_563 = arith.extui %sign3A_562 : i1 to i32
      %sign3A_564 = arith.constant 0 : i32
      %sign3A_565 = arith.cmpi slt, %scan3A_549, %sign3A_564 : i32
      %sign3A_566 = arith.extui %sign3A_565 : i1 to i32
      %sign3A_567 = arith.subi %sign3A_563, %sign3A_566 : i32
      %sign3A_568 = arith.constant 0 : i32
      %sign3A_569 = arith.cmpi sgt, %jit3A_559, %sign3A_568 : i32
      %sign3A_570 = arith.extui %sign3A_569 : i1 to i32
      %sign3A_571 = arith.constant 0 : i32
      %sign3A_572 = arith.cmpi slt, %jit3A_559, %sign3A_571 : i32
      %sign3A_573 = arith.extui %sign3A_572 : i1 to i32
      %sign3A_574 = arith.subi %sign3A_570, %sign3A_573 : i32
      %ne3A_575 = arith.cmpi ne, %sign3A_567, %sign3A_574 : i32
      %rem3A_576 = arith.remsi %scan3A_549, %jit3A_559 : i32
      %ne3A_577 = arith.constant 0 : i32
      %ne3A_578 = arith.cmpi ne, %rem3A_576, %ne3A_577 : i32
      %and3A_579 = arith.andi %ne3A_575, %ne3A_578 : i1
      %sub3A_580 = arith.constant 1 : i32
      %sub3A_581 = arith.subi %div3A_560, %sub3A_580 : i32
      %select_n3A_582 = arith.select %and3A_579, %sub3A_581, %div3A_560 : i32
      %jit3A_583 = arith.constant 8 : i32
      %eq3A_584 = arith.constant 0 : i32
      %eq3A_585 = arith.cmpi eq, %jit3A_583, %eq3A_584 : i32
      %jit3A_586 = arith.constant 1 : i32
      %select_n3A_587 = arith.select %eq3A_585, %jit3A_586, %jit3A_583 : i32
      %rem3A_588 = arith.remsi %scan3A_549, %select_n3A_587 : i32
      %ne3A_589 = arith.constant 0 : i32
      %ne3A_590 = arith.cmpi ne, %rem3A_588, %ne3A_589 : i32
      %lt3A_591 = arith.constant 0 : i32
      %lt3A_592 = arith.cmpi slt, %rem3A_588, %lt3A_591 : i32
      %lt3A_593 = arith.constant 0 : i32
      %lt3A_594 = arith.cmpi slt, %select_n3A_587, %lt3A_593 : i32
      %ne3A_595 = arith.xori %lt3A_592, %lt3A_594 : i1
      %and3A_596 = arith.andi %ne3A_595, %ne3A_590 : i1
      %add3A_597 = arith.addi %rem3A_588, %select_n3A_587 : i32
      %select_n3A_598 = arith.select %and3A_596, %add3A_597, %rem3A_588 : i32
      %mul3A_599 = arith.constant 16 : i32
      %mul3A_600 = arith.muli %select_n3A_598, %mul3A_599 : i32
      %swap3A_601 = arith.index_cast %select_n3A_582 : i32 to index
      %swap3A_602 = arith.index_cast %mul3A_600 : i32 to index
      %swap3A_603 = tpu.vector_load %arg14[%swap3A_601, %swap3A_602] {strides = array<i32>} : memref<125x128xf32, #tpu.memory_space<vmem>>, vector<1x16xf32>,
      %swap3A_604 = vector.shape_cast %swap3A_603 : vector<1x16xf32> to vector<16xf32>
      %swap3A_605 = vector.shape_cast %add3A_558 : vector<16xf32> to vector<1x16xf32>
      tpu.vector_store %arg14[%swap3A_601, %swap3A_602], %swap3A_605 {strides = array<i32>} : memref<125x128xf32, #tpu.memory_space<vmem>>, vector<1x16xf32>,
    }
    %scan3A_60 = arith.constant 1000 : i32
    %add3A_61 = arith.constant 24000 : i32
    %add3A_62 = arith.addi %mul3A_2, %add3A_61 : i32
    %jit3A_63 = arith.constant 8 : i32
    %div3A_64 = arith.divsi %add3A_62, %jit3A_63 : i32
    %sign3A_65 = arith.constant 0 : i32
    %sign3A_66 = arith.cmpi sgt, %add3A_62, %sign3A_65 : i32
    %sign3A_67 = arith.extui %sign3A_66 : i1 to i32
    %sign3A_68 = arith.constant 0 : i32
    %sign3A_69 = arith.cmpi slt, %add3A_62, %sign3A_68 : i32
    %sign3A_70 = arith.extui %sign3A_69 : i1 to i32
    %sign3A_71 = arith.subi %sign3A_67, %sign3A_70 : i32
    %sign3A_72 = arith.constant 0 : i32
    %sign3A_73 = arith.cmpi sgt, %jit3A_63, %sign3A_72 : i32
    %sign3A_74 = arith.extui %sign3A_73 : i1 to i32
    %sign3A_75 = arith.constant 0 : i32
    %sign3A_76 = arith.cmpi slt, %jit3A_63, %sign3A_75 : i32
    %sign3A_77 = arith.extui %sign3A_76 : i1 to i32
    %sign3A_78 = arith.subi %sign3A_74, %sign3A_77 : i32
    %ne3A_79 = arith.cmpi ne, %sign3A_71, %sign3A_78 : i32
    %rem3A_80 = arith.remsi %add3A_62, %jit3A_63 : i32
    %ne3A_81 = arith.constant 0 : i32
    %ne3A_82 = arith.cmpi ne, %rem3A_80, %ne3A_81 : i32
    %and3A_83 = arith.andi %ne3A_79, %ne3A_82 : i1
    %sub3A_84 = arith.constant 1 : i32
    %sub3A_85 = arith.subi %div3A_64, %sub3A_84 : i32
    %select_n3A_86 = arith.select %and3A_83, %sub3A_85, %div3A_64 : i32
    %dma_start3A_87 = arith.constant 0 : i32
    %dma_start3A_88 = tpu.memref_slice %arg5[%select_n3A_86, %dma_start3A_87] : memref<100000x128xf32, #tpu.memory_space<hbm>> -> memref<125x128xf32, #tpu.memory_space<hbm>>
    %dma_start3A_89 = arith.constant 0 : i32
    %dma_start3A_90 = tpu.memref_slice %arg5[%select_n3A_86, %dma_start3A_89] : memref<100000x128xf32, #tpu.memory_space<hbm>> -> memref<125x128xf32, #tpu.memory_space<hbm>>
    tpu.enqueue_dma source(%arg14 : memref<125x128xf32, #tpu.memory_space<vmem>>) target(%dma_start3A_90 : memref<125x128xf32, #tpu.memory_space<hbm>>) target_semaphore(%arg20 : memref<!tpu.dma_semaphore, #tpu.memory_space<semaphore_mem>>)
    %jit3A_91 = arith.constant 8 : i32
    %div3A_92 = arith.divsi %mul3A_2, %jit3A_91 : i32
    %sign3A_93 = arith.constant 0 : i32
    %sign3A_94 = arith.cmpi sgt, %mul3A_2, %sign3A_93 : i32
    %sign3A_95 = arith.extui %sign3A_94 : i1 to i32
    %sign3A_96 = arith.constant 0 : i32
    %sign3A_97 = arith.cmpi slt, %mul3A_2, %sign3A_96 : i32
    %sign3A_98 = arith.extui %sign3A_97 : i1 to i32
    %sign3A_99 = arith.subi %sign3A_95, %sign3A_98 : i32
    %sign3A_100 = arith.constant 0 : i32
    %sign3A_101 = arith.cmpi sgt, %jit3A_91, %sign3A_100 : i32
    %sign3A_102 = arith.extui %sign3A_101 : i1 to i32
    %sign3A_103 = arith.constant 0 : i32
    %sign3A_104 = arith.cmpi slt, %jit3A_91, %sign3A_103 : i32
    %sign3A_105 = arith.extui %sign3A_104 : i1 to i32
    %sign3A_106 = arith.subi %sign3A_102, %sign3A_105 : i32
    %ne3A_107 = arith.cmpi ne, %sign3A_99, %sign3A_106 : i32
    %rem3A_108 = arith.remsi %mul3A_2, %jit3A_91 : i32
    %ne3A_109 = arith.constant 0 : i32
    %ne3A_110 = arith.cmpi ne, %rem3A_108, %ne3A_109 : i32
    %and3A_111 = arith.andi %ne3A_107, %ne3A_110 : i1
    %sub3A_112 = arith.constant 1 : i32
    %sub3A_113 = arith.subi %div3A_92, %sub3A_112 : i32
    %select_n3A_114 = arith.select %and3A_111, %sub3A_113, %div3A_92 : i32
    %dma_wait3A_115 = arith.constant 0 : i32
    %dma_wait3A_116 = tpu.memref_slice %arg5[%select_n3A_114, %dma_wait3A_115] : memref<100000x128xf32, #tpu.memory_space<hbm>> -> memref<125x128xf32, #tpu.memory_space<hbm>>
    %dma_wait3A_117 = arith.constant 0 : i32
    %dma_wait3A_118 = tpu.memref_slice %arg5[%select_n3A_114, %dma_wait3A_117] : memref<100000x128xf32, #tpu.memory_space<hbm>> -> memref<125x128xf32, #tpu.memory_space<hbm>>
    tpu.wait_dma2 semaphore(%arg20 : memref<!tpu.dma_semaphore, #tpu.memory_space<semaphore_mem>>) src(%arg14 : memref<125x128xf32, #tpu.memory_space<vmem>>) dst(%dma_wait3A_118 : memref<125x128xf32, #tpu.memory_space<hbm>>)
    %jit3A_119 = arith.constant 8 : i32
    %div3A_120 = arith.divsi %mul3A_2, %jit3A_119 : i32
    %sign3A_121 = arith.constant 0 : i32
    %sign3A_122 = arith.cmpi sgt, %mul3A_2, %sign3A_121 : i32
    %sign3A_123 = arith.extui %sign3A_122 : i1 to i32
    %sign3A_124 = arith.constant 0 : i32
    %sign3A_125 = arith.cmpi slt, %mul3A_2, %sign3A_124 : i32
    %sign3A_126 = arith.extui %sign3A_125 : i1 to i32
    %sign3A_127 = arith.subi %sign3A_123, %sign3A_126 : i32
    %sign3A_128 = arith.constant 0 : i32
    %sign3A_129 = arith.cmpi sgt, %jit3A_119, %sign3A_128 : i32
    %sign3A_130 = arith.extui %sign3A_129 : i1 to i32
    %sign3A_131 = arith.constant 0 : i32
    %sign3A_132 = arith.cmpi slt, %jit3A_119, %sign3A_131 : i32
    %sign3A_133 = arith.extui %sign3A_132 : i1 to i32
    %sign3A_134 = arith.subi %sign3A_130, %sign3A_133 : i32
    %ne3A_135 = arith.cmpi ne, %sign3A_127, %sign3A_134 : i32
    %rem3A_136 = arith.remsi %mul3A_2, %jit3A_119 : i32
    %ne3A_137 = arith.constant 0 : i32
    %ne3A_138 = arith.cmpi ne, %rem3A_136, %ne3A_137 : i32
    %and3A_139 = arith.andi %ne3A_135, %ne3A_138 : i1
    %sub3A_140 = arith.constant 1 : i32
    %sub3A_141 = arith.subi %div3A_120, %sub3A_140 : i32
    %select_n3A_142 = arith.select %and3A_139, %sub3A_141, %div3A_120 : i32
    %dma_wait3A_143 = arith.constant 0 : i32
    %dma_wait3A_144 = tpu.memref_slice %arg5[%select_n3A_142, %dma_wait3A_143] : memref<100000x128xf32, #tpu.memory_space<hbm>> -> memref<125x128xf32, #tpu.memory_space<hbm>>
    %dma_wait3A_145 = arith.constant 0 : i32
    %dma_wait3A_146 = tpu.memref_slice %arg5[%select_n3A_142, %dma_wait3A_145] : memref<100000x128xf32, #tpu.memory_space<hbm>> -> memref<125x128xf32, #tpu.memory_space<hbm>>
    tpu.wait_dma2 semaphore(%arg21 : memref<!tpu.dma_semaphore, #tpu.memory_space<semaphore_mem>>) src(%arg15 : memref<125x128xf32, #tpu.memory_space<vmem>>) dst(%dma_wait3A_146 : memref<125x128xf32, #tpu.memory_space<hbm>>)
    return
  }
}

module attributes {stable_mosaic.version = 14 : i64} {
  func.func @_node_body(%arg0: i32, %arg1: memref<16x50000xf32, #tpu.memory_space<vmem>>, %arg2: memref<16x16xf32, #tpu.memory_space<vmem>>, %arg3: memref<16x1xf32, #tpu.memory_space<vmem>>, %arg4: memref<16x16xf32, #tpu.memory_space<vmem>>, %arg5: memref<16x1xf32, #tpu.memory_space<vmem>>, %arg6: memref<16x16xf32, #tpu.memory_space<vmem>>, %arg7: memref<16x50000xf32, #tpu.memory_space<vmem>>) attributes {dimension_semantics = [#tpu.dimension_semantics<arbitrary>], iteration_bounds = array<i64: 1>, scalar_prefetch = 0 : i64, scratch_operands = 0 : i64, tpu.core_type = #tpu.core_type<tc>, window_params = [{transform_indices = @transform_0, window_bounds = array<i64: 16, 50000>}, {pipeline_mode = #tpu.pipeline_mode<synchronous>, transform_indices = @transform_1, window_bounds = array<i64: 16, 16>}, {pipeline_mode = #tpu.pipeline_mode<synchronous>, transform_indices = @transform_2, window_bounds = array<i64: 16, 1>}, {pipeline_mode = #tpu.pipeline_mode<synchronous>, transform_indices = @transform_3, window_bounds = array<i64: 16, 16>}, {pipeline_mode = #tpu.pipeline_mode<synchronous>, transform_indices = @transform_4, window_bounds = array<i64: 16, 1>}, {pipeline_mode = #tpu.pipeline_mode<synchronous>, transform_indices = @transform_5, window_bounds = array<i64: 16, 16>}, {transform_indices = @transform_6, window_bounds = array<i64: 16, 50000>}]} {
    %get3A = arith.constant 0 : index
    %get3A_0 = arith.constant 0 : index
    %get3A_1 = vector.load %arg2[%get3A, %get3A_0] : memref<16x16xf32, #tpu.memory_space<vmem>>, vector<16x16xf32>
    %get3A_2 = arith.constant 0 : index
    %get3A_3 = arith.constant 0 : index
    %get3A_4 = vector.load %arg1[%get3A_2, %get3A_3] : memref<16x50000xf32, #tpu.memory_space<vmem>>, vector<16x50000xf32>
    %dot_general3A = arith.constant dense<0.000000e+00> : vector<16x50000xf32>
    %dot_general3A_5 = tpu.matmul %get3A_1, %get3A_4, %dot_general3A {dimension_numbers = #tpu.dot_dimension_numbers<[1], [0], [0], [1], [0, 0, 1, 1], [], []>, transpose_lhs_hint = false} : vector<16x16xf32>, vector<16x50000xf32>, vector<16x50000xf32> -> vector<16x50000xf32>
    %get3A_6 = arith.constant 0 : index
    %get3A_7 = arith.constant 0 : index
    %get3A_8 = vector.load %arg3[%get3A_6, %get3A_7] : memref<16x1xf32, #tpu.memory_space<vmem>>, vector<16x1xf32>
    %add3A = vector.broadcast %get3A_8 : vector<16x1xf32> to vector<16x50000xf32>
    %add3A_9 = arith.addf %dot_general3A_5, %add3A : vector<16x50000xf32>
    %max3A = arith.constant 0.000000e+00 : f32
    %max3A_10 = vector.broadcast %max3A : f32 to vector<16x50000xf32>
    %max3A_11 = arith.maximumf %add3A_9, %max3A_10 : vector<16x50000xf32>
    %get3A_12 = arith.constant 0 : index
    %get3A_13 = arith.constant 0 : index
    %get3A_14 = vector.load %arg4[%get3A_12, %get3A_13] : memref<16x16xf32, #tpu.memory_space<vmem>>, vector<16x16xf32>
    %dot_general3A_15 = arith.constant dense<0.000000e+00> : vector<16x50000xf32>
    %dot_general3A_16 = tpu.matmul %get3A_14, %max3A_11, %dot_general3A_15 {dimension_numbers = #tpu.dot_dimension_numbers<[1], [0], [0], [1], [0, 0, 1, 1], [], []>, transpose_lhs_hint = false} : vector<16x16xf32>, vector<16x50000xf32>, vector<16x50000xf32> -> vector<16x50000xf32>
    %get3A_17 = arith.constant 0 : index
    %get3A_18 = arith.constant 0 : index
    %get3A_19 = vector.load %arg5[%get3A_17, %get3A_18] : memref<16x1xf32, #tpu.memory_space<vmem>>, vector<16x1xf32>
    %add3A_20 = vector.broadcast %get3A_19 : vector<16x1xf32> to vector<16x50000xf32>
    %add3A_21 = arith.addf %dot_general3A_16, %add3A_20 : vector<16x50000xf32>
    %max3A_22 = arith.constant 0.000000e+00 : f32
    %max3A_23 = vector.broadcast %max3A_22 : f32 to vector<16x50000xf32>
    %max3A_24 = arith.maximumf %add3A_21, %max3A_23 : vector<16x50000xf32>
    %get3A_25 = arith.constant 0 : index
    %get3A_26 = arith.constant 0 : index
    %get3A_27 = vector.load %arg6[%get3A_25, %get3A_26] : memref<16x16xf32, #tpu.memory_space<vmem>>, vector<16x16xf32>
    %dot_general3A_28 = arith.constant dense<0.000000e+00> : vector<16x50000xf32>
    %dot_general3A_29 = tpu.matmul %get3A_27, %max3A_24, %dot_general3A_28 {dimension_numbers = #tpu.dot_dimension_numbers<[1], [0], [0], [1], [0, 0, 1, 1], [], []>, transpose_lhs_hint = false} : vector<16x16xf32>, vector<16x50000xf32>, vector<16x50000xf32> -> vector<16x50000xf32>
    %swap3A = arith.constant 0 : index
    %swap3A_30 = arith.constant 0 : index
    %swap3A_31 = vector.load %arg7[%swap3A, %swap3A_30] : memref<16x50000xf32, #tpu.memory_space<vmem>>, vector<16x50000xf32>
    tpu.vector_store %arg7[%swap3A, %swap3A_30], %dot_general3A_29 {strides = array<i32>} : memref<16x50000xf32, #tpu.memory_space<vmem>>, vector<16x50000xf32>,
    return
  }
  func.func @transform_0(%arg0: i32) -> (i32, i32) {
    %c0_i32 = arith.constant 0 : i32
    %c0_i32_0 = arith.constant 0 : i32
    return %c0_i32, %arg0 : i32, i32
  }
  func.func @transform_1(%arg0: i32) -> (i32, i32) {
    %c0_i32 = arith.constant 0 : i32
    %c0_i32_0 = arith.constant 0 : i32
    %c0_i32_1 = arith.constant 0 : i32
    return %c0_i32, %c0_i32_0 : i32, i32
  }
  func.func @transform_2(%arg0: i32) -> (i32, i32) {
    %c0_i32 = arith.constant 0 : i32
    %c0_i32_0 = arith.constant 0 : i32
    %c0_i32_1 = arith.constant 0 : i32
    return %c0_i32, %c0_i32_0 : i32, i32
  }
  func.func @transform_3(%arg0: i32) -> (i32, i32) {
    %c0_i32 = arith.constant 0 : i32
    %c0_i32_0 = arith.constant 0 : i32
    %c0_i32_1 = arith.constant 0 : i32
    return %c0_i32, %c0_i32_0 : i32, i32
  }
  func.func @transform_4(%arg0: i32) -> (i32, i32) {
    %c0_i32 = arith.constant 0 : i32
    %c0_i32_0 = arith.constant 0 : i32
    %c0_i32_1 = arith.constant 0 : i32
    return %c0_i32, %c0_i32_0 : i32, i32
  }
  func.func @transform_5(%arg0: i32) -> (i32, i32) {
    %c0_i32 = arith.constant 0 : i32
    %c0_i32_0 = arith.constant 0 : i32
    %c0_i32_1 = arith.constant 0 : i32
    return %c0_i32, %c0_i32_0 : i32, i32
  }
  func.func @transform_6(%arg0: i32) -> (i32, i32) {
    %c0_i32 = arith.constant 0 : i32
    %c0_i32_0 = arith.constant 0 : i32
    return %c0_i32, %arg0 : i32, i32
  }
}

module attributes {stable_mosaic.version = 14 : i64} {
  func.func @_node_body(%arg0: i32, %arg1: memref<16x100000xf32, #tpu.memory_space<vmem>>, %arg2: memref<16x16xf32, #tpu.memory_space<vmem>>, %arg3: memref<16x1xf32, #tpu.memory_space<vmem>>, %arg4: memref<16x16xf32, #tpu.memory_space<vmem>>, %arg5: memref<16x1xf32, #tpu.memory_space<vmem>>, %arg6: memref<16x16xf32, #tpu.memory_space<vmem>>, %arg7: memref<16x100000xf32, #tpu.memory_space<vmem>>) attributes {dimension_semantics = [#tpu.dimension_semantics<arbitrary>], iteration_bounds = array<i64: 1>, scalar_prefetch = 0 : i64, scratch_operands = 0 : i64, tpu.core_type = #tpu.core_type<tc>, window_params = [{transform_indices = @transform_0, window_bounds = array<i64: 16, 100000>}, {pipeline_mode = #tpu.pipeline_mode<synchronous>, transform_indices = @transform_1, window_bounds = array<i64: 16, 16>}, {pipeline_mode = #tpu.pipeline_mode<synchronous>, transform_indices = @transform_2, window_bounds = array<i64: 16, 1>}, {pipeline_mode = #tpu.pipeline_mode<synchronous>, transform_indices = @transform_3, window_bounds = array<i64: 16, 16>}, {pipeline_mode = #tpu.pipeline_mode<synchronous>, transform_indices = @transform_4, window_bounds = array<i64: 16, 1>}, {pipeline_mode = #tpu.pipeline_mode<synchronous>, transform_indices = @transform_5, window_bounds = array<i64: 16, 16>}, {transform_indices = @transform_6, window_bounds = array<i64: 16, 100000>}]} {
    %get3A = arith.constant 0 : index
    %get3A_0 = arith.constant 0 : index
    %get3A_1 = vector.load %arg2[%get3A, %get3A_0] : memref<16x16xf32, #tpu.memory_space<vmem>>, vector<16x16xf32>
    %get3A_2 = arith.constant 0 : index
    %get3A_3 = arith.constant 0 : index
    %get3A_4 = vector.load %arg1[%get3A_2, %get3A_3] : memref<16x100000xf32, #tpu.memory_space<vmem>>, vector<16x100000xf32>
    %dot_general3A = arith.constant dense<0.000000e+00> : vector<16x100000xf32>
    %dot_general3A_5 = tpu.matmul %get3A_1, %get3A_4, %dot_general3A {dimension_numbers = #tpu.dot_dimension_numbers<[1], [0], [0], [1], [0, 0, 1, 1], [], []>, transpose_lhs_hint = false} : vector<16x16xf32>, vector<16x100000xf32>, vector<16x100000xf32> -> vector<16x100000xf32>
    %get3A_6 = arith.constant 0 : index
    %get3A_7 = arith.constant 0 : index
    %get3A_8 = vector.load %arg3[%get3A_6, %get3A_7] : memref<16x1xf32, #tpu.memory_space<vmem>>, vector<16x1xf32>
    %add3A = vector.broadcast %get3A_8 : vector<16x1xf32> to vector<16x100000xf32>
    %add3A_9 = arith.addf %dot_general3A_5, %add3A : vector<16x100000xf32>
    %max3A = arith.constant 0.000000e+00 : f32
    %max3A_10 = vector.broadcast %max3A : f32 to vector<16x100000xf32>
    %max3A_11 = arith.maximumf %add3A_9, %max3A_10 : vector<16x100000xf32>
    %get3A_12 = arith.constant 0 : index
    %get3A_13 = arith.constant 0 : index
    %get3A_14 = vector.load %arg4[%get3A_12, %get3A_13] : memref<16x16xf32, #tpu.memory_space<vmem>>, vector<16x16xf32>
    %dot_general3A_15 = arith.constant dense<0.000000e+00> : vector<16x100000xf32>
    %dot_general3A_16 = tpu.matmul %get3A_14, %max3A_11, %dot_general3A_15 {dimension_numbers = #tpu.dot_dimension_numbers<[1], [0], [0], [1], [0, 0, 1, 1], [], []>, transpose_lhs_hint = false} : vector<16x16xf32>, vector<16x100000xf32>, vector<16x100000xf32> -> vector<16x100000xf32>
    %get3A_17 = arith.constant 0 : index
    %get3A_18 = arith.constant 0 : index
    %get3A_19 = vector.load %arg5[%get3A_17, %get3A_18] : memref<16x1xf32, #tpu.memory_space<vmem>>, vector<16x1xf32>
    %add3A_20 = vector.broadcast %get3A_19 : vector<16x1xf32> to vector<16x100000xf32>
    %add3A_21 = arith.addf %dot_general3A_16, %add3A_20 : vector<16x100000xf32>
    %max3A_22 = arith.constant 0.000000e+00 : f32
    %max3A_23 = vector.broadcast %max3A_22 : f32 to vector<16x100000xf32>
    %max3A_24 = arith.maximumf %add3A_21, %max3A_23 : vector<16x100000xf32>
    %get3A_25 = arith.constant 0 : index
    %get3A_26 = arith.constant 0 : index
    %get3A_27 = vector.load %arg6[%get3A_25, %get3A_26] : memref<16x16xf32, #tpu.memory_space<vmem>>, vector<16x16xf32>
    %dot_general3A_28 = arith.constant dense<0.000000e+00> : vector<16x100000xf32>
    %dot_general3A_29 = tpu.matmul %get3A_27, %max3A_24, %dot_general3A_28 {dimension_numbers = #tpu.dot_dimension_numbers<[1], [0], [0], [1], [0, 0, 1, 1], [], []>, transpose_lhs_hint = false} : vector<16x16xf32>, vector<16x100000xf32>, vector<16x100000xf32> -> vector<16x100000xf32>
    %swap3A = arith.constant 0 : index
    %swap3A_30 = arith.constant 0 : index
    %swap3A_31 = vector.load %arg7[%swap3A, %swap3A_30] : memref<16x100000xf32, #tpu.memory_space<vmem>>, vector<16x100000xf32>
    tpu.vector_store %arg7[%swap3A, %swap3A_30], %dot_general3A_29 {strides = array<i32>} : memref<16x100000xf32, #tpu.memory_space<vmem>>, vector<16x100000xf32>,
    return
  }
  func.func @transform_0(%arg0: i32) -> (i32, i32) {
    %c0_i32 = arith.constant 0 : i32
    %c0_i32_0 = arith.constant 0 : i32
    return %c0_i32, %arg0 : i32, i32
  }
  func.func @transform_1(%arg0: i32) -> (i32, i32) {
    %c0_i32 = arith.constant 0 : i32
    %c0_i32_0 = arith.constant 0 : i32
    %c0_i32_1 = arith.constant 0 : i32
    return %c0_i32, %c0_i32_0 : i32, i32
  }
  func.func @transform_2(%arg0: i32) -> (i32, i32) {
    %c0_i32 = arith.constant 0 : i32
    %c0_i32_0 = arith.constant 0 : i32
    %c0_i32_1 = arith.constant 0 : i32
    return %c0_i32, %c0_i32_0 : i32, i32
  }
  func.func @transform_3(%arg0: i32) -> (i32, i32) {
    %c0_i32 = arith.constant 0 : i32
    %c0_i32_0 = arith.constant 0 : i32
    %c0_i32_1 = arith.constant 0 : i32
    return %c0_i32, %c0_i32_0 : i32, i32
  }
  func.func @transform_4(%arg0: i32) -> (i32, i32) {
    %c0_i32 = arith.constant 0 : i32
    %c0_i32_0 = arith.constant 0 : i32
    %c0_i32_1 = arith.constant 0 : i32
    return %c0_i32, %c0_i32_0 : i32, i32
  }
  func.func @transform_5(%arg0: i32) -> (i32, i32) {
    %c0_i32 = arith.constant 0 : i32
    %c0_i32_0 = arith.constant 0 : i32
    %c0_i32_1 = arith.constant 0 : i32
    return %c0_i32, %c0_i32_0 : i32, i32
  }
  func.func @transform_6(%arg0: i32) -> (i32, i32) {
    %c0_i32 = arith.constant 0 : i32
    %c0_i32_0 = arith.constant 0 : i32
    return %c0_i32, %arg0 : i32, i32
  }
}

module attributes {stable_mosaic.version = 14 : i64} {
  func.func @_cast_body(%arg0: i32, %arg1: memref<8000x128xf32, #tpu.memory_space<vmem>>, %arg2: memref<8000x128xbf16, #tpu.memory_space<vmem>>) attributes {dimension_semantics = [#tpu.dimension_semantics<arbitrary>], iteration_bounds = array<i64: 12>, scalar_prefetch = 0 : i64, scratch_operands = 0 : i64, tpu.core_type = #tpu.core_type<tc>, window_params = [{transform_indices = @transform_0, window_bounds = array<i64: 8000, 128>}, {transform_indices = @transform_1, window_bounds = array<i64: 8000, 128>}]} {
    %get3A = arith.constant 0 : index
    %get3A_0 = arith.constant 0 : index
    %get3A_1 = vector.load %arg1[%get3A, %get3A_0] : memref<8000x128xf32, #tpu.memory_space<vmem>>, vector<8000x128xf32>
    %convert_element_type3A = arith.truncf %get3A_1 : vector<8000x128xf32> to vector<8000x128xbf16>
    %swap3A = arith.constant 0 : index
    %swap3A_2 = arith.constant 0 : index
    %swap3A_3 = vector.load %arg2[%swap3A, %swap3A_2] : memref<8000x128xbf16, #tpu.memory_space<vmem>>, vector<8000x128xbf16>
    tpu.vector_store %arg2[%swap3A, %swap3A_2], %convert_element_type3A {strides = array<i32>} : memref<8000x128xbf16, #tpu.memory_space<vmem>>, vector<8000x128xbf16>,
    return
  }
  func.func @transform_0(%arg0: i32) -> (i32, i32) {
    %c0_i32 = arith.constant 0 : i32
    %c0_i32_0 = arith.constant 0 : i32
    return %arg0, %c0_i32 : i32, i32
  }
  func.func @transform_1(%arg0: i32) -> (i32, i32) {
    %c0_i32 = arith.constant 0 : i32
    %c0_i32_0 = arith.constant 0 : i32
    return %arg0, %c0_i32 : i32, i32
  }
}

module attributes {stable_mosaic.version = 14 : i64} {
  func.func @_edge_body(%arg0: i32, %arg1: memref<16x32000xf32, #tpu.memory_space<vmem>>, %arg2: memref<16x32000xbf16, #tpu.memory_space<vmem>>, %arg3: memref<16x16xf32, #tpu.memory_space<vmem>>, %arg4: memref<16x1xf32, #tpu.memory_space<vmem>>, %arg5: memref<16x16xf32, #tpu.memory_space<vmem>>, %arg6: memref<16x1xf32, #tpu.memory_space<vmem>>, %arg7: memref<16x32000xf32, #tpu.memory_space<vmem>>) attributes {dimension_semantics = [#tpu.dimension_semantics<arbitrary>], iteration_bounds = array<i64: 25>, scalar_prefetch = 0 : i64, scratch_operands = 0 : i64, tpu.core_type = #tpu.core_type<tc>, window_params = [{transform_indices = @transform_0, window_bounds = array<i64: 16, 32000>}, {transform_indices = @transform_1, window_bounds = array<i64: 16, 32000>}, {pipeline_mode = #tpu.pipeline_mode<synchronous>, transform_indices = @transform_2, window_bounds = array<i64: 16, 16>}, {pipeline_mode = #tpu.pipeline_mode<synchronous>, transform_indices = @transform_3, window_bounds = array<i64: 16, 1>}, {pipeline_mode = #tpu.pipeline_mode<synchronous>, transform_indices = @transform_4, window_bounds = array<i64: 16, 16>}, {pipeline_mode = #tpu.pipeline_mode<synchronous>, transform_indices = @transform_5, window_bounds = array<i64: 16, 1>}, {transform_indices = @transform_6, window_bounds = array<i64: 16, 32000>}]} {
    %get3A = arith.constant 0 : index
    %get3A_0 = arith.constant 0 : index
    %get3A_1 = vector.load %arg3[%get3A, %get3A_0] : memref<16x16xf32, #tpu.memory_space<vmem>>, vector<16x16xf32>
    %get3A_2 = arith.constant 0 : index
    %get3A_3 = arith.constant 0 : index
    %get3A_4 = vector.load %arg1[%get3A_2, %get3A_3] : memref<16x32000xf32, #tpu.memory_space<vmem>>, vector<16x32000xf32>
    %dot_general3A = arith.constant dense<0.000000e+00> : vector<16x32000xf32>
    %dot_general3A_5 = tpu.matmul %get3A_1, %get3A_4, %dot_general3A {dimension_numbers = #tpu.dot_dimension_numbers<[1], [0], [0], [1], [0, 0, 1, 1], [], []>, transpose_lhs_hint = false} : vector<16x16xf32>, vector<16x32000xf32>, vector<16x32000xf32> -> vector<16x32000xf32>
    %get3A_6 = arith.constant 0 : index
    %get3A_7 = arith.constant 0 : index
    %get3A_8 = vector.load %arg2[%get3A_6, %get3A_7] : memref<16x32000xbf16, #tpu.memory_space<vmem>>, vector<16x32000xbf16>
    %convert_element_type3A = arith.extf %get3A_8 : vector<16x32000xbf16> to vector<16x32000xf32>
    %add3A = arith.addf %dot_general3A_5, %convert_element_type3A : vector<16x32000xf32>
    %get3A_9 = arith.constant 0 : index
    %get3A_10 = arith.constant 0 : index
    %get3A_11 = vector.load %arg4[%get3A_9, %get3A_10] : memref<16x1xf32, #tpu.memory_space<vmem>>, vector<16x1xf32>
    %add3A_12 = vector.broadcast %get3A_11 : vector<16x1xf32> to vector<16x32000xf32>
    %add3A_13 = arith.addf %add3A, %add3A_12 : vector<16x32000xf32>
    %max3A = arith.constant 0.000000e+00 : f32
    %max3A_14 = vector.broadcast %max3A : f32 to vector<16x32000xf32>
    %max3A_15 = arith.maximumf %add3A_13, %max3A_14 : vector<16x32000xf32>
    %get3A_16 = arith.constant 0 : index
    %get3A_17 = arith.constant 0 : index
    %get3A_18 = vector.load %arg5[%get3A_16, %get3A_17] : memref<16x16xf32, #tpu.memory_space<vmem>>, vector<16x16xf32>
    %dot_general3A_19 = arith.constant dense<0.000000e+00> : vector<16x32000xf32>
    %dot_general3A_20 = tpu.matmul %get3A_18, %max3A_15, %dot_general3A_19 {dimension_numbers = #tpu.dot_dimension_numbers<[1], [0], [0], [1], [0, 0, 1, 1], [], []>, transpose_lhs_hint = false} : vector<16x16xf32>, vector<16x32000xf32>, vector<16x32000xf32> -> vector<16x32000xf32>
    %get3A_21 = arith.constant 0 : index
    %get3A_22 = arith.constant 0 : index
    %get3A_23 = vector.load %arg6[%get3A_21, %get3A_22] : memref<16x1xf32, #tpu.memory_space<vmem>>, vector<16x1xf32>
    %add3A_24 = vector.broadcast %get3A_23 : vector<16x1xf32> to vector<16x32000xf32>
    %add3A_25 = arith.addf %dot_general3A_20, %add3A_24 : vector<16x32000xf32>
    %swap3A = arith.constant 0 : index
    %swap3A_26 = arith.constant 0 : index
    %swap3A_27 = vector.load %arg7[%swap3A, %swap3A_26] : memref<16x32000xf32, #tpu.memory_space<vmem>>, vector<16x32000xf32>
    tpu.vector_store %arg7[%swap3A, %swap3A_26], %add3A_25 {strides = array<i32>} : memref<16x32000xf32, #tpu.memory_space<vmem>>, vector<16x32000xf32>,
    return
  }
  func.func @transform_0(%arg0: i32) -> (i32, i32) {
    %add3A = arith.constant 0 : i32
    %add3A_0 = arith.addi %arg0, %add3A : i32
    %c0_i32 = arith.constant 0 : i32
    %c0_i32_1 = arith.constant 0 : i32
    return %c0_i32, %add3A_0 : i32, i32
  }
  func.func @transform_1(%arg0: i32) -> (i32, i32) {
    %c0_i32 = arith.constant 0 : i32
    %c0_i32_0 = arith.constant 0 : i32
    return %c0_i32, %arg0 : i32, i32
  }
  func.func @transform_2(%arg0: i32) -> (i32, i32) {
    %c0_i32 = arith.constant 0 : i32
    %c0_i32_0 = arith.constant 0 : i32
    %c0_i32_1 = arith.constant 0 : i32
    return %c0_i32, %c0_i32_0 : i32, i32
  }
  func.func @transform_3(%arg0: i32) -> (i32, i32) {
    %c0_i32 = arith.constant 0 : i32
    %c0_i32_0 = arith.constant 0 : i32
    %c0_i32_1 = arith.constant 0 : i32
    return %c0_i32, %c0_i32_0 : i32, i32
  }
  func.func @transform_4(%arg0: i32) -> (i32, i32) {
    %c0_i32 = arith.constant 0 : i32
    %c0_i32_0 = arith.constant 0 : i32
    %c0_i32_1 = arith.constant 0 : i32
    return %c0_i32, %c0_i32_0 : i32, i32
  }
  func.func @transform_5(%arg0: i32) -> (i32, i32) {
    %c0_i32 = arith.constant 0 : i32
    %c0_i32_0 = arith.constant 0 : i32
    %c0_i32_1 = arith.constant 0 : i32
    return %c0_i32, %c0_i32_0 : i32, i32
  }
  func.func @transform_6(%arg0: i32) -> (i32, i32) {
    %add3A = arith.constant 0 : i32
    %add3A_0 = arith.addi %arg0, %add3A : i32
    %c0_i32 = arith.constant 0 : i32
    %c0_i32_1 = arith.constant 0 : i32
    return %c0_i32, %add3A_0 : i32, i32
  }
}

module attributes {stable_mosaic.version = 14 : i64} {
  func.func @_edge_alias_body(%arg0: i32, %arg1: memref<16x32000xf32, #tpu.memory_space<vmem>>, %arg2: memref<16x32000xbf16, #tpu.memory_space<vmem>>, %arg3: memref<16x16xf32, #tpu.memory_space<vmem>>, %arg4: memref<16x1xf32, #tpu.memory_space<vmem>>, %arg5: memref<16x16xf32, #tpu.memory_space<vmem>>, %arg6: memref<16x1xf32, #tpu.memory_space<vmem>>, %arg7: memref<16x1600000xf32, #tpu.memory_space<any>>, %arg8: memref<16x32000xf32, #tpu.memory_space<vmem>>) attributes {dimension_semantics = [#tpu.dimension_semantics<arbitrary>], iteration_bounds = array<i64: 25>, scalar_prefetch = 0 : i64, scratch_operands = 0 : i64, tpu.core_type = #tpu.core_type<tc>, window_params = [{transform_indices = @transform_0, window_bounds = array<i64: 16, 32000>}, {transform_indices = @transform_1, window_bounds = array<i64: 16, 32000>}, {pipeline_mode = #tpu.pipeline_mode<synchronous>, transform_indices = @transform_2, window_bounds = array<i64: 16, 16>}, {pipeline_mode = #tpu.pipeline_mode<synchronous>, transform_indices = @transform_3, window_bounds = array<i64: 16, 1>}, {pipeline_mode = #tpu.pipeline_mode<synchronous>, transform_indices = @transform_4, window_bounds = array<i64: 16, 16>}, {pipeline_mode = #tpu.pipeline_mode<synchronous>, transform_indices = @transform_5, window_bounds = array<i64: 16, 1>}, {}, {transform_indices = @transform_7, window_bounds = array<i64: 16, 32000>}]} {
    %get3A = arith.constant 0 : index
    %get3A_0 = arith.constant 0 : index
    %get3A_1 = vector.load %arg3[%get3A, %get3A_0] : memref<16x16xf32, #tpu.memory_space<vmem>>, vector<16x16xf32>
    %get3A_2 = arith.constant 0 : index
    %get3A_3 = arith.constant 0 : index
    %get3A_4 = vector.load %arg1[%get3A_2, %get3A_3] : memref<16x32000xf32, #tpu.memory_space<vmem>>, vector<16x32000xf32>
    %dot_general3A = arith.constant dense<0.000000e+00> : vector<16x32000xf32>
    %dot_general3A_5 = tpu.matmul %get3A_1, %get3A_4, %dot_general3A {dimension_numbers = #tpu.dot_dimension_numbers<[1], [0], [0], [1], [0, 0, 1, 1], [], []>, transpose_lhs_hint = false} : vector<16x16xf32>, vector<16x32000xf32>, vector<16x32000xf32> -> vector<16x32000xf32>
    %get3A_6 = arith.constant 0 : index
    %get3A_7 = arith.constant 0 : index
    %get3A_8 = vector.load %arg2[%get3A_6, %get3A_7] : memref<16x32000xbf16, #tpu.memory_space<vmem>>, vector<16x32000xbf16>
    %convert_element_type3A = arith.extf %get3A_8 : vector<16x32000xbf16> to vector<16x32000xf32>
    %add3A = arith.addf %dot_general3A_5, %convert_element_type3A : vector<16x32000xf32>
    %get3A_9 = arith.constant 0 : index
    %get3A_10 = arith.constant 0 : index
    %get3A_11 = vector.load %arg4[%get3A_9, %get3A_10] : memref<16x1xf32, #tpu.memory_space<vmem>>, vector<16x1xf32>
    %add3A_12 = vector.broadcast %get3A_11 : vector<16x1xf32> to vector<16x32000xf32>
    %add3A_13 = arith.addf %add3A, %add3A_12 : vector<16x32000xf32>
    %max3A = arith.constant 0.000000e+00 : f32
    %max3A_14 = vector.broadcast %max3A : f32 to vector<16x32000xf32>
    %max3A_15 = arith.maximumf %add3A_13, %max3A_14 : vector<16x32000xf32>
    %get3A_16 = arith.constant 0 : index
    %get3A_17 = arith.constant 0 : index
    %get3A_18 = vector.load %arg5[%get3A_16, %get3A_17] : memref<16x16xf32, #tpu.memory_space<vmem>>, vector<16x16xf32>
    %dot_general3A_19 = arith.constant dense<0.000000e+00> : vector<16x32000xf32>
    %dot_general3A_20 = tpu.matmul %get3A_18, %max3A_15, %dot_general3A_19 {dimension_numbers = #tpu.dot_dimension_numbers<[1], [0], [0], [1], [0, 0, 1, 1], [], []>, transpose_lhs_hint = false} : vector<16x16xf32>, vector<16x32000xf32>, vector<16x32000xf32> -> vector<16x32000xf32>
    %get3A_21 = arith.constant 0 : index
    %get3A_22 = arith.constant 0 : index
    %get3A_23 = vector.load %arg6[%get3A_21, %get3A_22] : memref<16x1xf32, #tpu.memory_space<vmem>>, vector<16x1xf32>
    %add3A_24 = vector.broadcast %get3A_23 : vector<16x1xf32> to vector<16x32000xf32>
    %add3A_25 = arith.addf %dot_general3A_20, %add3A_24 : vector<16x32000xf32>
    %swap3A = arith.constant 0 : index
    %swap3A_26 = arith.constant 0 : index
    %swap3A_27 = vector.load %arg8[%swap3A, %swap3A_26] : memref<16x32000xf32, #tpu.memory_space<vmem>>, vector<16x32000xf32>
    tpu.vector_store %arg8[%swap3A, %swap3A_26], %add3A_25 {strides = array<i32>} : memref<16x32000xf32, #tpu.memory_space<vmem>>, vector<16x32000xf32>,
    return
  }
  func.func @transform_0(%arg0: i32) -> (i32, i32) {
    %add3A = arith.constant 25 : i32
    %add3A_0 = arith.addi %arg0, %add3A : i32
    %c0_i32 = arith.constant 0 : i32
    %c0_i32_1 = arith.constant 0 : i32
    return %c0_i32, %add3A_0 : i32, i32
  }
  func.func @transform_1(%arg0: i32) -> (i32, i32) {
    %c0_i32 = arith.constant 0 : i32
    %c0_i32_0 = arith.constant 0 : i32
    return %c0_i32, %arg0 : i32, i32
  }
  func.func @transform_2(%arg0: i32) -> (i32, i32) {
    %c0_i32 = arith.constant 0 : i32
    %c0_i32_0 = arith.constant 0 : i32
    %c0_i32_1 = arith.constant 0 : i32
    return %c0_i32, %c0_i32_0 : i32, i32
  }
  func.func @transform_3(%arg0: i32) -> (i32, i32) {
    %c0_i32 = arith.constant 0 : i32
    %c0_i32_0 = arith.constant 0 : i32
    %c0_i32_1 = arith.constant 0 : i32
    return %c0_i32, %c0_i32_0 : i32, i32
  }
  func.func @transform_4(%arg0: i32) -> (i32, i32) {
    %c0_i32 = arith.constant 0 : i32
    %c0_i32_0 = arith.constant 0 : i32
    %c0_i32_1 = arith.constant 0 : i32
    return %c0_i32, %c0_i32_0 : i32, i32
  }
  func.func @transform_5(%arg0: i32) -> (i32, i32) {
    %c0_i32 = arith.constant 0 : i32
    %c0_i32_0 = arith.constant 0 : i32
    %c0_i32_1 = arith.constant 0 : i32
    return %c0_i32, %c0_i32_0 : i32, i32
  }
  func.func @transform_7(%arg0: i32) -> (i32, i32) {
    %add3A = arith.constant 25 : i32
    %add3A_0 = arith.addi %arg0, %add3A : i32
    %c0_i32 = arith.constant 0 : i32
    %c0_i32_1 = arith.constant 0 : i32
    return %c0_i32, %add3A_0 : i32, i32
  }
}

</mosaic_0001>

<sc_bundles>
// kernel: kernel.10.cloned.1.call-start
scs
__scs_entry_jumppad:
0x0: {  	(pc) =	sbr.rel $0x88, $3  }
0x1: {  	(tag) =	ssettag $0x0;
	lr =	simm.s32 $0x1  }
0x2: {  	[smem:$0x3F91] =	sst lr;
	_ =	strace $0xD0000000  }
0x3: {  	_ = 	snop  }
0x4: {  	_ = 	snop  }
0x5: {  	_ = 	snop  }
0x6: {  	_ = 	snop  }
0x7: {  	_ = 	snop  }
__scs_overlays_trampoline_lowered:
0x8: {  	[smem:$0x3FA0] =	sst s0  }
0x9: {  	[smem:$0x3FA1] =	sst s1  }
0xa: {  	[smem:$0x3FA2] =	sst s2  }
0xb: {  	[smem:$0x3FA3] =	sst s3  }
0xc: {  	[smem:$0x3FA4] =	sst s4  }
0xd: {  	[smem:$0x3FA5] =	sst s5  }
0xe: {  	[smem:$0x3FA6] =	sst s6  }
0xf: {  	[smem:$0x3FA7] =	sst s7  }
0x10: {  	[smem:$0x3FA8] =	sst s8  }
0x11: {  	[smem:$0x3FA9] =	sst s9;
	s0 =	simm.s32 @!p0 $0x0  }
0x12: {  	s1 =	sld [smem:$0x3F8F];
	s0 =	simm.s32 @p0 $0x1  }
0x13: {  	[smem:$0x3FAA] =	sst s0;
	s0 =	simm.s32 @!p1 $0x0  }
0x14: {  	s2 =	sld [smem:$0x3F8E];
	s0 =	simm.s32 @p1 $0x1  }
0x15: {  	[smem:$0x3FAB] =	sst s0;
	s0 =	simm.s32 @!p2 $0x0  }
0x16: {  	s3 =	sld [smem:$0x3FDB];
	s0 =	simm.s32 @p2 $0x1  }
0x17: {  	s4 =	simm.s32 $0x1BF5;
	[smem:$0x3FAD] =	sst s0  }
0x18: {  	s0 =	sld [smem:$0x3F90];
	_ =	swait.ge [sflag:s4], $0x0  }
0x19: {  	s7 =	sld [smem:$0x3F91]  }
0x1a: {  	s8 =	sadd.s32 $0xFFFFE003, lr  }
0x1b: {  	s9 =	sadd.s32 $0xFFFFFEF7, lr;
	s5 =	simm.s32 $0xFFFFFFFF;
	p2 =	slt.u32 s8, $0xFFFFF086  }
0x1c: {  	p1 =	slt.u32 s9, $0xF7A;
	s5 =	simm.s32 @!p2 $0x0  }
0x1d: {  	s5 =	simm.s32 @p1 $0x1;
	p0 =	seq.s32 s7, s2  }
0x1e: {  	s7 =	smul.u32 @!p0 $0xF7A, s2;
	p2 =	seq.s32 @!p0 s5, $0x0  }
0x1f: {  	s9 =	smul.u32 $0xF7A, s1;
	s8 =	simm.s32 @!p0 $0x1BF5;
	p2 =	por !p2, p0  }
0x20: {  	[sflag:s8] =	ssyncset.s32 @!p0 $0xFFFFF086;
	s6 =	sadd.s32 @!p0 s3, s7;
	s7 =	simm.s32 @!p0 $0x108  }
0x21: {  	s3 =	sadd.s32 s3, s9;
	s6 =	sadd.s32 @!p0 $0x88, s6;
	s7 =	simm.s32 @p2 $0x1082  }
0x22: {  	[simem:s7], [sflag:s8] =	dma.local @!p0 [hbm:s6], $0xF7A  }
0x23: {  	s9 =	sor.u32 $0xD0000000, s2;
	s6 =	simm.s32 $0x108;
	_ =	swait.ge @!p0 [sflag:s8], $0x0  }
0x24: {  	s3 =	sadd.s32 $0x88, s3;
	s6 =	simm.s32 @!p1 $0x1082;
	[sflag:s4] =	ssyncset.s32 $0xFFFFF086  }
0x25: {  	[simem:s6], [sflag:s4] =	dma.local [hbm:s3], $0xF7A  }
0x26: {  	[smem:$0x3F91] =	sst s1;
	(tag) =	ssettag s2;
	_ =	strace s9  }
0x27: {  	s1 =	sld [smem:$0x3FA1]  }
0x28: {  	s2 =	sld [smem:$0x3FA2]  }
0x29: {  	s4 =	sld [smem:$0x3FA4]  }
0x2a: {  	p0 =	seq.s32 s5, $0x0;
	s5 =	sld [smem:$0x3FA5]  }
0x2b: {  	s6 =	sld [smem:$0x3FA6]  }
0x2c: {  	s7 =	sld [smem:$0x3FA7]  }
0x2d: {  	s3 =	simm.s32 $0x108;
	s8 =	sld [smem:$0x3FA8]  }
0x2e: {  	s3 =	simm.s32 @!p0 $0x1082;
	s9 =	sld [smem:$0x3FA9]  }
0x2f: {  	lr =	sadd.s32 s0, s3;
	s0 =	sld [smem:$0x3FA0]  }
0x30: {  	s3 =	sld [smem:$0x3FA3]  }
0x31: {  	[smem:$0x3FAC] =	sst s10  }
0x32: {  	s10 =	sld [smem:$0x3FAA];
	_ =	sdelay $0x3  }
0x33: {  	p0 =	seq.s32 s10, $0x1;
	s10 =	sld [smem:$0x3FAC];
	_ =	sdelay $0x3  }
0x34: {  	[smem:$0x3FAC] =	sst s10  }
0x35: {  	s10 =	sld [smem:$0x3FAB];
	_ =	sdelay $0x3  }
0x36: {  	p1 =	seq.s32 s10, $0x1;
	s10 =	sld [smem:$0x3FAC];
	_ =	sdelay $0x3  }
0x37: {  	[smem:$0x3FAC] =	sst s10  }
0x38: {  	s10 =	sld [smem:$0x3FAD]  }
0x39: {  	_ = 	snop;
	(pc) =	sbr.ind lr, $3  }
0x3a: {  	_ = 	snop  }
0x3b: {  	_ = 	snop  }
0x3c: {  	p2 =	seq.s32 s10, $0x1;
	s10 =	sld [smem:$0x3FAC]  }
0x3d: {  	_ =	shalt  }
0x3e: {  	_ =	shalt  }
0x3f: {  	_ =	shalt  }
0x40: {  	_ =	shalt  }
0x41: {  	_ =	shalt  }
0x42: {  	_ =	shalt  }
0x43: {  	_ =	shalt  }
0x44: {  	_ =	shalt  }
0x45: {  	_ =	shalt  }
0x46: {  	_ =	shalt  }
0x47: {  	_ =	shalt  }
0x48: {  	_ =	shalt  }
0x49: {  	_ =	shalt  }
0x4a: {  	_ =	shalt  }
0x4b: {  	_ =	shalt  }
0x4c: {  	_ =	shalt  }
0x4d: {  	_ =	shalt  }
0x4e: {  	_ =	shalt  }
0x4f: {  	_ =	shalt  }
0x50: {  	_ =	shalt  }
0x51: {  	_ =	shalt  }
0x52: {  	_ =	shalt  }
0x53: {  	_ =	shalt  }
0x54: {  	_ =	shalt  }
0x55: {  	_ =	shalt  }
0x56: {  	_ =	shalt  }
0x57: {  	_ =	shalt  }
0x58: {  	_ =	shalt  }
0x59: {  	_ =	shalt  }
0x5a: {  	_ =	shalt  }
0x5b: {  	_ =	shalt  }
0x5c: {  	_ =	shalt  }
0x5d: {  	_ =	shalt  }
0x5e: {  	_ =	shalt  }
0x5f: {  	_ =	shalt  }
0x60: {  	_ =	shalt  }
0x61: {  	_ =	shalt  }
0x62: {  	_ =	shalt  }
0x63: {  	_ =	shalt  }
0x64: {  	_ =	shalt  }
0x65: {  	_ =	shalt  }
0x66: {  	_ =	shalt  }
0x67: {  	_ =	shalt  }
0x68: {  	_ =	shalt  }
0x69: {  	_ =	shalt  }
0x6a: {  	_ =	shalt  }
0x6b: {  	_ =	shalt  }
0x6c: {  	_ =	shalt  }
0x6d: {  	_ =	shalt  }
0x6e: {  	_ =	shalt  }
0x6f: {  	_ =	shalt  }
0x70: {  	_ =	shalt  }
0x71: {  	_ =	shalt  }
0x72: {  	_ =	shalt  }
0x73: {  	_ =	shalt  }
0x74: {  	_ =	shalt  }
0x75: {  	_ =	shalt  }
0x76: {  	_ =	shalt  }
0x77: {  	_ =	shalt  }
0x78: {  	_ =	shalt  }
0x79: {  	_ =	shalt  }
0x7a: {  	_ =	shalt  }
0x7b: {  	_ =	shalt  }
0x7c: {  	_ =	shalt  }
0x7d: {  	_ =	shalt  }
0x7e: {  	_ =	shalt  }
0x7f: {  	_ =	shalt  }
0x80: {  	_ =	shalt  }
0x81: {  	_ =	shalt  }
0x82: {  	_ =	shalt  }
0x83: {  	_ =	shalt  }
0x84: {  	_ =	shalt  }
0x85: {  	_ =	shalt  }
0x86: {  	_ =	shalt  }
0x87: {  	_ =	shalt  }
.Lfunc_end0:
.L_simem_size_0:
called_computation_lowered:
.L_overlay_start_0:
0x88: {  	s2 =	sld [smem:$0x3FD9]  }
0x89: {  	s3 =	sld [smem:$0x3FFE];
	_ =	sdelay $0x1  }
0x8a: {  	s1 =	srdreg.scid  }
0x8b: {  	s0 =	sand.u32 $0x1, s1  }
0x8c: {  	s16 =	sshll.u32 s0, $0xA;
	s2 =	sadd.s32 s3, s2  }
0x8d: {  	s2 =	sadd.s32 s2, s16  }
0x8e: {  	[smem:$0x3FB8] =	sst s2  }
0x8f: {  	_ = 	snop  }
0x90: {  	(tm) =	ssettm $0x1  }
0x91: {  	s17 =	sld [smem:$0x3FFB];
	_ =	sdelay $0x3  }
0x92: {  	_ =	strace s17  }
0x93: {  	s2 =	sld [smem:$0x3FFC];
	_ =	sdelay $0x3  }
0x94: {  	_ =	strace s2  }
0x95: {  	s2 =	sld [smem:$0x3FFD];
	_ =	sdelay $0x3  }
0x96: {  	_ =	strace s2  }
0x97: {  	_ =	strace $0x8FFFFFFF  }
0x98: {  	s18 =	sld [smem:$0x3FDB];
	_ =	sdelay $0x1  }
0x99: {  	s19 =	simm.s32 $_scs_section_size  }
0x9a: {  	s4 =	simm.s32 $_size__tile_overlayer_lowered;
	s5 =	simm.s32 $_tile_overlayer_lowered  }
0x9b: {  	s22 =	simm.s32 $0x1BFF;
	s21 =	sshll.u32 s5, $0x1;
	s2 =	sadd.s32 s19, s18  }
0x9c: {  	s6 =	simm.s32 $0x0;
	s20 =	sshll.u32 s4, $0x1;
	s4 =	sadd.s32 s21, s2  }
0x9d: {  	[timem:s6], [sflag:s22] =	dma.local [hbm:s4], s20  }
0x9e: {  	_ =	swait.ge [sflag:s22], s20  }
0x9f: {  	s3 =	ssub.s32 $0x0, s20;
	[sflag:s22] =	ssyncset.done $0x0  }
0xa0: {  	[sflag:s22] =	ssyncadd.s32 s3;
	_ =	sdelay $0x1  }
0xa1: {  	s23 =	simm.s32 $0x1B8B  }
0xa2: {  	_ =	swait.ge [sflag:s23], $0x1  }
0xa3: {  	[sflag:s23] =	ssyncset.done $0x0  }
0xa4: {  	s25 =	simm.s32 $0x1B8E;
	s24 =	sld [smem:$0x3FFE];
	[sflag:s23] =	ssyncadd.s32 $0xFFFFFFFF  }
0xa5: {  	s26 =	simm.s32 $execute0_lowered;
	[smem:$0x3FD2] =	sst s25  }
0xa6: {  	s4 =	sshll.u32 s26, $0x1;
	_ =	strace $0x80000046;
	[dreg:$0x1] =	wrdreg $0xFFFFFFFF  }
0xa7: {  	s28 =	simm.s32 $_size_execute0_lowered;
	s2 =	sadd.s32 s2, s4;
	[dreg:$0x0] =	wrdreg $0x0  }
0xa8: {  	s4 =	sshll.u32 s28, $0x1;
	[dreg:$0x2] =	wrdreg s2  }
0xa9: {  	[dreg:$0x3] =	wrdreg s4  }
0xaa: {  	[dreg:$0x4] =	wrdreg $0xC0  }
0xab: {  	_ =	task [dreg:s6], $0x5FFFF  }
0xac: {  	[dreg:$0x1] =	wrdreg $0xFFFFFFFF  }
0xad: {  	[dreg:$0x0] =	wrdreg $0x60  }
0xae: {  	[dreg:$0x2] =	wrdreg s24  }
0xaf: {  	[dreg:$0x3] =	wrdreg $0x9  }
0xb0: {  	_ =	task.clear_ibuf [dreg:s6], $0x4FFFF;
	_ =	strace $0x90000046  }
0xb1: {  	s29 =	simm.s32 $0x9;
	_ =	strace $0x80000048  }
0xb2: {  	_ =	swait.ge [sflag:s29], $0x1  }
0xb3: {  	[sflag:s29] =	ssyncadd.s32 $0xFFFFFFFF  }
0xb4: {  	_ =	strace $0x90000048  }
0xb5: {  	_ =	sfence  }
0xb6: {  	s30 =	sld [smem:$0x0];
	_ =	sdelay $0x2  }
0xb7: {  	s31 =	sshll.u32 s1, $0xD;
	s1 =	sshrl.u32 s1, $0x2  }
0xb8: {  	s3 =	sand.u32 $0x4000, s31;
	s1 =	sadd.s32 s1, s30  }
0xb9: {  	s0 =	sor.u32 s3, s0;
	s1 =	sshll.u32 s1, $0x11  }
0xba: {  	s0 =	sor.u32 s1, s0  }
0xbb: {  	s0 =	sadd.s32 $0x8F2B, s0  }
0xbc: {  	[sflag:s0] =	ssyncadd.remote.s32 $0x1  }
0xbd: {  	_ =	sfence.sel $0xFFFF  }
0xbe: {  	[dreg:$0x0] =	wrdreg $0xFFFFFFFF;
	(pc) =	sbr.abs _section_cstart, $3  }
0xbf: {  	[dreg:$0x1] =	wrdreg $0xFFFFFFFF  }
0xc0: {  	_ =	task.clear_ibuf [dreg:s6], $0x2FFFF;
	_ =	strace $0x9FFFFFFF  }
0xc1: {  	(tm) =	ssettm $0x7FFFFFFF  }
tec
execute0_lowered:
.L_overlay_start_1:
0x0: {  	(tag) =	ssettag $0x1  }
0x1: {  	s0 =	rddreg [dreg:$0x0]  }
0x2: {  	s1 =	srdreg.scid;
	s3 =	stileid.u32  }
0x3: {  	s2 =	simm.s32 $0x0;
	s18 =	simm.s32 $0x7D0;
	s19 =	simm.s32 $0x3E8  }
0x4: {  	s20 =	simm.s32 $0xFA0;
	s21 =	simm.s32 $0x8CA0;
	s28 =	simm.s32 $0x109A0  }
0x5: {  	s29 =	simm.s32 $0x2;
	s30 =	simm.s32 $0x3;
	s31 =	simm.s32 $0x14820  }
0x6: {  	s1 =	sand.u32 $0x1, s1;
	s3 =	sshll.u32 s3, $0x1;
	[smem:$0x7FF] =	sst s2  }
0x7: {  	s5 =	sadd.s32 $0x65C00, s0;
	s6 =	sadd.s32 $0x4000, s0;
	s7 =	sadd.s32 $0xAF200, s0  }
0x8: {  	s8 =	sor.u32 s1, s3;
	_ =	strace $0x80000047;
	s1 =	ssub.s32 $0x2, s1  }
0x9: {  	s3 =	sadd.s32 $0x7E400, s0;
	s4 =	smul.u32 $0x61A8, s8;
	s22 =	sshrl.u32 s1, $0x1  }
0xa: {  	s23 =	smul.u32 $0x61A80, s8;
	s0 =	ssub.s32 s1, s22;
	s22 =	simm.s32 $0xBB8  }
0xb: {  	s9 =	sshrl.u32 s4, $0x3;
	s10 =	sadd.s32 $0x3E8, s4;
	s25 =	sadd.s32 $0x186DE8, s4  }
0xc: {  	s1 =	sshrl.u32 s23, $0x3;
	s13 =	sadd.s32 $0x7D0, s4;
	s0 =	smax.u32 s0, $0x1  }
0xd: {  	s14 =	sadd.s32 $0xBB8, s4;
	s9 =	sadd.s32 s6, s9;
	[dreg:$0x7] =	wrdreg s0  }
0xe: {  	s26 =	sshrl.u32 s10, $0x3;
	[dreg:$0x2] =	wrdreg s9;
	s24 =	sadd.s32 $0x30D40, s9  }
0xf: {  	s8 =	sshrl.u32 s25, $0x3;
	s9 =	sadd.s32 s6, s26;
	[dreg:$0x3] =	wrdreg s24  }
0x10: {  	s1 =	sadd.s32 s7, s1;
	s8 =	sadd.s32 s6, s8;
	[dreg:$0x4] =	wrdreg s9  }
0x11: {  	s23 =	simm.s32 $0x1;
	s1 =	sadd.s32 $0xBB80, s1;
	[dreg:$0x5] =	wrdreg s8  }
0x12: {  	s25 =	simm.s32 $0x4E20;
	s26 =	simm.s32 $0xCB20;
	[dreg:$0x6] =	wrdreg s1  }
0x13: {  	s24 =	simm.s32 $0x4;
	s1 =	simm.s32 $0x6;
	s9 =	simm.s32 $0x0  }
.LBB2_1:
0x14: {  	s0 =	rddreg [dreg:$0x2];
	s8 =	simm.s32 $0x7  }
0x15: {  	[tilespmem:s2], [sflag:$0x7] =	stream.linear.gather [hbm4b:s0+s2], $0x3E8, $0x38;
	[tilespmem:$0x186A0] =	vst v63  }
0x16: {  	_ =	swait.ge [sflag:s8], $0x3E8  }
0x17: {  	[sflag:s8] =	ssyncset.done $0x0  }
0x18: {  	s15 =	rddreg [dreg:$0x3];
	[sflag:s8] =	ssyncadd.s32 $0xFFFFFC18  }
0x19: {  	[tilespmem:s18], [sflag:$0x7] =	stream.linear.gather [hbm4b:s15+s2], $0x3E8, $0x38;
	[tilespmem:$0x186A0] =	vst v63  }
0x1a: {  	_ =	swait.ge [sflag:s8], $0x3E8  }
0x1b: {  	[sflag:s8] =	ssyncset.done $0x0  }
0x1c: {  	[sflag:s8] =	ssyncadd.s32 $0xFFFFFC18  }
0x1d: {  	[tilespmem:s20], [sflag:$0x1] =	stream.indirect.gather [hbm4b:s3+s19], $0x10, s2, s19, $0xb8;
	[tilespmem:$0x186A0] =	vst v63  }
0x1e: {  	_ = 	snop  }
0x1f: {  	[tilespmem:s21], [sflag:$0x1] =	stream.indirect.gather [hbm4b:s5+s19], $0x10, s18, s19, $0xb8;
	[tilespmem:$0x186A0] =	vst v63  }
0x20: {  	s16 =	rddreg [dreg:$0x4]  }
0x21: {  	[tilespmem:s19], [sflag:$0x4] =	stream.linear.gather [hbm4b:s16+s2], $0x3E8, $0x38;
	[tilespmem:$0x186A0] =	vst v63  }
0x22: {  	s11 =	simm.s32 $0x0;
	s17 =	rddreg [dreg:$0x5]  }
0x23: {  	[tilespmem:s22], [sflag:$0x4] =	stream.linear.gather [hbm4b:s17+s2], $0x3E8, $0x38;
	[tilespmem:$0x186A0] =	vst v63  }
.LBB2_2:
0x24: {  	_ =	swait.ge [sflag:s23], $0x3E80  }
0x25: {  	[sflag:s23] =	ssyncset.done $0x0  }
0x26: {  	[sflag:s23] =	ssyncadd.s32 $0xFFFFC180  }
0x27: {  	_ =	swait.ge [sflag:s23], $0x3E80  }
0x28: {  	[sflag:s23] =	ssyncset.done $0x0  }
0x29: {  	[sflag:s23] =	ssyncadd.s32 $0xFFFFC180  }
0x2a: {  	_ =	swait.ge [sflag:s24], $0x3E8  }
0x2b: {  	[sflag:s24] =	ssyncset.done $0x0  }
0x2c: {  	[sflag:s24] =	ssyncadd.s32 $0xFFFFFC18  }
0x2d: {  	s12 =	smul.u32 $0x7D0, s11;
	_ =	swait.ge [sflag:s24], $0x3E8  }
0x2e: {  	[sflag:s24] =	ssyncset.done $0x0  }
0x2f: {  	s0 =	sadd.s32 s12, s13;
	[sflag:s24] =	ssyncadd.s32 $0xFFFFFC18  }
0x30: {  	[tilespmem:s25], [sflag:$0x2] =	stream.indirect.gather [hbm4b:s3+s19], $0x10, s19, s19, $0xb8;
	[tilespmem:$0x186A0] =	vst v63  }
0x31: {  	s0 =	sshrl.u32 s0, $0x3  }
0x32: {  	[tilespmem:s26], [sflag:$0x2] =	stream.indirect.gather [hbm4b:s5+s19], $0x10, s22, s19, $0xb8;
	[tilespmem:$0x186A0] =	vst v63  }
0x33: {  	s0 =	sadd.s32 s6, s0  }
0x34: {  	[tilespmem:s2], [sflag:$0x3] =	stream.linear.gather [hbm4b:s0+s2], $0x3E8, $0x38;
	[tilespmem:$0x186A0] =	vst v63  }
0x35: {  	p0 =	seq.s32 s11, $0x0;
	s0 =	sadd.s32 $0x30D40, s0  }
0x36: {  	[tilespmem:s18], [sflag:$0x3] =	stream.linear.gather [hbm4b:s0+s2], $0x3E8, $0x38;
	[tilespmem:$0x186A0] =	vst v63  }
0x37: {  	s0 =	simm.s32 @!p0 $0x5  }
0x38: {  	_ =	swait.ge @!p0 [sflag:s0], $0x3E80  }
0x39: {  	[sflag:s0] =	ssyncset.done @!p0 $0x0  }
0x3a: {  	s16 =	simm.s32 $0xFE0;
	[sflag:s0] =	ssyncadd.s32 @!p0 $0xFFFFC180  }
0x3b: {  	s15 =	simm.s32 $0x8CE0;
	v0 =	vld [tilespmem:s16+$0xFFFFFFC0]  }
0x3c: {  	v1 =	vld [tilespmem:s15+$0xFFFFFFC0];
	_ =	sdelay $0x4  }
0x3d: {  	v0 =	vadd.f32 v1, v0  }
0x3e: {  	s8 =	simm.s32 $0x109E0  }
0x3f: {  	[tilespmem:s8+$0xFFFFFFC0] =	vst v0  }
0x40: {  	v0 =	vld [tilespmem:s15+$0xFFFFFFD0]  }
0x41: {  	v1 =	vld [tilespmem:s16+$0xFFFFFFD0];
	_ =	sdelay $0x4  }
0x42: {  	v0 =	vadd.f32 v0, v1;
	_ =	sdelay $0x1  }
0x43: {  	[tilespmem:s8+$0xFFFFFFD0] =	vst v0  }
0x44: {  	v0 =	vld [tilespmem:s16+$0xFFFFFFE0]  }
0x45: {  	v1 =	vld [tilespmem:s15+$0xFFFFFFE0];
	_ =	sdelay $0x4  }
0x46: {  	v0 =	vadd.f32 v1, v0;
	_ =	sdelay $0x1  }
0x47: {  	[tilespmem:s8+$0xFFFFFFE0] =	vst v0  }
0x48: {  	v0 =	vld [tilespmem:s16+$0xFFFFFFF0]  }
0x49: {  	v1 =	vld [tilespmem:s15+$0xFFFFFFF0];
	_ =	sdelay $0x4  }
0x4a: {  	v0 =	vadd.f32 v1, v0;
	_ =	sdelay $0x1  }
0x4b: {  	[tilespmem:s8+$0xFFFFFFF0] =	vst v0  }
0x4c: {  	v0 =	vld [tilespmem:s16+$0x0]  }
0x4d: {  	v1 =	vld [tilespmem:s15+$0x0];
	_ =	sdelay $0x4  }
0x4e: {  	v0 =	vadd.f32 v1, v0;
	_ =	sdelay $0x1  }
0x4f: {  	[tilespmem:s8+$0x0] =	vst v0  }
0x50: {  	v0 =	vld [tilespmem:s16+$0x10]  }
0x51: {  	v1 =	vld [tilespmem:s15+$0x10];
	_ =	sdelay $0x4  }
0x52: {  	v0 =	vadd.f32 v1, v0;
	_ =	sdelay $0x1  }
0x53: {  	[tilespmem:s8+$0x10] =	vst v0  }
0x54: {  	v0 =	vld [tilespmem:s16+$0x20]  }
0x55: {  	v1 =	vld [tilespmem:s15+$0x20];
	_ =	sdelay $0x4  }
0x56: {  	v0 =	vadd.f32 v1, v0;
	_ =	sdelay $0x1  }
0x57: {  	[tilespmem:s8+$0x20] =	vst v0  }
0x58: {  	s17 =	simm.s32 $0x0;
	s0 =	simm.s32 $0x10A60;
	v0 =	vld [tilespmem:s16+$0x30]  }
.LBB2_3:
0x59: {  	s17 =	sadd.s32 $0x8, s17;
	v1 =	vld [tilespmem:s15+$0x30];
	s16 =	sadd.s32 $0x80, s16;
	s15 =	sadd.s32 $0x80, s15  }
0x5a: {  	p0 =	slt.u32 s17, $0x3E0;
	_ =	sdelay $0x3  }
0x5b: {  	v0 =	vadd.f32 v1, v0;
	_ =	sdelay $0x1  }
0x5c: {  	[tilespmem:s8+$0x30] =	vst v0;
	s8 =	smov.u32 s0  }
0x5d: {  	v0 =	vld [tilespmem:s16+$0xFFFFFFC0]  }
0x5e: {  	v1 =	vld [tilespmem:s15+$0xFFFFFFC0];
	_ =	sdelay $0x4  }
0x5f: {  	v0 =	vadd.f32 v1, v0;
	_ =	sdelay $0x1  }
0x60: {  	[tilespmem:s0+$0xFFFFFFC0] =	vst v0  }
0x61: {  	v0 =	vld [tilespmem:s15+$0xFFFFFFD0]  }
0x62: {  	v1 =	vld [tilespmem:s16+$0xFFFFFFD0];
	_ =	sdelay $0x4  }
0x63: {  	v0 =	vadd.f32 v0, v1;
	_ =	sdelay $0x1  }
0x64: {  	[tilespmem:s0+$0xFFFFFFD0] =	vst v0  }
0x65: {  	v0 =	vld [tilespmem:s16+$0xFFFFFFE0]  }
0x66: {  	v1 =	vld [tilespmem:s15+$0xFFFFFFE0];
	_ =	sdelay $0x4  }
0x67: {  	v0 =	vadd.f32 v1, v0;
	_ =	sdelay $0x1  }
0x68: {  	[tilespmem:s0+$0xFFFFFFE0] =	vst v0  }
0x69: {  	v0 =	vld [tilespmem:s16+$0xFFFFFFF0]  }
0x6a: {  	v1 =	vld [tilespmem:s15+$0xFFFFFFF0];
	_ =	sdelay $0x4  }
0x6b: {  	v0 =	vadd.f32 v1, v0;
	_ =	sdelay $0x1  }
0x6c: {  	[tilespmem:s0+$0xFFFFFFF0] =	vst v0  }
0x6d: {  	v0 =	vld [tilespmem:s16+$0x0]  }
0x6e: {  	v1 =	vld [tilespmem:s15+$0x0];
	_ =	sdelay $0x4  }
0x6f: {  	v0 =	vadd.f32 v1, v0;
	_ =	sdelay $0x1  }
0x70: {  	[tilespmem:s0+$0x0] =	vst v0  }
0x71: {  	v0 =	vld [tilespmem:s16+$0x10]  }
0x72: {  	v1 =	vld [tilespmem:s15+$0x10];
	_ =	sdelay $0x4  }
0x73: {  	v0 =	vadd.f32 v1, v0;
	_ =	sdelay $0x1  }
0x74: {  	[tilespmem:s0+$0x10] =	vst v0  }
0x75: {  	v0 =	vld [tilespmem:s16+$0x20]  }
0x76: {  	v1 =	vld [tilespmem:s15+$0x20];
	_ =	sdelay $0x3  }
.Ltmp0:
0x77: {  	(pc) =	sbr.rel @p0 .LBB2_3-.Ltmp0, $3  }
0x78: {  	v0 =	vadd.f32 v1, v0;
	_ =	sdelay $0x1  }
0x79: {  	[tilespmem:s0+$0x20] =	vst v0  }
0x7a: {  	s0 =	sadd.s32 $0x80, s0;
	v0 =	vld [tilespmem:s16+$0x30]  }
0x7b: {  	v1 =	vld [tilespmem:s15+$0x30];
	_ =	sdelay $0x4  }
0x7c: {  	s0 =	sadd.s32 s4, s12;
	v0 =	vadd.f32 v1, v0  }
0x7d: {  	s0 =	sshll.u32 s0, $0x1  }
0x7e: {  	s0 =	sadd.s32 s7, s0;
	[tilespmem:s8+$0x30] =	vst v0  }
0x7f: {  	[hbm4b:s0+s2] =	stream.linear.scatter [tilespmem:s28], [sflag:$0x5], $0x3E80, $0x38;
	[tilespmem:$0x186A0] =	vst v63  }
0x80: {  	_ =	swait.ge [sflag:s29], $0x3E80  }
0x81: {  	[sflag:s29] =	ssyncset.done $0x0  }
0x82: {  	[sflag:s29] =	ssyncadd.s32 $0xFFFFC180  }
0x83: {  	_ =	swait.ge [sflag:s29], $0x3E80  }
0x84: {  	[sflag:s29] =	ssyncset.done $0x0  }
0x85: {  	[sflag:s29] =	ssyncadd.s32 $0xFFFFC180  }
0x86: {  	_ =	swait.ge [sflag:s30], $0x3E8  }
0x87: {  	[sflag:s30] =	ssyncset.done $0x0  }
0x88: {  	[sflag:s30] =	ssyncadd.s32 $0xFFFFFC18  }
0x89: {  	_ =	swait.ge [sflag:s30], $0x3E8  }
0x8a: {  	p0 =	seq.s32 s11, $0xB;
	[sflag:s30] =	ssyncset.done $0x0  }
0x8b: {  	s0 =	sadd.s32 @!p0 s12, s14;
	[sflag:s30] =	ssyncadd.s32 $0xFFFFFC18  }
0x8c: {  	[tilespmem:s20], [sflag:$0x1] =	stream.indirect.gather [hbm4b:s3+s19], $0x10, s2, s19, $0xb8;
	[tilespmem:$0x186A0] =	vst v63  }
0x8d: {  	s0 =	sshrl.u32 @!p0 s0, $0x3  }
0x8e: {  	[tilespmem:s21], [sflag:$0x1] =	stream.indirect.gather [hbm4b:s5+s19], $0x10, s18, s19, $0xb8;
	[tilespmem:$0x186A0] =	vst v63  }
0x8f: {  	s15 =	simm.s32 @!p0 $0x3E8;
	s8 =	simm.s32 @!p0 $0x0;
	s0 =	sadd.s32 @!p0 s6, s0  }
0x90: {  	[tilespmem:s15], [sflag:$0x4] =	stream.linear.gather @!p0 [hbm4b:s0+s8], $0x3E8, $0x38;
	[tilespmem:$0x186A0] =	vst v63  }
0x91: {  	p1 =	seq.s32 @!p0 s11, $0x0;
	s0 =	sadd.s32 @!p0 $0x30D40, s0;
	s15 =	simm.s32 @!p0 $0xBB8  }
0x92: {  	[tilespmem:s15], [sflag:$0x4] =	stream.linear.gather @!p0 [hbm4b:s0+s8], $0x3E8, $0x38;
	[tilespmem:$0x186A0] =	vst v63  }
0x93: {  	p0 =	por p0, !p1  }
0x94: {  	_ =	swait.ge @p0 [sflag:s1], $0x3E80  }
0x95: {  	[sflag:s1] =	ssyncset.done @p0 $0x0  }
0x96: {  	s8 =	simm.s32 $0x4E60;
	[sflag:s1] =	ssyncadd.s32 @p0 $0xFFFFC180  }
0x97: {  	s16 =	simm.s32 $0xCB60;
	v0 =	vld [tilespmem:s8+$0xFFFFFFC0]  }
0x98: {  	v1 =	vld [tilespmem:s16+$0xFFFFFFC0];
	_ =	sdelay $0x4  }
0x99: {  	v0 =	vadd.f32 v1, v0  }
0x9a: {  	s15 =	simm.s32 $0x14860  }
0x9b: {  	[tilespmem:s15+$0xFFFFFFC0] =	vst v0  }
0x9c: {  	v0 =	vld [tilespmem:s16+$0xFFFFFFD0]  }
0x9d: {  	v1 =	vld [tilespmem:s8+$0xFFFFFFD0];
	_ =	sdelay $0x4  }
0x9e: {  	v0 =	vadd.f32 v0, v1;
	_ =	sdelay $0x1  }
0x9f: {  	[tilespmem:s15+$0xFFFFFFD0] =	vst v0  }
0xa0: {  	v0 =	vld [tilespmem:s8+$0xFFFFFFE0]  }
0xa1: {  	v1 =	vld [tilespmem:s16+$0xFFFFFFE0];
	_ =	sdelay $0x4  }
0xa2: {  	v0 =	vadd.f32 v1, v0;
	_ =	sdelay $0x1  }
0xa3: {  	[tilespmem:s15+$0xFFFFFFE0] =	vst v0  }
0xa4: {  	v0 =	vld [tilespmem:s8+$0xFFFFFFF0]  }
0xa5: {  	v1 =	vld [tilespmem:s16+$0xFFFFFFF0];
	_ =	sdelay $0x4  }
0xa6: {  	v0 =	vadd.f32 v1, v0;
	_ =	sdelay $0x1  }
0xa7: {  	[tilespmem:s15+$0xFFFFFFF0] =	vst v0  }
0xa8: {  	v0 =	vld [tilespmem:s8+$0x0]  }
0xa9: {  	v1 =	vld [tilespmem:s16+$0x0];
	_ =	sdelay $0x4  }
0xaa: {  	v0 =	vadd.f32 v1, v0;
	_ =	sdelay $0x1  }
0xab: {  	[tilespmem:s15+$0x0] =	vst v0  }
0xac: {  	v0 =	vld [tilespmem:s8+$0x10]  }
0xad: {  	v1 =	vld [tilespmem:s16+$0x10];
	_ =	sdelay $0x4  }
0xae: {  	v0 =	vadd.f32 v1, v0;
	_ =	sdelay $0x1  }
0xaf: {  	[tilespmem:s15+$0x10] =	vst v0  }
0xb0: {  	v0 =	vld [tilespmem:s8+$0x20]  }
0xb1: {  	v1 =	vld [tilespmem:s16+$0x20];
	_ =	sdelay $0x4  }
0xb2: {  	v0 =	vadd.f32 v1, v0;
	_ =	sdelay $0x1  }
0xb3: {  	[tilespmem:s15+$0x20] =	vst v0  }
0xb4: {  	s17 =	simm.s32 $0x0;
	s0 =	simm.s32 $0x148E0;
	v0 =	vld [tilespmem:s8+$0x30]  }
.LBB2_5:
0xb5: {  	s17 =	sadd.s32 $0x8, s17;
	v1 =	vld [tilespmem:s16+$0x30];
	s8 =	sadd.s32 $0x80, s8;
	s16 =	sadd.s32 $0x80, s16  }
0xb6: {  	p0 =	slt.u32 s17, $0x3E0;
	_ =	sdelay $0x3  }
0xb7: {  	v0 =	vadd.f32 v1, v0;
	_ =	sdelay $0x1  }
0xb8: {  	[tilespmem:s15+$0x30] =	vst v0;
	s15 =	smov.u32 s0  }
0xb9: {  	v0 =	vld [tilespmem:s8+$0xFFFFFFC0]  }
0xba: {  	v1 =	vld [tilespmem:s16+$0xFFFFFFC0];
	_ =	sdelay $0x4  }
0xbb: {  	v0 =	vadd.f32 v1, v0;
	_ =	sdelay $0x1  }
0xbc: {  	[tilespmem:s0+$0xFFFFFFC0] =	vst v0  }
0xbd: {  	v0 =	vld [tilespmem:s16+$0xFFFFFFD0]  }
0xbe: {  	v1 =	vld [tilespmem:s8+$0xFFFFFFD0];
	_ =	sdelay $0x4  }
0xbf: {  	v0 =	vadd.f32 v0, v1;
	_ =	sdelay $0x1  }
0xc0: {  	[tilespmem:s0+$0xFFFFFFD0] =	vst v0  }
0xc1: {  	v0 =	vld [tilespmem:s8+$0xFFFFFFE0]  }
0xc2: {  	v1 =	vld [tilespmem:s16+$0xFFFFFFE0];
	_ =	sdelay $0x4  }
0xc3: {  	v0 =	vadd.f32 v1, v0;
	_ =	sdelay $0x1  }
0xc4: {  	[tilespmem:s0+$0xFFFFFFE0] =	vst v0  }
0xc5: {  	v0 =	vld [tilespmem:s8+$0xFFFFFFF0]  }
0xc6: {  	v1 =	vld [tilespmem:s16+$0xFFFFFFF0];
	_ =	sdelay $0x4  }
0xc7: {  	v0 =	vadd.f32 v1, v0;
	_ =	sdelay $0x1  }
0xc8: {  	[tilespmem:s0+$0xFFFFFFF0] =	vst v0  }
0xc9: {  	v0 =	vld [tilespmem:s8+$0x0]  }
0xca: {  	v1 =	vld [tilespmem:s16+$0x0];
	_ =	sdelay $0x4  }
0xcb: {  	v0 =	vadd.f32 v1, v0;
	_ =	sdelay $0x1  }
0xcc: {  	[tilespmem:s0+$0x0] =	vst v0  }
0xcd: {  	v0 =	vld [tilespmem:s8+$0x10]  }
0xce: {  	v1 =	vld [tilespmem:s16+$0x10];
	_ =	sdelay $0x4  }
0xcf: {  	v0 =	vadd.f32 v1, v0;
	_ =	sdelay $0x1  }
0xd0: {  	[tilespmem:s0+$0x10] =	vst v0  }
0xd1: {  	v0 =	vld [tilespmem:s8+$0x20]  }
0xd2: {  	v1 =	vld [tilespmem:s16+$0x20];
	_ =	sdelay $0x3  }
.Ltmp1:
0xd3: {  	(pc) =	sbr.rel @p0 .LBB2_5-.Ltmp1, $3  }
0xd4: {  	v0 =	vadd.f32 v1, v0;
	_ =	sdelay $0x1  }
0xd5: {  	[tilespmem:s0+$0x20] =	vst v0  }
0xd6: {  	s0 =	sadd.s32 $0x80, s0;
	v0 =	vld [tilespmem:s8+$0x30]  }
0xd7: {  	v1 =	vld [tilespmem:s16+$0x30];
	_ =	sdelay $0x1  }
0xd8: {  	s11 =	sadd.s32 $0x1, s11  }
0xd9: {  	p0 =	sne.s32 s11, $0xC  }
.Ltmp2:
0xda: {  	s0 =	sadd.s32 s12, s10;
	(pc) =	sbr.rel @p0 .LBB2_2-.Ltmp2, $4  }
0xdb: {  	s0 =	sshll.u32 s0, $0x1;
	v0 =	vadd.f32 v1, v0  }
0xdc: {  	s0 =	sand.u32 $0x1FFFFFF0, s0  }
0xdd: {  	s0 =	sadd.s32 s7, s0;
	[tilespmem:s15+$0x30] =	vst v0  }
0xde: {  	[hbm4b:s0+s2] =	stream.linear.scatter [tilespmem:s31], [sflag:$0x6], $0x3E80, $0x38;
	[tilespmem:$0x186A0] =	vst v63  }
0xdf: {  	_ =	swait.ge [sflag:s23], $0x3E80  }
0xe0: {  	[sflag:s23] =	ssyncset.done $0x0  }
0xe1: {  	[sflag:s23] =	ssyncadd.s32 $0xFFFFC180  }
0xe2: {  	_ =	swait.ge [sflag:s23], $0x3E80  }
0xe3: {  	[sflag:s23] =	ssyncset.done $0x0  }
0xe4: {  	s16 =	simm.s32 $0x5;
	[sflag:s23] =	ssyncadd.s32 $0xFFFFC180  }
0xe5: {  	_ =	swait.ge [sflag:s16], $0x3E80  }
0xe6: {  	[sflag:s16] =	ssyncset.done $0x0  }
0xe7: {  	s8 =	simm.s32 $0xFE0;
	[sflag:s16] =	ssyncadd.s32 $0xFFFFC180  }
0xe8: {  	s11 =	simm.s32 $0x8CE0;
	v0 =	vld [tilespmem:s8+$0xFFFFFFC0]  }
0xe9: {  	v1 =	vld [tilespmem:s11+$0xFFFFFFC0];
	_ =	sdelay $0x4  }
0xea: {  	v0 =	vadd.f32 v1, v0  }
0xeb: {  	s12 =	simm.s32 $0x109E0  }
0xec: {  	[tilespmem:s12+$0xFFFFFFC0] =	vst v0  }
0xed: {  	v0 =	vld [tilespmem:s11+$0xFFFFFFD0]  }
0xee: {  	v1 =	vld [tilespmem:s8+$0xFFFFFFD0];
	_ =	sdelay $0x4  }
0xef: {  	v0 =	vadd.f32 v0, v1;
	_ =	sdelay $0x1  }
0xf0: {  	[tilespmem:s12+$0xFFFFFFD0] =	vst v0  }
0xf1: {  	v0 =	vld [tilespmem:s8+$0xFFFFFFE0]  }
0xf2: {  	v1 =	vld [tilespmem:s11+$0xFFFFFFE0];
	_ =	sdelay $0x4  }
0xf3: {  	v0 =	vadd.f32 v1, v0;
	_ =	sdelay $0x1  }
0xf4: {  	[tilespmem:s12+$0xFFFFFFE0] =	vst v0  }
0xf5: {  	v0 =	vld [tilespmem:s8+$0xFFFFFFF0]  }
0xf6: {  	v1 =	vld [tilespmem:s11+$0xFFFFFFF0];
	_ =	sdelay $0x4  }
0xf7: {  	v0 =	vadd.f32 v1, v0;
	_ =	sdelay $0x1  }
0xf8: {  	[tilespmem:s12+$0xFFFFFFF0] =	vst v0  }
0xf9: {  	v0 =	vld [tilespmem:s8+$0x0]  }
0xfa: {  	v1 =	vld [tilespmem:s11+$0x0];
	_ =	sdelay $0x4  }
0xfb: {  	v0 =	vadd.f32 v1, v0;
	_ =	sdelay $0x1  }
0xfc: {  	[tilespmem:s12+$0x0] =	vst v0  }
0xfd: {  	v0 =	vld [tilespmem:s8+$0x10]  }
0xfe: {  	v1 =	vld [tilespmem:s11+$0x10];
	_ =	sdelay $0x4  }
0xff: {  	v0 =	vadd.f32 v1, v0;
	_ =	sdelay $0x1  }
0x100: {  	[tilespmem:s12+$0x10] =	vst v0  }
0x101: {  	v0 =	vld [tilespmem:s8+$0x20]  }
0x102: {  	v1 =	vld [tilespmem:s11+$0x20];
	_ =	sdelay $0x4  }
0x103: {  	v0 =	vadd.f32 v1, v0;
	_ =	sdelay $0x1  }
0x104: {  	[tilespmem:s12+$0x20] =	vst v0  }
0x105: {  	s15 =	simm.s32 $0x0;
	s0 =	simm.s32 $0x10A60;
	v0 =	vld [tilespmem:s8+$0x30]  }
.LBB2_8:
0x106: {  	s15 =	sadd.s32 $0x8, s15;
	v1 =	vld [tilespmem:s11+$0x30];
	s8 =	sadd.s32 $0x80, s8;
	s11 =	sadd.s32 $0x80, s11  }
0x107: {  	p0 =	slt.u32 s15, $0x3E0;
	_ =	sdelay $0x3  }
0x108: {  	v0 =	vadd.f32 v1, v0;
	_ =	sdelay $0x1  }
0x109: {  	[tilespmem:s12+$0x30] =	vst v0;
	s12 =	smov.u32 s0  }
0x10a: {  	v0 =	vld [tilespmem:s8+$0xFFFFFFC0]  }
0x10b: {  	v1 =	vld [tilespmem:s11+$0xFFFFFFC0];
	_ =	sdelay $0x4  }
0x10c: {  	v0 =	vadd.f32 v1, v0;
	_ =	sdelay $0x1  }
0x10d: {  	[tilespmem:s0+$0xFFFFFFC0] =	vst v0  }
0x10e: {  	v0 =	vld [tilespmem:s11+$0xFFFFFFD0]  }
0x10f: {  	v1 =	vld [tilespmem:s8+$0xFFFFFFD0];
	_ =	sdelay $0x4  }
0x110: {  	v0 =	vadd.f32 v0, v1;
	_ =	sdelay $0x1  }
0x111: {  	[tilespmem:s0+$0xFFFFFFD0] =	vst v0  }
0x112: {  	v0 =	vld [tilespmem:s8+$0xFFFFFFE0]  }
0x113: {  	v1 =	vld [tilespmem:s11+$0xFFFFFFE0];
	_ =	sdelay $0x4  }
0x114: {  	v0 =	vadd.f32 v1, v0;
	_ =	sdelay $0x1  }
0x115: {  	[tilespmem:s0+$0xFFFFFFE0] =	vst v0  }
0x116: {  	v0 =	vld [tilespmem:s8+$0xFFFFFFF0]  }
0x117: {  	v1 =	vld [tilespmem:s11+$0xFFFFFFF0];
	_ =	sdelay $0x4  }
0x118: {  	v0 =	vadd.f32 v1, v0;
	_ =	sdelay $0x1  }
0x119: {  	[tilespmem:s0+$0xFFFFFFF0] =	vst v0  }
0x11a: {  	v0 =	vld [tilespmem:s8+$0x0]  }
0x11b: {  	v1 =	vld [tilespmem:s11+$0x0];
	_ =	sdelay $0x4  }
0x11c: {  	v0 =	vadd.f32 v1, v0;
	_ =	sdelay $0x1  }
0x11d: {  	[tilespmem:s0+$0x0] =	vst v0  }
0x11e: {  	v0 =	vld [tilespmem:s8+$0x10]  }
0x11f: {  	v1 =	vld [tilespmem:s11+$0x10];
	_ =	sdelay $0x4  }
0x120: {  	v0 =	vadd.f32 v1, v0;
	_ =	sdelay $0x1  }
0x121: {  	[tilespmem:s0+$0x10] =	vst v0  }
0x122: {  	v0 =	vld [tilespmem:s8+$0x20]  }
0x123: {  	v1 =	vld [tilespmem:s11+$0x20];
	_ =	sdelay $0x3  }
.Ltmp3:
0x124: {  	(pc) =	sbr.rel @p0 .LBB2_8-.Ltmp3, $3  }
0x125: {  	v0 =	vadd.f32 v1, v0;
	_ =	sdelay $0x1  }
0x126: {  	[tilespmem:s0+$0x20] =	vst v0  }
0x127: {  	s0 =	sadd.s32 $0x80, s0;
	v0 =	vld [tilespmem:s8+$0x30]  }
0x128: {  	v1 =	vld [tilespmem:s11+$0x30];
	_ =	sdelay $0x4  }
0x129: {  	v0 =	vadd.f32 v1, v0;
	_ =	sdelay $0x1  }
0x12a: {  	s0 =	rddreg [dreg:$0x6];
	[tilespmem:s12+$0x30] =	vst v0  }
0x12b: {  	[hbm4b:s0+s2] =	stream.linear.scatter [tilespmem:s28], [sflag:$0x5], $0x3E80, $0x38;
	[tilespmem:$0x186A0] =	vst v63  }
0x12c: {  	_ =	swait.ge [sflag:s16], $0x3E80  }
0x12d: {  	[sflag:s16] =	ssyncset.done $0x0  }
0x12e: {  	[sflag:s16] =	ssyncadd.s32 $0xFFFFC180  }
0x12f: {  	_ =	swait.ge [sflag:s1], $0x3E80  }
0x130: {  	s9 =	sadd.s32 $0x1, s9;
	s17 =	rddreg [dreg:$0x7]  }
0x131: {  	p0 =	sne.s32 s9, s17  }
.Ltmp4:
0x132: {  	_ = 	snop;
	(pc) =	sbr.rel @p0 .LBB2_1-.Ltmp4, $3  }
0x133: {  	_ =	sdelay $0x1  }
0x134: {  	[sflag:s1] =	ssyncset.done $0x0  }
0x135: {  	[sflag:s1] =	ssyncadd.s32 $0xFFFFC180  }
0x136: {  	_ =	sfence.sel $0x180000  }
0x137: {  	[bflag:$0x0] =	sbarrier.arrive $0xFFFF  }
0x138: {  	_ =	strace $0x90000047  }
0x139: {  	s0 =	stileid.u32;
	[bflag:$0x2] =	sbarrier.arrive $0xFFFF  }
0x13a: {  	p0 =	sne.s32 s0, $0x0;
	s0 =	rddreg [dreg:$0x1]  }
0x13b: {  	s0 =	sadd.s32 @!p0 $0x100000, s0  }
0x13c: {  	[sflag:s0] =	ssyncadd.tile.s32 @!p0 $0x1;
	_ =	shalt  }
.Lfunc_end2:
_tile_overlayer_lowered:
.L_overlay_start_2:
0x13d: {  	(tag) =	ssettag $0x2  }
0x13e: {  	s0 =	rddreg [dreg:$0x0];
	s2 =	stileid.u32  }
0x13f: {  	s1 =	rddreg [dreg:$0x1];
	p0 =	sne.s32 s2, $0x0  }
0x140: {  	s3 =	rddreg [dreg:$0x2];
	[bflag:$0x3] =	sbarrier.arrive $0xFFFF;
	s2 =	simm.s32 @!p0 $0x1C07  }
0x141: {  	[timem:s3], [sflag:s2] =	dma.local @!p0 [hbm:s0], s1  }
0x142: {  	s0 =	simm.s32 @!p0 $0x7  }
0x143: {  	_ =	swait.ge @!p0 [sflag:s0], s1  }
0x144: {  	s1 =	ssub.s32 @!p0 $0x0, s1;
	[sflag:s0] =	ssyncset.done @!p0 $0x0  }
0x145: {  	[sflag:s0] =	ssyncadd.s32 @!p0 s1  }
0x146: {  	[bflag:$0x3] =	sbarrier.arrive $0xFFFF  }
0x147: {  	_ =	shalt  }

// kernel: kernel.13.cloned.1.call-start
scs
__scs_entry_jumppad:
0x0: {  	(pc) =	sbr.rel $0x88, $3  }
0x1: {  	(tag) =	ssettag $0x0;
	lr =	simm.s32 $0x1  }
0x2: {  	[smem:$0x3F91] =	sst lr;
	_ =	strace $0xD0000000  }
0x3: {  	_ = 	snop  }
0x4: {  	_ = 	snop  }
0x5: {  	_ = 	snop  }
0x6: {  	_ = 	snop  }
0x7: {  	_ = 	snop  }
__scs_overlays_trampoline_lowered:
0x8: {  	[smem:$0x3FA0] =	sst s0  }
0x9: {  	[smem:$0x3FA1] =	sst s1  }
0xa: {  	[smem:$0x3FA2] =	sst s2  }
0xb: {  	[smem:$0x3FA3] =	sst s3  }
0xc: {  	[smem:$0x3FA4] =	sst s4  }
0xd: {  	[smem:$0x3FA5] =	sst s5  }
0xe: {  	[smem:$0x3FA6] =	sst s6  }
0xf: {  	[smem:$0x3FA7] =	sst s7  }
0x10: {  	[smem:$0x3FA8] =	sst s8  }
0x11: {  	[smem:$0x3FA9] =	sst s9;
	s0 =	simm.s32 @!p0 $0x0  }
0x12: {  	s1 =	sld [smem:$0x3F8F];
	s0 =	simm.s32 @p0 $0x1  }
0x13: {  	[smem:$0x3FAA] =	sst s0;
	s0 =	simm.s32 @!p1 $0x0  }
0x14: {  	s2 =	sld [smem:$0x3F8E];
	s0 =	simm.s32 @p1 $0x1  }
0x15: {  	[smem:$0x3FAB] =	sst s0;
	s0 =	simm.s32 @!p2 $0x0  }
0x16: {  	s3 =	sld [smem:$0x3FDB];
	s0 =	simm.s32 @p2 $0x1  }
0x17: {  	s4 =	simm.s32 $0x1BF5;
	[smem:$0x3FAD] =	sst s0  }
0x18: {  	s0 =	sld [smem:$0x3F90];
	_ =	swait.ge [sflag:s4], $0x0  }
0x19: {  	s7 =	sld [smem:$0x3F91]  }
0x1a: {  	s8 =	sadd.s32 $0xFFFFE003, lr  }
0x1b: {  	s9 =	sadd.s32 $0xFFFFFEF7, lr;
	s5 =	simm.s32 $0xFFFFFFFF;
	p2 =	slt.u32 s8, $0xFFFFF086  }
0x1c: {  	p1 =	slt.u32 s9, $0xF7A;
	s5 =	simm.s32 @!p2 $0x0  }
0x1d: {  	s5 =	simm.s32 @p1 $0x1;
	p0 =	seq.s32 s7, s2  }
0x1e: {  	s7 =	smul.u32 @!p0 $0xF7A, s2;
	p2 =	seq.s32 @!p0 s5, $0x0  }
0x1f: {  	s9 =	smul.u32 $0xF7A, s1;
	s8 =	simm.s32 @!p0 $0x1BF5;
	p2 =	por !p2, p0  }
0x20: {  	[sflag:s8] =	ssyncset.s32 @!p0 $0xFFFFF086;
	s6 =	sadd.s32 @!p0 s3, s7;
	s7 =	simm.s32 @!p0 $0x108  }
0x21: {  	s3 =	sadd.s32 s3, s9;
	s6 =	sadd.s32 @!p0 $0x88, s6;
	s7 =	simm.s32 @p2 $0x1082  }
0x22: {  	[simem:s7], [sflag:s8] =	dma.local @!p0 [hbm:s6], $0xF7A  }
0x23: {  	s9 =	sor.u32 $0xD0000000, s2;
	s6 =	simm.s32 $0x108;
	_ =	swait.ge @!p0 [sflag:s8], $0x0  }
0x24: {  	s3 =	sadd.s32 $0x88, s3;
	s6 =	simm.s32 @!p1 $0x1082;
	[sflag:s4] =	ssyncset.s32 $0xFFFFF086  }
0x25: {  	[simem:s6], [sflag:s4] =	dma.local [hbm:s3], $0xF7A  }
0x26: {  	[smem:$0x3F91] =	sst s1;
	(tag) =	ssettag s2;
	_ =	strace s9  }
0x27: {  	s1 =	sld [smem:$0x3FA1]  }
0x28: {  	s2 =	sld [smem:$0x3FA2]  }
0x29: {  	s4 =	sld [smem:$0x3FA4]  }
0x2a: {  	p0 =	seq.s32 s5, $0x0;
	s5 =	sld [smem:$0x3FA5]  }
0x2b: {  	s6 =	sld [smem:$0x3FA6]  }
0x2c: {  	s7 =	sld [smem:$0x3FA7]  }
0x2d: {  	s3 =	simm.s32 $0x108;
	s8 =	sld [smem:$0x3FA8]  }
0x2e: {  	s3 =	simm.s32 @!p0 $0x1082;
	s9 =	sld [smem:$0x3FA9]  }
0x2f: {  	lr =	sadd.s32 s0, s3;
	s0 =	sld [smem:$0x3FA0]  }
0x30: {  	s3 =	sld [smem:$0x3FA3]  }
0x31: {  	[smem:$0x3FAC] =	sst s10  }
0x32: {  	s10 =	sld [smem:$0x3FAA];
	_ =	sdelay $0x3  }
0x33: {  	p0 =	seq.s32 s10, $0x1;
	s10 =	sld [smem:$0x3FAC];
	_ =	sdelay $0x3  }
0x34: {  	[smem:$0x3FAC] =	sst s10  }
0x35: {  	s10 =	sld [smem:$0x3FAB];
	_ =	sdelay $0x3  }
0x36: {  	p1 =	seq.s32 s10, $0x1;
	s10 =	sld [smem:$0x3FAC];
	_ =	sdelay $0x3  }
0x37: {  	[smem:$0x3FAC] =	sst s10  }
0x38: {  	s10 =	sld [smem:$0x3FAD]  }
0x39: {  	_ = 	snop;
	(pc) =	sbr.ind lr, $3  }
0x3a: {  	_ = 	snop  }
0x3b: {  	_ = 	snop  }
0x3c: {  	p2 =	seq.s32 s10, $0x1;
	s10 =	sld [smem:$0x3FAC]  }
0x3d: {  	_ =	shalt  }
0x3e: {  	_ =	shalt  }
0x3f: {  	_ =	shalt  }
0x40: {  	_ =	shalt  }
0x41: {  	_ =	shalt  }
0x42: {  	_ =	shalt  }
0x43: {  	_ =	shalt  }
0x44: {  	_ =	shalt  }
0x45: {  	_ =	shalt  }
0x46: {  	_ =	shalt  }
0x47: {  	_ =	shalt  }
0x48: {  	_ =	shalt  }
0x49: {  	_ =	shalt  }
0x4a: {  	_ =	shalt  }
0x4b: {  	_ =	shalt  }
0x4c: {  	_ =	shalt  }
0x4d: {  	_ =	shalt  }
0x4e: {  	_ =	shalt  }
0x4f: {  	_ =	shalt  }
0x50: {  	_ =	shalt  }
0x51: {  	_ =	shalt  }
0x52: {  	_ =	shalt  }
0x53: {  	_ =	shalt  }
0x54: {  	_ =	shalt  }
0x55: {  	_ =	shalt  }
0x56: {  	_ =	shalt  }
0x57: {  	_ =	shalt  }
0x58: {  	_ =	shalt  }
0x59: {  	_ =	shalt  }
0x5a: {  	_ =	shalt  }
0x5b: {  	_ =	shalt  }
0x5c: {  	_ =	shalt  }
0x5d: {  	_ =	shalt  }
0x5e: {  	_ =	shalt  }
0x5f: {  	_ =	shalt  }
0x60: {  	_ =	shalt  }
0x61: {  	_ =	shalt  }
0x62: {  	_ =	shalt  }
0x63: {  	_ =	shalt  }
0x64: {  	_ =	shalt  }
0x65: {  	_ =	shalt  }
0x66: {  	_ =	shalt  }
0x67: {  	_ =	shalt  }
0x68: {  	_ =	shalt  }
0x69: {  	_ =	shalt  }
0x6a: {  	_ =	shalt  }
0x6b: {  	_ =	shalt  }
0x6c: {  	_ =	shalt  }
0x6d: {  	_ =	shalt  }
0x6e: {  	_ =	shalt  }
0x6f: {  	_ =	shalt  }
0x70: {  	_ =	shalt  }
0x71: {  	_ =	shalt  }
0x72: {  	_ =	shalt  }
0x73: {  	_ =	shalt  }
0x74: {  	_ =	shalt  }
0x75: {  	_ =	shalt  }
0x76: {  	_ =	shalt  }
0x77: {  	_ =	shalt  }
0x78: {  	_ =	shalt  }
0x79: {  	_ =	shalt  }
0x7a: {  	_ =	shalt  }
0x7b: {  	_ =	shalt  }
0x7c: {  	_ =	shalt  }
0x7d: {  	_ =	shalt  }
0x7e: {  	_ =	shalt  }
0x7f: {  	_ =	shalt  }
0x80: {  	_ =	shalt  }
0x81: {  	_ =	shalt  }
0x82: {  	_ =	shalt  }
0x83: {  	_ =	shalt  }
0x84: {  	_ =	shalt  }
0x85: {  	_ =	shalt  }
0x86: {  	_ =	shalt  }
0x87: {  	_ =	shalt  }
.Lfunc_end0:
.L_simem_size_0:
called_computation.1_lowered:
.L_overlay_start_0:
0x88: {  	s2 =	sld [smem:$0x3FD9]  }
0x89: {  	s3 =	sld [smem:$0x3FFE];
	_ =	sdelay $0x1  }
0x8a: {  	s1 =	srdreg.scid  }
0x8b: {  	s0 =	sand.u32 $0x1, s1  }
0x8c: {  	s17 =	sshll.u32 s0, $0xA;
	s2 =	sadd.s32 s3, s2  }
0x8d: {  	s2 =	sadd.s32 s2, s17  }
0x8e: {  	[smem:$0x3FB8] =	sst s2  }
0x8f: {  	_ = 	snop  }
0x90: {  	s18 =	sld [smem:$0x3FD0];
	(tm) =	ssettm $0x1  }
0x91: {  	s19 =	sld [smem:$0x3FFB];
	_ =	sdelay $0x3  }
0x92: {  	_ =	strace s19  }
0x93: {  	s2 =	sld [smem:$0x3FFC];
	_ =	sdelay $0x3  }
0x94: {  	_ =	strace s2  }
0x95: {  	s2 =	sld [smem:$0x3FFD];
	_ =	sdelay $0x3  }
0x96: {  	_ =	strace s2  }
0x97: {  	_ =	strace $0x8FFFFFFF  }
0x98: {  	s20 =	sld [smem:$0x3FDB];
	_ =	sdelay $0x1  }
0x99: {  	s4 =	simm.s32 $_scs_section_size  }
0x9a: {  	s5 =	simm.s32 $_size__tile_overlayer_lowered;
	s6 =	simm.s32 $_tile_overlayer_lowered  }
0x9b: {  	s7 =	simm.s32 $0x1BFF;
	s21 =	sshll.u32 s6, $0x1;
	s4 =	sadd.s32 s4, s20  }
0x9c: {  	s22 =	simm.s32 $0x0;
	s5 =	sshll.u32 s5, $0x1;
	s6 =	sadd.s32 s21, s4  }
0x9d: {  	[timem:s22], [sflag:s7] =	dma.local [hbm:s6], s5  }
0x9e: {  	_ =	swait.ge [sflag:s7], s5  }
0x9f: {  	s5 =	ssub.s32 $0x0, s5;
	[sflag:s7] =	ssyncset.done $0x0  }
0xa0: {  	[sflag:s7] =	ssyncadd.s32 s5;
	_ =	sdelay $0x1  }
0xa1: {  	s23 =	simm.s32 $0x1B8B  }
0xa2: {  	_ =	swait.ge [sflag:s23], $0x1  }
0xa3: {  	[sflag:s23] =	ssyncset.done $0x0  }
0xa4: {  	[sflag:s23] =	ssyncadd.s32 $0xFFFFFFFF  }
0xa5: {  	s5 =	sld [smem:$0x0]  }
0xa6: {  	s6 =	sand.u32 $0xFFFFFFFE, s1  }
0xa7: {  	p0 =	sne.s32 s1, s6  }
0xa8: {  	s6 =	sshll.u32 @p0 s6, $0xE  }
0xa9: {  	s6 =	sadd.s32 @p0 $0x11B8D, s6;
	s7 =	sshll.u32 @p0 s5, $0x11  }
0xaa: {  	s6 =	sor.u32 @p0 s7, s6  }
0xab: {  	[sflag:s6] =	ssyncadd.remote.s32 @p0 $0x1;
	_ =	sdelay $0x1  }
0xac: {  	s6 =	simm.s32 @p0 $0x1B8D  }
0xad: {  	_ =	swait.eq @p0 [sflag:s6], $0x1  }
0xae: {  	[sflag:s6] =	ssyncadd.s32 @p0 $0xFFFFFFFF  }
0xaf: {  	s7 =	sshll.u32 @!p0 s1, $0xE  }
0xb0: {  	s7 =	sor.u32 @!p0 $0x4000, s7;
	s6 =	simm.s32 @!p0 $0x1B8D  }
0xb1: {  	s5 =	sshll.u32 @!p0 s5, $0x11;
	s7 =	sadd.s32 @!p0 $0x11B8D, s7;
	_ =	swait.eq @!p0 [sflag:s6], $0x1  }
0xb2: {  	s5 =	sor.u32 @!p0 s5, s7;
	[sflag:s6] =	ssyncadd.s32 @!p0 $0xFFFFFFFF  }
0xb3: {  	s25 =	simm.s32 $0x1B8E;
	s24 =	sld [smem:$0x3FFE];
	[sflag:s5] =	ssyncadd.remote.s32 @!p0 $0x1  }
0xb4: {  	s26 =	simm.s32 $execute0_lowered;
	[smem:$0x3FD2] =	sst s25  }
0xb5: {  	s6 =	sshll.u32 s26, $0x1;
	_ =	strace $0x80000049;
	[dreg:$0x1] =	wrdreg $0xFFFFFFFF  }
0xb6: {  	s28 =	simm.s32 $_size_execute0_lowered;
	s4 =	sadd.s32 s4, s6;
	[dreg:$0x0] =	wrdreg $0x0  }
0xb7: {  	s6 =	sshll.u32 s28, $0x1;
	[dreg:$0x2] =	wrdreg s4  }
0xb8: {  	[dreg:$0x3] =	wrdreg s6  }
0xb9: {  	[dreg:$0x4] =	wrdreg $0xC0  }
0xba: {  	_ =	task [dreg:s22], $0x5FFFF  }
0xbb: {  	[dreg:$0x1] =	wrdreg $0xFFFFFFFF  }
0xbc: {  	[dreg:$0x0] =	wrdreg $0x60  }
0xbd: {  	[dreg:$0x2] =	wrdreg s24  }
0xbe: {  	[dreg:$0x3] =	wrdreg s18  }
0xbf: {  	[dreg:$0x4] =	wrdreg $0xA  }
0xc0: {  	_ =	task.clear_ibuf [dreg:s22], $0x5FFFF;
	_ =	strace $0x90000049  }
0xc1: {  	s29 =	simm.s32 $0xA;
	_ =	strace $0x8000004B  }
0xc2: {  	_ =	swait.ge [sflag:s29], $0x1  }
0xc3: {  	[sflag:s29] =	ssyncadd.s32 $0xFFFFFFFF  }
0xc4: {  	_ =	strace $0x9000004B  }
0xc5: {  	_ =	sfence  }
0xc6: {  	s30 =	sld [smem:$0x0];
	_ =	sdelay $0x2  }
0xc7: {  	s31 =	sshll.u32 s1, $0xD;
	s1 =	sshrl.u32 s1, $0x2  }
0xc8: {  	s4 =	sand.u32 $0x4000, s31;
	s1 =	sadd.s32 s1, s30  }
0xc9: {  	s0 =	sor.u32 s4, s0;
	s1 =	sshll.u32 s1, $0x11  }
0xca: {  	s0 =	sor.u32 s1, s0  }
0xcb: {  	s0 =	sadd.s32 $0x8F2B, s0  }
0xcc: {  	[sflag:s0] =	ssyncadd.remote.s32 $0x1  }
0xcd: {  	_ =	sfence.sel $0xFFFF  }
0xce: {  	[dreg:$0x0] =	wrdreg $0xFFFFFFFF;
	(pc) =	sbr.abs _section_cstart, $3  }
0xcf: {  	[dreg:$0x1] =	wrdreg $0xFFFFFFFF  }
0xd0: {  	_ =	task.clear_ibuf [dreg:s22], $0x2FFFF;
	_ =	strace $0x9FFFFFFF  }
0xd1: {  	(tm) =	ssettm $0x7FFFFFFF  }
tec
execute0_lowered:
.L_overlay_start_1:
0x0: {  	(tag) =	ssettag $0x1  }
0x1: {  	s0 =	rddreg [dreg:$0x0];
	s1 =	srdreg.scid  }
0x2: {  	s3 =	stileid.u32;
	s2 =	rddreg [dreg:$0x1];
	s18 =	simm.s32 $0x7D0  }
0x3: {  	s28 =	simm.s32 $0x109A0;
	s29 =	simm.s32 $0x2;
	s30 =	simm.s32 $0x3  }
0x4: {  	s31 =	simm.s32 $0x14820;
	s1 =	sand.u32 $0x1, s1;
	s4 =	sshll.u32 s3, $0x1  }
0x5: {  	s3 =	simm.s32 $0x0;
	s5 =	sadd.s32 $0x7E400, s0;
	s6 =	sadd.s32 $0x4000, s0  }
0x6: {  	s7 =	sadd.s32 $0x65C00, s0;
	s8 =	sor.u32 s1, s4;
	s1 =	ssub.s32 $0x2, s1  }
0x7: {  	[smem:$0x7FF] =	sst s3;
	s4 =	smul.u32 $0x61A8, s8;
	s9 =	sshrl.u32 s1, $0x1  }
0x8: {  	_ =	strace $0x8000004A;
	s8 =	smul.u32 $0x61A80, s8;
	s19 =	ssub.s32 s1, s9  }
0x9: {  	s10 =	sshrl.u32 s4, $0x3;
	s22 =	sadd.s32 $0xC38E8, s4;
	s24 =	sadd.s32 $0x24A2E8, s4  }
0xa: {  	s8 =	sshrl.u32 s8, $0x3;
	s12 =	sadd.s32 $0xC3CD0, s4;
	s13 =	sadd.s32 $0xC40B8, s4  }
0xb: {  	s14 =	sadd.s32 $0x3E8, s4;
	s0 =	smax.u32 s19, $0x1;
	s19 =	simm.s32 $0x3E8  }
0xc: {  	s20 =	sadd.s32 s6, s10;
	s23 =	sshrl.u32 s22, $0x3;
	s25 =	sshrl.u32 s24, $0x3  }
0xd: {  	s26 =	sadd.s32 s2, s8;
	[dreg:$0x8] =	wrdreg s0;
	s22 =	simm.s32 $0xBB8  }
0xe: {  	s24 =	simm.s32 $0x4;
	s0 =	simm.s32 $0x6;
	s21 =	sadd.s32 $0x186A0, s20  }
0xf: {  	s8 =	simm.s32 $0x0;
	s1 =	sadd.s32 $0x493E0, s20;
	[dreg:$0x3] =	wrdreg s21  }
0x10: {  	s20 =	simm.s32 $0xFA0;
	[dreg:$0x4] =	wrdreg s1;
	s1 =	sadd.s32 s6, s23  }
0x11: {  	s21 =	simm.s32 $0x8CA0;
	[dreg:$0x5] =	wrdreg s1;
	s1 =	sadd.s32 s6, s25  }
0x12: {  	s23 =	simm.s32 $0x1;
	[dreg:$0x6] =	wrdreg s1;
	s1 =	sadd.s32 $0xBB80, s26  }
0x13: {  	s25 =	simm.s32 $0x4E20;
	s26 =	simm.s32 $0xCB20;
	[dreg:$0x7] =	wrdreg s1  }
.LBB2_1:
0x14: {  	s1 =	rddreg [dreg:$0x3];
	s9 =	simm.s32 $0x7  }
0x15: {  	[tilespmem:s3], [sflag:$0x7] =	stream.linear.gather [hbm4b:s1+s3], $0x3E8, $0x38;
	[tilespmem:$0x186A0] =	vst v63  }
0x16: {  	_ =	swait.ge [sflag:s9], $0x3E8  }
0x17: {  	[sflag:s9] =	ssyncset.done $0x0  }
0x18: {  	s15 =	rddreg [dreg:$0x4];
	[sflag:s9] =	ssyncadd.s32 $0xFFFFFC18  }
0x19: {  	[tilespmem:s18], [sflag:$0x7] =	stream.linear.gather [hbm4b:s15+s3], $0x3E8, $0x38;
	[tilespmem:$0x186A0] =	vst v63  }
0x1a: {  	_ =	swait.ge [sflag:s9], $0x3E8  }
0x1b: {  	[sflag:s9] =	ssyncset.done $0x0  }
0x1c: {  	[sflag:s9] =	ssyncadd.s32 $0xFFFFFC18  }
0x1d: {  	[tilespmem:s20], [sflag:$0x1] =	stream.indirect.gather [hbm4b:s5+s19], $0x10, s3, s19, $0xb8;
	[tilespmem:$0x186A0] =	vst v63  }
0x1e: {  	_ = 	snop  }
0x1f: {  	[tilespmem:s21], [sflag:$0x1] =	stream.indirect.gather [hbm4b:s7+s19], $0x10, s18, s19, $0xb8;
	[tilespmem:$0x186A0] =	vst v63  }
0x20: {  	s16 =	rddreg [dreg:$0x5]  }
0x21: {  	[tilespmem:s19], [sflag:$0x4] =	stream.linear.gather [hbm4b:s16+s3], $0x3E8, $0x38;
	[tilespmem:$0x186A0] =	vst v63  }
0x22: {  	s17 =	rddreg [dreg:$0x6];
	s9 =	simm.s32 $0x0  }
0x23: {  	[tilespmem:s22], [sflag:$0x4] =	stream.linear.gather [hbm4b:s17+s3], $0x3E8, $0x38;
	[tilespmem:$0x186A0] =	vst v63  }
.LBB2_2:
0x24: {  	_ =	swait.ge [sflag:s23], $0x3E80  }
0x25: {  	[sflag:s23] =	ssyncset.done $0x0  }
0x26: {  	[sflag:s23] =	ssyncadd.s32 $0xFFFFC180  }
0x27: {  	_ =	swait.ge [sflag:s23], $0x3E80  }
0x28: {  	[sflag:s23] =	ssyncset.done $0x0  }
0x29: {  	[sflag:s23] =	ssyncadd.s32 $0xFFFFC180  }
0x2a: {  	_ =	swait.ge [sflag:s24], $0x3E8  }
0x2b: {  	[sflag:s24] =	ssyncset.done $0x0  }
0x2c: {  	[sflag:s24] =	ssyncadd.s32 $0xFFFFFC18  }
0x2d: {  	s10 =	smul.u32 $0x7D0, s9;
	_ =	swait.ge [sflag:s24], $0x3E8  }
0x2e: {  	[sflag:s24] =	ssyncset.done $0x0  }
0x2f: {  	s1 =	sadd.s32 s10, s12;
	[sflag:s24] =	ssyncadd.s32 $0xFFFFFC18  }
0x30: {  	[tilespmem:s25], [sflag:$0x2] =	stream.indirect.gather [hbm4b:s5+s19], $0x10, s19, s19, $0xb8;
	[tilespmem:$0x186A0] =	vst v63  }
0x31: {  	s1 =	sshrl.u32 s1, $0x3  }
0x32: {  	[tilespmem:s26], [sflag:$0x2] =	stream.indirect.gather [hbm4b:s7+s19], $0x10, s22, s19, $0xb8;
	[tilespmem:$0x186A0] =	vst v63  }
0x33: {  	s1 =	sadd.s32 s6, s1  }
0x34: {  	[tilespmem:s3], [sflag:$0x3] =	stream.linear.gather [hbm4b:s1+s3], $0x3E8, $0x38;
	[tilespmem:$0x186A0] =	vst v63  }
0x35: {  	p0 =	seq.s32 s9, $0x0;
	s1 =	sadd.s32 $0x30D40, s1  }
0x36: {  	[tilespmem:s18], [sflag:$0x3] =	stream.linear.gather [hbm4b:s1+s3], $0x3E8, $0x38;
	[tilespmem:$0x186A0] =	vst v63  }
0x37: {  	s1 =	simm.s32 @!p0 $0x5  }
0x38: {  	_ =	swait.ge @!p0 [sflag:s1], $0x3E80  }
0x39: {  	[sflag:s1] =	ssyncset.done @!p0 $0x0  }
0x3a: {  	s15 =	simm.s32 $0xFE0;
	[sflag:s1] =	ssyncadd.s32 @!p0 $0xFFFFC180  }
0x3b: {  	s11 =	simm.s32 $0x8CE0;
	v0 =	vld [tilespmem:s15+$0xFFFFFFC0]  }
0x3c: {  	v1 =	vld [tilespmem:s11+$0xFFFFFFC0];
	_ =	sdelay $0x4  }
0x3d: {  	v0 =	vadd.f32 v1, v0  }
0x3e: {  	s16 =	simm.s32 $0x109E0  }
0x3f: {  	[tilespmem:s16+$0xFFFFFFC0] =	vst v0  }
0x40: {  	v0 =	vld [tilespmem:s11+$0xFFFFFFD0]  }
0x41: {  	v1 =	vld [tilespmem:s15+$0xFFFFFFD0];
	_ =	sdelay $0x4  }
0x42: {  	v0 =	vadd.f32 v0, v1;
	_ =	sdelay $0x1  }
0x43: {  	[tilespmem:s16+$0xFFFFFFD0] =	vst v0  }
0x44: {  	v0 =	vld [tilespmem:s15+$0xFFFFFFE0]  }
0x45: {  	v1 =	vld [tilespmem:s11+$0xFFFFFFE0];
	_ =	sdelay $0x4  }
0x46: {  	v0 =	vadd.f32 v1, v0;
	_ =	sdelay $0x1  }
0x47: {  	[tilespmem:s16+$0xFFFFFFE0] =	vst v0  }
0x48: {  	v0 =	vld [tilespmem:s15+$0xFFFFFFF0]  }
0x49: {  	v1 =	vld [tilespmem:s11+$0xFFFFFFF0];
	_ =	sdelay $0x4  }
0x4a: {  	v0 =	vadd.f32 v1, v0;
	_ =	sdelay $0x1  }
0x4b: {  	[tilespmem:s16+$0xFFFFFFF0] =	vst v0  }
0x4c: {  	v0 =	vld [tilespmem:s15+$0x0]  }
0x4d: {  	v1 =	vld [tilespmem:s11+$0x0];
	_ =	sdelay $0x4  }
0x4e: {  	v0 =	vadd.f32 v1, v0;
	_ =	sdelay $0x1  }
0x4f: {  	[tilespmem:s16+$0x0] =	vst v0  }
0x50: {  	v0 =	vld [tilespmem:s15+$0x10]  }
0x51: {  	v1 =	vld [tilespmem:s11+$0x10];
	_ =	sdelay $0x4  }
0x52: {  	v0 =	vadd.f32 v1, v0;
	_ =	sdelay $0x1  }
0x53: {  	[tilespmem:s16+$0x10] =	vst v0  }
0x54: {  	v0 =	vld [tilespmem:s15+$0x20]  }
0x55: {  	v1 =	vld [tilespmem:s11+$0x20];
	_ =	sdelay $0x4  }
0x56: {  	v0 =	vadd.f32 v1, v0;
	_ =	sdelay $0x1  }
0x57: {  	[tilespmem:s16+$0x20] =	vst v0  }
0x58: {  	s17 =	simm.s32 $0x0;
	s1 =	simm.s32 $0x10A60;
	v0 =	vld [tilespmem:s15+$0x30]  }
.LBB2_3:
0x59: {  	s17 =	sadd.s32 $0x8, s17;
	v1 =	vld [tilespmem:s11+$0x30];
	s15 =	sadd.s32 $0x80, s15;
	s11 =	sadd.s32 $0x80, s11  }
0x5a: {  	p0 =	slt.u32 s17, $0x3E0;
	_ =	sdelay $0x3  }
0x5b: {  	v0 =	vadd.f32 v1, v0;
	_ =	sdelay $0x1  }
0x5c: {  	[tilespmem:s16+$0x30] =	vst v0;
	s16 =	smov.u32 s1  }
0x5d: {  	v0 =	vld [tilespmem:s15+$0xFFFFFFC0]  }
0x5e: {  	v1 =	vld [tilespmem:s11+$0xFFFFFFC0];
	_ =	sdelay $0x4  }
0x5f: {  	v0 =	vadd.f32 v1, v0;
	_ =	sdelay $0x1  }
0x60: {  	[tilespmem:s1+$0xFFFFFFC0] =	vst v0  }
0x61: {  	v0 =	vld [tilespmem:s11+$0xFFFFFFD0]  }
0x62: {  	v1 =	vld [tilespmem:s15+$0xFFFFFFD0];
	_ =	sdelay $0x4  }
0x63: {  	v0 =	vadd.f32 v0, v1;
	_ =	sdelay $0x1  }
0x64: {  	[tilespmem:s1+$0xFFFFFFD0] =	vst v0  }
0x65: {  	v0 =	vld [tilespmem:s15+$0xFFFFFFE0]  }
0x66: {  	v1 =	vld [tilespmem:s11+$0xFFFFFFE0];
	_ =	sdelay $0x4  }
0x67: {  	v0 =	vadd.f32 v1, v0;
	_ =	sdelay $0x1  }
0x68: {  	[tilespmem:s1+$0xFFFFFFE0] =	vst v0  }
0x69: {  	v0 =	vld [tilespmem:s15+$0xFFFFFFF0]  }
0x6a: {  	v1 =	vld [tilespmem:s11+$0xFFFFFFF0];
	_ =	sdelay $0x4  }
0x6b: {  	v0 =	vadd.f32 v1, v0;
	_ =	sdelay $0x1  }
0x6c: {  	[tilespmem:s1+$0xFFFFFFF0] =	vst v0  }
0x6d: {  	v0 =	vld [tilespmem:s15+$0x0]  }
0x6e: {  	v1 =	vld [tilespmem:s11+$0x0];
	_ =	sdelay $0x4  }
0x6f: {  	v0 =	vadd.f32 v1, v0;
	_ =	sdelay $0x1  }
0x70: {  	[tilespmem:s1+$0x0] =	vst v0  }
0x71: {  	v0 =	vld [tilespmem:s15+$0x10]  }
0x72: {  	v1 =	vld [tilespmem:s11+$0x10];
	_ =	sdelay $0x4  }
0x73: {  	v0 =	vadd.f32 v1, v0;
	_ =	sdelay $0x1  }
0x74: {  	[tilespmem:s1+$0x10] =	vst v0  }
0x75: {  	v0 =	vld [tilespmem:s15+$0x20]  }
0x76: {  	v1 =	vld [tilespmem:s11+$0x20];
	_ =	sdelay $0x3  }
.Ltmp0:
0x77: {  	(pc) =	sbr.rel @p0 .LBB2_3-.Ltmp0, $3  }
0x78: {  	v0 =	vadd.f32 v1, v0;
	_ =	sdelay $0x1  }
0x79: {  	[tilespmem:s1+$0x20] =	vst v0  }
0x7a: {  	s1 =	sadd.s32 $0x80, s1;
	v0 =	vld [tilespmem:s15+$0x30]  }
0x7b: {  	v1 =	vld [tilespmem:s11+$0x30];
	_ =	sdelay $0x4  }
0x7c: {  	s1 =	sadd.s32 s4, s10;
	v0 =	vadd.f32 v1, v0  }
0x7d: {  	s1 =	sshll.u32 s1, $0x1  }
0x7e: {  	s1 =	sadd.s32 s2, s1;
	[tilespmem:s16+$0x30] =	vst v0  }
0x7f: {  	[hbm4b:s1+s3] =	stream.linear.scatter [tilespmem:s28], [sflag:$0x5], $0x3E80, $0x38;
	[tilespmem:$0x186A0] =	vst v63  }
0x80: {  	_ =	swait.ge [sflag:s29], $0x3E80  }
0x81: {  	[sflag:s29] =	ssyncset.done $0x0  }
0x82: {  	[sflag:s29] =	ssyncadd.s32 $0xFFFFC180  }
0x83: {  	_ =	swait.ge [sflag:s29], $0x3E80  }
0x84: {  	[sflag:s29] =	ssyncset.done $0x0  }
0x85: {  	[sflag:s29] =	ssyncadd.s32 $0xFFFFC180  }
0x86: {  	_ =	swait.ge [sflag:s30], $0x3E8  }
0x87: {  	[sflag:s30] =	ssyncset.done $0x0  }
0x88: {  	[sflag:s30] =	ssyncadd.s32 $0xFFFFFC18  }
0x89: {  	_ =	swait.ge [sflag:s30], $0x3E8  }
0x8a: {  	p0 =	seq.s32 s9, $0xB;
	[sflag:s30] =	ssyncset.done $0x0  }
0x8b: {  	s1 =	sadd.s32 @!p0 s10, s13;
	[sflag:s30] =	ssyncadd.s32 $0xFFFFFC18  }
0x8c: {  	[tilespmem:s20], [sflag:$0x1] =	stream.indirect.gather [hbm4b:s5+s19], $0x10, s3, s19, $0xb8;
	[tilespmem:$0x186A0] =	vst v63  }
0x8d: {  	s1 =	sshrl.u32 @!p0 s1, $0x3  }
0x8e: {  	[tilespmem:s21], [sflag:$0x1] =	stream.indirect.gather [hbm4b:s7+s19], $0x10, s18, s19, $0xb8;
	[tilespmem:$0x186A0] =	vst v63  }
0x8f: {  	s11 =	simm.s32 @!p0 $0x0;
	s15 =	simm.s32 @!p0 $0x3E8;
	s1 =	sadd.s32 @!p0 s6, s1  }
0x90: {  	[tilespmem:s15], [sflag:$0x4] =	stream.linear.gather @!p0 [hbm4b:s1+s11], $0x3E8, $0x38;
	[tilespmem:$0x186A0] =	vst v63  }
0x91: {  	p1 =	seq.s32 @!p0 s9, $0x0;
	s1 =	sadd.s32 @!p0 $0x30D40, s1;
	s15 =	simm.s32 @!p0 $0xBB8  }
0x92: {  	[tilespmem:s15], [sflag:$0x4] =	stream.linear.gather @!p0 [hbm4b:s1+s11], $0x3E8, $0x38;
	[tilespmem:$0x186A0] =	vst v63  }
0x93: {  	p0 =	por p0, !p1  }
0x94: {  	_ =	swait.ge @p0 [sflag:s0], $0x3E80  }
0x95: {  	[sflag:s0] =	ssyncset.done @p0 $0x0  }
0x96: {  	s16 =	simm.s32 $0x4E60;
	[sflag:s0] =	ssyncadd.s32 @p0 $0xFFFFC180  }
0x97: {  	s15 =	simm.s32 $0xCB60;
	v0 =	vld [tilespmem:s16+$0xFFFFFFC0]  }
0x98: {  	v1 =	vld [tilespmem:s15+$0xFFFFFFC0];
	_ =	sdelay $0x4  }
0x99: {  	v0 =	vadd.f32 v1, v0  }
0x9a: {  	s11 =	simm.s32 $0x14860  }
0x9b: {  	[tilespmem:s11+$0xFFFFFFC0] =	vst v0  }
0x9c: {  	v0 =	vld [tilespmem:s15+$0xFFFFFFD0]  }
0x9d: {  	v1 =	vld [tilespmem:s16+$0xFFFFFFD0];
	_ =	sdelay $0x4  }
0x9e: {  	v0 =	vadd.f32 v0, v1;
	_ =	sdelay $0x1  }
0x9f: {  	[tilespmem:s11+$0xFFFFFFD0] =	vst v0  }
0xa0: {  	v0 =	vld [tilespmem:s16+$0xFFFFFFE0]  }
0xa1: {  	v1 =	vld [tilespmem:s15+$0xFFFFFFE0];
	_ =	sdelay $0x4  }
0xa2: {  	v0 =	vadd.f32 v1, v0;
	_ =	sdelay $0x1  }
0xa3: {  	[tilespmem:s11+$0xFFFFFFE0] =	vst v0  }
0xa4: {  	v0 =	vld [tilespmem:s16+$0xFFFFFFF0]  }
0xa5: {  	v1 =	vld [tilespmem:s15+$0xFFFFFFF0];
	_ =	sdelay $0x4  }
0xa6: {  	v0 =	vadd.f32 v1, v0;
	_ =	sdelay $0x1  }
0xa7: {  	[tilespmem:s11+$0xFFFFFFF0] =	vst v0  }
0xa8: {  	v0 =	vld [tilespmem:s16+$0x0]  }
0xa9: {  	v1 =	vld [tilespmem:s15+$0x0];
	_ =	sdelay $0x4  }
0xaa: {  	v0 =	vadd.f32 v1, v0;
	_ =	sdelay $0x1  }
0xab: {  	[tilespmem:s11+$0x0] =	vst v0  }
0xac: {  	v0 =	vld [tilespmem:s16+$0x10]  }
0xad: {  	v1 =	vld [tilespmem:s15+$0x10];
	_ =	sdelay $0x4  }
0xae: {  	v0 =	vadd.f32 v1, v0;
	_ =	sdelay $0x1  }
0xaf: {  	[tilespmem:s11+$0x10] =	vst v0  }
0xb0: {  	v0 =	vld [tilespmem:s16+$0x20]  }
0xb1: {  	v1 =	vld [tilespmem:s15+$0x20];
	_ =	sdelay $0x4  }
0xb2: {  	v0 =	vadd.f32 v1, v0;
	_ =	sdelay $0x1  }
0xb3: {  	[tilespmem:s11+$0x20] =	vst v0  }
0xb4: {  	s17 =	simm.s32 $0x0;
	s1 =	simm.s32 $0x148E0;
	v0 =	vld [tilespmem:s16+$0x30]  }
.LBB2_5:
0xb5: {  	s17 =	sadd.s32 $0x8, s17;
	v1 =	vld [tilespmem:s15+$0x30];
	s16 =	sadd.s32 $0x80, s16;
	s15 =	sadd.s32 $0x80, s15  }
0xb6: {  	p0 =	slt.u32 s17, $0x3E0;
	_ =	sdelay $0x3  }
0xb7: {  	v0 =	vadd.f32 v1, v0;
	_ =	sdelay $0x1  }
0xb8: {  	[tilespmem:s11+$0x30] =	vst v0;
	s11 =	smov.u32 s1  }
0xb9: {  	v0 =	vld [tilespmem:s16+$0xFFFFFFC0]  }
0xba: {  	v1 =	vld [tilespmem:s15+$0xFFFFFFC0];
	_ =	sdelay $0x4  }
0xbb: {  	v0 =	vadd.f32 v1, v0;
	_ =	sdelay $0x1  }
0xbc: {  	[tilespmem:s1+$0xFFFFFFC0] =	vst v0  }
0xbd: {  	v0 =	vld [tilespmem:s15+$0xFFFFFFD0]  }
0xbe: {  	v1 =	vld [tilespmem:s16+$0xFFFFFFD0];
	_ =	sdelay $0x4  }
0xbf: {  	v0 =	vadd.f32 v0, v1;
	_ =	sdelay $0x1  }
0xc0: {  	[tilespmem:s1+$0xFFFFFFD0] =	vst v0  }
0xc1: {  	v0 =	vld [tilespmem:s16+$0xFFFFFFE0]  }
0xc2: {  	v1 =	vld [tilespmem:s15+$0xFFFFFFE0];
	_ =	sdelay $0x4  }
0xc3: {  	v0 =	vadd.f32 v1, v0;
	_ =	sdelay $0x1  }
0xc4: {  	[tilespmem:s1+$0xFFFFFFE0] =	vst v0  }
0xc5: {  	v0 =	vld [tilespmem:s16+$0xFFFFFFF0]  }
0xc6: {  	v1 =	vld [tilespmem:s15+$0xFFFFFFF0];
	_ =	sdelay $0x4  }
0xc7: {  	v0 =	vadd.f32 v1, v0;
	_ =	sdelay $0x1  }
0xc8: {  	[tilespmem:s1+$0xFFFFFFF0] =	vst v0  }
0xc9: {  	v0 =	vld [tilespmem:s16+$0x0]  }
0xca: {  	v1 =	vld [tilespmem:s15+$0x0];
	_ =	sdelay $0x4  }
0xcb: {  	v0 =	vadd.f32 v1, v0;
	_ =	sdelay $0x1  }
0xcc: {  	[tilespmem:s1+$0x0] =	vst v0  }
0xcd: {  	v0 =	vld [tilespmem:s16+$0x10]  }
0xce: {  	v1 =	vld [tilespmem:s15+$0x10];
	_ =	sdelay $0x4  }
0xcf: {  	v0 =	vadd.f32 v1, v0;
	_ =	sdelay $0x1  }
0xd0: {  	[tilespmem:s1+$0x10] =	vst v0  }
0xd1: {  	v0 =	vld [tilespmem:s16+$0x20]  }
0xd2: {  	v1 =	vld [tilespmem:s15+$0x20];
	_ =	sdelay $0x3  }
.Ltmp1:
0xd3: {  	(pc) =	sbr.rel @p0 .LBB2_5-.Ltmp1, $3  }
0xd4: {  	v0 =	vadd.f32 v1, v0;
	_ =	sdelay $0x1  }
0xd5: {  	[tilespmem:s1+$0x20] =	vst v0  }
0xd6: {  	s1 =	sadd.s32 $0x80, s1;
	v0 =	vld [tilespmem:s16+$0x30]  }
0xd7: {  	v1 =	vld [tilespmem:s15+$0x30];
	_ =	sdelay $0x1  }
0xd8: {  	s9 =	sadd.s32 $0x1, s9  }
0xd9: {  	p0 =	sne.s32 s9, $0xC  }
.Ltmp2:
0xda: {  	s1 =	sadd.s32 s10, s14;
	(pc) =	sbr.rel @p0 .LBB2_2-.Ltmp2, $4  }
0xdb: {  	s1 =	sshll.u32 s1, $0x1;
	v0 =	vadd.f32 v1, v0  }
0xdc: {  	s1 =	sand.u32 $0x1FFFFFF0, s1  }
0xdd: {  	s1 =	sadd.s32 s2, s1;
	[tilespmem:s11+$0x30] =	vst v0  }
0xde: {  	[hbm4b:s1+s3] =	stream.linear.scatter [tilespmem:s31], [sflag:$0x6], $0x3E80, $0x38;
	[tilespmem:$0x186A0] =	vst v63  }
0xdf: {  	_ =	swait.ge [sflag:s23], $0x3E80  }
0xe0: {  	[sflag:s23] =	ssyncset.done $0x0  }
0xe1: {  	[sflag:s23] =	ssyncadd.s32 $0xFFFFC180  }
0xe2: {  	_ =	swait.ge [sflag:s23], $0x3E80  }
0xe3: {  	[sflag:s23] =	ssyncset.done $0x0  }
0xe4: {  	s16 =	simm.s32 $0x5;
	[sflag:s23] =	ssyncadd.s32 $0xFFFFC180  }
0xe5: {  	_ =	swait.ge [sflag:s16], $0x3E80  }
0xe6: {  	[sflag:s16] =	ssyncset.done $0x0  }
0xe7: {  	s10 =	simm.s32 $0xFE0;
	[sflag:s16] =	ssyncadd.s32 $0xFFFFC180  }
0xe8: {  	s9 =	simm.s32 $0x8CE0;
	v0 =	vld [tilespmem:s10+$0xFFFFFFC0]  }
0xe9: {  	v1 =	vld [tilespmem:s9+$0xFFFFFFC0];
	_ =	sdelay $0x4  }
0xea: {  	v0 =	vadd.f32 v1, v0  }
0xeb: {  	s11 =	simm.s32 $0x109E0  }
0xec: {  	[tilespmem:s11+$0xFFFFFFC0] =	vst v0  }
0xed: {  	v0 =	vld [tilespmem:s9+$0xFFFFFFD0]  }
0xee: {  	v1 =	vld [tilespmem:s10+$0xFFFFFFD0];
	_ =	sdelay $0x4  }
0xef: {  	v0 =	vadd.f32 v0, v1;
	_ =	sdelay $0x1  }
0xf0: {  	[tilespmem:s11+$0xFFFFFFD0] =	vst v0  }
0xf1: {  	v0 =	vld [tilespmem:s10+$0xFFFFFFE0]  }
0xf2: {  	v1 =	vld [tilespmem:s9+$0xFFFFFFE0];
	_ =	sdelay $0x4  }
0xf3: {  	v0 =	vadd.f32 v1, v0;
	_ =	sdelay $0x1  }
0xf4: {  	[tilespmem:s11+$0xFFFFFFE0] =	vst v0  }
0xf5: {  	v0 =	vld [tilespmem:s10+$0xFFFFFFF0]  }
0xf6: {  	v1 =	vld [tilespmem:s9+$0xFFFFFFF0];
	_ =	sdelay $0x4  }
0xf7: {  	v0 =	vadd.f32 v1, v0;
	_ =	sdelay $0x1  }
0xf8: {  	[tilespmem:s11+$0xFFFFFFF0] =	vst v0  }
0xf9: {  	v0 =	vld [tilespmem:s10+$0x0]  }
0xfa: {  	v1 =	vld [tilespmem:s9+$0x0];
	_ =	sdelay $0x4  }
0xfb: {  	v0 =	vadd.f32 v1, v0;
	_ =	sdelay $0x1  }
0xfc: {  	[tilespmem:s11+$0x0] =	vst v0  }
0xfd: {  	v0 =	vld [tilespmem:s10+$0x10]  }
0xfe: {  	v1 =	vld [tilespmem:s9+$0x10];
	_ =	sdelay $0x4  }
0xff: {  	v0 =	vadd.f32 v1, v0;
	_ =	sdelay $0x1  }
0x100: {  	[tilespmem:s11+$0x10] =	vst v0  }
0x101: {  	v0 =	vld [tilespmem:s10+$0x20]  }
0x102: {  	v1 =	vld [tilespmem:s9+$0x20];
	_ =	sdelay $0x4  }
0x103: {  	v0 =	vadd.f32 v1, v0;
	_ =	sdelay $0x1  }
0x104: {  	[tilespmem:s11+$0x20] =	vst v0  }
0x105: {  	s15 =	simm.s32 $0x0;
	s1 =	simm.s32 $0x10A60;
	v0 =	vld [tilespmem:s10+$0x30]  }
.LBB2_8:
0x106: {  	s15 =	sadd.s32 $0x8, s15;
	v1 =	vld [tilespmem:s9+$0x30];
	s10 =	sadd.s32 $0x80, s10;
	s9 =	sadd.s32 $0x80, s9  }
0x107: {  	p0 =	slt.u32 s15, $0x3E0;
	_ =	sdelay $0x3  }
0x108: {  	v0 =	vadd.f32 v1, v0;
	_ =	sdelay $0x1  }
0x109: {  	[tilespmem:s11+$0x30] =	vst v0;
	s11 =	smov.u32 s1  }
0x10a: {  	v0 =	vld [tilespmem:s10+$0xFFFFFFC0]  }
0x10b: {  	v1 =	vld [tilespmem:s9+$0xFFFFFFC0];
	_ =	sdelay $0x4  }
0x10c: {  	v0 =	vadd.f32 v1, v0;
	_ =	sdelay $0x1  }
0x10d: {  	[tilespmem:s1+$0xFFFFFFC0] =	vst v0  }
0x10e: {  	v0 =	vld [tilespmem:s9+$0xFFFFFFD0]  }
0x10f: {  	v1 =	vld [tilespmem:s10+$0xFFFFFFD0];
	_ =	sdelay $0x4  }
0x110: {  	v0 =	vadd.f32 v0, v1;
	_ =	sdelay $0x1  }
0x111: {  	[tilespmem:s1+$0xFFFFFFD0] =	vst v0  }
0x112: {  	v0 =	vld [tilespmem:s10+$0xFFFFFFE0]  }
0x113: {  	v1 =	vld [tilespmem:s9+$0xFFFFFFE0];
	_ =	sdelay $0x4  }
0x114: {  	v0 =	vadd.f32 v1, v0;
	_ =	sdelay $0x1  }
0x115: {  	[tilespmem:s1+$0xFFFFFFE0] =	vst v0  }
0x116: {  	v0 =	vld [tilespmem:s10+$0xFFFFFFF0]  }
0x117: {  	v1 =	vld [tilespmem:s9+$0xFFFFFFF0];
	_ =	sdelay $0x4  }
0x118: {  	v0 =	vadd.f32 v1, v0;
	_ =	sdelay $0x1  }
0x119: {  	[tilespmem:s1+$0xFFFFFFF0] =	vst v0  }
0x11a: {  	v0 =	vld [tilespmem:s10+$0x0]  }
0x11b: {  	v1 =	vld [tilespmem:s9+$0x0];
	_ =	sdelay $0x4  }
0x11c: {  	v0 =	vadd.f32 v1, v0;
	_ =	sdelay $0x1  }
0x11d: {  	[tilespmem:s1+$0x0] =	vst v0  }
0x11e: {  	v0 =	vld [tilespmem:s10+$0x10]  }
0x11f: {  	v1 =	vld [tilespmem:s9+$0x10];
	_ =	sdelay $0x4  }
0x120: {  	v0 =	vadd.f32 v1, v0;
	_ =	sdelay $0x1  }
0x121: {  	[tilespmem:s1+$0x10] =	vst v0  }
0x122: {  	v0 =	vld [tilespmem:s10+$0x20]  }
0x123: {  	v1 =	vld [tilespmem:s9+$0x20];
	_ =	sdelay $0x3  }
.Ltmp3:
0x124: {  	(pc) =	sbr.rel @p0 .LBB2_8-.Ltmp3, $3  }
0x125: {  	v0 =	vadd.f32 v1, v0;
	_ =	sdelay $0x1  }
0x126: {  	[tilespmem:s1+$0x20] =	vst v0  }
0x127: {  	s1 =	sadd.s32 $0x80, s1;
	v0 =	vld [tilespmem:s10+$0x30]  }
0x128: {  	v1 =	vld [tilespmem:s9+$0x30];
	_ =	sdelay $0x4  }
0x129: {  	v0 =	vadd.f32 v1, v0;
	_ =	sdelay $0x1  }
0x12a: {  	s1 =	rddreg [dreg:$0x7];
	[tilespmem:s11+$0x30] =	vst v0  }
0x12b: {  	[hbm4b:s1+s3] =	stream.linear.scatter [tilespmem:s28], [sflag:$0x5], $0x3E80, $0x38;
	[tilespmem:$0x186A0] =	vst v63  }
0x12c: {  	_ =	swait.ge [sflag:s16], $0x3E80  }
0x12d: {  	[sflag:s16] =	ssyncset.done $0x0  }
0x12e: {  	[sflag:s16] =	ssyncadd.s32 $0xFFFFC180  }
0x12f: {  	_ =	swait.ge [sflag:s0], $0x3E80  }
0x130: {  	s8 =	sadd.s32 $0x1, s8;
	s17 =	rddreg [dreg:$0x8]  }
0x131: {  	p0 =	sne.s32 s8, s17  }
.Ltmp4:
0x132: {  	_ = 	snop;
	(pc) =	sbr.rel @p0 .LBB2_1-.Ltmp4, $3  }
0x133: {  	_ =	sdelay $0x1  }
0x134: {  	[sflag:s0] =	ssyncset.done $0x0  }
0x135: {  	[sflag:s0] =	ssyncadd.s32 $0xFFFFC180  }
0x136: {  	_ =	sfence.sel $0x180000  }
0x137: {  	[bflag:$0x0] =	sbarrier.arrive $0xFFFF  }
0x138: {  	_ =	strace $0x9000004A  }
0x139: {  	s0 =	stileid.u32;
	[bflag:$0x2] =	sbarrier.arrive $0xFFFF  }
0x13a: {  	p0 =	sne.s32 s0, $0x0;
	s0 =	rddreg [dreg:$0x2]  }
0x13b: {  	s0 =	sadd.s32 @!p0 $0x100000, s0  }
0x13c: {  	[sflag:s0] =	ssyncadd.tile.s32 @!p0 $0x1;
	_ =	shalt  }
.Lfunc_end2:
_tile_overlayer_lowered:
.L_overlay_start_2:
0x13d: {  	(tag) =	ssettag $0x2  }
0x13e: {  	s0 =	rddreg [dreg:$0x0];
	s2 =	stileid.u32  }
0x13f: {  	s1 =	rddreg [dreg:$0x1];
	p0 =	sne.s32 s2, $0x0  }
0x140: {  	s3 =	rddreg [dreg:$0x2];
	[bflag:$0x3] =	sbarrier.arrive $0xFFFF;
	s2 =	simm.s32 @!p0 $0x1C07  }
0x141: {  	[timem:s3], [sflag:s2] =	dma.local @!p0 [hbm:s0], s1  }
0x142: {  	s0 =	simm.s32 @!p0 $0x7  }
0x143: {  	_ =	swait.ge @!p0 [sflag:s0], s1  }
0x144: {  	s1 =	ssub.s32 @!p0 $0x0, s1;
	[sflag:s0] =	ssyncset.done @!p0 $0x0  }
0x145: {  	[sflag:s0] =	ssyncadd.s32 @!p0 s1  }
0x146: {  	[bflag:$0x3] =	sbarrier.arrive $0xFFFF  }
0x147: {  	_ =	shalt  }

</sc_bundles>
